<compile_context>
chip_gen: v7x
topology: tpu7x:2x2x1
jax: 0.10.2.dev20260603
libtpu: 0.0.44.dev20260713+nightly
codegen_flags: <defaults>
</compile_context>

<pallas_src>
import functools

import jax
import jax.numpy as jnp
from jax import lax
from jax.experimental import pallas as pl
from jax.experimental.pallas import tpu as pltpu
from jax.experimental.pallas import tpu_sc as plsc

N = 10000
E = 320000
D = 128
EPS = 1e-5

NC = 2
NS = 16
L = 16

NP = 10240
DEG_ROWS = NP // NS
CH = 80
NCHUNK = 127
E_PER_TILE = NCHUNK * CH
E_PAD = NC * NS * E_PER_TILE
NPAD = 10112
AGG_ROWS = NPAD // NS

_mesh = plsc.VectorSubcoreMesh(core_axis_name="c", subcore_axis_name="s",
                               num_cores=NC, num_subcores=NS)



DSUP = 8
NSUP = NCHUNK // DSUP
DREM = NCHUNK - NSUP * DSUP


@functools.partial(
    pl.kernel,
    out_type=jax.ShapeDtypeStruct((NC * NP,), jnp.float32),
    mesh=_mesh,
    scratch_types=(
        [pltpu.VMEM((DSUP, CH), jnp.int32),
         pltpu.VMEM((CH,), jnp.float32),
         pltpu.VMEM((DEG_ROWS,), jnp.float32),
         pltpu.VMEM_SHARED((NP,), jnp.float32)]
        + [pltpu.SemaphoreType.DMA] * DSUP
    ),
)
def _deg_kernel(dst_hbm, out_hbm, idx_v, ones_v, zb_v, acc_sh, *dsems):
    c = lax.axis_index("c")
    s = lax.axis_index("s")
    wid = c * NS + s
    ones16 = jnp.ones((L,), jnp.float32)
    zeros16 = jnp.zeros((L,), jnp.float32)
    for k in range(CH // L):
        ones_v[pl.ds(k * L, L)] = ones16

    def _zf(i, carry):
        zb_v[pl.ds(i * L, L)] = zeros16
        return carry

    lax.fori_loop(0, DEG_ROWS // L, _zf, 0)
    pltpu.sync_copy(zb_v, acc_sh.at[pl.ds(s * DEG_ROWS, DEG_ROWS)])
    plsc.subcore_barrier()

    def _scat(j):
        pltpu.async_copy(ones_v, acc_sh.at[idx_v.at[j]], dsems[j], add=True)

    def _wait(j):
        pltpu.make_async_copy(ones_v, acc_sh.at[idx_v.at[j]],
                              dsems[j]).wait()

    def _sup(t, carry):
        pltpu.sync_copy(dst_hbm.at[wid, pl.ds(t * DSUP, DSUP)], idx_v)
        for h in range(2):
            for j in range(h * 4, h * 4 + 4):
                _scat(j)
            for j in range(h * 4, h * 4 + 4):
                _wait(j)
        return carry

    lax.fori_loop(0, NSUP, _sup, 0)
    pltpu.sync_copy(dst_hbm.at[wid, pl.ds(NSUP * DSUP, DREM)],
                    idx_v.at[pl.ds(0, DREM)])
    for j in range(DREM):
        _scat(j)
    for j in range(DREM):
        _wait(j)
    plsc.subcore_barrier()
    pltpu.sync_copy(acc_sh.at[pl.ds(s * DEG_ROWS, DEG_ROWS)],
                    out_hbm.at[pl.ds(c * NP + s * DEG_ROWS, DEG_ROWS)])


NBUF = 3
NGRP = -(-NCHUNK // NBUF)
ZCOPY = AGG_ROWS // CH
ZREM = AGG_ROWS - ZCOPY * CH


@functools.partial(
    pl.kernel,
    out_type=jax.ShapeDtypeStruct((NC, NPAD, D), jnp.float32),
    mesh=_mesh,
    scratch_types=(
        [pltpu.VMEM((NCHUNK * CH,), jnp.int32),
         pltpu.VMEM((NBUF * CH,), jnp.int32),
         pltpu.VMEM((NBUF * CH,), jnp.int32),
         pltpu.VMEM((NBUF, CH, D), jnp.float32),
         pltpu.VMEM_SHARED((NPAD, D), jnp.float32)]
        + [pltpu.SemaphoreType.DMA] * (2 * NBUF)
    ),
)
def _agg_kernel(hp_hbm, pk_hbm, out_hbm, pk_v, st_s, st_d, rows, acc_sh,
                *sems):
    gsem = sems[:NBUF]
    ssem = sems[NBUF:]
    c = lax.axis_index("c")
    s = lax.axis_index("s")
    wid = c * NS + s
    zeros16 = jnp.zeros((L,), jnp.float32)

    pltpu.sync_copy(pk_hbm.at[wid], pk_v)

    def _zf(r, carry):
        for k in range(D // L):
            rows[0, r, pl.ds(k * L, L)] = zeros16
        return carry

    lax.fori_loop(0, CH, _zf, 0)
    for k in range(ZCOPY):
        pltpu.sync_copy(rows.at[0],
                        acc_sh.at[pl.ds(s * AGG_ROWS + k * CH, CH)])
    pltpu.sync_copy(rows.at[0].at[pl.ds(0, ZREM)],
                    acc_sh.at[pl.ds(s * AGG_ROWS + ZCOPY * CH, ZREM)])
    plsc.subcore_barrier()

    def _unpack(i, b):
        for k in range(CH // L):
            v = pk_v[pl.ds(i * CH + k * L, L)]
            st_s[pl.ds(b * CH + k * L, L)] = v & jnp.int32(0xFFFF)
            st_d[pl.ds(b * CH + k * L, L)] = lax.shift_right_logical(v, 16)

    def _fire_gather(b):
        pltpu.async_copy(hp_hbm.at[st_s.at[pl.ds(b * CH, CH)]],
                         rows.at[b], gsem[b])

    for b in range(NBUF):
        _unpack(b, b)
        _fire_gather(b)

    def _group(g, carry):
        i0 = g * NBUF
        for b in range(NBUF):
            @pl.when(i0 + b < NCHUNK)
            def _():
                pltpu.make_async_copy(
                    hp_hbm.at[st_s.at[pl.ds(b * CH, CH)]],
                    rows.at[b], gsem[b]).wait()
                pltpu.async_copy(
                    rows.at[b], acc_sh.at[st_d.at[pl.ds(b * CH, CH)]],
                    ssem[b], add=True)

        for b in range(NBUF):
            @pl.when(i0 + b < NCHUNK)
            def _():
                pltpu.make_async_copy(
                    rows.at[b], acc_sh.at[st_d.at[pl.ds(b * CH, CH)]],
                    ssem[b]).wait()

            nxt = i0 + NBUF + b

            @pl.when(nxt < NCHUNK)
            def _():
                _unpack(nxt, b)
                _fire_gather(b)

        return carry

    lax.fori_loop(0, NGRP, _group, 0)
    plsc.subcore_barrier()
    pltpu.sync_copy(acc_sh.at[pl.ds(s * AGG_ROWS, AGG_ROWS)],
                    out_hbm.at[c, pl.ds(s * AGG_ROWS, AGG_ROWS)])



R = 1000
G = N // R

_DOT = dict(preferred_element_type=jnp.float32,
            precision=jax.lax.Precision.HIGHEST)


def _pack_body(ei_ref, out_ref):
    out_ref[...] = ei_ref[0, :] | (ei_ref[1, :] << 16)


_pack_call = pl.pallas_call(
    _pack_body,
    out_shape=jax.ShapeDtypeStruct((E_PAD,), jnp.int32),
)


def _mm_body(x_ref, w_ref, h_ref):
    h_ref[...] = jnp.dot(x_ref[...], w_ref[...], **_DOT)


def _scale_body(h_ref, degp_ref, hp_ref, dis_ref):
    deg = degp_ref[:, 0:1] + degp_ref[:, 1:2] + 1.0
    dis = lax.rsqrt(deg)
    hp_ref[...] = h_ref[...] * dis
    dis_ref[...] = dis


def _mid_body(p_ref, hp_ref, dis_ref, b_ref, g_ref, be_ref, w_ref, out_ref):
    dis = dis_ref[...]
    t = (p_ref[0] + p_ref[1] + hp_ref[...]) * dis + b_ref[...]
    mu = jnp.mean(t, axis=-1, keepdims=True)
    var = jnp.mean((t - mu) ** 2, axis=-1, keepdims=True)
    u = (t - mu) / jnp.sqrt(var + EPS) * g_ref[...] + be_ref[...]
    u = jnp.maximum(u, 0.0)
    out_ref[...] = jnp.dot(u, w_ref[...], **_DOT) * dis


def _fin_body(p_ref, hp_ref, dis_ref, b_ref, out_ref):
    out_ref[...] = ((p_ref[0] + p_ref[1] + hp_ref[...]) * dis_ref[...]
                    + b_ref[...])


def _row_spec(width):
    return pl.BlockSpec((R, width), lambda i: (i, 0))


_PART_SPEC = pl.BlockSpec((NC, R, D), lambda i: (0, i, 0))
_VEC_SPEC = pl.BlockSpec((D,), lambda i: (0,))
_W_SPEC = pl.BlockSpec((D, D), lambda i: (0, 0))

_mm_call = pl.pallas_call(
    _mm_body,
    grid=(G,),
    in_specs=[_row_spec(D), _W_SPEC],
    out_specs=_row_spec(D),
    out_shape=jax.ShapeDtypeStruct((N, D), jnp.float32),
)

_scale_call = pl.pallas_call(
    _scale_body,
    grid=(G,),
    in_specs=[_row_spec(D), _row_spec(2)],
    out_specs=[_row_spec(D), _row_spec(1)],
    out_shape=[jax.ShapeDtypeStruct((N, D), jnp.float32),
               jax.ShapeDtypeStruct((N, 1), jnp.float32)],
)

_mid_call = pl.pallas_call(
    _mid_body,
    grid=(G,),
    in_specs=[_PART_SPEC, _row_spec(D), _row_spec(1),
              _VEC_SPEC, _VEC_SPEC, _VEC_SPEC, _W_SPEC],
    out_specs=_row_spec(D),
    out_shape=jax.ShapeDtypeStruct((N, D), jnp.float32),
)

_fin_call = pl.pallas_call(
    _fin_body,
    grid=(G,),
    in_specs=[_PART_SPEC, _row_spec(D), _row_spec(1), _VEC_SPEC],
    out_specs=_row_spec(D),
    out_shape=jax.ShapeDtypeStruct((N, D), jnp.float32),
)


_NT = NC * NS
_PPT = E_PER_TILE - E // _NT


def kernel(x, edge_index, W1, b1, g1, be1, W2, b2):
    ei3 = edge_index.reshape(2, _NT, E // _NT)
    if _PPT:
        pad_dst = (jnp.arange(_PPT, dtype=jnp.int32) % (NPAD - N)) + N
        pad_src = (jnp.arange(_PPT, dtype=jnp.int32) * 131) % N
        pad3 = jnp.stack([jnp.broadcast_to(pad_src, (_NT, _PPT)),
                          jnp.broadcast_to(pad_dst, (_NT, _PPT))])
        ei3 = jnp.concatenate([ei3, pad3], axis=2)
    dst3 = ei3[1].reshape(_NT, NCHUNK, CH)
    pk3 = _pack_call(ei3.reshape(2, E_PAD)).reshape(_NT, NCHUNK * CH)
    degp = _deg_kernel(dst3).reshape(NC, NP)
    h1 = _mm_call(x, W1)
    degp_t = degp.T[:N]
    hp1, dis = _scale_call(h1, degp_t)
    p1 = _agg_kernel(hp1, pk3)
    hp2 = _mid_call(p1, hp1, dis, b1, g1, be1, W2)
    p2 = _agg_kernel(hp2, pk3)
    return _fin_call(p2, hp2, dis, b2)

# --- scband reference (transcript-rebuilt; emitter-appended) ---
"""Pipeline reference for scband-static-graph-gnn-84018150244772 (READ-ONLY COPY).

The authoritative reference and input builder live on the scoring server;
editing this copy changes nothing except your own understanding.
"""

import jax, jax.numpy as jnp
import numpy as np

N = 10000
E = 320000
D = 128
EPS = 1e-5


def setup_inputs(seed: int = 0):
    key = jax.random.key(seed)
    ks = jax.random.split(key, 8)
    x = jax.random.normal(ks[0], (N, D), dtype=jnp.float32)
    edge_index = jax.random.randint(ks[1], (2, E), 0, N, dtype=jnp.int32)
    s = 1.0 / np.sqrt(D)
    W1 = jax.random.normal(ks[2], (D, D), dtype=jnp.float32) * s
    b1 = jnp.zeros((D,), dtype=jnp.float32)
    g1 = jnp.ones((D,), dtype=jnp.float32)
    be1 = jnp.zeros((D,), dtype=jnp.float32)
    W2 = jax.random.normal(ks[3], (D, D), dtype=jnp.float32) * s
    b2 = jnp.zeros((D,), dtype=jnp.float32)
    return {"x": x, "edge_index": edge_index, "W1": W1, "b1": b1, "g1": g1, "be1": be1, "W2": W2, "b2": b2}


def gcn_conv(x, src, dst, W, b):
    # PyG GCNConv: linear first, then symmetric-normalized propagate with self-loops
    h = x @ W
    n = x.shape[0]
    ones = jnp.ones(src.shape[0], dtype=x.dtype)
    deg = jnp.zeros((n,), dtype=x.dtype).at[dst].add(ones)
    dis = jnp.where(deg > 0, jax.lax.rsqrt(jnp.maximum(deg, 1e-12)), 0.0)
    norm = dis[src] * dis[dst]
    msg = h[src] * norm[:, None]
    out = jnp.zeros_like(h).at[dst].add(msg)
    return out + b


def layer_norm(h, g, b):
    mu = jnp.mean(h, axis=-1, keepdims=True)
    var = jnp.mean((h - mu) ** 2, axis=-1, keepdims=True)
    return (h - mu) / jnp.sqrt(var + EPS) * g + b


def reference(x, edge_index, W1, b1, g1, be1, W2, b2):
    loop = jnp.arange(N, dtype=edge_index.dtype)
    src = jnp.concatenate([edge_index[0], loop])
    dst = jnp.concatenate([edge_index[1], loop])
    h = gcn_conv(x, src, dst, W1, b1)
    h = layer_norm(h, g1, be1)
    h = jax.nn.relu(h)
    # dropout is identity in eval mode
    out = gcn_conv(h, src, dst, W2, b2)
    return out

if __name__ == "__main__":
    import jax
    _d = setup_inputs()
    print(jax.jit(kernel)(*tuple(_d.values())))

</pallas_src>

<mosaic_0001>
#map = affine_map<(d0, d1) -> (0, 0)>
#map1 = affine_map<(d0, d1) -> (0, 0, 0)>
module attributes {stable_mosaic.version = 14 : i64} {
  func.func @_agg_kernel(%arg0: i32, %arg1: i32, %arg2: memref<10000x128xf32, #tpu.memory_space<hbm>>, %arg3: memref<32x10160xi32, #tpu.memory_space<hbm>>, %arg4: memref<2x10112x128xf32, #tpu.memory_space<hbm>>, %arg5: memref<10160xi32, #tpu.memory_space<vmem>>, %arg6: memref<240xi32, #tpu.memory_space<vmem>>, %arg7: memref<240xi32, #tpu.memory_space<vmem>>, %arg8: memref<3x80x128xf32, #tpu.memory_space<vmem>>, %arg9: memref<10112x128xf32, #tpu.memory_space<vmem_shared>>, %arg10: memref<!tpu.dma_semaphore, #tpu.memory_space<semaphore_mem>>, %arg11: memref<!tpu.dma_semaphore, #tpu.memory_space<semaphore_mem>>, %arg12: memref<!tpu.dma_semaphore, #tpu.memory_space<semaphore_mem>>, %arg13: memref<!tpu.dma_semaphore, #tpu.memory_space<semaphore_mem>>, %arg14: memref<!tpu.dma_semaphore, #tpu.memory_space<semaphore_mem>>, %arg15: memref<!tpu.dma_semaphore, #tpu.memory_space<semaphore_mem>>) attributes {dimension_semantics = [#tpu.dimension_semantics<core_parallel>, #tpu.dimension_semantics<subcore_parallel>], iteration_bounds = array<i64: 2, 16>, scalar_prefetch = 0 : i64, scratch_operands = 11 : i64, tpu.core_type = #tpu.core_type<sc_vector_subcore>, window_params = [{transform_indices = #map}, {transform_indices = #map}, {transform_indices = #map1}]} {
    %mul3A = arith.constant 16 : i32
    %mul3A_0 = arith.muli %arg0, %mul3A : i32
    %add3A = arith.addi %mul3A_0, %arg1 : i32
    %broadcast_in_dim3A = arith.constant 0.000000e+00 : f32
    %broadcast_in_dim3A_1 = vector.broadcast %broadcast_in_dim3A : f32 to vector<16xf32>
    "tpu.region"() ({
      %run_scoped3A_337 = tpu.sem_alloc : memref<!tpu.dma_semaphore, #tpu.memory_space<semaphore_mem>>
      %dma_start3A_338 = arith.constant 0 : i32
      %dma_start3A_339 = tpu.memref_slice %arg3[%add3A, %dma_start3A_338] : memref<32x10160xi32, #tpu.memory_space<hbm>> -> memref<1x10160xi32, #tpu.memory_space<hbm>>
      %dma_start3A_340 = tpu.memref_squeeze %dma_start3A_339 : memref<1x10160xi32, #tpu.memory_space<hbm>> -> memref<10160xi32, #tpu.memory_space<hbm>>
      %dma_start3A_341 = arith.constant 0 : i32
      %dma_start3A_342 = tpu.memref_slice %arg3[%add3A, %dma_start3A_341] : memref<32x10160xi32, #tpu.memory_space<hbm>> -> memref<1x10160xi32, #tpu.memory_space<hbm>>
      %dma_start3A_343 = tpu.memref_squeeze %dma_start3A_342 : memref<1x10160xi32, #tpu.memory_space<hbm>> -> memref<10160xi32, #tpu.memory_space<hbm>>
      tpu.enqueue_dma source(%dma_start3A_343 : memref<10160xi32, #tpu.memory_space<hbm>>) target(%arg5 : memref<10160xi32, #tpu.memory_space<vmem>>) target_semaphore(%run_scoped3A_337 : memref<!tpu.dma_semaphore, #tpu.memory_space<semaphore_mem>>)
      %dma_wait3A = arith.constant 0 : i32
      %dma_wait3A_344 = tpu.memref_slice %arg3[%add3A, %dma_wait3A] : memref<32x10160xi32, #tpu.memory_space<hbm>> -> memref<1x10160xi32, #tpu.memory_space<hbm>>
      %dma_wait3A_345 = tpu.memref_squeeze %dma_wait3A_344 : memref<1x10160xi32, #tpu.memory_space<hbm>> -> memref<10160xi32, #tpu.memory_space<hbm>>
      %dma_wait3A_346 = arith.constant 0 : i32
      %dma_wait3A_347 = tpu.memref_slice %arg3[%add3A, %dma_wait3A_346] : memref<32x10160xi32, #tpu.memory_space<hbm>> -> memref<1x10160xi32, #tpu.memory_space<hbm>>
      %dma_wait3A_348 = tpu.memref_squeeze %dma_wait3A_347 : memref<1x10160xi32, #tpu.memory_space<hbm>> -> memref<10160xi32, #tpu.memory_space<hbm>>
      tpu.wait_dma2 semaphore(%run_scoped3A_337 : memref<!tpu.dma_semaphore, #tpu.memory_space<semaphore_mem>>) src(%dma_wait3A_348 : memref<10160xi32, #tpu.memory_space<hbm>>) dst(%arg5 : memref<10160xi32, #tpu.memory_space<vmem>>)
      tpu.yield
    }) : () -> ()
    %scan3A = arith.constant 0 : i32
    %scan3A_2 = arith.constant 0 : i32
    %scan3A_3 = arith.constant 80 : i32
    %scan3A_4 = arith.addi %scan3A_2, %scan3A_3 : i32
    %scan3A_5 = arith.constant 1 : i32
    scf.for %scan3A_337 = %scan3A_2 to %scan3A_4 step %scan3A_5  : i32 {
      %swap3A_338 = arith.constant 0 : i32
      %swap3A_339 = arith.index_cast %swap3A_338 : i32 to index
      %swap3A_340 = arith.index_cast %scan3A_337 : i32 to index
      %swap3A_341 = arith.constant 0 : index
      %swap3A_342 = tpu.vector_load %arg8[%swap3A_339, %swap3A_340, %swap3A_341] {strides = array<i32>} : memref<3x80x128xf32, #tpu.memory_space<vmem>>, vector<1x1x16xf32>,
      %swap3A_343 = vector.shape_cast %swap3A_342 : vector<1x1x16xf32> to vector<16xf32>
      %swap3A_344 = vector.shape_cast %broadcast_in_dim3A_1 : vector<16xf32> to vector<1x1x16xf32>
      tpu.vector_store %arg8[%swap3A_339, %swap3A_340, %swap3A_341], %swap3A_344 {strides = array<i32>} : memref<3x80x128xf32, #tpu.memory_space<vmem>>, vector<1x1x16xf32>,
      %swap3A_345 = arith.constant 0 : i32
      %swap3A_346 = arith.index_cast %swap3A_345 : i32 to index
      %swap3A_347 = arith.index_cast %scan3A_337 : i32 to index
      %swap3A_348 = arith.constant 16 : index
      %swap3A_349 = tpu.vector_load %arg8[%swap3A_346, %swap3A_347, %swap3A_348] {strides = array<i32>} : memref<3x80x128xf32, #tpu.memory_space<vmem>>, vector<1x1x16xf32>,
      %swap3A_350 = vector.shape_cast %swap3A_349 : vector<1x1x16xf32> to vector<16xf32>
      %swap3A_351 = vector.shape_cast %broadcast_in_dim3A_1 : vector<16xf32> to vector<1x1x16xf32>
      tpu.vector_store %arg8[%swap3A_346, %swap3A_347, %swap3A_348], %swap3A_351 {strides = array<i32>} : memref<3x80x128xf32, #tpu.memory_space<vmem>>, vector<1x1x16xf32>,
      %swap3A_352 = arith.constant 0 : i32
      %swap3A_353 = arith.index_cast %swap3A_352 : i32 to index
      %swap3A_354 = arith.index_cast %scan3A_337 : i32 to index
      %swap3A_355 = arith.constant 32 : index
      %swap3A_356 = tpu.vector_load %arg8[%swap3A_353, %swap3A_354, %swap3A_355] {strides = array<i32>} : memref<3x80x128xf32, #tpu.memory_space<vmem>>, vector<1x1x16xf32>,
      %swap3A_357 = vector.shape_cast %swap3A_356 : vector<1x1x16xf32> to vector<16xf32>
      %swap3A_358 = vector.shape_cast %broadcast_in_dim3A_1 : vector<16xf32> to vector<1x1x16xf32>
      tpu.vector_store %arg8[%swap3A_353, %swap3A_354, %swap3A_355], %swap3A_358 {strides = array<i32>} : memref<3x80x128xf32, #tpu.memory_space<vmem>>, vector<1x1x16xf32>,
      %swap3A_359 = arith.constant 0 : i32
      %swap3A_360 = arith.index_cast %swap3A_359 : i32 to index
      %swap3A_361 = arith.index_cast %scan3A_337 : i32 to index
      %swap3A_362 = arith.constant 48 : index
      %swap3A_363 = tpu.vector_load %arg8[%swap3A_360, %swap3A_361, %swap3A_362] {strides = array<i32>} : memref<3x80x128xf32, #tpu.memory_space<vmem>>, vector<1x1x16xf32>,
      %swap3A_364 = vector.shape_cast %swap3A_363 : vector<1x1x16xf32> to vector<16xf32>
      %swap3A_365 = vector.shape_cast %broadcast_in_dim3A_1 : vector<16xf32> to vector<1x1x16xf32>
      tpu.vector_store %arg8[%swap3A_360, %swap3A_361, %swap3A_362], %swap3A_365 {strides = array<i32>} : memref<3x80x128xf32, #tpu.memory_space<vmem>>, vector<1x1x16xf32>,
      %swap3A_366 = arith.constant 0 : i32
      %swap3A_367 = arith.index_cast %swap3A_366 : i32 to index
      %swap3A_368 = arith.index_cast %scan3A_337 : i32 to index
      %swap3A_369 = arith.constant 64 : index
      %swap3A_370 = tpu.vector_load %arg8[%swap3A_367, %swap3A_368, %swap3A_369] {strides = array<i32>} : memref<3x80x128xf32, #tpu.memory_space<vmem>>, vector<1x1x16xf32>,
      %swap3A_371 = vector.shape_cast %swap3A_370 : vector<1x1x16xf32> to vector<16xf32>
      %swap3A_372 = vector.shape_cast %broadcast_in_dim3A_1 : vector<16xf32> to vector<1x1x16xf32>
      tpu.vector_store %arg8[%swap3A_367, %swap3A_368, %swap3A_369], %swap3A_372 {strides = array<i32>} : memref<3x80x128xf32, #tpu.memory_space<vmem>>, vector<1x1x16xf32>,
      %swap3A_373 = arith.constant 0 : i32
      %swap3A_374 = arith.index_cast %swap3A_373 : i32 to index
      %swap3A_375 = arith.index_cast %scan3A_337 : i32 to index
      %swap3A_376 = arith.constant 80 : index
      %swap3A_377 = tpu.vector_load %arg8[%swap3A_374, %swap3A_375, %swap3A_376] {strides = array<i32>} : memref<3x80x128xf32, #tpu.memory_space<vmem>>, vector<1x1x16xf32>,
      %swap3A_378 = vector.shape_cast %swap3A_377 : vector<1x1x16xf32> to vector<16xf32>
      %swap3A_379 = vector.shape_cast %broadcast_in_dim3A_1 : vector<16xf32> to vector<1x1x16xf32>
      tpu.vector_store %arg8[%swap3A_374, %swap3A_375, %swap3A_376], %swap3A_379 {strides = array<i32>} : memref<3x80x128xf32, #tpu.memory_space<vmem>>, vector<1x1x16xf32>,
      %swap3A_380 = arith.constant 0 : i32
      %swap3A_381 = arith.index_cast %swap3A_380 : i32 to index
      %swap3A_382 = arith.index_cast %scan3A_337 : i32 to index
      %swap3A_383 = arith.constant 96 : index
      %swap3A_384 = tpu.vector_load %arg8[%swap3A_381, %swap3A_382, %swap3A_383] {strides = array<i32>} : memref<3x80x128xf32, #tpu.memory_space<vmem>>, vector<1x1x16xf32>,
      %swap3A_385 = vector.shape_cast %swap3A_384 : vector<1x1x16xf32> to vector<16xf32>
      %swap3A_386 = vector.shape_cast %broadcast_in_dim3A_1 : vector<16xf32> to vector<1x1x16xf32>
      tpu.vector_store %arg8[%swap3A_381, %swap3A_382, %swap3A_383], %swap3A_386 {strides = array<i32>} : memref<3x80x128xf32, #tpu.memory_space<vmem>>, vector<1x1x16xf32>,
      %swap3A_387 = arith.constant 0 : i32
      %swap3A_388 = arith.index_cast %swap3A_387 : i32 to index
      %swap3A_389 = arith.index_cast %scan3A_337 : i32 to index
      %swap3A_390 = arith.constant 112 : index
      %swap3A_391 = tpu.vector_load %arg8[%swap3A_388, %swap3A_389, %swap3A_390] {strides = array<i32>} : memref<3x80x128xf32, #tpu.memory_space<vmem>>, vector<1x1x16xf32>,
      %swap3A_392 = vector.shape_cast %swap3A_391 : vector<1x1x16xf32> to vector<16xf32>
      %swap3A_393 = vector.shape_cast %broadcast_in_dim3A_1 : vector<16xf32> to vector<1x1x16xf32>
      tpu.vector_store %arg8[%swap3A_388, %swap3A_389, %swap3A_390], %swap3A_393 {strides = array<i32>} : memref<3x80x128xf32, #tpu.memory_space<vmem>>, vector<1x1x16xf32>,
    }
    %scan3A_6 = arith.constant 80 : i32
    %mul3A_7 = arith.constant 632 : i32
    %mul3A_8 = arith.muli %arg1, %mul3A_7 : i32
    %add3A_9 = arith.constant 0 : i32
    %add3A_10 = arith.addi %mul3A_8, %add3A_9 : i32
    %run_scoped3A = arith.constant 0 : i32
    "tpu.region"() ({
      %run_scoped3A_337 = tpu.sem_alloc : memref<!tpu.dma_semaphore, #tpu.memory_space<semaphore_mem>>
      %dma_start3A_338 = arith.constant 0 : i32
      %dma_start3A_339 = arith.constant 0 : i32
      %dma_start3A_340 = tpu.memref_slice %arg8[%run_scoped3A, %dma_start3A_338, %dma_start3A_339] : memref<3x80x128xf32, #tpu.memory_space<vmem>> -> memref<1x80x128xf32, #tpu.memory_space<vmem>>
      %dma_start3A_341 = tpu.memref_squeeze %dma_start3A_340 : memref<1x80x128xf32, #tpu.memory_space<vmem>> -> memref<80x128xf32, #tpu.memory_space<vmem>>
      %dma_start3A_342 = arith.constant 0 : i32
      %dma_start3A_343 = tpu.memref_slice %arg9[%add3A_10, %dma_start3A_342] : memref<10112x128xf32, #tpu.memory_space<vmem_shared>> -> memref<80x128xf32, #tpu.memory_space<vmem_shared>>
      %dma_start3A_344 = arith.constant 0 : i32
      %dma_start3A_345 = tpu.memref_slice %arg9[%add3A_10, %dma_start3A_344] : memref<10112x128xf32, #tpu.memory_space<vmem_shared>> -> memref<80x128xf32, #tpu.memory_space<vmem_shared>>
      %dma_start3A_346 = arith.constant 0 : i32
      %dma_start3A_347 = arith.constant 0 : i32
      %dma_start3A_348 = tpu.memref_slice %arg8[%run_scoped3A, %dma_start3A_346, %dma_start3A_347] : memref<3x80x128xf32, #tpu.memory_space<vmem>> -> memref<1x80x128xf32, #tpu.memory_space<vmem>>
      %dma_start3A_349 = tpu.memref_squeeze %dma_start3A_348 : memref<1x80x128xf32, #tpu.memory_space<vmem>> -> memref<80x128xf32, #tpu.memory_space<vmem>>
      tpu.enqueue_dma source(%dma_start3A_349 : memref<80x128xf32, #tpu.memory_space<vmem>>) target(%dma_start3A_345 : memref<80x128xf32, #tpu.memory_space<vmem_shared>>) target_semaphore(%run_scoped3A_337 : memref<!tpu.dma_semaphore, #tpu.memory_space<semaphore_mem>>)
      %dma_wait3A = arith.constant 0 : i32
      %dma_wait3A_350 = arith.constant 0 : i32
      %dma_wait3A_351 = tpu.memref_slice %arg8[%run_scoped3A, %dma_wait3A, %dma_wait3A_350] : memref<3x80x128xf32, #tpu.memory_space<vmem>> -> memref<1x80x128xf32, #tpu.memory_space<vmem>>
      %dma_wait3A_352 = tpu.memref_squeeze %dma_wait3A_351 : memref<1x80x128xf32, #tpu.memory_space<vmem>> -> memref<80x128xf32, #tpu.memory_space<vmem>>
      %dma_wait3A_353 = arith.constant 0 : i32
      %dma_wait3A_354 = tpu.memref_slice %arg9[%add3A_10, %dma_wait3A_353] : memref<10112x128xf32, #tpu.memory_space<vmem_shared>> -> memref<80x128xf32, #tpu.memory_space<vmem_shared>>
      %dma_wait3A_355 = arith.constant 0 : i32
      %dma_wait3A_356 = tpu.memref_slice %arg9[%add3A_10, %dma_wait3A_355] : memref<10112x128xf32, #tpu.memory_space<vmem_shared>> -> memref<80x128xf32, #tpu.memory_space<vmem_shared>>
      %dma_wait3A_357 = arith.constant 0 : i32
      %dma_wait3A_358 = arith.constant 0 : i32
      %dma_wait3A_359 = tpu.memref_slice %arg8[%run_scoped3A, %dma_wait3A_357, %dma_wait3A_358] : memref<3x80x128xf32, #tpu.memory_space<vmem>> -> memref<1x80x128xf32, #tpu.memory_space<vmem>>
      %dma_wait3A_360 = tpu.memref_squeeze %dma_wait3A_359 : memref<1x80x128xf32, #tpu.memory_space<vmem>> -> memref<80x128xf32, #tpu.memory_space<vmem>>
      tpu.wait_dma2 semaphore(%run_scoped3A_337 : memref<!tpu.dma_semaphore, #tpu.memory_space<semaphore_mem>>) src(%dma_wait3A_360 : memref<80x128xf32, #tpu.memory_space<vmem>>) dst(%dma_wait3A_356 : memref<80x128xf32, #tpu.memory_space<vmem_shared>>)
      tpu.yield
    }) : () -> ()
    %mul3A_11 = arith.constant 632 : i32
    %mul3A_12 = arith.muli %arg1, %mul3A_11 : i32
    %add3A_13 = arith.constant 80 : i32
    %add3A_14 = arith.addi %mul3A_12, %add3A_13 : i32
    %run_scoped3A_15 = arith.constant 0 : i32
    "tpu.region"() ({
      %run_scoped3A_337 = tpu.sem_alloc : memref<!tpu.dma_semaphore, #tpu.memory_space<semaphore_mem>>
      %dma_start3A_338 = arith.constant 0 : i32
      %dma_start3A_339 = arith.constant 0 : i32
      %dma_start3A_340 = tpu.memref_slice %arg8[%run_scoped3A_15, %dma_start3A_338, %dma_start3A_339] : memref<3x80x128xf32, #tpu.memory_space<vmem>> -> memref<1x80x128xf32, #tpu.memory_space<vmem>>
      %dma_start3A_341 = tpu.memref_squeeze %dma_start3A_340 : memref<1x80x128xf32, #tpu.memory_space<vmem>> -> memref<80x128xf32, #tpu.memory_space<vmem>>
      %dma_start3A_342 = arith.constant 0 : i32
      %dma_start3A_343 = tpu.memref_slice %arg9[%add3A_14, %dma_start3A_342] : memref<10112x128xf32, #tpu.memory_space<vmem_shared>> -> memref<80x128xf32, #tpu.memory_space<vmem_shared>>
      %dma_start3A_344 = arith.constant 0 : i32
      %dma_start3A_345 = tpu.memref_slice %arg9[%add3A_14, %dma_start3A_344] : memref<10112x128xf32, #tpu.memory_space<vmem_shared>> -> memref<80x128xf32, #tpu.memory_space<vmem_shared>>
      %dma_start3A_346 = arith.constant 0 : i32
      %dma_start3A_347 = arith.constant 0 : i32
      %dma_start3A_348 = tpu.memref_slice %arg8[%run_scoped3A_15, %dma_start3A_346, %dma_start3A_347] : memref<3x80x128xf32, #tpu.memory_space<vmem>> -> memref<1x80x128xf32, #tpu.memory_space<vmem>>
      %dma_start3A_349 = tpu.memref_squeeze %dma_start3A_348 : memref<1x80x128xf32, #tpu.memory_space<vmem>> -> memref<80x128xf32, #tpu.memory_space<vmem>>
      tpu.enqueue_dma source(%dma_start3A_349 : memref<80x128xf32, #tpu.memory_space<vmem>>) target(%dma_start3A_345 : memref<80x128xf32, #tpu.memory_space<vmem_shared>>) target_semaphore(%run_scoped3A_337 : memref<!tpu.dma_semaphore, #tpu.memory_space<semaphore_mem>>)
      %dma_wait3A = arith.constant 0 : i32
      %dma_wait3A_350 = arith.constant 0 : i32
      %dma_wait3A_351 = tpu.memref_slice %arg8[%run_scoped3A_15, %dma_wait3A, %dma_wait3A_350] : memref<3x80x128xf32, #tpu.memory_space<vmem>> -> memref<1x80x128xf32, #tpu.memory_space<vmem>>
      %dma_wait3A_352 = tpu.memref_squeeze %dma_wait3A_351 : memref<1x80x128xf32, #tpu.memory_space<vmem>> -> memref<80x128xf32, #tpu.memory_space<vmem>>
      %dma_wait3A_353 = arith.constant 0 : i32
      %dma_wait3A_354 = tpu.memref_slice %arg9[%add3A_14, %dma_wait3A_353] : memref<10112x128xf32, #tpu.memory_space<vmem_shared>> -> memref<80x128xf32, #tpu.memory_space<vmem_shared>>
      %dma_wait3A_355 = arith.constant 0 : i32
      %dma_wait3A_356 = tpu.memref_slice %arg9[%add3A_14, %dma_wait3A_355] : memref<10112x128xf32, #tpu.memory_space<vmem_shared>> -> memref<80x128xf32, #tpu.memory_space<vmem_shared>>
      %dma_wait3A_357 = arith.constant 0 : i32
      %dma_wait3A_358 = arith.constant 0 : i32
      %dma_wait3A_359 = tpu.memref_slice %arg8[%run_scoped3A_15, %dma_wait3A_357, %dma_wait3A_358] : memref<3x80x128xf32, #tpu.memory_space<vmem>> -> memref<1x80x128xf32, #tpu.memory_space<vmem>>
      %dma_wait3A_360 = tpu.memref_squeeze %dma_wait3A_359 : memref<1x80x128xf32, #tpu.memory_space<vmem>> -> memref<80x128xf32, #tpu.memory_space<vmem>>
      tpu.wait_dma2 semaphore(%run_scoped3A_337 : memref<!tpu.dma_semaphore, #tpu.memory_space<semaphore_mem>>) src(%dma_wait3A_360 : memref<80x128xf32, #tpu.memory_space<vmem>>) dst(%dma_wait3A_356 : memref<80x128xf32, #tpu.memory_space<vmem_shared>>)
      tpu.yield
    }) : () -> ()
    %mul3A_16 = arith.constant 632 : i32
    %mul3A_17 = arith.muli %arg1, %mul3A_16 : i32
    %add3A_18 = arith.constant 160 : i32
    %add3A_19 = arith.addi %mul3A_17, %add3A_18 : i32
    %run_scoped3A_20 = arith.constant 0 : i32
    "tpu.region"() ({
      %run_scoped3A_337 = tpu.sem_alloc : memref<!tpu.dma_semaphore, #tpu.memory_space<semaphore_mem>>
      %dma_start3A_338 = arith.constant 0 : i32
      %dma_start3A_339 = arith.constant 0 : i32
      %dma_start3A_340 = tpu.memref_slice %arg8[%run_scoped3A_20, %dma_start3A_338, %dma_start3A_339] : memref<3x80x128xf32, #tpu.memory_space<vmem>> -> memref<1x80x128xf32, #tpu.memory_space<vmem>>
      %dma_start3A_341 = tpu.memref_squeeze %dma_start3A_340 : memref<1x80x128xf32, #tpu.memory_space<vmem>> -> memref<80x128xf32, #tpu.memory_space<vmem>>
      %dma_start3A_342 = arith.constant 0 : i32
      %dma_start3A_343 = tpu.memref_slice %arg9[%add3A_19, %dma_start3A_342] : memref<10112x128xf32, #tpu.memory_space<vmem_shared>> -> memref<80x128xf32, #tpu.memory_space<vmem_shared>>
      %dma_start3A_344 = arith.constant 0 : i32
      %dma_start3A_345 = tpu.memref_slice %arg9[%add3A_19, %dma_start3A_344] : memref<10112x128xf32, #tpu.memory_space<vmem_shared>> -> memref<80x128xf32, #tpu.memory_space<vmem_shared>>
      %dma_start3A_346 = arith.constant 0 : i32
      %dma_start3A_347 = arith.constant 0 : i32
      %dma_start3A_348 = tpu.memref_slice %arg8[%run_scoped3A_20, %dma_start3A_346, %dma_start3A_347] : memref<3x80x128xf32, #tpu.memory_space<vmem>> -> memref<1x80x128xf32, #tpu.memory_space<vmem>>
      %dma_start3A_349 = tpu.memref_squeeze %dma_start3A_348 : memref<1x80x128xf32, #tpu.memory_space<vmem>> -> memref<80x128xf32, #tpu.memory_space<vmem>>
      tpu.enqueue_dma source(%dma_start3A_349 : memref<80x128xf32, #tpu.memory_space<vmem>>) target(%dma_start3A_345 : memref<80x128xf32, #tpu.memory_space<vmem_shared>>) target_semaphore(%run_scoped3A_337 : memref<!tpu.dma_semaphore, #tpu.memory_space<semaphore_mem>>)
      %dma_wait3A = arith.constant 0 : i32
      %dma_wait3A_350 = arith.constant 0 : i32
      %dma_wait3A_351 = tpu.memref_slice %arg8[%run_scoped3A_20, %dma_wait3A, %dma_wait3A_350] : memref<3x80x128xf32, #tpu.memory_space<vmem>> -> memref<1x80x128xf32, #tpu.memory_space<vmem>>
      %dma_wait3A_352 = tpu.memref_squeeze %dma_wait3A_351 : memref<1x80x128xf32, #tpu.memory_space<vmem>> -> memref<80x128xf32, #tpu.memory_space<vmem>>
      %dma_wait3A_353 = arith.constant 0 : i32
      %dma_wait3A_354 = tpu.memref_slice %arg9[%add3A_19, %dma_wait3A_353] : memref<10112x128xf32, #tpu.memory_space<vmem_shared>> -> memref<80x128xf32, #tpu.memory_space<vmem_shared>>
      %dma_wait3A_355 = arith.constant 0 : i32
      %dma_wait3A_356 = tpu.memref_slice %arg9[%add3A_19, %dma_wait3A_355] : memref<10112x128xf32, #tpu.memory_space<vmem_shared>> -> memref<80x128xf32, #tpu.memory_space<vmem_shared>>
      %dma_wait3A_357 = arith.constant 0 : i32
      %dma_wait3A_358 = arith.constant 0 : i32
      %dma_wait3A_359 = tpu.memref_slice %arg8[%run_scoped3A_20, %dma_wait3A_357, %dma_wait3A_358] : memref<3x80x128xf32, #tpu.memory_space<vmem>> -> memref<1x80x128xf32, #tpu.memory_space<vmem>>
      %dma_wait3A_360 = tpu.memref_squeeze %dma_wait3A_359 : memref<1x80x128xf32, #tpu.memory_space<vmem>> -> memref<80x128xf32, #tpu.memory_space<vmem>>
      tpu.wait_dma2 semaphore(%run_scoped3A_337 : memref<!tpu.dma_semaphore, #tpu.memory_space<semaphore_mem>>) src(%dma_wait3A_360 : memref<80x128xf32, #tpu.memory_space<vmem>>) dst(%dma_wait3A_356 : memref<80x128xf32, #tpu.memory_space<vmem_shared>>)
      tpu.yield
    }) : () -> ()
    %mul3A_21 = arith.constant 632 : i32
    %mul3A_22 = arith.muli %arg1, %mul3A_21 : i32
    %add3A_23 = arith.constant 240 : i32
    %add3A_24 = arith.addi %mul3A_22, %add3A_23 : i32
    %run_scoped3A_25 = arith.constant 0 : i32
    "tpu.region"() ({
      %run_scoped3A_337 = tpu.sem_alloc : memref<!tpu.dma_semaphore, #tpu.memory_space<semaphore_mem>>
      %dma_start3A_338 = arith.constant 0 : i32
      %dma_start3A_339 = arith.constant 0 : i32
      %dma_start3A_340 = tpu.memref_slice %arg8[%run_scoped3A_25, %dma_start3A_338, %dma_start3A_339] : memref<3x80x128xf32, #tpu.memory_space<vmem>> -> memref<1x80x128xf32, #tpu.memory_space<vmem>>
      %dma_start3A_341 = tpu.memref_squeeze %dma_start3A_340 : memref<1x80x128xf32, #tpu.memory_space<vmem>> -> memref<80x128xf32, #tpu.memory_space<vmem>>
      %dma_start3A_342 = arith.constant 0 : i32
      %dma_start3A_343 = tpu.memref_slice %arg9[%add3A_24, %dma_start3A_342] : memref<10112x128xf32, #tpu.memory_space<vmem_shared>> -> memref<80x128xf32, #tpu.memory_space<vmem_shared>>
      %dma_start3A_344 = arith.constant 0 : i32
      %dma_start3A_345 = tpu.memref_slice %arg9[%add3A_24, %dma_start3A_344] : memref<10112x128xf32, #tpu.memory_space<vmem_shared>> -> memref<80x128xf32, #tpu.memory_space<vmem_shared>>
      %dma_start3A_346 = arith.constant 0 : i32
      %dma_start3A_347 = arith.constant 0 : i32
      %dma_start3A_348 = tpu.memref_slice %arg8[%run_scoped3A_25, %dma_start3A_346, %dma_start3A_347] : memref<3x80x128xf32, #tpu.memory_space<vmem>> -> memref<1x80x128xf32, #tpu.memory_space<vmem>>
      %dma_start3A_349 = tpu.memref_squeeze %dma_start3A_348 : memref<1x80x128xf32, #tpu.memory_space<vmem>> -> memref<80x128xf32, #tpu.memory_space<vmem>>
      tpu.enqueue_dma source(%dma_start3A_349 : memref<80x128xf32, #tpu.memory_space<vmem>>) target(%dma_start3A_345 : memref<80x128xf32, #tpu.memory_space<vmem_shared>>) target_semaphore(%run_scoped3A_337 : memref<!tpu.dma_semaphore, #tpu.memory_space<semaphore_mem>>)
      %dma_wait3A = arith.constant 0 : i32
      %dma_wait3A_350 = arith.constant 0 : i32
      %dma_wait3A_351 = tpu.memref_slice %arg8[%run_scoped3A_25, %dma_wait3A, %dma_wait3A_350] : memref<3x80x128xf32, #tpu.memory_space<vmem>> -> memref<1x80x128xf32, #tpu.memory_space<vmem>>
      %dma_wait3A_352 = tpu.memref_squeeze %dma_wait3A_351 : memref<1x80x128xf32, #tpu.memory_space<vmem>> -> memref<80x128xf32, #tpu.memory_space<vmem>>
      %dma_wait3A_353 = arith.constant 0 : i32
      %dma_wait3A_354 = tpu.memref_slice %arg9[%add3A_24, %dma_wait3A_353] : memref<10112x128xf32, #tpu.memory_space<vmem_shared>> -> memref<80x128xf32, #tpu.memory_space<vmem_shared>>
      %dma_wait3A_355 = arith.constant 0 : i32
      %dma_wait3A_356 = tpu.memref_slice %arg9[%add3A_24, %dma_wait3A_355] : memref<10112x128xf32, #tpu.memory_space<vmem_shared>> -> memref<80x128xf32, #tpu.memory_space<vmem_shared>>
      %dma_wait3A_357 = arith.constant 0 : i32
      %dma_wait3A_358 = arith.constant 0 : i32
      %dma_wait3A_359 = tpu.memref_slice %arg8[%run_scoped3A_25, %dma_wait3A_357, %dma_wait3A_358] : memref<3x80x128xf32, #tpu.memory_space<vmem>> -> memref<1x80x128xf32, #tpu.memory_space<vmem>>
      %dma_wait3A_360 = tpu.memref_squeeze %dma_wait3A_359 : memref<1x80x128xf32, #tpu.memory_space<vmem>> -> memref<80x128xf32, #tpu.memory_space<vmem>>
      tpu.wait_dma2 semaphore(%run_scoped3A_337 : memref<!tpu.dma_semaphore, #tpu.memory_space<semaphore_mem>>) src(%dma_wait3A_360 : memref<80x128xf32, #tpu.memory_space<vmem>>) dst(%dma_wait3A_356 : memref<80x128xf32, #tpu.memory_space<vmem_shared>>)
      tpu.yield
    }) : () -> ()
    %mul3A_26 = arith.constant 632 : i32
    %mul3A_27 = arith.muli %arg1, %mul3A_26 : i32
    %add3A_28 = arith.constant 320 : i32
    %add3A_29 = arith.addi %mul3A_27, %add3A_28 : i32
    %run_scoped3A_30 = arith.constant 0 : i32
    "tpu.region"() ({
      %run_scoped3A_337 = tpu.sem_alloc : memref<!tpu.dma_semaphore, #tpu.memory_space<semaphore_mem>>
      %dma_start3A_338 = arith.constant 0 : i32
      %dma_start3A_339 = arith.constant 0 : i32
      %dma_start3A_340 = tpu.memref_slice %arg8[%run_scoped3A_30, %dma_start3A_338, %dma_start3A_339] : memref<3x80x128xf32, #tpu.memory_space<vmem>> -> memref<1x80x128xf32, #tpu.memory_space<vmem>>
      %dma_start3A_341 = tpu.memref_squeeze %dma_start3A_340 : memref<1x80x128xf32, #tpu.memory_space<vmem>> -> memref<80x128xf32, #tpu.memory_space<vmem>>
      %dma_start3A_342 = arith.constant 0 : i32
      %dma_start3A_343 = tpu.memref_slice %arg9[%add3A_29, %dma_start3A_342] : memref<10112x128xf32, #tpu.memory_space<vmem_shared>> -> memref<80x128xf32, #tpu.memory_space<vmem_shared>>
      %dma_start3A_344 = arith.constant 0 : i32
      %dma_start3A_345 = tpu.memref_slice %arg9[%add3A_29, %dma_start3A_344] : memref<10112x128xf32, #tpu.memory_space<vmem_shared>> -> memref<80x128xf32, #tpu.memory_space<vmem_shared>>
      %dma_start3A_346 = arith.constant 0 : i32
      %dma_start3A_347 = arith.constant 0 : i32
      %dma_start3A_348 = tpu.memref_slice %arg8[%run_scoped3A_30, %dma_start3A_346, %dma_start3A_347] : memref<3x80x128xf32, #tpu.memory_space<vmem>> -> memref<1x80x128xf32, #tpu.memory_space<vmem>>
      %dma_start3A_349 = tpu.memref_squeeze %dma_start3A_348 : memref<1x80x128xf32, #tpu.memory_space<vmem>> -> memref<80x128xf32, #tpu.memory_space<vmem>>
      tpu.enqueue_dma source(%dma_start3A_349 : memref<80x128xf32, #tpu.memory_space<vmem>>) target(%dma_start3A_345 : memref<80x128xf32, #tpu.memory_space<vmem_shared>>) target_semaphore(%run_scoped3A_337 : memref<!tpu.dma_semaphore, #tpu.memory_space<semaphore_mem>>)
      %dma_wait3A = arith.constant 0 : i32
      %dma_wait3A_350 = arith.constant 0 : i32
      %dma_wait3A_351 = tpu.memref_slice %arg8[%run_scoped3A_30, %dma_wait3A, %dma_wait3A_350] : memref<3x80x128xf32, #tpu.memory_space<vmem>> -> memref<1x80x128xf32, #tpu.memory_space<vmem>>
      %dma_wait3A_352 = tpu.memref_squeeze %dma_wait3A_351 : memref<1x80x128xf32, #tpu.memory_space<vmem>> -> memref<80x128xf32, #tpu.memory_space<vmem>>
      %dma_wait3A_353 = arith.constant 0 : i32
      %dma_wait3A_354 = tpu.memref_slice %arg9[%add3A_29, %dma_wait3A_353] : memref<10112x128xf32, #tpu.memory_space<vmem_shared>> -> memref<80x128xf32, #tpu.memory_space<vmem_shared>>
      %dma_wait3A_355 = arith.constant 0 : i32
      %dma_wait3A_356 = tpu.memref_slice %arg9[%add3A_29, %dma_wait3A_355] : memref<10112x128xf32, #tpu.memory_space<vmem_shared>> -> memref<80x128xf32, #tpu.memory_space<vmem_shared>>
      %dma_wait3A_357 = arith.constant 0 : i32
      %dma_wait3A_358 = arith.constant 0 : i32
      %dma_wait3A_359 = tpu.memref_slice %arg8[%run_scoped3A_30, %dma_wait3A_357, %dma_wait3A_358] : memref<3x80x128xf32, #tpu.memory_space<vmem>> -> memref<1x80x128xf32, #tpu.memory_space<vmem>>
      %dma_wait3A_360 = tpu.memref_squeeze %dma_wait3A_359 : memref<1x80x128xf32, #tpu.memory_space<vmem>> -> memref<80x128xf32, #tpu.memory_space<vmem>>
      tpu.wait_dma2 semaphore(%run_scoped3A_337 : memref<!tpu.dma_semaphore, #tpu.memory_space<semaphore_mem>>) src(%dma_wait3A_360 : memref<80x128xf32, #tpu.memory_space<vmem>>) dst(%dma_wait3A_356 : memref<80x128xf32, #tpu.memory_space<vmem_shared>>)
      tpu.yield
    }) : () -> ()
    %mul3A_31 = arith.constant 632 : i32
    %mul3A_32 = arith.muli %arg1, %mul3A_31 : i32
    %add3A_33 = arith.constant 400 : i32
    %add3A_34 = arith.addi %mul3A_32, %add3A_33 : i32
    %run_scoped3A_35 = arith.constant 0 : i32
    "tpu.region"() ({
      %run_scoped3A_337 = tpu.sem_alloc : memref<!tpu.dma_semaphore, #tpu.memory_space<semaphore_mem>>
      %dma_start3A_338 = arith.constant 0 : i32
      %dma_start3A_339 = arith.constant 0 : i32
      %dma_start3A_340 = tpu.memref_slice %arg8[%run_scoped3A_35, %dma_start3A_338, %dma_start3A_339] : memref<3x80x128xf32, #tpu.memory_space<vmem>> -> memref<1x80x128xf32, #tpu.memory_space<vmem>>
      %dma_start3A_341 = tpu.memref_squeeze %dma_start3A_340 : memref<1x80x128xf32, #tpu.memory_space<vmem>> -> memref<80x128xf32, #tpu.memory_space<vmem>>
      %dma_start3A_342 = arith.constant 0 : i32
      %dma_start3A_343 = tpu.memref_slice %arg9[%add3A_34, %dma_start3A_342] : memref<10112x128xf32, #tpu.memory_space<vmem_shared>> -> memref<80x128xf32, #tpu.memory_space<vmem_shared>>
      %dma_start3A_344 = arith.constant 0 : i32
      %dma_start3A_345 = tpu.memref_slice %arg9[%add3A_34, %dma_start3A_344] : memref<10112x128xf32, #tpu.memory_space<vmem_shared>> -> memref<80x128xf32, #tpu.memory_space<vmem_shared>>
      %dma_start3A_346 = arith.constant 0 : i32
      %dma_start3A_347 = arith.constant 0 : i32
      %dma_start3A_348 = tpu.memref_slice %arg8[%run_scoped3A_35, %dma_start3A_346, %dma_start3A_347] : memref<3x80x128xf32, #tpu.memory_space<vmem>> -> memref<1x80x128xf32, #tpu.memory_space<vmem>>
      %dma_start3A_349 = tpu.memref_squeeze %dma_start3A_348 : memref<1x80x128xf32, #tpu.memory_space<vmem>> -> memref<80x128xf32, #tpu.memory_space<vmem>>
      tpu.enqueue_dma source(%dma_start3A_349 : memref<80x128xf32, #tpu.memory_space<vmem>>) target(%dma_start3A_345 : memref<80x128xf32, #tpu.memory_space<vmem_shared>>) target_semaphore(%run_scoped3A_337 : memref<!tpu.dma_semaphore, #tpu.memory_space<semaphore_mem>>)
      %dma_wait3A = arith.constant 0 : i32
      %dma_wait3A_350 = arith.constant 0 : i32
      %dma_wait3A_351 = tpu.memref_slice %arg8[%run_scoped3A_35, %dma_wait3A, %dma_wait3A_350] : memref<3x80x128xf32, #tpu.memory_space<vmem>> -> memref<1x80x128xf32, #tpu.memory_space<vmem>>
      %dma_wait3A_352 = tpu.memref_squeeze %dma_wait3A_351 : memref<1x80x128xf32, #tpu.memory_space<vmem>> -> memref<80x128xf32, #tpu.memory_space<vmem>>
      %dma_wait3A_353 = arith.constant 0 : i32
      %dma_wait3A_354 = tpu.memref_slice %arg9[%add3A_34, %dma_wait3A_353] : memref<10112x128xf32, #tpu.memory_space<vmem_shared>> -> memref<80x128xf32, #tpu.memory_space<vmem_shared>>
      %dma_wait3A_355 = arith.constant 0 : i32
      %dma_wait3A_356 = tpu.memref_slice %arg9[%add3A_34, %dma_wait3A_355] : memref<10112x128xf32, #tpu.memory_space<vmem_shared>> -> memref<80x128xf32, #tpu.memory_space<vmem_shared>>
      %dma_wait3A_357 = arith.constant 0 : i32
      %dma_wait3A_358 = arith.constant 0 : i32
      %dma_wait3A_359 = tpu.memref_slice %arg8[%run_scoped3A_35, %dma_wait3A_357, %dma_wait3A_358] : memref<3x80x128xf32, #tpu.memory_space<vmem>> -> memref<1x80x128xf32, #tpu.memory_space<vmem>>
      %dma_wait3A_360 = tpu.memref_squeeze %dma_wait3A_359 : memref<1x80x128xf32, #tpu.memory_space<vmem>> -> memref<80x128xf32, #tpu.memory_space<vmem>>
      tpu.wait_dma2 semaphore(%run_scoped3A_337 : memref<!tpu.dma_semaphore, #tpu.memory_space<semaphore_mem>>) src(%dma_wait3A_360 : memref<80x128xf32, #tpu.memory_space<vmem>>) dst(%dma_wait3A_356 : memref<80x128xf32, #tpu.memory_space<vmem_shared>>)
      tpu.yield
    }) : () -> ()
    %mul3A_36 = arith.constant 632 : i32
    %mul3A_37 = arith.muli %arg1, %mul3A_36 : i32
    %add3A_38 = arith.constant 480 : i32
    %add3A_39 = arith.addi %mul3A_37, %add3A_38 : i32
    %run_scoped3A_40 = arith.constant 0 : i32
    "tpu.region"() ({
      %run_scoped3A_337 = tpu.sem_alloc : memref<!tpu.dma_semaphore, #tpu.memory_space<semaphore_mem>>
      %dma_start3A_338 = arith.constant 0 : i32
      %dma_start3A_339 = arith.constant 0 : i32
      %dma_start3A_340 = tpu.memref_slice %arg8[%run_scoped3A_40, %dma_start3A_338, %dma_start3A_339] : memref<3x80x128xf32, #tpu.memory_space<vmem>> -> memref<1x80x128xf32, #tpu.memory_space<vmem>>
      %dma_start3A_341 = tpu.memref_squeeze %dma_start3A_340 : memref<1x80x128xf32, #tpu.memory_space<vmem>> -> memref<80x128xf32, #tpu.memory_space<vmem>>
      %dma_start3A_342 = arith.constant 0 : i32
      %dma_start3A_343 = tpu.memref_slice %arg9[%add3A_39, %dma_start3A_342] : memref<10112x128xf32, #tpu.memory_space<vmem_shared>> -> memref<80x128xf32, #tpu.memory_space<vmem_shared>>
      %dma_start3A_344 = arith.constant 0 : i32
      %dma_start3A_345 = tpu.memref_slice %arg9[%add3A_39, %dma_start3A_344] : memref<10112x128xf32, #tpu.memory_space<vmem_shared>> -> memref<80x128xf32, #tpu.memory_space<vmem_shared>>
      %dma_start3A_346 = arith.constant 0 : i32
      %dma_start3A_347 = arith.constant 0 : i32
      %dma_start3A_348 = tpu.memref_slice %arg8[%run_scoped3A_40, %dma_start3A_346, %dma_start3A_347] : memref<3x80x128xf32, #tpu.memory_space<vmem>> -> memref<1x80x128xf32, #tpu.memory_space<vmem>>
      %dma_start3A_349 = tpu.memref_squeeze %dma_start3A_348 : memref<1x80x128xf32, #tpu.memory_space<vmem>> -> memref<80x128xf32, #tpu.memory_space<vmem>>
      tpu.enqueue_dma source(%dma_start3A_349 : memref<80x128xf32, #tpu.memory_space<vmem>>) target(%dma_start3A_345 : memref<80x128xf32, #tpu.memory_space<vmem_shared>>) target_semaphore(%run_scoped3A_337 : memref<!tpu.dma_semaphore, #tpu.memory_space<semaphore_mem>>)
      %dma_wait3A = arith.constant 0 : i32
      %dma_wait3A_350 = arith.constant 0 : i32
      %dma_wait3A_351 = tpu.memref_slice %arg8[%run_scoped3A_40, %dma_wait3A, %dma_wait3A_350] : memref<3x80x128xf32, #tpu.memory_space<vmem>> -> memref<1x80x128xf32, #tpu.memory_space<vmem>>
      %dma_wait3A_352 = tpu.memref_squeeze %dma_wait3A_351 : memref<1x80x128xf32, #tpu.memory_space<vmem>> -> memref<80x128xf32, #tpu.memory_space<vmem>>
      %dma_wait3A_353 = arith.constant 0 : i32
      %dma_wait3A_354 = tpu.memref_slice %arg9[%add3A_39, %dma_wait3A_353] : memref<10112x128xf32, #tpu.memory_space<vmem_shared>> -> memref<80x128xf32, #tpu.memory_space<vmem_shared>>
      %dma_wait3A_355 = arith.constant 0 : i32
      %dma_wait3A_356 = tpu.memref_slice %arg9[%add3A_39, %dma_wait3A_355] : memref<10112x128xf32, #tpu.memory_space<vmem_shared>> -> memref<80x128xf32, #tpu.memory_space<vmem_shared>>
      %dma_wait3A_357 = arith.constant 0 : i32
      %dma_wait3A_358 = arith.constant 0 : i32
      %dma_wait3A_359 = tpu.memref_slice %arg8[%run_scoped3A_40, %dma_wait3A_357, %dma_wait3A_358] : memref<3x80x128xf32, #tpu.memory_space<vmem>> -> memref<1x80x128xf32, #tpu.memory_space<vmem>>
      %dma_wait3A_360 = tpu.memref_squeeze %dma_wait3A_359 : memref<1x80x128xf32, #tpu.memory_space<vmem>> -> memref<80x128xf32, #tpu.memory_space<vmem>>
      tpu.wait_dma2 semaphore(%run_scoped3A_337 : memref<!tpu.dma_semaphore, #tpu.memory_space<semaphore_mem>>) src(%dma_wait3A_360 : memref<80x128xf32, #tpu.memory_space<vmem>>) dst(%dma_wait3A_356 : memref<80x128xf32, #tpu.memory_space<vmem_shared>>)
      tpu.yield
    }) : () -> ()
    %mul3A_41 = arith.constant 632 : i32
    %mul3A_42 = arith.muli %arg1, %mul3A_41 : i32
    %add3A_43 = arith.constant 560 : i32
    %add3A_44 = arith.addi %mul3A_42, %add3A_43 : i32
    %run_scoped3A_45 = arith.constant 0 : i32
    "tpu.region"() ({
      %run_scoped3A_337 = tpu.sem_alloc : memref<!tpu.dma_semaphore, #tpu.memory_space<semaphore_mem>>
      %dma_start3A_338 = arith.constant 0 : i32
      %dma_start3A_339 = arith.constant 0 : i32
      %dma_start3A_340 = tpu.memref_slice %arg8[%run_scoped3A_45, %dma_start3A_338, %dma_start3A_339] : memref<3x80x128xf32, #tpu.memory_space<vmem>> -> memref<1x80x128xf32, #tpu.memory_space<vmem>>
      %dma_start3A_341 = tpu.memref_squeeze %dma_start3A_340 : memref<1x80x128xf32, #tpu.memory_space<vmem>> -> memref<80x128xf32, #tpu.memory_space<vmem>>
      %dma_start3A_342 = arith.constant 0 : i32
      %dma_start3A_343 = arith.constant 0 : i32
      %dma_start3A_344 = tpu.memref_slice %dma_start3A_341[%dma_start3A_342, %dma_start3A_343] : memref<80x128xf32, #tpu.memory_space<vmem>> -> memref<72x128xf32, #tpu.memory_space<vmem>>
      %dma_start3A_345 = arith.constant 0 : i32
      %dma_start3A_346 = tpu.memref_slice %arg9[%add3A_44, %dma_start3A_345] : memref<10112x128xf32, #tpu.memory_space<vmem_shared>> -> memref<72x128xf32, #tpu.memory_space<vmem_shared>>
      %dma_start3A_347 = arith.constant 0 : i32
      %dma_start3A_348 = tpu.memref_slice %arg9[%add3A_44, %dma_start3A_347] : memref<10112x128xf32, #tpu.memory_space<vmem_shared>> -> memref<72x128xf32, #tpu.memory_space<vmem_shared>>
      %dma_start3A_349 = arith.constant 0 : i32
      %dma_start3A_350 = arith.constant 0 : i32
      %dma_start3A_351 = tpu.memref_slice %arg8[%run_scoped3A_45, %dma_start3A_349, %dma_start3A_350] : memref<3x80x128xf32, #tpu.memory_space<vmem>> -> memref<1x80x128xf32, #tpu.memory_space<vmem>>
      %dma_start3A_352 = tpu.memref_squeeze %dma_start3A_351 : memref<1x80x128xf32, #tpu.memory_space<vmem>> -> memref<80x128xf32, #tpu.memory_space<vmem>>
      %dma_start3A_353 = arith.constant 0 : i32
      %dma_start3A_354 = arith.constant 0 : i32
      %dma_start3A_355 = tpu.memref_slice %dma_start3A_352[%dma_start3A_353, %dma_start3A_354] : memref<80x128xf32, #tpu.memory_space<vmem>> -> memref<72x128xf32, #tpu.memory_space<vmem>>
      tpu.enqueue_dma source(%dma_start3A_355 : memref<72x128xf32, #tpu.memory_space<vmem>>) target(%dma_start3A_348 : memref<72x128xf32, #tpu.memory_space<vmem_shared>>) target_semaphore(%run_scoped3A_337 : memref<!tpu.dma_semaphore, #tpu.memory_space<semaphore_mem>>)
      %dma_wait3A = arith.constant 0 : i32
      %dma_wait3A_356 = arith.constant 0 : i32
      %dma_wait3A_357 = tpu.memref_slice %arg8[%run_scoped3A_45, %dma_wait3A, %dma_wait3A_356] : memref<3x80x128xf32, #tpu.memory_space<vmem>> -> memref<1x80x128xf32, #tpu.memory_space<vmem>>
      %dma_wait3A_358 = tpu.memref_squeeze %dma_wait3A_357 : memref<1x80x128xf32, #tpu.memory_space<vmem>> -> memref<80x128xf32, #tpu.memory_space<vmem>>
      %dma_wait3A_359 = arith.constant 0 : i32
      %dma_wait3A_360 = arith.constant 0 : i32
      %dma_wait3A_361 = tpu.memref_slice %dma_wait3A_358[%dma_wait3A_359, %dma_wait3A_360] : memref<80x128xf32, #tpu.memory_space<vmem>> -> memref<72x128xf32, #tpu.memory_space<vmem>>
      %dma_wait3A_362 = arith.constant 0 : i32
      %dma_wait3A_363 = tpu.memref_slice %arg9[%add3A_44, %dma_wait3A_362] : memref<10112x128xf32, #tpu.memory_space<vmem_shared>> -> memref<72x128xf32, #tpu.memory_space<vmem_shared>>
      %dma_wait3A_364 = arith.constant 0 : i32
      %dma_wait3A_365 = tpu.memref_slice %arg9[%add3A_44, %dma_wait3A_364] : memref<10112x128xf32, #tpu.memory_space<vmem_shared>> -> memref<72x128xf32, #tpu.memory_space<vmem_shared>>
      %dma_wait3A_366 = arith.constant 0 : i32
      %dma_wait3A_367 = arith.constant 0 : i32
      %dma_wait3A_368 = tpu.memref_slice %arg8[%run_scoped3A_45, %dma_wait3A_366, %dma_wait3A_367] : memref<3x80x128xf32, #tpu.memory_space<vmem>> -> memref<1x80x128xf32, #tpu.memory_space<vmem>>
      %dma_wait3A_369 = tpu.memref_squeeze %dma_wait3A_368 : memref<1x80x128xf32, #tpu.memory_space<vmem>> -> memref<80x128xf32, #tpu.memory_space<vmem>>
      %dma_wait3A_370 = arith.constant 0 : i32
      %dma_wait3A_371 = arith.constant 0 : i32
      %dma_wait3A_372 = tpu.memref_slice %dma_wait3A_369[%dma_wait3A_370, %dma_wait3A_371] : memref<80x128xf32, #tpu.memory_space<vmem>> -> memref<72x128xf32, #tpu.memory_space<vmem>>
      tpu.wait_dma2 semaphore(%run_scoped3A_337 : memref<!tpu.dma_semaphore, #tpu.memory_space<semaphore_mem>>) src(%dma_wait3A_372 : memref<72x128xf32, #tpu.memory_space<vmem>>) dst(%dma_wait3A_365 : memref<72x128xf32, #tpu.memory_space<vmem_shared>>)
      tpu.yield
    }) : () -> ()
    %barrier3A = arith.constant 0 : index
    tpu.barrier barrier_id(%barrier3A)
    %get3A = arith.constant 0 : index
    %get3A_46 = tpu.vector_load %arg5[%get3A] {strides = array<i32>} : memref<10160xi32, #tpu.memory_space<vmem>>, vector<16xi32>,
    %get3A_47 = vector.shape_cast %get3A_46 : vector<16xi32> to vector<16xi32>
    %and3A = arith.constant 65535 : i32
    %and3A_48 = vector.broadcast %and3A : i32 to vector<16xi32>
    %and3A_49 = arith.andi %get3A_47, %and3A_48 : vector<16xi32>
    %swap3A = arith.constant 0 : index
    %swap3A_50 = tpu.vector_load %arg6[%swap3A] {strides = array<i32>} : memref<240xi32, #tpu.memory_space<vmem>>, vector<16xi32>,
    %swap3A_51 = vector.shape_cast %swap3A_50 : vector<16xi32> to vector<16xi32>
    %swap3A_52 = vector.shape_cast %and3A_49 : vector<16xi32> to vector<16xi32>
    tpu.vector_store %arg6[%swap3A], %swap3A_52 {strides = array<i32>} : memref<240xi32, #tpu.memory_space<vmem>>, vector<16xi32>,
    %shift_right_logical3A = arith.constant 16 : i32
    %shift_right_logical3A_53 = vector.broadcast %shift_right_logical3A : i32 to vector<16xi32>
    %shift_right_logical3A_54 = arith.shrui %get3A_47, %shift_right_logical3A_53 : vector<16xi32>
    %swap3A_55 = arith.constant 0 : index
    %swap3A_56 = tpu.vector_load %arg7[%swap3A_55] {strides = array<i32>} : memref<240xi32, #tpu.memory_space<vmem>>, vector<16xi32>,
    %swap3A_57 = vector.shape_cast %swap3A_56 : vector<16xi32> to vector<16xi32>
    %swap3A_58 = vector.shape_cast %shift_right_logical3A_54 : vector<16xi32> to vector<16xi32>
    tpu.vector_store %arg7[%swap3A_55], %swap3A_58 {strides = array<i32>} : memref<240xi32, #tpu.memory_space<vmem>>, vector<16xi32>,
    %get3A_59 = arith.constant 16 : index
    %get3A_60 = tpu.vector_load %arg5[%get3A_59] {strides = array<i32>} : memref<10160xi32, #tpu.memory_space<vmem>>, vector<16xi32>,
    %get3A_61 = vector.shape_cast %get3A_60 : vector<16xi32> to vector<16xi32>
    %and3A_62 = arith.constant 65535 : i32
    %and3A_63 = vector.broadcast %and3A_62 : i32 to vector<16xi32>
    %and3A_64 = arith.andi %get3A_61, %and3A_63 : vector<16xi32>
    %swap3A_65 = arith.constant 16 : index
    %swap3A_66 = tpu.vector_load %arg6[%swap3A_65] {strides = array<i32>} : memref<240xi32, #tpu.memory_space<vmem>>, vector<16xi32>,
    %swap3A_67 = vector.shape_cast %swap3A_66 : vector<16xi32> to vector<16xi32>
    %swap3A_68 = vector.shape_cast %and3A_64 : vector<16xi32> to vector<16xi32>
    tpu.vector_store %arg6[%swap3A_65], %swap3A_68 {strides = array<i32>} : memref<240xi32, #tpu.memory_space<vmem>>, vector<16xi32>,
    %shift_right_logical3A_69 = arith.constant 16 : i32
    %shift_right_logical3A_70 = vector.broadcast %shift_right_logical3A_69 : i32 to vector<16xi32>
    %shift_right_logical3A_71 = arith.shrui %get3A_61, %shift_right_logical3A_70 : vector<16xi32>
    %swap3A_72 = arith.constant 16 : index
    %swap3A_73 = tpu.vector_load %arg7[%swap3A_72] {strides = array<i32>} : memref<240xi32, #tpu.memory_space<vmem>>, vector<16xi32>,
    %swap3A_74 = vector.shape_cast %swap3A_73 : vector<16xi32> to vector<16xi32>
    %swap3A_75 = vector.shape_cast %shift_right_logical3A_71 : vector<16xi32> to vector<16xi32>
    tpu.vector_store %arg7[%swap3A_72], %swap3A_75 {strides = array<i32>} : memref<240xi32, #tpu.memory_space<vmem>>, vector<16xi32>,
    %get3A_76 = arith.constant 32 : index
    %get3A_77 = tpu.vector_load %arg5[%get3A_76] {strides = array<i32>} : memref<10160xi32, #tpu.memory_space<vmem>>, vector<16xi32>,
    %get3A_78 = vector.shape_cast %get3A_77 : vector<16xi32> to vector<16xi32>
    %and3A_79 = arith.constant 65535 : i32
    %and3A_80 = vector.broadcast %and3A_79 : i32 to vector<16xi32>
    %and3A_81 = arith.andi %get3A_78, %and3A_80 : vector<16xi32>
    %swap3A_82 = arith.constant 32 : index
    %swap3A_83 = tpu.vector_load %arg6[%swap3A_82] {strides = array<i32>} : memref<240xi32, #tpu.memory_space<vmem>>, vector<16xi32>,
    %swap3A_84 = vector.shape_cast %swap3A_83 : vector<16xi32> to vector<16xi32>
    %swap3A_85 = vector.shape_cast %and3A_81 : vector<16xi32> to vector<16xi32>
    tpu.vector_store %arg6[%swap3A_82], %swap3A_85 {strides = array<i32>} : memref<240xi32, #tpu.memory_space<vmem>>, vector<16xi32>,
    %shift_right_logical3A_86 = arith.constant 16 : i32
    %shift_right_logical3A_87 = vector.broadcast %shift_right_logical3A_86 : i32 to vector<16xi32>
    %shift_right_logical3A_88 = arith.shrui %get3A_78, %shift_right_logical3A_87 : vector<16xi32>
    %swap3A_89 = arith.constant 32 : index
    %swap3A_90 = tpu.vector_load %arg7[%swap3A_89] {strides = array<i32>} : memref<240xi32, #tpu.memory_space<vmem>>, vector<16xi32>,
    %swap3A_91 = vector.shape_cast %swap3A_90 : vector<16xi32> to vector<16xi32>
    %swap3A_92 = vector.shape_cast %shift_right_logical3A_88 : vector<16xi32> to vector<16xi32>
    tpu.vector_store %arg7[%swap3A_89], %swap3A_92 {strides = array<i32>} : memref<240xi32, #tpu.memory_space<vmem>>, vector<16xi32>,
    %get3A_93 = arith.constant 48 : index
    %get3A_94 = tpu.vector_load %arg5[%get3A_93] {strides = array<i32>} : memref<10160xi32, #tpu.memory_space<vmem>>, vector<16xi32>,
    %get3A_95 = vector.shape_cast %get3A_94 : vector<16xi32> to vector<16xi32>
    %and3A_96 = arith.constant 65535 : i32
    %and3A_97 = vector.broadcast %and3A_96 : i32 to vector<16xi32>
    %and3A_98 = arith.andi %get3A_95, %and3A_97 : vector<16xi32>
    %swap3A_99 = arith.constant 48 : index
    %swap3A_100 = tpu.vector_load %arg6[%swap3A_99] {strides = array<i32>} : memref<240xi32, #tpu.memory_space<vmem>>, vector<16xi32>,
    %swap3A_101 = vector.shape_cast %swap3A_100 : vector<16xi32> to vector<16xi32>
    %swap3A_102 = vector.shape_cast %and3A_98 : vector<16xi32> to vector<16xi32>
    tpu.vector_store %arg6[%swap3A_99], %swap3A_102 {strides = array<i32>} : memref<240xi32, #tpu.memory_space<vmem>>, vector<16xi32>,
    %shift_right_logical3A_103 = arith.constant 16 : i32
    %shift_right_logical3A_104 = vector.broadcast %shift_right_logical3A_103 : i32 to vector<16xi32>
    %shift_right_logical3A_105 = arith.shrui %get3A_95, %shift_right_logical3A_104 : vector<16xi32>
    %swap3A_106 = arith.constant 48 : index
    %swap3A_107 = tpu.vector_load %arg7[%swap3A_106] {strides = array<i32>} : memref<240xi32, #tpu.memory_space<vmem>>, vector<16xi32>,
    %swap3A_108 = vector.shape_cast %swap3A_107 : vector<16xi32> to vector<16xi32>
    %swap3A_109 = vector.shape_cast %shift_right_logical3A_105 : vector<16xi32> to vector<16xi32>
    tpu.vector_store %arg7[%swap3A_106], %swap3A_109 {strides = array<i32>} : memref<240xi32, #tpu.memory_space<vmem>>, vector<16xi32>,
    %get3A_110 = arith.constant 64 : index
    %get3A_111 = tpu.vector_load %arg5[%get3A_110] {strides = array<i32>} : memref<10160xi32, #tpu.memory_space<vmem>>, vector<16xi32>,
    %get3A_112 = vector.shape_cast %get3A_111 : vector<16xi32> to vector<16xi32>
    %and3A_113 = arith.constant 65535 : i32
    %and3A_114 = vector.broadcast %and3A_113 : i32 to vector<16xi32>
    %and3A_115 = arith.andi %get3A_112, %and3A_114 : vector<16xi32>
    %swap3A_116 = arith.constant 64 : index
    %swap3A_117 = tpu.vector_load %arg6[%swap3A_116] {strides = array<i32>} : memref<240xi32, #tpu.memory_space<vmem>>, vector<16xi32>,
    %swap3A_118 = vector.shape_cast %swap3A_117 : vector<16xi32> to vector<16xi32>
    %swap3A_119 = vector.shape_cast %and3A_115 : vector<16xi32> to vector<16xi32>
    tpu.vector_store %arg6[%swap3A_116], %swap3A_119 {strides = array<i32>} : memref<240xi32, #tpu.memory_space<vmem>>, vector<16xi32>,
    %shift_right_logical3A_120 = arith.constant 16 : i32
    %shift_right_logical3A_121 = vector.broadcast %shift_right_logical3A_120 : i32 to vector<16xi32>
    %shift_right_logical3A_122 = arith.shrui %get3A_112, %shift_right_logical3A_121 : vector<16xi32>
    %swap3A_123 = arith.constant 64 : index
    %swap3A_124 = tpu.vector_load %arg7[%swap3A_123] {strides = array<i32>} : memref<240xi32, #tpu.memory_space<vmem>>, vector<16xi32>,
    %swap3A_125 = vector.shape_cast %swap3A_124 : vector<16xi32> to vector<16xi32>
    %swap3A_126 = vector.shape_cast %shift_right_logical3A_122 : vector<16xi32> to vector<16xi32>
    tpu.vector_store %arg7[%swap3A_123], %swap3A_126 {strides = array<i32>} : memref<240xi32, #tpu.memory_space<vmem>>, vector<16xi32>,
    %dma_start3A = arith.constant 0 : i32
    %dma_start3A_127 = arith.constant 0 : i32
    %dma_start3A_128 = arith.constant 0 : i32
    %dma_start3A_129 = tpu.memref_slice %arg8[%dma_start3A, %dma_start3A_127, %dma_start3A_128] : memref<3x80x128xf32, #tpu.memory_space<vmem>> -> memref<1x80x128xf32, #tpu.memory_space<vmem>>
    %dma_start3A_130 = tpu.memref_squeeze %dma_start3A_129 : memref<1x80x128xf32, #tpu.memory_space<vmem>> -> memref<80x128xf32, #tpu.memory_space<vmem>>
    %dma_start3A_131 = arith.constant 0 : i32
    %dma_start3A_132 = tpu.memref_slice %arg6[%dma_start3A_131] : memref<240xi32, #tpu.memory_space<vmem>> -> memref<80xi32, #tpu.memory_space<vmem>>
    %dma_start3A_133 = arith.constant 0 : i32
    %dma_start3A_134 = arith.constant 0 : i32
    %dma_start3A_135 = tpu.memref_slice %arg2[%dma_start3A_133, %dma_start3A_134] : memref<10000x128xf32, #tpu.memory_space<hbm>> -> memref<10000x128xf32, #tpu.memory_space<hbm>>
    tpu.enqueue_indirect_dma source(%dma_start3A_135 : memref<10000x128xf32, #tpu.memory_space<hbm>>) target(%dma_start3A_130 : memref<80x128xf32, #tpu.memory_space<vmem>>) offsets(%dma_start3A_132 : memref<80xi32, #tpu.memory_space<vmem>>) semaphore(%arg10 : memref<!tpu.dma_semaphore, #tpu.memory_space<semaphore_mem>>)
    %get3A_136 = arith.constant 80 : index
    %get3A_137 = tpu.vector_load %arg5[%get3A_136] {strides = array<i32>} : memref<10160xi32, #tpu.memory_space<vmem>>, vector<16xi32>,
    %get3A_138 = vector.shape_cast %get3A_137 : vector<16xi32> to vector<16xi32>
    %and3A_139 = arith.constant 65535 : i32
    %and3A_140 = vector.broadcast %and3A_139 : i32 to vector<16xi32>
    %and3A_141 = arith.andi %get3A_138, %and3A_140 : vector<16xi32>
    %swap3A_142 = arith.constant 80 : index
    %swap3A_143 = tpu.vector_load %arg6[%swap3A_142] {strides = array<i32>} : memref<240xi32, #tpu.memory_space<vmem>>, vector<16xi32>,
    %swap3A_144 = vector.shape_cast %swap3A_143 : vector<16xi32> to vector<16xi32>
    %swap3A_145 = vector.shape_cast %and3A_141 : vector<16xi32> to vector<16xi32>
    tpu.vector_store %arg6[%swap3A_142], %swap3A_145 {strides = array<i32>} : memref<240xi32, #tpu.memory_space<vmem>>, vector<16xi32>,
    %shift_right_logical3A_146 = arith.constant 16 : i32
    %shift_right_logical3A_147 = vector.broadcast %shift_right_logical3A_146 : i32 to vector<16xi32>
    %shift_right_logical3A_148 = arith.shrui %get3A_138, %shift_right_logical3A_147 : vector<16xi32>
    %swap3A_149 = arith.constant 80 : index
    %swap3A_150 = tpu.vector_load %arg7[%swap3A_149] {strides = array<i32>} : memref<240xi32, #tpu.memory_space<vmem>>, vector<16xi32>,
    %swap3A_151 = vector.shape_cast %swap3A_150 : vector<16xi32> to vector<16xi32>
    %swap3A_152 = vector.shape_cast %shift_right_logical3A_148 : vector<16xi32> to vector<16xi32>
    tpu.vector_store %arg7[%swap3A_149], %swap3A_152 {strides = array<i32>} : memref<240xi32, #tpu.memory_space<vmem>>, vector<16xi32>,
    %get3A_153 = arith.constant 96 : index
    %get3A_154 = tpu.vector_load %arg5[%get3A_153] {strides = array<i32>} : memref<10160xi32, #tpu.memory_space<vmem>>, vector<16xi32>,
    %get3A_155 = vector.shape_cast %get3A_154 : vector<16xi32> to vector<16xi32>
    %and3A_156 = arith.constant 65535 : i32
    %and3A_157 = vector.broadcast %and3A_156 : i32 to vector<16xi32>
    %and3A_158 = arith.andi %get3A_155, %and3A_157 : vector<16xi32>
    %swap3A_159 = arith.constant 96 : index
    %swap3A_160 = tpu.vector_load %arg6[%swap3A_159] {strides = array<i32>} : memref<240xi32, #tpu.memory_space<vmem>>, vector<16xi32>,
    %swap3A_161 = vector.shape_cast %swap3A_160 : vector<16xi32> to vector<16xi32>
    %swap3A_162 = vector.shape_cast %and3A_158 : vector<16xi32> to vector<16xi32>
    tpu.vector_store %arg6[%swap3A_159], %swap3A_162 {strides = array<i32>} : memref<240xi32, #tpu.memory_space<vmem>>, vector<16xi32>,
    %shift_right_logical3A_163 = arith.constant 16 : i32
    %shift_right_logical3A_164 = vector.broadcast %shift_right_logical3A_163 : i32 to vector<16xi32>
    %shift_right_logical3A_165 = arith.shrui %get3A_155, %shift_right_logical3A_164 : vector<16xi32>
    %swap3A_166 = arith.constant 96 : index
    %swap3A_167 = tpu.vector_load %arg7[%swap3A_166] {strides = array<i32>} : memref<240xi32, #tpu.memory_space<vmem>>, vector<16xi32>,
    %swap3A_168 = vector.shape_cast %swap3A_167 : vector<16xi32> to vector<16xi32>
    %swap3A_169 = vector.shape_cast %shift_right_logical3A_165 : vector<16xi32> to vector<16xi32>
    tpu.vector_store %arg7[%swap3A_166], %swap3A_169 {strides = array<i32>} : memref<240xi32, #tpu.memory_space<vmem>>, vector<16xi32>,
    %get3A_170 = arith.constant 112 : index
    %get3A_171 = tpu.vector_load %arg5[%get3A_170] {strides = array<i32>} : memref<10160xi32, #tpu.memory_space<vmem>>, vector<16xi32>,
    %get3A_172 = vector.shape_cast %get3A_171 : vector<16xi32> to vector<16xi32>
    %and3A_173 = arith.constant 65535 : i32
    %and3A_174 = vector.broadcast %and3A_173 : i32 to vector<16xi32>
    %and3A_175 = arith.andi %get3A_172, %and3A_174 : vector<16xi32>
    %swap3A_176 = arith.constant 112 : index
    %swap3A_177 = tpu.vector_load %arg6[%swap3A_176] {strides = array<i32>} : memref<240xi32, #tpu.memory_space<vmem>>, vector<16xi32>,
    %swap3A_178 = vector.shape_cast %swap3A_177 : vector<16xi32> to vector<16xi32>
    %swap3A_179 = vector.shape_cast %and3A_175 : vector<16xi32> to vector<16xi32>
    tpu.vector_store %arg6[%swap3A_176], %swap3A_179 {strides = array<i32>} : memref<240xi32, #tpu.memory_space<vmem>>, vector<16xi32>,
    %shift_right_logical3A_180 = arith.constant 16 : i32
    %shift_right_logical3A_181 = vector.broadcast %shift_right_logical3A_180 : i32 to vector<16xi32>
    %shift_right_logical3A_182 = arith.shrui %get3A_172, %shift_right_logical3A_181 : vector<16xi32>
    %swap3A_183 = arith.constant 112 : index
    %swap3A_184 = tpu.vector_load %arg7[%swap3A_183] {strides = array<i32>} : memref<240xi32, #tpu.memory_space<vmem>>, vector<16xi32>,
    %swap3A_185 = vector.shape_cast %swap3A_184 : vector<16xi32> to vector<16xi32>
    %swap3A_186 = vector.shape_cast %shift_right_logical3A_182 : vector<16xi32> to vector<16xi32>
    tpu.vector_store %arg7[%swap3A_183], %swap3A_186 {strides = array<i32>} : memref<240xi32, #tpu.memory_space<vmem>>, vector<16xi32>,
    %get3A_187 = arith.constant 128 : index
    %get3A_188 = tpu.vector_load %arg5[%get3A_187] {strides = array<i32>} : memref<10160xi32, #tpu.memory_space<vmem>>, vector<16xi32>,
    %get3A_189 = vector.shape_cast %get3A_188 : vector<16xi32> to vector<16xi32>
    %and3A_190 = arith.constant 65535 : i32
    %and3A_191 = vector.broadcast %and3A_190 : i32 to vector<16xi32>
    %and3A_192 = arith.andi %get3A_189, %and3A_191 : vector<16xi32>
    %swap3A_193 = arith.constant 128 : index
    %swap3A_194 = tpu.vector_load %arg6[%swap3A_193] {strides = array<i32>} : memref<240xi32, #tpu.memory_space<vmem>>, vector<16xi32>,
    %swap3A_195 = vector.shape_cast %swap3A_194 : vector<16xi32> to vector<16xi32>
    %swap3A_196 = vector.shape_cast %and3A_192 : vector<16xi32> to vector<16xi32>
    tpu.vector_store %arg6[%swap3A_193], %swap3A_196 {strides = array<i32>} : memref<240xi32, #tpu.memory_space<vmem>>, vector<16xi32>,
    %shift_right_logical3A_197 = arith.constant 16 : i32
    %shift_right_logical3A_198 = vector.broadcast %shift_right_logical3A_197 : i32 to vector<16xi32>
    %shift_right_logical3A_199 = arith.shrui %get3A_189, %shift_right_logical3A_198 : vector<16xi32>
    %swap3A_200 = arith.constant 128 : index
    %swap3A_201 = tpu.vector_load %arg7[%swap3A_200] {strides = array<i32>} : memref<240xi32, #tpu.memory_space<vmem>>, vector<16xi32>,
    %swap3A_202 = vector.shape_cast %swap3A_201 : vector<16xi32> to vector<16xi32>
    %swap3A_203 = vector.shape_cast %shift_right_logical3A_199 : vector<16xi32> to vector<16xi32>
    tpu.vector_store %arg7[%swap3A_200], %swap3A_203 {strides = array<i32>} : memref<240xi32, #tpu.memory_space<vmem>>, vector<16xi32>,
    %get3A_204 = arith.constant 144 : index
    %get3A_205 = tpu.vector_load %arg5[%get3A_204] {strides = array<i32>} : memref<10160xi32, #tpu.memory_space<vmem>>, vector<16xi32>,
    %get3A_206 = vector.shape_cast %get3A_205 : vector<16xi32> to vector<16xi32>
    %and3A_207 = arith.constant 65535 : i32
    %and3A_208 = vector.broadcast %and3A_207 : i32 to vector<16xi32>
    %and3A_209 = arith.andi %get3A_206, %and3A_208 : vector<16xi32>
    %swap3A_210 = arith.constant 144 : index
    %swap3A_211 = tpu.vector_load %arg6[%swap3A_210] {strides = array<i32>} : memref<240xi32, #tpu.memory_space<vmem>>, vector<16xi32>,
    %swap3A_212 = vector.shape_cast %swap3A_211 : vector<16xi32> to vector<16xi32>
    %swap3A_213 = vector.shape_cast %and3A_209 : vector<16xi32> to vector<16xi32>
    tpu.vector_store %arg6[%swap3A_210], %swap3A_213 {strides = array<i32>} : memref<240xi32, #tpu.memory_space<vmem>>, vector<16xi32>,
    %shift_right_logical3A_214 = arith.constant 16 : i32
    %shift_right_logical3A_215 = vector.broadcast %shift_right_logical3A_214 : i32 to vector<16xi32>
    %shift_right_logical3A_216 = arith.shrui %get3A_206, %shift_right_logical3A_215 : vector<16xi32>
    %swap3A_217 = arith.constant 144 : index
    %swap3A_218 = tpu.vector_load %arg7[%swap3A_217] {strides = array<i32>} : memref<240xi32, #tpu.memory_space<vmem>>, vector<16xi32>,
    %swap3A_219 = vector.shape_cast %swap3A_218 : vector<16xi32> to vector<16xi32>
    %swap3A_220 = vector.shape_cast %shift_right_logical3A_216 : vector<16xi32> to vector<16xi32>
    tpu.vector_store %arg7[%swap3A_217], %swap3A_220 {strides = array<i32>} : memref<240xi32, #tpu.memory_space<vmem>>, vector<16xi32>,
    %dma_start3A_221 = arith.constant 1 : i32
    %dma_start3A_222 = arith.constant 0 : i32
    %dma_start3A_223 = arith.constant 0 : i32
    %dma_start3A_224 = tpu.memref_slice %arg8[%dma_start3A_221, %dma_start3A_222, %dma_start3A_223] : memref<3x80x128xf32, #tpu.memory_space<vmem>> -> memref<1x80x128xf32, #tpu.memory_space<vmem>>
    %dma_start3A_225 = tpu.memref_squeeze %dma_start3A_224 : memref<1x80x128xf32, #tpu.memory_space<vmem>> -> memref<80x128xf32, #tpu.memory_space<vmem>>
    %dma_start3A_226 = arith.constant 80 : i32
    %dma_start3A_227 = tpu.memref_slice %arg6[%dma_start3A_226] : memref<240xi32, #tpu.memory_space<vmem>> -> memref<80xi32, #tpu.memory_space<vmem>>
    %dma_start3A_228 = arith.constant 0 : i32
    %dma_start3A_229 = arith.constant 0 : i32
    %dma_start3A_230 = tpu.memref_slice %arg2[%dma_start3A_228, %dma_start3A_229] : memref<10000x128xf32, #tpu.memory_space<hbm>> -> memref<10000x128xf32, #tpu.memory_space<hbm>>
    tpu.enqueue_indirect_dma source(%dma_start3A_230 : memref<10000x128xf32, #tpu.memory_space<hbm>>) target(%dma_start3A_225 : memref<80x128xf32, #tpu.memory_space<vmem>>) offsets(%dma_start3A_227 : memref<80xi32, #tpu.memory_space<vmem>>) semaphore(%arg11 : memref<!tpu.dma_semaphore, #tpu.memory_space<semaphore_mem>>)
    %get3A_231 = arith.constant 160 : index
    %get3A_232 = tpu.vector_load %arg5[%get3A_231] {strides = array<i32>} : memref<10160xi32, #tpu.memory_space<vmem>>, vector<16xi32>,
    %get3A_233 = vector.shape_cast %get3A_232 : vector<16xi32> to vector<16xi32>
    %and3A_234 = arith.constant 65535 : i32
    %and3A_235 = vector.broadcast %and3A_234 : i32 to vector<16xi32>
    %and3A_236 = arith.andi %get3A_233, %and3A_235 : vector<16xi32>
    %swap3A_237 = arith.constant 160 : index
    %swap3A_238 = tpu.vector_load %arg6[%swap3A_237] {strides = array<i32>} : memref<240xi32, #tpu.memory_space<vmem>>, vector<16xi32>,
    %swap3A_239 = vector.shape_cast %swap3A_238 : vector<16xi32> to vector<16xi32>
    %swap3A_240 = vector.shape_cast %and3A_236 : vector<16xi32> to vector<16xi32>
    tpu.vector_store %arg6[%swap3A_237], %swap3A_240 {strides = array<i32>} : memref<240xi32, #tpu.memory_space<vmem>>, vector<16xi32>,
    %shift_right_logical3A_241 = arith.constant 16 : i32
    %shift_right_logical3A_242 = vector.broadcast %shift_right_logical3A_241 : i32 to vector<16xi32>
    %shift_right_logical3A_243 = arith.shrui %get3A_233, %shift_right_logical3A_242 : vector<16xi32>
    %swap3A_244 = arith.constant 160 : index
    %swap3A_245 = tpu.vector_load %arg7[%swap3A_244] {strides = array<i32>} : memref<240xi32, #tpu.memory_space<vmem>>, vector<16xi32>,
    %swap3A_246 = vector.shape_cast %swap3A_245 : vector<16xi32> to vector<16xi32>
    %swap3A_247 = vector.shape_cast %shift_right_logical3A_243 : vector<16xi32> to vector<16xi32>
    tpu.vector_store %arg7[%swap3A_244], %swap3A_247 {strides = array<i32>} : memref<240xi32, #tpu.memory_space<vmem>>, vector<16xi32>,
    %get3A_248 = arith.constant 176 : index
    %get3A_249 = tpu.vector_load %arg5[%get3A_248] {strides = array<i32>} : memref<10160xi32, #tpu.memory_space<vmem>>, vector<16xi32>,
    %get3A_250 = vector.shape_cast %get3A_249 : vector<16xi32> to vector<16xi32>
    %and3A_251 = arith.constant 65535 : i32
    %and3A_252 = vector.broadcast %and3A_251 : i32 to vector<16xi32>
    %and3A_253 = arith.andi %get3A_250, %and3A_252 : vector<16xi32>
    %swap3A_254 = arith.constant 176 : index
    %swap3A_255 = tpu.vector_load %arg6[%swap3A_254] {strides = array<i32>} : memref<240xi32, #tpu.memory_space<vmem>>, vector<16xi32>,
    %swap3A_256 = vector.shape_cast %swap3A_255 : vector<16xi32> to vector<16xi32>
    %swap3A_257 = vector.shape_cast %and3A_253 : vector<16xi32> to vector<16xi32>
    tpu.vector_store %arg6[%swap3A_254], %swap3A_257 {strides = array<i32>} : memref<240xi32, #tpu.memory_space<vmem>>, vector<16xi32>,
    %shift_right_logical3A_258 = arith.constant 16 : i32
    %shift_right_logical3A_259 = vector.broadcast %shift_right_logical3A_258 : i32 to vector<16xi32>
    %shift_right_logical3A_260 = arith.shrui %get3A_250, %shift_right_logical3A_259 : vector<16xi32>
    %swap3A_261 = arith.constant 176 : index
    %swap3A_262 = tpu.vector_load %arg7[%swap3A_261] {strides = array<i32>} : memref<240xi32, #tpu.memory_space<vmem>>, vector<16xi32>,
    %swap3A_263 = vector.shape_cast %swap3A_262 : vector<16xi32> to vector<16xi32>
    %swap3A_264 = vector.shape_cast %shift_right_logical3A_260 : vector<16xi32> to vector<16xi32>
    tpu.vector_store %arg7[%swap3A_261], %swap3A_264 {strides = array<i32>} : memref<240xi32, #tpu.memory_space<vmem>>, vector<16xi32>,
    %get3A_265 = arith.constant 192 : index
    %get3A_266 = tpu.vector_load %arg5[%get3A_265] {strides = array<i32>} : memref<10160xi32, #tpu.memory_space<vmem>>, vector<16xi32>,
    %get3A_267 = vector.shape_cast %get3A_266 : vector<16xi32> to vector<16xi32>
    %and3A_268 = arith.constant 65535 : i32
    %and3A_269 = vector.broadcast %and3A_268 : i32 to vector<16xi32>
    %and3A_270 = arith.andi %get3A_267, %and3A_269 : vector<16xi32>
    %swap3A_271 = arith.constant 192 : index
    %swap3A_272 = tpu.vector_load %arg6[%swap3A_271] {strides = array<i32>} : memref<240xi32, #tpu.memory_space<vmem>>, vector<16xi32>,
    %swap3A_273 = vector.shape_cast %swap3A_272 : vector<16xi32> to vector<16xi32>
    %swap3A_274 = vector.shape_cast %and3A_270 : vector<16xi32> to vector<16xi32>
    tpu.vector_store %arg6[%swap3A_271], %swap3A_274 {strides = array<i32>} : memref<240xi32, #tpu.memory_space<vmem>>, vector<16xi32>,
    %shift_right_logical3A_275 = arith.constant 16 : i32
    %shift_right_logical3A_276 = vector.broadcast %shift_right_logical3A_275 : i32 to vector<16xi32>
    %shift_right_logical3A_277 = arith.shrui %get3A_267, %shift_right_logical3A_276 : vector<16xi32>
    %swap3A_278 = arith.constant 192 : index
    %swap3A_279 = tpu.vector_load %arg7[%swap3A_278] {strides = array<i32>} : memref<240xi32, #tpu.memory_space<vmem>>, vector<16xi32>,
    %swap3A_280 = vector.shape_cast %swap3A_279 : vector<16xi32> to vector<16xi32>
    %swap3A_281 = vector.shape_cast %shift_right_logical3A_277 : vector<16xi32> to vector<16xi32>
    tpu.vector_store %arg7[%swap3A_278], %swap3A_281 {strides = array<i32>} : memref<240xi32, #tpu.memory_space<vmem>>, vector<16xi32>,
    %get3A_282 = arith.constant 208 : index
    %get3A_283 = tpu.vector_load %arg5[%get3A_282] {strides = array<i32>} : memref<10160xi32, #tpu.memory_space<vmem>>, vector<16xi32>,
    %get3A_284 = vector.shape_cast %get3A_283 : vector<16xi32> to vector<16xi32>
    %and3A_285 = arith.constant 65535 : i32
    %and3A_286 = vector.broadcast %and3A_285 : i32 to vector<16xi32>
    %and3A_287 = arith.andi %get3A_284, %and3A_286 : vector<16xi32>
    %swap3A_288 = arith.constant 208 : index
    %swap3A_289 = tpu.vector_load %arg6[%swap3A_288] {strides = array<i32>} : memref<240xi32, #tpu.memory_space<vmem>>, vector<16xi32>,
    %swap3A_290 = vector.shape_cast %swap3A_289 : vector<16xi32> to vector<16xi32>
    %swap3A_291 = vector.shape_cast %and3A_287 : vector<16xi32> to vector<16xi32>
    tpu.vector_store %arg6[%swap3A_288], %swap3A_291 {strides = array<i32>} : memref<240xi32, #tpu.memory_space<vmem>>, vector<16xi32>,
    %shift_right_logical3A_292 = arith.constant 16 : i32
    %shift_right_logical3A_293 = vector.broadcast %shift_right_logical3A_292 : i32 to vector<16xi32>
    %shift_right_logical3A_294 = arith.shrui %get3A_284, %shift_right_logical3A_293 : vector<16xi32>
    %swap3A_295 = arith.constant 208 : index
    %swap3A_296 = tpu.vector_load %arg7[%swap3A_295] {strides = array<i32>} : memref<240xi32, #tpu.memory_space<vmem>>, vector<16xi32>,
    %swap3A_297 = vector.shape_cast %swap3A_296 : vector<16xi32> to vector<16xi32>
    %swap3A_298 = vector.shape_cast %shift_right_logical3A_294 : vector<16xi32> to vector<16xi32>
    tpu.vector_store %arg7[%swap3A_295], %swap3A_298 {strides = array<i32>} : memref<240xi32, #tpu.memory_space<vmem>>, vector<16xi32>,
    %get3A_299 = arith.constant 224 : index
    %get3A_300 = tpu.vector_load %arg5[%get3A_299] {strides = array<i32>} : memref<10160xi32, #tpu.memory_space<vmem>>, vector<16xi32>,
    %get3A_301 = vector.shape_cast %get3A_300 : vector<16xi32> to vector<16xi32>
    %and3A_302 = arith.constant 65535 : i32
    %and3A_303 = vector.broadcast %and3A_302 : i32 to vector<16xi32>
    %and3A_304 = arith.andi %get3A_301, %and3A_303 : vector<16xi32>
    %swap3A_305 = arith.constant 224 : index
    %swap3A_306 = tpu.vector_load %arg6[%swap3A_305] {strides = array<i32>} : memref<240xi32, #tpu.memory_space<vmem>>, vector<16xi32>,
    %swap3A_307 = vector.shape_cast %swap3A_306 : vector<16xi32> to vector<16xi32>
    %swap3A_308 = vector.shape_cast %and3A_304 : vector<16xi32> to vector<16xi32>
    tpu.vector_store %arg6[%swap3A_305], %swap3A_308 {strides = array<i32>} : memref<240xi32, #tpu.memory_space<vmem>>, vector<16xi32>,
    %shift_right_logical3A_309 = arith.constant 16 : i32
    %shift_right_logical3A_310 = vector.broadcast %shift_right_logical3A_309 : i32 to vector<16xi32>
    %shift_right_logical3A_311 = arith.shrui %get3A_301, %shift_right_logical3A_310 : vector<16xi32>
    %swap3A_312 = arith.constant 224 : index
    %swap3A_313 = tpu.vector_load %arg7[%swap3A_312] {strides = array<i32>} : memref<240xi32, #tpu.memory_space<vmem>>, vector<16xi32>,
    %swap3A_314 = vector.shape_cast %swap3A_313 : vector<16xi32> to vector<16xi32>
    %swap3A_315 = vector.shape_cast %shift_right_logical3A_311 : vector<16xi32> to vector<16xi32>
    tpu.vector_store %arg7[%swap3A_312], %swap3A_315 {strides = array<i32>} : memref<240xi32, #tpu.memory_space<vmem>>, vector<16xi32>,
    %dma_start3A_316 = arith.constant 2 : i32
    %dma_start3A_317 = arith.constant 0 : i32
    %dma_start3A_318 = arith.constant 0 : i32
    %dma_start3A_319 = tpu.memref_slice %arg8[%dma_start3A_316, %dma_start3A_317, %dma_start3A_318] : memref<3x80x128xf32, #tpu.memory_space<vmem>> -> memref<1x80x128xf32, #tpu.memory_space<vmem>>
    %dma_start3A_320 = tpu.memref_squeeze %dma_start3A_319 : memref<1x80x128xf32, #tpu.memory_space<vmem>> -> memref<80x128xf32, #tpu.memory_space<vmem>>
    %dma_start3A_321 = arith.constant 160 : i32
    %dma_start3A_322 = tpu.memref_slice %arg6[%dma_start3A_321] : memref<240xi32, #tpu.memory_space<vmem>> -> memref<80xi32, #tpu.memory_space<vmem>>
    %dma_start3A_323 = arith.constant 0 : i32
    %dma_start3A_324 = arith.constant 0 : i32
    %dma_start3A_325 = tpu.memref_slice %arg2[%dma_start3A_323, %dma_start3A_324] : memref<10000x128xf32, #tpu.memory_space<hbm>> -> memref<10000x128xf32, #tpu.memory_space<hbm>>
    tpu.enqueue_indirect_dma source(%dma_start3A_325 : memref<10000x128xf32, #tpu.memory_space<hbm>>) target(%dma_start3A_320 : memref<80x128xf32, #tpu.memory_space<vmem>>) offsets(%dma_start3A_322 : memref<80xi32, #tpu.memory_space<vmem>>) semaphore(%arg12 : memref<!tpu.dma_semaphore, #tpu.memory_space<semaphore_mem>>)
    %scan3A_326 = arith.constant 0 : i32
    %scan3A_327 = arith.constant 0 : i32
    %scan3A_328 = arith.constant 43 : i32
    %scan3A_329 = arith.addi %scan3A_327, %scan3A_328 : i32
    %scan3A_330 = arith.constant 1 : i32
    scf.for %scan3A_337 = %scan3A_327 to %scan3A_329 step %scan3A_330  : i32 {
      %mul3A_338 = arith.constant 3 : i32
      %mul3A_339 = arith.muli %scan3A_337, %mul3A_338 : i32
      %add3A_340 = arith.constant 0 : i32
      %add3A_341 = arith.addi %mul3A_339, %add3A_340 : i32
      %lt3A = arith.constant 127 : i32
      %lt3A_342 = arith.cmpi slt, %add3A_341, %lt3A : i32
      %convert_element_type3A = arith.extui %lt3A_342 : i1 to i32
      %cond3A = arith.constant 0 : i32
      %cond3A_343 = arith.cmpi ne, %convert_element_type3A, %cond3A : i32
      scf.if %cond3A_343 {
        %dma_wait3A = arith.constant 0 : i32
        %dma_wait3A_406 = arith.constant 0 : i32
        %dma_wait3A_407 = arith.constant 0 : i32
        %dma_wait3A_408 = tpu.memref_slice %arg8[%dma_wait3A, %dma_wait3A_406, %dma_wait3A_407] : memref<3x80x128xf32, #tpu.memory_space<vmem>> -> memref<1x80x128xf32, #tpu.memory_space<vmem>>
        %dma_wait3A_409 = tpu.memref_squeeze %dma_wait3A_408 : memref<1x80x128xf32, #tpu.memory_space<vmem>> -> memref<80x128xf32, #tpu.memory_space<vmem>>
        %dma_wait3A_410 = arith.constant 0 : i32
        %dma_wait3A_411 = tpu.memref_slice %arg6[%dma_wait3A_410] : memref<240xi32, #tpu.memory_space<vmem>> -> memref<80xi32, #tpu.memory_space<vmem>>
        %dma_wait3A_412 = arith.constant 0 : i32
        %dma_wait3A_413 = arith.constant 0 : i32
        %dma_wait3A_414 = tpu.memref_slice %arg2[%dma_wait3A_412, %dma_wait3A_413] : memref<10000x128xf32, #tpu.memory_space<hbm>> -> memref<10000x128xf32, #tpu.memory_space<hbm>>
        tpu.wait_indirect_dma semaphore(%arg10 : memref<!tpu.dma_semaphore, #tpu.memory_space<semaphore_mem>>) src(%dma_wait3A_414 : memref<10000x128xf32, #tpu.memory_space<hbm>>) dst(%dma_wait3A_409 : memref<80x128xf32, #tpu.memory_space<vmem>>)
        %dma_start3A_415 = arith.constant 0 : i32
        %dma_start3A_416 = arith.constant 0 : i32
        %dma_start3A_417 = arith.constant 0 : i32
        %dma_start3A_418 = tpu.memref_slice %arg8[%dma_start3A_415, %dma_start3A_416, %dma_start3A_417] : memref<3x80x128xf32, #tpu.memory_space<vmem>> -> memref<1x80x128xf32, #tpu.memory_space<vmem>>
        %dma_start3A_419 = tpu.memref_squeeze %dma_start3A_418 : memref<1x80x128xf32, #tpu.memory_space<vmem>> -> memref<80x128xf32, #tpu.memory_space<vmem>>
        %dma_start3A_420 = arith.constant 0 : i32
        %dma_start3A_421 = tpu.memref_slice %arg7[%dma_start3A_420] : memref<240xi32, #tpu.memory_space<vmem>> -> memref<80xi32, #tpu.memory_space<vmem>>
        %dma_start3A_422 = arith.constant 0 : i32
        %dma_start3A_423 = arith.constant 0 : i32
        %dma_start3A_424 = tpu.memref_slice %arg9[%dma_start3A_422, %dma_start3A_423] : memref<10112x128xf32, #tpu.memory_space<vmem_shared>> -> memref<10112x128xf32, #tpu.memory_space<vmem_shared>>
        tpu.enqueue_indirect_dma source(%dma_start3A_419 : memref<80x128xf32, #tpu.memory_space<vmem>>) target(%dma_start3A_424 : memref<10112x128xf32, #tpu.memory_space<vmem_shared>>) offsets(%dma_start3A_421 : memref<80xi32, #tpu.memory_space<vmem>>) semaphore(%arg13 : memref<!tpu.dma_semaphore, #tpu.memory_space<semaphore_mem>>) {add = true}
      } else {
      }
      %add3A_344 = arith.constant 1 : i32
      %add3A_345 = arith.addi %mul3A_339, %add3A_344 : i32
      %lt3A_346 = arith.constant 127 : i32
      %lt3A_347 = arith.cmpi slt, %add3A_345, %lt3A_346 : i32
      %convert_element_type3A_348 = arith.extui %lt3A_347 : i1 to i32
      %cond3A_349 = arith.constant 0 : i32
      %cond3A_350 = arith.cmpi ne, %convert_element_type3A_348, %cond3A_349 : i32
      scf.if %cond3A_350 {
        %dma_wait3A = arith.constant 1 : i32
        %dma_wait3A_406 = arith.constant 0 : i32
        %dma_wait3A_407 = arith.constant 0 : i32
        %dma_wait3A_408 = tpu.memref_slice %arg8[%dma_wait3A, %dma_wait3A_406, %dma_wait3A_407] : memref<3x80x128xf32, #tpu.memory_space<vmem>> -> memref<1x80x128xf32, #tpu.memory_space<vmem>>
        %dma_wait3A_409 = tpu.memref_squeeze %dma_wait3A_408 : memref<1x80x128xf32, #tpu.memory_space<vmem>> -> memref<80x128xf32, #tpu.memory_space<vmem>>
        %dma_wait3A_410 = arith.constant 80 : i32
        %dma_wait3A_411 = tpu.memref_slice %arg6[%dma_wait3A_410] : memref<240xi32, #tpu.memory_space<vmem>> -> memref<80xi32, #tpu.memory_space<vmem>>
        %dma_wait3A_412 = arith.constant 0 : i32
        %dma_wait3A_413 = arith.constant 0 : i32
        %dma_wait3A_414 = tpu.memref_slice %arg2[%dma_wait3A_412, %dma_wait3A_413] : memref<10000x128xf32, #tpu.memory_space<hbm>> -> memref<10000x128xf32, #tpu.memory_space<hbm>>
        tpu.wait_indirect_dma semaphore(%arg11 : memref<!tpu.dma_semaphore, #tpu.memory_space<semaphore_mem>>) src(%dma_wait3A_414 : memref<10000x128xf32, #tpu.memory_space<hbm>>) dst(%dma_wait3A_409 : memref<80x128xf32, #tpu.memory_space<vmem>>)
        %dma_start3A_415 = arith.constant 1 : i32
        %dma_start3A_416 = arith.constant 0 : i32
        %dma_start3A_417 = arith.constant 0 : i32
        %dma_start3A_418 = tpu.memref_slice %arg8[%dma_start3A_415, %dma_start3A_416, %dma_start3A_417] : memref<3x80x128xf32, #tpu.memory_space<vmem>> -> memref<1x80x128xf32, #tpu.memory_space<vmem>>
        %dma_start3A_419 = tpu.memref_squeeze %dma_start3A_418 : memref<1x80x128xf32, #tpu.memory_space<vmem>> -> memref<80x128xf32, #tpu.memory_space<vmem>>
        %dma_start3A_420 = arith.constant 80 : i32
        %dma_start3A_421 = tpu.memref_slice %arg7[%dma_start3A_420] : memref<240xi32, #tpu.memory_space<vmem>> -> memref<80xi32, #tpu.memory_space<vmem>>
        %dma_start3A_422 = arith.constant 0 : i32
        %dma_start3A_423 = arith.constant 0 : i32
        %dma_start3A_424 = tpu.memref_slice %arg9[%dma_start3A_422, %dma_start3A_423] : memref<10112x128xf32, #tpu.memory_space<vmem_shared>> -> memref<10112x128xf32, #tpu.memory_space<vmem_shared>>
        tpu.enqueue_indirect_dma source(%dma_start3A_419 : memref<80x128xf32, #tpu.memory_space<vmem>>) target(%dma_start3A_424 : memref<10112x128xf32, #tpu.memory_space<vmem_shared>>) offsets(%dma_start3A_421 : memref<80xi32, #tpu.memory_space<vmem>>) semaphore(%arg14 : memref<!tpu.dma_semaphore, #tpu.memory_space<semaphore_mem>>) {add = true}
      } else {
      }
      %add3A_351 = arith.constant 2 : i32
      %add3A_352 = arith.addi %mul3A_339, %add3A_351 : i32
      %lt3A_353 = arith.constant 127 : i32
      %lt3A_354 = arith.cmpi slt, %add3A_352, %lt3A_353 : i32
      %convert_element_type3A_355 = arith.extui %lt3A_354 : i1 to i32
      %cond3A_356 = arith.constant 0 : i32
      %cond3A_357 = arith.cmpi ne, %convert_element_type3A_355, %cond3A_356 : i32
      scf.if %cond3A_357 {
        %dma_wait3A = arith.constant 2 : i32
        %dma_wait3A_406 = arith.constant 0 : i32
        %dma_wait3A_407 = arith.constant 0 : i32
        %dma_wait3A_408 = tpu.memref_slice %arg8[%dma_wait3A, %dma_wait3A_406, %dma_wait3A_407] : memref<3x80x128xf32, #tpu.memory_space<vmem>> -> memref<1x80x128xf32, #tpu.memory_space<vmem>>
        %dma_wait3A_409 = tpu.memref_squeeze %dma_wait3A_408 : memref<1x80x128xf32, #tpu.memory_space<vmem>> -> memref<80x128xf32, #tpu.memory_space<vmem>>
        %dma_wait3A_410 = arith.constant 160 : i32
        %dma_wait3A_411 = tpu.memref_slice %arg6[%dma_wait3A_410] : memref<240xi32, #tpu.memory_space<vmem>> -> memref<80xi32, #tpu.memory_space<vmem>>
        %dma_wait3A_412 = arith.constant 0 : i32
        %dma_wait3A_413 = arith.constant 0 : i32
        %dma_wait3A_414 = tpu.memref_slice %arg2[%dma_wait3A_412, %dma_wait3A_413] : memref<10000x128xf32, #tpu.memory_space<hbm>> -> memref<10000x128xf32, #tpu.memory_space<hbm>>
        tpu.wait_indirect_dma semaphore(%arg12 : memref<!tpu.dma_semaphore, #tpu.memory_space<semaphore_mem>>) src(%dma_wait3A_414 : memref<10000x128xf32, #tpu.memory_space<hbm>>) dst(%dma_wait3A_409 : memref<80x128xf32, #tpu.memory_space<vmem>>)
        %dma_start3A_415 = arith.constant 2 : i32
        %dma_start3A_416 = arith.constant 0 : i32
        %dma_start3A_417 = arith.constant 0 : i32
        %dma_start3A_418 = tpu.memref_slice %arg8[%dma_start3A_415, %dma_start3A_416, %dma_start3A_417] : memref<3x80x128xf32, #tpu.memory_space<vmem>> -> memref<1x80x128xf32, #tpu.memory_space<vmem>>
        %dma_start3A_419 = tpu.memref_squeeze %dma_start3A_418 : memref<1x80x128xf32, #tpu.memory_space<vmem>> -> memref<80x128xf32, #tpu.memory_space<vmem>>
        %dma_start3A_420 = arith.constant 160 : i32
        %dma_start3A_421 = tpu.memref_slice %arg7[%dma_start3A_420] : memref<240xi32, #tpu.memory_space<vmem>> -> memref<80xi32, #tpu.memory_space<vmem>>
        %dma_start3A_422 = arith.constant 0 : i32
        %dma_start3A_423 = arith.constant 0 : i32
        %dma_start3A_424 = tpu.memref_slice %arg9[%dma_start3A_422, %dma_start3A_423] : memref<10112x128xf32, #tpu.memory_space<vmem_shared>> -> memref<10112x128xf32, #tpu.memory_space<vmem_shared>>
        tpu.enqueue_indirect_dma source(%dma_start3A_419 : memref<80x128xf32, #tpu.memory_space<vmem>>) target(%dma_start3A_424 : memref<10112x128xf32, #tpu.memory_space<vmem_shared>>) offsets(%dma_start3A_421 : memref<80xi32, #tpu.memory_space<vmem>>) semaphore(%arg15 : memref<!tpu.dma_semaphore, #tpu.memory_space<semaphore_mem>>) {add = true}
      } else {
      }
      %add3A_358 = arith.constant 0 : i32
      %add3A_359 = arith.addi %mul3A_339, %add3A_358 : i32
      %lt3A_360 = arith.constant 127 : i32
      %lt3A_361 = arith.cmpi slt, %add3A_359, %lt3A_360 : i32
      %convert_element_type3A_362 = arith.extui %lt3A_361 : i1 to i32
      %cond3A_363 = arith.constant 0 : i32
      %cond3A_364 = arith.cmpi ne, %convert_element_type3A_362, %cond3A_363 : i32
      scf.if %cond3A_364 {
        %dma_wait3A = arith.constant 0 : i32
        %dma_wait3A_406 = arith.constant 0 : i32
        %dma_wait3A_407 = arith.constant 0 : i32
        %dma_wait3A_408 = tpu.memref_slice %arg8[%dma_wait3A, %dma_wait3A_406, %dma_wait3A_407] : memref<3x80x128xf32, #tpu.memory_space<vmem>> -> memref<1x80x128xf32, #tpu.memory_space<vmem>>
        %dma_wait3A_409 = tpu.memref_squeeze %dma_wait3A_408 : memref<1x80x128xf32, #tpu.memory_space<vmem>> -> memref<80x128xf32, #tpu.memory_space<vmem>>
        %dma_wait3A_410 = arith.constant 0 : i32
        %dma_wait3A_411 = tpu.memref_slice %arg7[%dma_wait3A_410] : memref<240xi32, #tpu.memory_space<vmem>> -> memref<80xi32, #tpu.memory_space<vmem>>
        %dma_wait3A_412 = arith.constant 0 : i32
        %dma_wait3A_413 = arith.constant 0 : i32
        %dma_wait3A_414 = tpu.memref_slice %arg9[%dma_wait3A_412, %dma_wait3A_413] : memref<10112x128xf32, #tpu.memory_space<vmem_shared>> -> memref<10112x128xf32, #tpu.memory_space<vmem_shared>>
        tpu.wait_indirect_dma semaphore(%arg13 : memref<!tpu.dma_semaphore, #tpu.memory_space<semaphore_mem>>) src(%dma_wait3A_409 : memref<80x128xf32, #tpu.memory_space<vmem>>) dst(%dma_wait3A_414 : memref<10112x128xf32, #tpu.memory_space<vmem_shared>>)
      } else {
      }
      %add3A_365 = arith.constant 3 : i32
      %add3A_366 = arith.addi %mul3A_339, %add3A_365 : i32
      %add3A_367 = arith.constant 0 : i32
      %add3A_368 = arith.addi %add3A_366, %add3A_367 : i32
      %lt3A_369 = arith.constant 127 : i32
      %lt3A_370 = arith.cmpi slt, %add3A_368, %lt3A_369 : i32
      %convert_element_type3A_371 = arith.extui %lt3A_370 : i1 to i32
      %cond3A_372 = arith.constant 0 : i32
      %cond3A_373 = arith.cmpi ne, %convert_element_type3A_371, %cond3A_372 : i32
      scf.if %cond3A_373 {
        %mul3A_406 = arith.constant 80 : i32
        %mul3A_407 = arith.muli %add3A_368, %mul3A_406 : i32
        %add3A_408 = arith.constant 0 : i32
        %add3A_409 = arith.addi %mul3A_407, %add3A_408 : i32
        %get3A_410 = arith.index_cast %add3A_409 : i32 to index
        %get3A_411 = tpu.vector_load %arg5[%get3A_410] {strides = array<i32>} : memref<10160xi32, #tpu.memory_space<vmem>>, vector<16xi32>,
        %get3A_412 = vector.shape_cast %get3A_411 : vector<16xi32> to vector<16xi32>
        %and3A_413 = arith.constant 65535 : i32
        %and3A_414 = vector.broadcast %and3A_413 : i32 to vector<16xi32>
        %and3A_415 = arith.andi %get3A_412, %and3A_414 : vector<16xi32>
        %swap3A_416 = arith.constant 0 : index
        %swap3A_417 = tpu.vector_load %arg6[%swap3A_416] {strides = array<i32>} : memref<240xi32, #tpu.memory_space<vmem>>, vector<16xi32>,
        %swap3A_418 = vector.shape_cast %swap3A_417 : vector<16xi32> to vector<16xi32>
        %swap3A_419 = vector.shape_cast %and3A_415 : vector<16xi32> to vector<16xi32>
        tpu.vector_store %arg6[%swap3A_416], %swap3A_419 {strides = array<i32>} : memref<240xi32, #tpu.memory_space<vmem>>, vector<16xi32>,
        %shift_right_logical3A_420 = arith.constant 16 : i32
        %shift_right_logical3A_421 = vector.broadcast %shift_right_logical3A_420 : i32 to vector<16xi32>
        %shift_right_logical3A_422 = arith.shrui %get3A_412, %shift_right_logical3A_421 : vector<16xi32>
        %swap3A_423 = arith.constant 0 : index
        %swap3A_424 = tpu.vector_load %arg7[%swap3A_423] {strides = array<i32>} : memref<240xi32, #tpu.memory_space<vmem>>, vector<16xi32>,
        %swap3A_425 = vector.shape_cast %swap3A_424 : vector<16xi32> to vector<16xi32>
        %swap3A_426 = vector.shape_cast %shift_right_logical3A_422 : vector<16xi32> to vector<16xi32>
        tpu.vector_store %arg7[%swap3A_423], %swap3A_426 {strides = array<i32>} : memref<240xi32, #tpu.memory_space<vmem>>, vector<16xi32>,
        %mul3A_427 = arith.constant 80 : i32
        %mul3A_428 = arith.muli %add3A_368, %mul3A_427 : i32
        %add3A_429 = arith.constant 16 : i32
        %add3A_430 = arith.addi %mul3A_428, %add3A_429 : i32
        %get3A_431 = arith.index_cast %add3A_430 : i32 to index
        %get3A_432 = tpu.vector_load %arg5[%get3A_431] {strides = array<i32>} : memref<10160xi32, #tpu.memory_space<vmem>>, vector<16xi32>,
        %get3A_433 = vector.shape_cast %get3A_432 : vector<16xi32> to vector<16xi32>
        %and3A_434 = arith.constant 65535 : i32
        %and3A_435 = vector.broadcast %and3A_434 : i32 to vector<16xi32>
        %and3A_436 = arith.andi %get3A_433, %and3A_435 : vector<16xi32>
        %swap3A_437 = arith.constant 16 : index
        %swap3A_438 = tpu.vector_load %arg6[%swap3A_437] {strides = array<i32>} : memref<240xi32, #tpu.memory_space<vmem>>, vector<16xi32>,
        %swap3A_439 = vector.shape_cast %swap3A_438 : vector<16xi32> to vector<16xi32>
        %swap3A_440 = vector.shape_cast %and3A_436 : vector<16xi32> to vector<16xi32>
        tpu.vector_store %arg6[%swap3A_437], %swap3A_440 {strides = array<i32>} : memref<240xi32, #tpu.memory_space<vmem>>, vector<16xi32>,
        %shift_right_logical3A_441 = arith.constant 16 : i32
        %shift_right_logical3A_442 = vector.broadcast %shift_right_logical3A_441 : i32 to vector<16xi32>
        %shift_right_logical3A_443 = arith.shrui %get3A_433, %shift_right_logical3A_442 : vector<16xi32>
        %swap3A_444 = arith.constant 16 : index
        %swap3A_445 = tpu.vector_load %arg7[%swap3A_444] {strides = array<i32>} : memref<240xi32, #tpu.memory_space<vmem>>, vector<16xi32>,
        %swap3A_446 = vector.shape_cast %swap3A_445 : vector<16xi32> to vector<16xi32>
        %swap3A_447 = vector.shape_cast %shift_right_logical3A_443 : vector<16xi32> to vector<16xi32>
        tpu.vector_store %arg7[%swap3A_444], %swap3A_447 {strides = array<i32>} : memref<240xi32, #tpu.memory_space<vmem>>, vector<16xi32>,
        %mul3A_448 = arith.constant 80 : i32
        %mul3A_449 = arith.muli %add3A_368, %mul3A_448 : i32
        %add3A_450 = arith.constant 32 : i32
        %add3A_451 = arith.addi %mul3A_449, %add3A_450 : i32
        %get3A_452 = arith.index_cast %add3A_451 : i32 to index
        %get3A_453 = tpu.vector_load %arg5[%get3A_452] {strides = array<i32>} : memref<10160xi32, #tpu.memory_space<vmem>>, vector<16xi32>,
        %get3A_454 = vector.shape_cast %get3A_453 : vector<16xi32> to vector<16xi32>
        %and3A_455 = arith.constant 65535 : i32
        %and3A_456 = vector.broadcast %and3A_455 : i32 to vector<16xi32>
        %and3A_457 = arith.andi %get3A_454, %and3A_456 : vector<16xi32>
        %swap3A_458 = arith.constant 32 : index
        %swap3A_459 = tpu.vector_load %arg6[%swap3A_458] {strides = array<i32>} : memref<240xi32, #tpu.memory_space<vmem>>, vector<16xi32>,
        %swap3A_460 = vector.shape_cast %swap3A_459 : vector<16xi32> to vector<16xi32>
        %swap3A_461 = vector.shape_cast %and3A_457 : vector<16xi32> to vector<16xi32>
        tpu.vector_store %arg6[%swap3A_458], %swap3A_461 {strides = array<i32>} : memref<240xi32, #tpu.memory_space<vmem>>, vector<16xi32>,
        %shift_right_logical3A_462 = arith.constant 16 : i32
        %shift_right_logical3A_463 = vector.broadcast %shift_right_logical3A_462 : i32 to vector<16xi32>
        %shift_right_logical3A_464 = arith.shrui %get3A_454, %shift_right_logical3A_463 : vector<16xi32>
        %swap3A_465 = arith.constant 32 : index
        %swap3A_466 = tpu.vector_load %arg7[%swap3A_465] {strides = array<i32>} : memref<240xi32, #tpu.memory_space<vmem>>, vector<16xi32>,
        %swap3A_467 = vector.shape_cast %swap3A_466 : vector<16xi32> to vector<16xi32>
        %swap3A_468 = vector.shape_cast %shift_right_logical3A_464 : vector<16xi32> to vector<16xi32>
        tpu.vector_store %arg7[%swap3A_465], %swap3A_468 {strides = array<i32>} : memref<240xi32, #tpu.memory_space<vmem>>, vector<16xi32>,
        %mul3A_469 = arith.constant 80 : i32
        %mul3A_470 = arith.muli %add3A_368, %mul3A_469 : i32
        %add3A_471 = arith.constant 48 : i32
        %add3A_472 = arith.addi %mul3A_470, %add3A_471 : i32
        %get3A_473 = arith.index_cast %add3A_472 : i32 to index
        %get3A_474 = tpu.vector_load %arg5[%get3A_473] {strides = array<i32>} : memref<10160xi32, #tpu.memory_space<vmem>>, vector<16xi32>,
        %get3A_475 = vector.shape_cast %get3A_474 : vector<16xi32> to vector<16xi32>
        %and3A_476 = arith.constant 65535 : i32
        %and3A_477 = vector.broadcast %and3A_476 : i32 to vector<16xi32>
        %and3A_478 = arith.andi %get3A_475, %and3A_477 : vector<16xi32>
        %swap3A_479 = arith.constant 48 : index
        %swap3A_480 = tpu.vector_load %arg6[%swap3A_479] {strides = array<i32>} : memref<240xi32, #tpu.memory_space<vmem>>, vector<16xi32>,
        %swap3A_481 = vector.shape_cast %swap3A_480 : vector<16xi32> to vector<16xi32>
        %swap3A_482 = vector.shape_cast %and3A_478 : vector<16xi32> to vector<16xi32>
        tpu.vector_store %arg6[%swap3A_479], %swap3A_482 {strides = array<i32>} : memref<240xi32, #tpu.memory_space<vmem>>, vector<16xi32>,
        %shift_right_logical3A_483 = arith.constant 16 : i32
        %shift_right_logical3A_484 = vector.broadcast %shift_right_logical3A_483 : i32 to vector<16xi32>
        %shift_right_logical3A_485 = arith.shrui %get3A_475, %shift_right_logical3A_484 : vector<16xi32>
        %swap3A_486 = arith.constant 48 : index
        %swap3A_487 = tpu.vector_load %arg7[%swap3A_486] {strides = array<i32>} : memref<240xi32, #tpu.memory_space<vmem>>, vector<16xi32>,
        %swap3A_488 = vector.shape_cast %swap3A_487 : vector<16xi32> to vector<16xi32>
        %swap3A_489 = vector.shape_cast %shift_right_logical3A_485 : vector<16xi32> to vector<16xi32>
        tpu.vector_store %arg7[%swap3A_486], %swap3A_489 {strides = array<i32>} : memref<240xi32, #tpu.memory_space<vmem>>, vector<16xi32>,
        %mul3A_490 = arith.constant 80 : i32
        %mul3A_491 = arith.muli %add3A_368, %mul3A_490 : i32
        %add3A_492 = arith.constant 64 : i32
        %add3A_493 = arith.addi %mul3A_491, %add3A_492 : i32
        %get3A_494 = arith.index_cast %add3A_493 : i32 to index
        %get3A_495 = tpu.vector_load %arg5[%get3A_494] {strides = array<i32>} : memref<10160xi32, #tpu.memory_space<vmem>>, vector<16xi32>,
        %get3A_496 = vector.shape_cast %get3A_495 : vector<16xi32> to vector<16xi32>
        %and3A_497 = arith.constant 65535 : i32
        %and3A_498 = vector.broadcast %and3A_497 : i32 to vector<16xi32>
        %and3A_499 = arith.andi %get3A_496, %and3A_498 : vector<16xi32>
        %swap3A_500 = arith.constant 64 : index
        %swap3A_501 = tpu.vector_load %arg6[%swap3A_500] {strides = array<i32>} : memref<240xi32, #tpu.memory_space<vmem>>, vector<16xi32>,
        %swap3A_502 = vector.shape_cast %swap3A_501 : vector<16xi32> to vector<16xi32>
        %swap3A_503 = vector.shape_cast %and3A_499 : vector<16xi32> to vector<16xi32>
        tpu.vector_store %arg6[%swap3A_500], %swap3A_503 {strides = array<i32>} : memref<240xi32, #tpu.memory_space<vmem>>, vector<16xi32>,
        %shift_right_logical3A_504 = arith.constant 16 : i32
        %shift_right_logical3A_505 = vector.broadcast %shift_right_logical3A_504 : i32 to vector<16xi32>
        %shift_right_logical3A_506 = arith.shrui %get3A_496, %shift_right_logical3A_505 : vector<16xi32>
        %swap3A_507 = arith.constant 64 : index
        %swap3A_508 = tpu.vector_load %arg7[%swap3A_507] {strides = array<i32>} : memref<240xi32, #tpu.memory_space<vmem>>, vector<16xi32>,
        %swap3A_509 = vector.shape_cast %swap3A_508 : vector<16xi32> to vector<16xi32>
        %swap3A_510 = vector.shape_cast %shift_right_logical3A_506 : vector<16xi32> to vector<16xi32>
        tpu.vector_store %arg7[%swap3A_507], %swap3A_510 {strides = array<i32>} : memref<240xi32, #tpu.memory_space<vmem>>, vector<16xi32>,
        %dma_start3A_511 = arith.constant 0 : i32
        %dma_start3A_512 = arith.constant 0 : i32
        %dma_start3A_513 = arith.constant 0 : i32
        %dma_start3A_514 = tpu.memref_slice %arg8[%dma_start3A_511, %dma_start3A_512, %dma_start3A_513] : memref<3x80x128xf32, #tpu.memory_space<vmem>> -> memref<1x80x128xf32, #tpu.memory_space<vmem>>
        %dma_start3A_515 = tpu.memref_squeeze %dma_start3A_514 : memref<1x80x128xf32, #tpu.memory_space<vmem>> -> memref<80x128xf32, #tpu.memory_space<vmem>>
        %dma_start3A_516 = arith.constant 0 : i32
        %dma_start3A_517 = tpu.memref_slice %arg6[%dma_start3A_516] : memref<240xi32, #tpu.memory_space<vmem>> -> memref<80xi32, #tpu.memory_space<vmem>>
        %dma_start3A_518 = arith.constant 0 : i32
        %dma_start3A_519 = arith.constant 0 : i32
        %dma_start3A_520 = tpu.memref_slice %arg2[%dma_start3A_518, %dma_start3A_519] : memref<10000x128xf32, #tpu.memory_space<hbm>> -> memref<10000x128xf32, #tpu.memory_space<hbm>>
        tpu.enqueue_indirect_dma source(%dma_start3A_520 : memref<10000x128xf32, #tpu.memory_space<hbm>>) target(%dma_start3A_515 : memref<80x128xf32, #tpu.memory_space<vmem>>) offsets(%dma_start3A_517 : memref<80xi32, #tpu.memory_space<vmem>>) semaphore(%arg10 : memref<!tpu.dma_semaphore, #tpu.memory_space<semaphore_mem>>)
      } else {
      }
      %add3A_374 = arith.constant 1 : i32
      %add3A_375 = arith.addi %mul3A_339, %add3A_374 : i32
      %lt3A_376 = arith.constant 127 : i32
      %lt3A_377 = arith.cmpi slt, %add3A_375, %lt3A_376 : i32
      %convert_element_type3A_378 = arith.extui %lt3A_377 : i1 to i32
      %cond3A_379 = arith.constant 0 : i32
      %cond3A_380 = arith.cmpi ne, %convert_element_type3A_378, %cond3A_379 : i32
      scf.if %cond3A_380 {
        %dma_wait3A = arith.constant 1 : i32
        %dma_wait3A_406 = arith.constant 0 : i32
        %dma_wait3A_407 = arith.constant 0 : i32
        %dma_wait3A_408 = tpu.memref_slice %arg8[%dma_wait3A, %dma_wait3A_406, %dma_wait3A_407] : memref<3x80x128xf32, #tpu.memory_space<vmem>> -> memref<1x80x128xf32, #tpu.memory_space<vmem>>
        %dma_wait3A_409 = tpu.memref_squeeze %dma_wait3A_408 : memref<1x80x128xf32, #tpu.memory_space<vmem>> -> memref<80x128xf32, #tpu.memory_space<vmem>>
        %dma_wait3A_410 = arith.constant 80 : i32
        %dma_wait3A_411 = tpu.memref_slice %arg7[%dma_wait3A_410] : memref<240xi32, #tpu.memory_space<vmem>> -> memref<80xi32, #tpu.memory_space<vmem>>
        %dma_wait3A_412 = arith.constant 0 : i32
        %dma_wait3A_413 = arith.constant 0 : i32
        %dma_wait3A_414 = tpu.memref_slice %arg9[%dma_wait3A_412, %dma_wait3A_413] : memref<10112x128xf32, #tpu.memory_space<vmem_shared>> -> memref<10112x128xf32, #tpu.memory_space<vmem_shared>>
        tpu.wait_indirect_dma semaphore(%arg14 : memref<!tpu.dma_semaphore, #tpu.memory_space<semaphore_mem>>) src(%dma_wait3A_409 : memref<80x128xf32, #tpu.memory_space<vmem>>) dst(%dma_wait3A_414 : memref<10112x128xf32, #tpu.memory_space<vmem_shared>>)
      } else {
      }
      %add3A_381 = arith.constant 3 : i32
      %add3A_382 = arith.addi %mul3A_339, %add3A_381 : i32
      %add3A_383 = arith.constant 1 : i32
      %add3A_384 = arith.addi %add3A_382, %add3A_383 : i32
      %lt3A_385 = arith.constant 127 : i32
      %lt3A_386 = arith.cmpi slt, %add3A_384, %lt3A_385 : i32
      %convert_element_type3A_387 = arith.extui %lt3A_386 : i1 to i32
      %cond3A_388 = arith.constant 0 : i32
      %cond3A_389 = arith.cmpi ne, %convert_element_type3A_387, %cond3A_388 : i32
      scf.if %cond3A_389 {
        %mul3A_406 = arith.constant 80 : i32
        %mul3A_407 = arith.muli %add3A_384, %mul3A_406 : i32
        %add3A_408 = arith.constant 0 : i32
        %add3A_409 = arith.addi %mul3A_407, %add3A_408 : i32
        %get3A_410 = arith.index_cast %add3A_409 : i32 to index
        %get3A_411 = tpu.vector_load %arg5[%get3A_410] {strides = array<i32>} : memref<10160xi32, #tpu.memory_space<vmem>>, vector<16xi32>,
        %get3A_412 = vector.shape_cast %get3A_411 : vector<16xi32> to vector<16xi32>
        %and3A_413 = arith.constant 65535 : i32
        %and3A_414 = vector.broadcast %and3A_413 : i32 to vector<16xi32>
        %and3A_415 = arith.andi %get3A_412, %and3A_414 : vector<16xi32>
        %swap3A_416 = arith.constant 80 : index
        %swap3A_417 = tpu.vector_load %arg6[%swap3A_416] {strides = array<i32>} : memref<240xi32, #tpu.memory_space<vmem>>, vector<16xi32>,
        %swap3A_418 = vector.shape_cast %swap3A_417 : vector<16xi32> to vector<16xi32>
        %swap3A_419 = vector.shape_cast %and3A_415 : vector<16xi32> to vector<16xi32>
        tpu.vector_store %arg6[%swap3A_416], %swap3A_419 {strides = array<i32>} : memref<240xi32, #tpu.memory_space<vmem>>, vector<16xi32>,
        %shift_right_logical3A_420 = arith.constant 16 : i32
        %shift_right_logical3A_421 = vector.broadcast %shift_right_logical3A_420 : i32 to vector<16xi32>
        %shift_right_logical3A_422 = arith.shrui %get3A_412, %shift_right_logical3A_421 : vector<16xi32>
        %swap3A_423 = arith.constant 80 : index
        %swap3A_424 = tpu.vector_load %arg7[%swap3A_423] {strides = array<i32>} : memref<240xi32, #tpu.memory_space<vmem>>, vector<16xi32>,
        %swap3A_425 = vector.shape_cast %swap3A_424 : vector<16xi32> to vector<16xi32>
        %swap3A_426 = vector.shape_cast %shift_right_logical3A_422 : vector<16xi32> to vector<16xi32>
        tpu.vector_store %arg7[%swap3A_423], %swap3A_426 {strides = array<i32>} : memref<240xi32, #tpu.memory_space<vmem>>, vector<16xi32>,
        %mul3A_427 = arith.constant 80 : i32
        %mul3A_428 = arith.muli %add3A_384, %mul3A_427 : i32
        %add3A_429 = arith.constant 16 : i32
        %add3A_430 = arith.addi %mul3A_428, %add3A_429 : i32
        %get3A_431 = arith.index_cast %add3A_430 : i32 to index
        %get3A_432 = tpu.vector_load %arg5[%get3A_431] {strides = array<i32>} : memref<10160xi32, #tpu.memory_space<vmem>>, vector<16xi32>,
        %get3A_433 = vector.shape_cast %get3A_432 : vector<16xi32> to vector<16xi32>
        %and3A_434 = arith.constant 65535 : i32
        %and3A_435 = vector.broadcast %and3A_434 : i32 to vector<16xi32>
        %and3A_436 = arith.andi %get3A_433, %and3A_435 : vector<16xi32>
        %swap3A_437 = arith.constant 96 : index
        %swap3A_438 = tpu.vector_load %arg6[%swap3A_437] {strides = array<i32>} : memref<240xi32, #tpu.memory_space<vmem>>, vector<16xi32>,
        %swap3A_439 = vector.shape_cast %swap3A_438 : vector<16xi32> to vector<16xi32>
        %swap3A_440 = vector.shape_cast %and3A_436 : vector<16xi32> to vector<16xi32>
        tpu.vector_store %arg6[%swap3A_437], %swap3A_440 {strides = array<i32>} : memref<240xi32, #tpu.memory_space<vmem>>, vector<16xi32>,
        %shift_right_logical3A_441 = arith.constant 16 : i32
        %shift_right_logical3A_442 = vector.broadcast %shift_right_logical3A_441 : i32 to vector<16xi32>
        %shift_right_logical3A_443 = arith.shrui %get3A_433, %shift_right_logical3A_442 : vector<16xi32>
        %swap3A_444 = arith.constant 96 : index
        %swap3A_445 = tpu.vector_load %arg7[%swap3A_444] {strides = array<i32>} : memref<240xi32, #tpu.memory_space<vmem>>, vector<16xi32>,
        %swap3A_446 = vector.shape_cast %swap3A_445 : vector<16xi32> to vector<16xi32>
        %swap3A_447 = vector.shape_cast %shift_right_logical3A_443 : vector<16xi32> to vector<16xi32>
        tpu.vector_store %arg7[%swap3A_444], %swap3A_447 {strides = array<i32>} : memref<240xi32, #tpu.memory_space<vmem>>, vector<16xi32>,
        %mul3A_448 = arith.constant 80 : i32
        %mul3A_449 = arith.muli %add3A_384, %mul3A_448 : i32
        %add3A_450 = arith.constant 32 : i32
        %add3A_451 = arith.addi %mul3A_449, %add3A_450 : i32
        %get3A_452 = arith.index_cast %add3A_451 : i32 to index
        %get3A_453 = tpu.vector_load %arg5[%get3A_452] {strides = array<i32>} : memref<10160xi32, #tpu.memory_space<vmem>>, vector<16xi32>,
        %get3A_454 = vector.shape_cast %get3A_453 : vector<16xi32> to vector<16xi32>
        %and3A_455 = arith.constant 65535 : i32
        %and3A_456 = vector.broadcast %and3A_455 : i32 to vector<16xi32>
        %and3A_457 = arith.andi %get3A_454, %and3A_456 : vector<16xi32>
        %swap3A_458 = arith.constant 112 : index
        %swap3A_459 = tpu.vector_load %arg6[%swap3A_458] {strides = array<i32>} : memref<240xi32, #tpu.memory_space<vmem>>, vector<16xi32>,
        %swap3A_460 = vector.shape_cast %swap3A_459 : vector<16xi32> to vector<16xi32>
        %swap3A_461 = vector.shape_cast %and3A_457 : vector<16xi32> to vector<16xi32>
        tpu.vector_store %arg6[%swap3A_458], %swap3A_461 {strides = array<i32>} : memref<240xi32, #tpu.memory_space<vmem>>, vector<16xi32>,
        %shift_right_logical3A_462 = arith.constant 16 : i32
        %shift_right_logical3A_463 = vector.broadcast %shift_right_logical3A_462 : i32 to vector<16xi32>
        %shift_right_logical3A_464 = arith.shrui %get3A_454, %shift_right_logical3A_463 : vector<16xi32>
        %swap3A_465 = arith.constant 112 : index
        %swap3A_466 = tpu.vector_load %arg7[%swap3A_465] {strides = array<i32>} : memref<240xi32, #tpu.memory_space<vmem>>, vector<16xi32>,
        %swap3A_467 = vector.shape_cast %swap3A_466 : vector<16xi32> to vector<16xi32>
        %swap3A_468 = vector.shape_cast %shift_right_logical3A_464 : vector<16xi32> to vector<16xi32>
        tpu.vector_store %arg7[%swap3A_465], %swap3A_468 {strides = array<i32>} : memref<240xi32, #tpu.memory_space<vmem>>, vector<16xi32>,
        %mul3A_469 = arith.constant 80 : i32
        %mul3A_470 = arith.muli %add3A_384, %mul3A_469 : i32
        %add3A_471 = arith.constant 48 : i32
        %add3A_472 = arith.addi %mul3A_470, %add3A_471 : i32
        %get3A_473 = arith.index_cast %add3A_472 : i32 to index
        %get3A_474 = tpu.vector_load %arg5[%get3A_473] {strides = array<i32>} : memref<10160xi32, #tpu.memory_space<vmem>>, vector<16xi32>,
        %get3A_475 = vector.shape_cast %get3A_474 : vector<16xi32> to vector<16xi32>
        %and3A_476 = arith.constant 65535 : i32
        %and3A_477 = vector.broadcast %and3A_476 : i32 to vector<16xi32>
        %and3A_478 = arith.andi %get3A_475, %and3A_477 : vector<16xi32>
        %swap3A_479 = arith.constant 128 : index
        %swap3A_480 = tpu.vector_load %arg6[%swap3A_479] {strides = array<i32>} : memref<240xi32, #tpu.memory_space<vmem>>, vector<16xi32>,
        %swap3A_481 = vector.shape_cast %swap3A_480 : vector<16xi32> to vector<16xi32>
        %swap3A_482 = vector.shape_cast %and3A_478 : vector<16xi32> to vector<16xi32>
        tpu.vector_store %arg6[%swap3A_479], %swap3A_482 {strides = array<i32>} : memref<240xi32, #tpu.memory_space<vmem>>, vector<16xi32>,
        %shift_right_logical3A_483 = arith.constant 16 : i32
        %shift_right_logical3A_484 = vector.broadcast %shift_right_logical3A_483 : i32 to vector<16xi32>
        %shift_right_logical3A_485 = arith.shrui %get3A_475, %shift_right_logical3A_484 : vector<16xi32>
        %swap3A_486 = arith.constant 128 : index
        %swap3A_487 = tpu.vector_load %arg7[%swap3A_486] {strides = array<i32>} : memref<240xi32, #tpu.memory_space<vmem>>, vector<16xi32>,
        %swap3A_488 = vector.shape_cast %swap3A_487 : vector<16xi32> to vector<16xi32>
        %swap3A_489 = vector.shape_cast %shift_right_logical3A_485 : vector<16xi32> to vector<16xi32>
        tpu.vector_store %arg7[%swap3A_486], %swap3A_489 {strides = array<i32>} : memref<240xi32, #tpu.memory_space<vmem>>, vector<16xi32>,
        %mul3A_490 = arith.constant 80 : i32
        %mul3A_491 = arith.muli %add3A_384, %mul3A_490 : i32
        %add3A_492 = arith.constant 64 : i32
        %add3A_493 = arith.addi %mul3A_491, %add3A_492 : i32
        %get3A_494 = arith.index_cast %add3A_493 : i32 to index
        %get3A_495 = tpu.vector_load %arg5[%get3A_494] {strides = array<i32>} : memref<10160xi32, #tpu.memory_space<vmem>>, vector<16xi32>,
        %get3A_496 = vector.shape_cast %get3A_495 : vector<16xi32> to vector<16xi32>
        %and3A_497 = arith.constant 65535 : i32
        %and3A_498 = vector.broadcast %and3A_497 : i32 to vector<16xi32>
        %and3A_499 = arith.andi %get3A_496, %and3A_498 : vector<16xi32>
        %swap3A_500 = arith.constant 144 : index
        %swap3A_501 = tpu.vector_load %arg6[%swap3A_500] {strides = array<i32>} : memref<240xi32, #tpu.memory_space<vmem>>, vector<16xi32>,
        %swap3A_502 = vector.shape_cast %swap3A_501 : vector<16xi32> to vector<16xi32>
        %swap3A_503 = vector.shape_cast %and3A_499 : vector<16xi32> to vector<16xi32>
        tpu.vector_store %arg6[%swap3A_500], %swap3A_503 {strides = array<i32>} : memref<240xi32, #tpu.memory_space<vmem>>, vector<16xi32>,
        %shift_right_logical3A_504 = arith.constant 16 : i32
        %shift_right_logical3A_505 = vector.broadcast %shift_right_logical3A_504 : i32 to vector<16xi32>
        %shift_right_logical3A_506 = arith.shrui %get3A_496, %shift_right_logical3A_505 : vector<16xi32>
        %swap3A_507 = arith.constant 144 : index
        %swap3A_508 = tpu.vector_load %arg7[%swap3A_507] {strides = array<i32>} : memref<240xi32, #tpu.memory_space<vmem>>, vector<16xi32>,
        %swap3A_509 = vector.shape_cast %swap3A_508 : vector<16xi32> to vector<16xi32>
        %swap3A_510 = vector.shape_cast %shift_right_logical3A_506 : vector<16xi32> to vector<16xi32>
        tpu.vector_store %arg7[%swap3A_507], %swap3A_510 {strides = array<i32>} : memref<240xi32, #tpu.memory_space<vmem>>, vector<16xi32>,
        %dma_start3A_511 = arith.constant 1 : i32
        %dma_start3A_512 = arith.constant 0 : i32
        %dma_start3A_513 = arith.constant 0 : i32
        %dma_start3A_514 = tpu.memref_slice %arg8[%dma_start3A_511, %dma_start3A_512, %dma_start3A_513] : memref<3x80x128xf32, #tpu.memory_space<vmem>> -> memref<1x80x128xf32, #tpu.memory_space<vmem>>
        %dma_start3A_515 = tpu.memref_squeeze %dma_start3A_514 : memref<1x80x128xf32, #tpu.memory_space<vmem>> -> memref<80x128xf32, #tpu.memory_space<vmem>>
        %dma_start3A_516 = arith.constant 80 : i32
        %dma_start3A_517 = tpu.memref_slice %arg6[%dma_start3A_516] : memref<240xi32, #tpu.memory_space<vmem>> -> memref<80xi32, #tpu.memory_space<vmem>>
        %dma_start3A_518 = arith.constant 0 : i32
        %dma_start3A_519 = arith.constant 0 : i32
        %dma_start3A_520 = tpu.memref_slice %arg2[%dma_start3A_518, %dma_start3A_519] : memref<10000x128xf32, #tpu.memory_space<hbm>> -> memref<10000x128xf32, #tpu.memory_space<hbm>>
        tpu.enqueue_indirect_dma source(%dma_start3A_520 : memref<10000x128xf32, #tpu.memory_space<hbm>>) target(%dma_start3A_515 : memref<80x128xf32, #tpu.memory_space<vmem>>) offsets(%dma_start3A_517 : memref<80xi32, #tpu.memory_space<vmem>>) semaphore(%arg11 : memref<!tpu.dma_semaphore, #tpu.memory_space<semaphore_mem>>)
      } else {
      }
      %add3A_390 = arith.constant 2 : i32
      %add3A_391 = arith.addi %mul3A_339, %add3A_390 : i32
      %lt3A_392 = arith.constant 127 : i32
      %lt3A_393 = arith.cmpi slt, %add3A_391, %lt3A_392 : i32
      %convert_element_type3A_394 = arith.extui %lt3A_393 : i1 to i32
      %cond3A_395 = arith.constant 0 : i32
      %cond3A_396 = arith.cmpi ne, %convert_element_type3A_394, %cond3A_395 : i32
      scf.if %cond3A_396 {
        %dma_wait3A = arith.constant 2 : i32
        %dma_wait3A_406 = arith.constant 0 : i32
        %dma_wait3A_407 = arith.constant 0 : i32
        %dma_wait3A_408 = tpu.memref_slice %arg8[%dma_wait3A, %dma_wait3A_406, %dma_wait3A_407] : memref<3x80x128xf32, #tpu.memory_space<vmem>> -> memref<1x80x128xf32, #tpu.memory_space<vmem>>
        %dma_wait3A_409 = tpu.memref_squeeze %dma_wait3A_408 : memref<1x80x128xf32, #tpu.memory_space<vmem>> -> memref<80x128xf32, #tpu.memory_space<vmem>>
        %dma_wait3A_410 = arith.constant 160 : i32
        %dma_wait3A_411 = tpu.memref_slice %arg7[%dma_wait3A_410] : memref<240xi32, #tpu.memory_space<vmem>> -> memref<80xi32, #tpu.memory_space<vmem>>
        %dma_wait3A_412 = arith.constant 0 : i32
        %dma_wait3A_413 = arith.constant 0 : i32
        %dma_wait3A_414 = tpu.memref_slice %arg9[%dma_wait3A_412, %dma_wait3A_413] : memref<10112x128xf32, #tpu.memory_space<vmem_shared>> -> memref<10112x128xf32, #tpu.memory_space<vmem_shared>>
        tpu.wait_indirect_dma semaphore(%arg15 : memref<!tpu.dma_semaphore, #tpu.memory_space<semaphore_mem>>) src(%dma_wait3A_409 : memref<80x128xf32, #tpu.memory_space<vmem>>) dst(%dma_wait3A_414 : memref<10112x128xf32, #tpu.memory_space<vmem_shared>>)
      } else {
      }
      %add3A_397 = arith.constant 3 : i32
      %add3A_398 = arith.addi %mul3A_339, %add3A_397 : i32
      %add3A_399 = arith.constant 2 : i32
      %add3A_400 = arith.addi %add3A_398, %add3A_399 : i32
      %lt3A_401 = arith.constant 127 : i32
      %lt3A_402 = arith.cmpi slt, %add3A_400, %lt3A_401 : i32
      %convert_element_type3A_403 = arith.extui %lt3A_402 : i1 to i32
      %cond3A_404 = arith.constant 0 : i32
      %cond3A_405 = arith.cmpi ne, %convert_element_type3A_403, %cond3A_404 : i32
      scf.if %cond3A_405 {
        %mul3A_406 = arith.constant 80 : i32
        %mul3A_407 = arith.muli %add3A_400, %mul3A_406 : i32
        %add3A_408 = arith.constant 0 : i32
        %add3A_409 = arith.addi %mul3A_407, %add3A_408 : i32
        %get3A_410 = arith.index_cast %add3A_409 : i32 to index
        %get3A_411 = tpu.vector_load %arg5[%get3A_410] {strides = array<i32>} : memref<10160xi32, #tpu.memory_space<vmem>>, vector<16xi32>,
        %get3A_412 = vector.shape_cast %get3A_411 : vector<16xi32> to vector<16xi32>
        %and3A_413 = arith.constant 65535 : i32
        %and3A_414 = vector.broadcast %and3A_413 : i32 to vector<16xi32>
        %and3A_415 = arith.andi %get3A_412, %and3A_414 : vector<16xi32>
        %swap3A_416 = arith.constant 160 : index
        %swap3A_417 = tpu.vector_load %arg6[%swap3A_416] {strides = array<i32>} : memref<240xi32, #tpu.memory_space<vmem>>, vector<16xi32>,
        %swap3A_418 = vector.shape_cast %swap3A_417 : vector<16xi32> to vector<16xi32>
        %swap3A_419 = vector.shape_cast %and3A_415 : vector<16xi32> to vector<16xi32>
        tpu.vector_store %arg6[%swap3A_416], %swap3A_419 {strides = array<i32>} : memref<240xi32, #tpu.memory_space<vmem>>, vector<16xi32>,
        %shift_right_logical3A_420 = arith.constant 16 : i32
        %shift_right_logical3A_421 = vector.broadcast %shift_right_logical3A_420 : i32 to vector<16xi32>
        %shift_right_logical3A_422 = arith.shrui %get3A_412, %shift_right_logical3A_421 : vector<16xi32>
        %swap3A_423 = arith.constant 160 : index
        %swap3A_424 = tpu.vector_load %arg7[%swap3A_423] {strides = array<i32>} : memref<240xi32, #tpu.memory_space<vmem>>, vector<16xi32>,
        %swap3A_425 = vector.shape_cast %swap3A_424 : vector<16xi32> to vector<16xi32>
        %swap3A_426 = vector.shape_cast %shift_right_logical3A_422 : vector<16xi32> to vector<16xi32>
        tpu.vector_store %arg7[%swap3A_423], %swap3A_426 {strides = array<i32>} : memref<240xi32, #tpu.memory_space<vmem>>, vector<16xi32>,
        %mul3A_427 = arith.constant 80 : i32
        %mul3A_428 = arith.muli %add3A_400, %mul3A_427 : i32
        %add3A_429 = arith.constant 16 : i32
        %add3A_430 = arith.addi %mul3A_428, %add3A_429 : i32
        %get3A_431 = arith.index_cast %add3A_430 : i32 to index
        %get3A_432 = tpu.vector_load %arg5[%get3A_431] {strides = array<i32>} : memref<10160xi32, #tpu.memory_space<vmem>>, vector<16xi32>,
        %get3A_433 = vector.shape_cast %get3A_432 : vector<16xi32> to vector<16xi32>
        %and3A_434 = arith.constant 65535 : i32
        %and3A_435 = vector.broadcast %and3A_434 : i32 to vector<16xi32>
        %and3A_436 = arith.andi %get3A_433, %and3A_435 : vector<16xi32>
        %swap3A_437 = arith.constant 176 : index
        %swap3A_438 = tpu.vector_load %arg6[%swap3A_437] {strides = array<i32>} : memref<240xi32, #tpu.memory_space<vmem>>, vector<16xi32>,
        %swap3A_439 = vector.shape_cast %swap3A_438 : vector<16xi32> to vector<16xi32>
        %swap3A_440 = vector.shape_cast %and3A_436 : vector<16xi32> to vector<16xi32>
        tpu.vector_store %arg6[%swap3A_437], %swap3A_440 {strides = array<i32>} : memref<240xi32, #tpu.memory_space<vmem>>, vector<16xi32>,
        %shift_right_logical3A_441 = arith.constant 16 : i32
        %shift_right_logical3A_442 = vector.broadcast %shift_right_logical3A_441 : i32 to vector<16xi32>
        %shift_right_logical3A_443 = arith.shrui %get3A_433, %shift_right_logical3A_442 : vector<16xi32>
        %swap3A_444 = arith.constant 176 : index
        %swap3A_445 = tpu.vector_load %arg7[%swap3A_444] {strides = array<i32>} : memref<240xi32, #tpu.memory_space<vmem>>, vector<16xi32>,
        %swap3A_446 = vector.shape_cast %swap3A_445 : vector<16xi32> to vector<16xi32>
        %swap3A_447 = vector.shape_cast %shift_right_logical3A_443 : vector<16xi32> to vector<16xi32>
        tpu.vector_store %arg7[%swap3A_444], %swap3A_447 {strides = array<i32>} : memref<240xi32, #tpu.memory_space<vmem>>, vector<16xi32>,
        %mul3A_448 = arith.constant 80 : i32
        %mul3A_449 = arith.muli %add3A_400, %mul3A_448 : i32
        %add3A_450 = arith.constant 32 : i32
        %add3A_451 = arith.addi %mul3A_449, %add3A_450 : i32
        %get3A_452 = arith.index_cast %add3A_451 : i32 to index
        %get3A_453 = tpu.vector_load %arg5[%get3A_452] {strides = array<i32>} : memref<10160xi32, #tpu.memory_space<vmem>>, vector<16xi32>,
        %get3A_454 = vector.shape_cast %get3A_453 : vector<16xi32> to vector<16xi32>
        %and3A_455 = arith.constant 65535 : i32
        %and3A_456 = vector.broadcast %and3A_455 : i32 to vector<16xi32>
        %and3A_457 = arith.andi %get3A_454, %and3A_456 : vector<16xi32>
        %swap3A_458 = arith.constant 192 : index
        %swap3A_459 = tpu.vector_load %arg6[%swap3A_458] {strides = array<i32>} : memref<240xi32, #tpu.memory_space<vmem>>, vector<16xi32>,
        %swap3A_460 = vector.shape_cast %swap3A_459 : vector<16xi32> to vector<16xi32>
        %swap3A_461 = vector.shape_cast %and3A_457 : vector<16xi32> to vector<16xi32>
        tpu.vector_store %arg6[%swap3A_458], %swap3A_461 {strides = array<i32>} : memref<240xi32, #tpu.memory_space<vmem>>, vector<16xi32>,
        %shift_right_logical3A_462 = arith.constant 16 : i32
        %shift_right_logical3A_463 = vector.broadcast %shift_right_logical3A_462 : i32 to vector<16xi32>
        %shift_right_logical3A_464 = arith.shrui %get3A_454, %shift_right_logical3A_463 : vector<16xi32>
        %swap3A_465 = arith.constant 192 : index
        %swap3A_466 = tpu.vector_load %arg7[%swap3A_465] {strides = array<i32>} : memref<240xi32, #tpu.memory_space<vmem>>, vector<16xi32>,
        %swap3A_467 = vector.shape_cast %swap3A_466 : vector<16xi32> to vector<16xi32>
        %swap3A_468 = vector.shape_cast %shift_right_logical3A_464 : vector<16xi32> to vector<16xi32>
        tpu.vector_store %arg7[%swap3A_465], %swap3A_468 {strides = array<i32>} : memref<240xi32, #tpu.memory_space<vmem>>, vector<16xi32>,
        %mul3A_469 = arith.constant 80 : i32
        %mul3A_470 = arith.muli %add3A_400, %mul3A_469 : i32
        %add3A_471 = arith.constant 48 : i32
        %add3A_472 = arith.addi %mul3A_470, %add3A_471 : i32
        %get3A_473 = arith.index_cast %add3A_472 : i32 to index
        %get3A_474 = tpu.vector_load %arg5[%get3A_473] {strides = array<i32>} : memref<10160xi32, #tpu.memory_space<vmem>>, vector<16xi32>,
        %get3A_475 = vector.shape_cast %get3A_474 : vector<16xi32> to vector<16xi32>
        %and3A_476 = arith.constant 65535 : i32
        %and3A_477 = vector.broadcast %and3A_476 : i32 to vector<16xi32>
        %and3A_478 = arith.andi %get3A_475, %and3A_477 : vector<16xi32>
        %swap3A_479 = arith.constant 208 : index
        %swap3A_480 = tpu.vector_load %arg6[%swap3A_479] {strides = array<i32>} : memref<240xi32, #tpu.memory_space<vmem>>, vector<16xi32>,
        %swap3A_481 = vector.shape_cast %swap3A_480 : vector<16xi32> to vector<16xi32>
        %swap3A_482 = vector.shape_cast %and3A_478 : vector<16xi32> to vector<16xi32>
        tpu.vector_store %arg6[%swap3A_479], %swap3A_482 {strides = array<i32>} : memref<240xi32, #tpu.memory_space<vmem>>, vector<16xi32>,
        %shift_right_logical3A_483 = arith.constant 16 : i32
        %shift_right_logical3A_484 = vector.broadcast %shift_right_logical3A_483 : i32 to vector<16xi32>
        %shift_right_logical3A_485 = arith.shrui %get3A_475, %shift_right_logical3A_484 : vector<16xi32>
        %swap3A_486 = arith.constant 208 : index
        %swap3A_487 = tpu.vector_load %arg7[%swap3A_486] {strides = array<i32>} : memref<240xi32, #tpu.memory_space<vmem>>, vector<16xi32>,
        %swap3A_488 = vector.shape_cast %swap3A_487 : vector<16xi32> to vector<16xi32>
        %swap3A_489 = vector.shape_cast %shift_right_logical3A_485 : vector<16xi32> to vector<16xi32>
        tpu.vector_store %arg7[%swap3A_486], %swap3A_489 {strides = array<i32>} : memref<240xi32, #tpu.memory_space<vmem>>, vector<16xi32>,
        %mul3A_490 = arith.constant 80 : i32
        %mul3A_491 = arith.muli %add3A_400, %mul3A_490 : i32
        %add3A_492 = arith.constant 64 : i32
        %add3A_493 = arith.addi %mul3A_491, %add3A_492 : i32
        %get3A_494 = arith.index_cast %add3A_493 : i32 to index
        %get3A_495 = tpu.vector_load %arg5[%get3A_494] {strides = array<i32>} : memref<10160xi32, #tpu.memory_space<vmem>>, vector<16xi32>,
        %get3A_496 = vector.shape_cast %get3A_495 : vector<16xi32> to vector<16xi32>
        %and3A_497 = arith.constant 65535 : i32
        %and3A_498 = vector.broadcast %and3A_497 : i32 to vector<16xi32>
        %and3A_499 = arith.andi %get3A_496, %and3A_498 : vector<16xi32>
        %swap3A_500 = arith.constant 224 : index
        %swap3A_501 = tpu.vector_load %arg6[%swap3A_500] {strides = array<i32>} : memref<240xi32, #tpu.memory_space<vmem>>, vector<16xi32>,
        %swap3A_502 = vector.shape_cast %swap3A_501 : vector<16xi32> to vector<16xi32>
        %swap3A_503 = vector.shape_cast %and3A_499 : vector<16xi32> to vector<16xi32>
        tpu.vector_store %arg6[%swap3A_500], %swap3A_503 {strides = array<i32>} : memref<240xi32, #tpu.memory_space<vmem>>, vector<16xi32>,
        %shift_right_logical3A_504 = arith.constant 16 : i32
        %shift_right_logical3A_505 = vector.broadcast %shift_right_logical3A_504 : i32 to vector<16xi32>
        %shift_right_logical3A_506 = arith.shrui %get3A_496, %shift_right_logical3A_505 : vector<16xi32>
        %swap3A_507 = arith.constant 224 : index
        %swap3A_508 = tpu.vector_load %arg7[%swap3A_507] {strides = array<i32>} : memref<240xi32, #tpu.memory_space<vmem>>, vector<16xi32>,
        %swap3A_509 = vector.shape_cast %swap3A_508 : vector<16xi32> to vector<16xi32>
        %swap3A_510 = vector.shape_cast %shift_right_logical3A_506 : vector<16xi32> to vector<16xi32>
        tpu.vector_store %arg7[%swap3A_507], %swap3A_510 {strides = array<i32>} : memref<240xi32, #tpu.memory_space<vmem>>, vector<16xi32>,
        %dma_start3A_511 = arith.constant 2 : i32
        %dma_start3A_512 = arith.constant 0 : i32
        %dma_start3A_513 = arith.constant 0 : i32
        %dma_start3A_514 = tpu.memref_slice %arg8[%dma_start3A_511, %dma_start3A_512, %dma_start3A_513] : memref<3x80x128xf32, #tpu.memory_space<vmem>> -> memref<1x80x128xf32, #tpu.memory_space<vmem>>
        %dma_start3A_515 = tpu.memref_squeeze %dma_start3A_514 : memref<1x80x128xf32, #tpu.memory_space<vmem>> -> memref<80x128xf32, #tpu.memory_space<vmem>>
        %dma_start3A_516 = arith.constant 160 : i32
        %dma_start3A_517 = tpu.memref_slice %arg6[%dma_start3A_516] : memref<240xi32, #tpu.memory_space<vmem>> -> memref<80xi32, #tpu.memory_space<vmem>>
        %dma_start3A_518 = arith.constant 0 : i32
        %dma_start3A_519 = arith.constant 0 : i32
        %dma_start3A_520 = tpu.memref_slice %arg2[%dma_start3A_518, %dma_start3A_519] : memref<10000x128xf32, #tpu.memory_space<hbm>> -> memref<10000x128xf32, #tpu.memory_space<hbm>>
        tpu.enqueue_indirect_dma source(%dma_start3A_520 : memref<10000x128xf32, #tpu.memory_space<hbm>>) target(%dma_start3A_515 : memref<80x128xf32, #tpu.memory_space<vmem>>) offsets(%dma_start3A_517 : memref<80xi32, #tpu.memory_space<vmem>>) semaphore(%arg12 : memref<!tpu.dma_semaphore, #tpu.memory_space<semaphore_mem>>)
      } else {
      }
    }
    %scan3A_331 = arith.constant 43 : i32
    %barrier3A_332 = arith.constant 0 : index
    tpu.barrier barrier_id(%barrier3A_332)
    %mul3A_333 = arith.constant 632 : i32
    %mul3A_334 = arith.muli %arg1, %mul3A_333 : i32
    %mul3A_335 = arith.constant 632 : i32
    %mul3A_336 = arith.muli %arg1, %mul3A_335 : i32
    "tpu.region"() ({
      %run_scoped3A_337 = tpu.sem_alloc : memref<!tpu.dma_semaphore, #tpu.memory_space<semaphore_mem>>
      %dma_start3A_338 = arith.constant 0 : i32
      %dma_start3A_339 = tpu.memref_slice %arg4[%arg0, %mul3A_336, %dma_start3A_338] : memref<2x10112x128xf32, #tpu.memory_space<hbm>> -> memref<1x632x128xf32, #tpu.memory_space<hbm>>
      %dma_start3A_340 = tpu.memref_squeeze %dma_start3A_339 : memref<1x632x128xf32, #tpu.memory_space<hbm>> -> memref<632x128xf32, #tpu.memory_space<hbm>>
      %dma_start3A_341 = arith.constant 0 : i32
      %dma_start3A_342 = tpu.memref_slice %arg9[%mul3A_334, %dma_start3A_341] : memref<10112x128xf32, #tpu.memory_space<vmem_shared>> -> memref<632x128xf32, #tpu.memory_space<vmem_shared>>
      tpu.enqueue_dma source(%dma_start3A_342 : memref<632x128xf32, #tpu.memory_space<vmem_shared>>) target(%dma_start3A_340 : memref<632x128xf32, #tpu.memory_space<hbm>>) target_semaphore(%run_scoped3A_337 : memref<!tpu.dma_semaphore, #tpu.memory_space<semaphore_mem>>)
      %dma_wait3A = arith.constant 0 : i32
      %dma_wait3A_343 = tpu.memref_slice %arg4[%arg0, %mul3A_336, %dma_wait3A] : memref<2x10112x128xf32, #tpu.memory_space<hbm>> -> memref<1x632x128xf32, #tpu.memory_space<hbm>>
      %dma_wait3A_344 = tpu.memref_squeeze %dma_wait3A_343 : memref<1x632x128xf32, #tpu.memory_space<hbm>> -> memref<632x128xf32, #tpu.memory_space<hbm>>
      %dma_wait3A_345 = arith.constant 0 : i32
      %dma_wait3A_346 = tpu.memref_slice %arg9[%mul3A_334, %dma_wait3A_345] : memref<10112x128xf32, #tpu.memory_space<vmem_shared>> -> memref<632x128xf32, #tpu.memory_space<vmem_shared>>
      tpu.wait_dma2 semaphore(%run_scoped3A_337 : memref<!tpu.dma_semaphore, #tpu.memory_space<semaphore_mem>>) src(%dma_wait3A_346 : memref<632x128xf32, #tpu.memory_space<vmem_shared>>) dst(%dma_wait3A_344 : memref<632x128xf32, #tpu.memory_space<hbm>>)
      tpu.yield
    }) : () -> ()
    return
  }
}

#map = affine_map<(d0, d1) -> (0, 0, 0)>
#map1 = affine_map<(d0, d1) -> (0)>
module attributes {stable_mosaic.version = 14 : i64} {
  func.func @_deg_kernel(%arg0: i32, %arg1: i32, %arg2: memref<32x127x80xi32, #tpu.memory_space<hbm>>, %arg3: memref<20480xf32, #tpu.memory_space<hbm>>, %arg4: memref<8x80xi32, #tpu.memory_space<vmem>>, %arg5: memref<80xf32, #tpu.memory_space<vmem>>, %arg6: memref<640xf32, #tpu.memory_space<vmem>>, %arg7: memref<10240xf32, #tpu.memory_space<vmem_shared>>, %arg8: memref<!tpu.dma_semaphore, #tpu.memory_space<semaphore_mem>>, %arg9: memref<!tpu.dma_semaphore, #tpu.memory_space<semaphore_mem>>, %arg10: memref<!tpu.dma_semaphore, #tpu.memory_space<semaphore_mem>>, %arg11: memref<!tpu.dma_semaphore, #tpu.memory_space<semaphore_mem>>, %arg12: memref<!tpu.dma_semaphore, #tpu.memory_space<semaphore_mem>>, %arg13: memref<!tpu.dma_semaphore, #tpu.memory_space<semaphore_mem>>, %arg14: memref<!tpu.dma_semaphore, #tpu.memory_space<semaphore_mem>>, %arg15: memref<!tpu.dma_semaphore, #tpu.memory_space<semaphore_mem>>) attributes {dimension_semantics = [#tpu.dimension_semantics<core_parallel>, #tpu.dimension_semantics<subcore_parallel>], iteration_bounds = array<i64: 2, 16>, scalar_prefetch = 0 : i64, scratch_operands = 12 : i64, tpu.core_type = #tpu.core_type<sc_vector_subcore>, window_params = [{transform_indices = #map}, {transform_indices = #map1}]} {
    %mul3A = arith.constant 16 : i32
    %mul3A_0 = arith.muli %arg0, %mul3A : i32
    %add3A = arith.addi %mul3A_0, %arg1 : i32
    %broadcast_in_dim3A = arith.constant 1.000000e+00 : f32
    %broadcast_in_dim3A_1 = vector.broadcast %broadcast_in_dim3A : f32 to vector<16xf32>
    %broadcast_in_dim3A_2 = arith.constant 0.000000e+00 : f32
    %broadcast_in_dim3A_3 = vector.broadcast %broadcast_in_dim3A_2 : f32 to vector<16xf32>
    %swap3A = arith.constant 0 : index
    %swap3A_4 = tpu.vector_load %arg5[%swap3A] {strides = array<i32>} : memref<80xf32, #tpu.memory_space<vmem>>, vector<16xf32>,
    %swap3A_5 = vector.shape_cast %swap3A_4 : vector<16xf32> to vector<16xf32>
    %swap3A_6 = vector.shape_cast %broadcast_in_dim3A_1 : vector<16xf32> to vector<16xf32>
    tpu.vector_store %arg5[%swap3A], %swap3A_6 {strides = array<i32>} : memref<80xf32, #tpu.memory_space<vmem>>, vector<16xf32>,
    %swap3A_7 = arith.constant 16 : index
    %swap3A_8 = tpu.vector_load %arg5[%swap3A_7] {strides = array<i32>} : memref<80xf32, #tpu.memory_space<vmem>>, vector<16xf32>,
    %swap3A_9 = vector.shape_cast %swap3A_8 : vector<16xf32> to vector<16xf32>
    %swap3A_10 = vector.shape_cast %broadcast_in_dim3A_1 : vector<16xf32> to vector<16xf32>
    tpu.vector_store %arg5[%swap3A_7], %swap3A_10 {strides = array<i32>} : memref<80xf32, #tpu.memory_space<vmem>>, vector<16xf32>,
    %swap3A_11 = arith.constant 32 : index
    %swap3A_12 = tpu.vector_load %arg5[%swap3A_11] {strides = array<i32>} : memref<80xf32, #tpu.memory_space<vmem>>, vector<16xf32>,
    %swap3A_13 = vector.shape_cast %swap3A_12 : vector<16xf32> to vector<16xf32>
    %swap3A_14 = vector.shape_cast %broadcast_in_dim3A_1 : vector<16xf32> to vector<16xf32>
    tpu.vector_store %arg5[%swap3A_11], %swap3A_14 {strides = array<i32>} : memref<80xf32, #tpu.memory_space<vmem>>, vector<16xf32>,
    %swap3A_15 = arith.constant 48 : index
    %swap3A_16 = tpu.vector_load %arg5[%swap3A_15] {strides = array<i32>} : memref<80xf32, #tpu.memory_space<vmem>>, vector<16xf32>,
    %swap3A_17 = vector.shape_cast %swap3A_16 : vector<16xf32> to vector<16xf32>
    %swap3A_18 = vector.shape_cast %broadcast_in_dim3A_1 : vector<16xf32> to vector<16xf32>
    tpu.vector_store %arg5[%swap3A_15], %swap3A_18 {strides = array<i32>} : memref<80xf32, #tpu.memory_space<vmem>>, vector<16xf32>,
    %swap3A_19 = arith.constant 64 : index
    %swap3A_20 = tpu.vector_load %arg5[%swap3A_19] {strides = array<i32>} : memref<80xf32, #tpu.memory_space<vmem>>, vector<16xf32>,
    %swap3A_21 = vector.shape_cast %swap3A_20 : vector<16xf32> to vector<16xf32>
    %swap3A_22 = vector.shape_cast %broadcast_in_dim3A_1 : vector<16xf32> to vector<16xf32>
    tpu.vector_store %arg5[%swap3A_19], %swap3A_22 {strides = array<i32>} : memref<80xf32, #tpu.memory_space<vmem>>, vector<16xf32>,
    %scan3A = arith.constant 0 : i32
    %scan3A_23 = arith.constant 0 : i32
    %scan3A_24 = arith.constant 40 : i32
    %scan3A_25 = arith.addi %scan3A_23, %scan3A_24 : i32
    %scan3A_26 = arith.constant 1 : i32
    scf.for %scan3A_126 = %scan3A_23 to %scan3A_25 step %scan3A_26  : i32 {
      %mul3A_127 = arith.constant 16 : i32
      %mul3A_128 = arith.muli %scan3A_126, %mul3A_127 : i32
      %swap3A_129 = arith.index_cast %mul3A_128 : i32 to index
      %swap3A_130 = tpu.vector_load %arg6[%swap3A_129] {strides = array<i32>} : memref<640xf32, #tpu.memory_space<vmem>>, vector<16xf32>,
      %swap3A_131 = vector.shape_cast %swap3A_130 : vector<16xf32> to vector<16xf32>
      %swap3A_132 = vector.shape_cast %broadcast_in_dim3A_3 : vector<16xf32> to vector<16xf32>
      tpu.vector_store %arg6[%swap3A_129], %swap3A_132 {strides = array<i32>} : memref<640xf32, #tpu.memory_space<vmem>>, vector<16xf32>,
    }
    %scan3A_27 = arith.constant 40 : i32
    %mul3A_28 = arith.constant 640 : i32
    %mul3A_29 = arith.muli %arg1, %mul3A_28 : i32
    "tpu.region"() ({
      %run_scoped3A = tpu.sem_alloc : memref<!tpu.dma_semaphore, #tpu.memory_space<semaphore_mem>>
      %dma_start3A_126 = tpu.memref_slice %arg7[%mul3A_29] : memref<10240xf32, #tpu.memory_space<vmem_shared>> -> memref<640xf32, #tpu.memory_space<vmem_shared>>
      %dma_start3A_127 = tpu.memref_slice %arg7[%mul3A_29] : memref<10240xf32, #tpu.memory_space<vmem_shared>> -> memref<640xf32, #tpu.memory_space<vmem_shared>>
      tpu.enqueue_dma source(%arg6 : memref<640xf32, #tpu.memory_space<vmem>>) target(%dma_start3A_127 : memref<640xf32, #tpu.memory_space<vmem_shared>>) target_semaphore(%run_scoped3A : memref<!tpu.dma_semaphore, #tpu.memory_space<semaphore_mem>>)
      %dma_wait3A_128 = tpu.memref_slice %arg7[%mul3A_29] : memref<10240xf32, #tpu.memory_space<vmem_shared>> -> memref<640xf32, #tpu.memory_space<vmem_shared>>
      %dma_wait3A_129 = tpu.memref_slice %arg7[%mul3A_29] : memref<10240xf32, #tpu.memory_space<vmem_shared>> -> memref<640xf32, #tpu.memory_space<vmem_shared>>
      tpu.wait_dma2 semaphore(%run_scoped3A : memref<!tpu.dma_semaphore, #tpu.memory_space<semaphore_mem>>) src(%arg6 : memref<640xf32, #tpu.memory_space<vmem>>) dst(%dma_wait3A_129 : memref<640xf32, #tpu.memory_space<vmem_shared>>)
      tpu.yield
    }) : () -> ()
    %barrier3A = arith.constant 0 : index
    tpu.barrier barrier_id(%barrier3A)
    %scan3A_30 = arith.constant 0 : i32
    %scan3A_31 = arith.constant 0 : i32
    %scan3A_32 = arith.constant 15 : i32
    %scan3A_33 = arith.addi %scan3A_31, %scan3A_32 : i32
    %scan3A_34 = arith.constant 1 : i32
    scf.for %scan3A_126 = %scan3A_31 to %scan3A_33 step %scan3A_34  : i32 {
      %mul3A_127 = arith.constant 8 : i32
      %mul3A_128 = arith.muli %scan3A_126, %mul3A_127 : i32
      "tpu.region"() ({
        %run_scoped3A = tpu.sem_alloc : memref<!tpu.dma_semaphore, #tpu.memory_space<semaphore_mem>>
        %dma_start3A_225 = arith.constant 0 : i32
        %dma_start3A_226 = tpu.memref_slice %arg2[%add3A, %mul3A_128, %dma_start3A_225] : memref<32x127x80xi32, #tpu.memory_space<hbm>> -> memref<1x8x80xi32, #tpu.memory_space<hbm>>
        %dma_start3A_227 = tpu.memref_squeeze %dma_start3A_226 : memref<1x8x80xi32, #tpu.memory_space<hbm>> -> memref<8x80xi32, #tpu.memory_space<hbm>>
        %dma_start3A_228 = arith.constant 0 : i32
        %dma_start3A_229 = tpu.memref_slice %arg2[%add3A, %mul3A_128, %dma_start3A_228] : memref<32x127x80xi32, #tpu.memory_space<hbm>> -> memref<1x8x80xi32, #tpu.memory_space<hbm>>
        %dma_start3A_230 = tpu.memref_squeeze %dma_start3A_229 : memref<1x8x80xi32, #tpu.memory_space<hbm>> -> memref<8x80xi32, #tpu.memory_space<hbm>>
        tpu.enqueue_dma source(%dma_start3A_230 : memref<8x80xi32, #tpu.memory_space<hbm>>) target(%arg4 : memref<8x80xi32, #tpu.memory_space<vmem>>) target_semaphore(%run_scoped3A : memref<!tpu.dma_semaphore, #tpu.memory_space<semaphore_mem>>)
        %dma_wait3A_231 = arith.constant 0 : i32
        %dma_wait3A_232 = tpu.memref_slice %arg2[%add3A, %mul3A_128, %dma_wait3A_231] : memref<32x127x80xi32, #tpu.memory_space<hbm>> -> memref<1x8x80xi32, #tpu.memory_space<hbm>>
        %dma_wait3A_233 = tpu.memref_squeeze %dma_wait3A_232 : memref<1x8x80xi32, #tpu.memory_space<hbm>> -> memref<8x80xi32, #tpu.memory_space<hbm>>
        %dma_wait3A_234 = arith.constant 0 : i32
        %dma_wait3A_235 = tpu.memref_slice %arg2[%add3A, %mul3A_128, %dma_wait3A_234] : memref<32x127x80xi32, #tpu.memory_space<hbm>> -> memref<1x8x80xi32, #tpu.memory_space<hbm>>
        %dma_wait3A_236 = tpu.memref_squeeze %dma_wait3A_235 : memref<1x8x80xi32, #tpu.memory_space<hbm>> -> memref<8x80xi32, #tpu.memory_space<hbm>>
        tpu.wait_dma2 semaphore(%run_scoped3A : memref<!tpu.dma_semaphore, #tpu.memory_space<semaphore_mem>>) src(%dma_wait3A_236 : memref<8x80xi32, #tpu.memory_space<hbm>>) dst(%arg4 : memref<8x80xi32, #tpu.memory_space<vmem>>)
        tpu.yield
      }) : () -> ()
      %dma_start3A_129 = arith.constant 0 : i32
      %dma_start3A_130 = arith.constant 0 : i32
      %dma_start3A_131 = tpu.memref_slice %arg4[%dma_start3A_129, %dma_start3A_130] : memref<8x80xi32, #tpu.memory_space<vmem>> -> memref<1x80xi32, #tpu.memory_space<vmem>>
      %dma_start3A_132 = tpu.memref_squeeze %dma_start3A_131 : memref<1x80xi32, #tpu.memory_space<vmem>> -> memref<80xi32, #tpu.memory_space<vmem>>
      %dma_start3A_133 = arith.constant 0 : i32
      %dma_start3A_134 = tpu.memref_slice %arg7[%dma_start3A_133] : memref<10240xf32, #tpu.memory_space<vmem_shared>> -> memref<10240xf32, #tpu.memory_space<vmem_shared>>
      tpu.enqueue_indirect_dma source(%arg5 : memref<80xf32, #tpu.memory_space<vmem>>) target(%dma_start3A_134 : memref<10240xf32, #tpu.memory_space<vmem_shared>>) offsets(%dma_start3A_132 : memref<80xi32, #tpu.memory_space<vmem>>) semaphore(%arg8 : memref<!tpu.dma_semaphore, #tpu.memory_space<semaphore_mem>>) {add = true}
      %dma_start3A_135 = arith.constant 1 : i32
      %dma_start3A_136 = arith.constant 0 : i32
      %dma_start3A_137 = tpu.memref_slice %arg4[%dma_start3A_135, %dma_start3A_136] : memref<8x80xi32, #tpu.memory_space<vmem>> -> memref<1x80xi32, #tpu.memory_space<vmem>>
      %dma_start3A_138 = tpu.memref_squeeze %dma_start3A_137 : memref<1x80xi32, #tpu.memory_space<vmem>> -> memref<80xi32, #tpu.memory_space<vmem>>
      %dma_start3A_139 = arith.constant 0 : i32
      %dma_start3A_140 = tpu.memref_slice %arg7[%dma_start3A_139] : memref<10240xf32, #tpu.memory_space<vmem_shared>> -> memref<10240xf32, #tpu.memory_space<vmem_shared>>
      tpu.enqueue_indirect_dma source(%arg5 : memref<80xf32, #tpu.memory_space<vmem>>) target(%dma_start3A_140 : memref<10240xf32, #tpu.memory_space<vmem_shared>>) offsets(%dma_start3A_138 : memref<80xi32, #tpu.memory_space<vmem>>) semaphore(%arg9 : memref<!tpu.dma_semaphore, #tpu.memory_space<semaphore_mem>>) {add = true}
      %dma_start3A_141 = arith.constant 2 : i32
      %dma_start3A_142 = arith.constant 0 : i32
      %dma_start3A_143 = tpu.memref_slice %arg4[%dma_start3A_141, %dma_start3A_142] : memref<8x80xi32, #tpu.memory_space<vmem>> -> memref<1x80xi32, #tpu.memory_space<vmem>>
      %dma_start3A_144 = tpu.memref_squeeze %dma_start3A_143 : memref<1x80xi32, #tpu.memory_space<vmem>> -> memref<80xi32, #tpu.memory_space<vmem>>
      %dma_start3A_145 = arith.constant 0 : i32
      %dma_start3A_146 = tpu.memref_slice %arg7[%dma_start3A_145] : memref<10240xf32, #tpu.memory_space<vmem_shared>> -> memref<10240xf32, #tpu.memory_space<vmem_shared>>
      tpu.enqueue_indirect_dma source(%arg5 : memref<80xf32, #tpu.memory_space<vmem>>) target(%dma_start3A_146 : memref<10240xf32, #tpu.memory_space<vmem_shared>>) offsets(%dma_start3A_144 : memref<80xi32, #tpu.memory_space<vmem>>) semaphore(%arg10 : memref<!tpu.dma_semaphore, #tpu.memory_space<semaphore_mem>>) {add = true}
      %dma_start3A_147 = arith.constant 3 : i32
      %dma_start3A_148 = arith.constant 0 : i32
      %dma_start3A_149 = tpu.memref_slice %arg4[%dma_start3A_147, %dma_start3A_148] : memref<8x80xi32, #tpu.memory_space<vmem>> -> memref<1x80xi32, #tpu.memory_space<vmem>>
      %dma_start3A_150 = tpu.memref_squeeze %dma_start3A_149 : memref<1x80xi32, #tpu.memory_space<vmem>> -> memref<80xi32, #tpu.memory_space<vmem>>
      %dma_start3A_151 = arith.constant 0 : i32
      %dma_start3A_152 = tpu.memref_slice %arg7[%dma_start3A_151] : memref<10240xf32, #tpu.memory_space<vmem_shared>> -> memref<10240xf32, #tpu.memory_space<vmem_shared>>
      tpu.enqueue_indirect_dma source(%arg5 : memref<80xf32, #tpu.memory_space<vmem>>) target(%dma_start3A_152 : memref<10240xf32, #tpu.memory_space<vmem_shared>>) offsets(%dma_start3A_150 : memref<80xi32, #tpu.memory_space<vmem>>) semaphore(%arg11 : memref<!tpu.dma_semaphore, #tpu.memory_space<semaphore_mem>>) {add = true}
      %dma_wait3A_153 = arith.constant 0 : i32
      %dma_wait3A_154 = arith.constant 0 : i32
      %dma_wait3A_155 = tpu.memref_slice %arg4[%dma_wait3A_153, %dma_wait3A_154] : memref<8x80xi32, #tpu.memory_space<vmem>> -> memref<1x80xi32, #tpu.memory_space<vmem>>
      %dma_wait3A_156 = tpu.memref_squeeze %dma_wait3A_155 : memref<1x80xi32, #tpu.memory_space<vmem>> -> memref<80xi32, #tpu.memory_space<vmem>>
      %dma_wait3A_157 = arith.constant 0 : i32
      %dma_wait3A_158 = tpu.memref_slice %arg7[%dma_wait3A_157] : memref<10240xf32, #tpu.memory_space<vmem_shared>> -> memref<10240xf32, #tpu.memory_space<vmem_shared>>
      tpu.wait_indirect_dma semaphore(%arg8 : memref<!tpu.dma_semaphore, #tpu.memory_space<semaphore_mem>>) src(%arg5 : memref<80xf32, #tpu.memory_space<vmem>>) dst(%dma_wait3A_158 : memref<10240xf32, #tpu.memory_space<vmem_shared>>)
      %dma_wait3A_159 = arith.constant 1 : i32
      %dma_wait3A_160 = arith.constant 0 : i32
      %dma_wait3A_161 = tpu.memref_slice %arg4[%dma_wait3A_159, %dma_wait3A_160] : memref<8x80xi32, #tpu.memory_space<vmem>> -> memref<1x80xi32, #tpu.memory_space<vmem>>
      %dma_wait3A_162 = tpu.memref_squeeze %dma_wait3A_161 : memref<1x80xi32, #tpu.memory_space<vmem>> -> memref<80xi32, #tpu.memory_space<vmem>>
      %dma_wait3A_163 = arith.constant 0 : i32
      %dma_wait3A_164 = tpu.memref_slice %arg7[%dma_wait3A_163] : memref<10240xf32, #tpu.memory_space<vmem_shared>> -> memref<10240xf32, #tpu.memory_space<vmem_shared>>
      tpu.wait_indirect_dma semaphore(%arg9 : memref<!tpu.dma_semaphore, #tpu.memory_space<semaphore_mem>>) src(%arg5 : memref<80xf32, #tpu.memory_space<vmem>>) dst(%dma_wait3A_164 : memref<10240xf32, #tpu.memory_space<vmem_shared>>)
      %dma_wait3A_165 = arith.constant 2 : i32
      %dma_wait3A_166 = arith.constant 0 : i32
      %dma_wait3A_167 = tpu.memref_slice %arg4[%dma_wait3A_165, %dma_wait3A_166] : memref<8x80xi32, #tpu.memory_space<vmem>> -> memref<1x80xi32, #tpu.memory_space<vmem>>
      %dma_wait3A_168 = tpu.memref_squeeze %dma_wait3A_167 : memref<1x80xi32, #tpu.memory_space<vmem>> -> memref<80xi32, #tpu.memory_space<vmem>>
      %dma_wait3A_169 = arith.constant 0 : i32
      %dma_wait3A_170 = tpu.memref_slice %arg7[%dma_wait3A_169] : memref<10240xf32, #tpu.memory_space<vmem_shared>> -> memref<10240xf32, #tpu.memory_space<vmem_shared>>
      tpu.wait_indirect_dma semaphore(%arg10 : memref<!tpu.dma_semaphore, #tpu.memory_space<semaphore_mem>>) src(%arg5 : memref<80xf32, #tpu.memory_space<vmem>>) dst(%dma_wait3A_170 : memref<10240xf32, #tpu.memory_space<vmem_shared>>)
      %dma_wait3A_171 = arith.constant 3 : i32
      %dma_wait3A_172 = arith.constant 0 : i32
      %dma_wait3A_173 = tpu.memref_slice %arg4[%dma_wait3A_171, %dma_wait3A_172] : memref<8x80xi32, #tpu.memory_space<vmem>> -> memref<1x80xi32, #tpu.memory_space<vmem>>
      %dma_wait3A_174 = tpu.memref_squeeze %dma_wait3A_173 : memref<1x80xi32, #tpu.memory_space<vmem>> -> memref<80xi32, #tpu.memory_space<vmem>>
      %dma_wait3A_175 = arith.constant 0 : i32
      %dma_wait3A_176 = tpu.memref_slice %arg7[%dma_wait3A_175] : memref<10240xf32, #tpu.memory_space<vmem_shared>> -> memref<10240xf32, #tpu.memory_space<vmem_shared>>
      tpu.wait_indirect_dma semaphore(%arg11 : memref<!tpu.dma_semaphore, #tpu.memory_space<semaphore_mem>>) src(%arg5 : memref<80xf32, #tpu.memory_space<vmem>>) dst(%dma_wait3A_176 : memref<10240xf32, #tpu.memory_space<vmem_shared>>)
      %dma_start3A_177 = arith.constant 4 : i32
      %dma_start3A_178 = arith.constant 0 : i32
      %dma_start3A_179 = tpu.memref_slice %arg4[%dma_start3A_177, %dma_start3A_178] : memref<8x80xi32, #tpu.memory_space<vmem>> -> memref<1x80xi32, #tpu.memory_space<vmem>>
      %dma_start3A_180 = tpu.memref_squeeze %dma_start3A_179 : memref<1x80xi32, #tpu.memory_space<vmem>> -> memref<80xi32, #tpu.memory_space<vmem>>
      %dma_start3A_181 = arith.constant 0 : i32
      %dma_start3A_182 = tpu.memref_slice %arg7[%dma_start3A_181] : memref<10240xf32, #tpu.memory_space<vmem_shared>> -> memref<10240xf32, #tpu.memory_space<vmem_shared>>
      tpu.enqueue_indirect_dma source(%arg5 : memref<80xf32, #tpu.memory_space<vmem>>) target(%dma_start3A_182 : memref<10240xf32, #tpu.memory_space<vmem_shared>>) offsets(%dma_start3A_180 : memref<80xi32, #tpu.memory_space<vmem>>) semaphore(%arg12 : memref<!tpu.dma_semaphore, #tpu.memory_space<semaphore_mem>>) {add = true}
      %dma_start3A_183 = arith.constant 5 : i32
      %dma_start3A_184 = arith.constant 0 : i32
      %dma_start3A_185 = tpu.memref_slice %arg4[%dma_start3A_183, %dma_start3A_184] : memref<8x80xi32, #tpu.memory_space<vmem>> -> memref<1x80xi32, #tpu.memory_space<vmem>>
      %dma_start3A_186 = tpu.memref_squeeze %dma_start3A_185 : memref<1x80xi32, #tpu.memory_space<vmem>> -> memref<80xi32, #tpu.memory_space<vmem>>
      %dma_start3A_187 = arith.constant 0 : i32
      %dma_start3A_188 = tpu.memref_slice %arg7[%dma_start3A_187] : memref<10240xf32, #tpu.memory_space<vmem_shared>> -> memref<10240xf32, #tpu.memory_space<vmem_shared>>
      tpu.enqueue_indirect_dma source(%arg5 : memref<80xf32, #tpu.memory_space<vmem>>) target(%dma_start3A_188 : memref<10240xf32, #tpu.memory_space<vmem_shared>>) offsets(%dma_start3A_186 : memref<80xi32, #tpu.memory_space<vmem>>) semaphore(%arg13 : memref<!tpu.dma_semaphore, #tpu.memory_space<semaphore_mem>>) {add = true}
      %dma_start3A_189 = arith.constant 6 : i32
      %dma_start3A_190 = arith.constant 0 : i32
      %dma_start3A_191 = tpu.memref_slice %arg4[%dma_start3A_189, %dma_start3A_190] : memref<8x80xi32, #tpu.memory_space<vmem>> -> memref<1x80xi32, #tpu.memory_space<vmem>>
      %dma_start3A_192 = tpu.memref_squeeze %dma_start3A_191 : memref<1x80xi32, #tpu.memory_space<vmem>> -> memref<80xi32, #tpu.memory_space<vmem>>
      %dma_start3A_193 = arith.constant 0 : i32
      %dma_start3A_194 = tpu.memref_slice %arg7[%dma_start3A_193] : memref<10240xf32, #tpu.memory_space<vmem_shared>> -> memref<10240xf32, #tpu.memory_space<vmem_shared>>
      tpu.enqueue_indirect_dma source(%arg5 : memref<80xf32, #tpu.memory_space<vmem>>) target(%dma_start3A_194 : memref<10240xf32, #tpu.memory_space<vmem_shared>>) offsets(%dma_start3A_192 : memref<80xi32, #tpu.memory_space<vmem>>) semaphore(%arg14 : memref<!tpu.dma_semaphore, #tpu.memory_space<semaphore_mem>>) {add = true}
      %dma_start3A_195 = arith.constant 7 : i32
      %dma_start3A_196 = arith.constant 0 : i32
      %dma_start3A_197 = tpu.memref_slice %arg4[%dma_start3A_195, %dma_start3A_196] : memref<8x80xi32, #tpu.memory_space<vmem>> -> memref<1x80xi32, #tpu.memory_space<vmem>>
      %dma_start3A_198 = tpu.memref_squeeze %dma_start3A_197 : memref<1x80xi32, #tpu.memory_space<vmem>> -> memref<80xi32, #tpu.memory_space<vmem>>
      %dma_start3A_199 = arith.constant 0 : i32
      %dma_start3A_200 = tpu.memref_slice %arg7[%dma_start3A_199] : memref<10240xf32, #tpu.memory_space<vmem_shared>> -> memref<10240xf32, #tpu.memory_space<vmem_shared>>
      tpu.enqueue_indirect_dma source(%arg5 : memref<80xf32, #tpu.memory_space<vmem>>) target(%dma_start3A_200 : memref<10240xf32, #tpu.memory_space<vmem_shared>>) offsets(%dma_start3A_198 : memref<80xi32, #tpu.memory_space<vmem>>) semaphore(%arg15 : memref<!tpu.dma_semaphore, #tpu.memory_space<semaphore_mem>>) {add = true}
      %dma_wait3A_201 = arith.constant 4 : i32
      %dma_wait3A_202 = arith.constant 0 : i32
      %dma_wait3A_203 = tpu.memref_slice %arg4[%dma_wait3A_201, %dma_wait3A_202] : memref<8x80xi32, #tpu.memory_space<vmem>> -> memref<1x80xi32, #tpu.memory_space<vmem>>
      %dma_wait3A_204 = tpu.memref_squeeze %dma_wait3A_203 : memref<1x80xi32, #tpu.memory_space<vmem>> -> memref<80xi32, #tpu.memory_space<vmem>>
      %dma_wait3A_205 = arith.constant 0 : i32
      %dma_wait3A_206 = tpu.memref_slice %arg7[%dma_wait3A_205] : memref<10240xf32, #tpu.memory_space<vmem_shared>> -> memref<10240xf32, #tpu.memory_space<vmem_shared>>
      tpu.wait_indirect_dma semaphore(%arg12 : memref<!tpu.dma_semaphore, #tpu.memory_space<semaphore_mem>>) src(%arg5 : memref<80xf32, #tpu.memory_space<vmem>>) dst(%dma_wait3A_206 : memref<10240xf32, #tpu.memory_space<vmem_shared>>)
      %dma_wait3A_207 = arith.constant 5 : i32
      %dma_wait3A_208 = arith.constant 0 : i32
      %dma_wait3A_209 = tpu.memref_slice %arg4[%dma_wait3A_207, %dma_wait3A_208] : memref<8x80xi32, #tpu.memory_space<vmem>> -> memref<1x80xi32, #tpu.memory_space<vmem>>
      %dma_wait3A_210 = tpu.memref_squeeze %dma_wait3A_209 : memref<1x80xi32, #tpu.memory_space<vmem>> -> memref<80xi32, #tpu.memory_space<vmem>>
      %dma_wait3A_211 = arith.constant 0 : i32
      %dma_wait3A_212 = tpu.memref_slice %arg7[%dma_wait3A_211] : memref<10240xf32, #tpu.memory_space<vmem_shared>> -> memref<10240xf32, #tpu.memory_space<vmem_shared>>
      tpu.wait_indirect_dma semaphore(%arg13 : memref<!tpu.dma_semaphore, #tpu.memory_space<semaphore_mem>>) src(%arg5 : memref<80xf32, #tpu.memory_space<vmem>>) dst(%dma_wait3A_212 : memref<10240xf32, #tpu.memory_space<vmem_shared>>)
      %dma_wait3A_213 = arith.constant 6 : i32
      %dma_wait3A_214 = arith.constant 0 : i32
      %dma_wait3A_215 = tpu.memref_slice %arg4[%dma_wait3A_213, %dma_wait3A_214] : memref<8x80xi32, #tpu.memory_space<vmem>> -> memref<1x80xi32, #tpu.memory_space<vmem>>
      %dma_wait3A_216 = tpu.memref_squeeze %dma_wait3A_215 : memref<1x80xi32, #tpu.memory_space<vmem>> -> memref<80xi32, #tpu.memory_space<vmem>>
      %dma_wait3A_217 = arith.constant 0 : i32
      %dma_wait3A_218 = tpu.memref_slice %arg7[%dma_wait3A_217] : memref<10240xf32, #tpu.memory_space<vmem_shared>> -> memref<10240xf32, #tpu.memory_space<vmem_shared>>
      tpu.wait_indirect_dma semaphore(%arg14 : memref<!tpu.dma_semaphore, #tpu.memory_space<semaphore_mem>>) src(%arg5 : memref<80xf32, #tpu.memory_space<vmem>>) dst(%dma_wait3A_218 : memref<10240xf32, #tpu.memory_space<vmem_shared>>)
      %dma_wait3A_219 = arith.constant 7 : i32
      %dma_wait3A_220 = arith.constant 0 : i32
      %dma_wait3A_221 = tpu.memref_slice %arg4[%dma_wait3A_219, %dma_wait3A_220] : memref<8x80xi32, #tpu.memory_space<vmem>> -> memref<1x80xi32, #tpu.memory_space<vmem>>
      %dma_wait3A_222 = tpu.memref_squeeze %dma_wait3A_221 : memref<1x80xi32, #tpu.memory_space<vmem>> -> memref<80xi32, #tpu.memory_space<vmem>>
      %dma_wait3A_223 = arith.constant 0 : i32
      %dma_wait3A_224 = tpu.memref_slice %arg7[%dma_wait3A_223] : memref<10240xf32, #tpu.memory_space<vmem_shared>> -> memref<10240xf32, #tpu.memory_space<vmem_shared>>
      tpu.wait_indirect_dma semaphore(%arg15 : memref<!tpu.dma_semaphore, #tpu.memory_space<semaphore_mem>>) src(%arg5 : memref<80xf32, #tpu.memory_space<vmem>>) dst(%dma_wait3A_224 : memref<10240xf32, #tpu.memory_space<vmem_shared>>)
    }
    %scan3A_35 = arith.constant 15 : i32
    "tpu.region"() ({
      %run_scoped3A = tpu.sem_alloc : memref<!tpu.dma_semaphore, #tpu.memory_space<semaphore_mem>>
      %dma_start3A_126 = arith.constant 0 : i32
      %dma_start3A_127 = arith.constant 0 : i32
      %dma_start3A_128 = tpu.memref_slice %arg4[%dma_start3A_126, %dma_start3A_127] : memref<8x80xi32, #tpu.memory_space<vmem>> -> memref<7x80xi32, #tpu.memory_space<vmem>>
      %dma_start3A_129 = arith.constant 120 : i32
      %dma_start3A_130 = arith.constant 0 : i32
      %dma_start3A_131 = tpu.memref_slice %arg2[%add3A, %dma_start3A_129, %dma_start3A_130] : memref<32x127x80xi32, #tpu.memory_space<hbm>> -> memref<1x7x80xi32, #tpu.memory_space<hbm>>
      %dma_start3A_132 = tpu.memref_squeeze %dma_start3A_131 : memref<1x7x80xi32, #tpu.memory_space<hbm>> -> memref<7x80xi32, #tpu.memory_space<hbm>>
      %dma_start3A_133 = arith.constant 0 : i32
      %dma_start3A_134 = arith.constant 0 : i32
      %dma_start3A_135 = tpu.memref_slice %arg4[%dma_start3A_133, %dma_start3A_134] : memref<8x80xi32, #tpu.memory_space<vmem>> -> memref<7x80xi32, #tpu.memory_space<vmem>>
      %dma_start3A_136 = arith.constant 120 : i32
      %dma_start3A_137 = arith.constant 0 : i32
      %dma_start3A_138 = tpu.memref_slice %arg2[%add3A, %dma_start3A_136, %dma_start3A_137] : memref<32x127x80xi32, #tpu.memory_space<hbm>> -> memref<1x7x80xi32, #tpu.memory_space<hbm>>
      %dma_start3A_139 = tpu.memref_squeeze %dma_start3A_138 : memref<1x7x80xi32, #tpu.memory_space<hbm>> -> memref<7x80xi32, #tpu.memory_space<hbm>>
      tpu.enqueue_dma source(%dma_start3A_139 : memref<7x80xi32, #tpu.memory_space<hbm>>) target(%dma_start3A_135 : memref<7x80xi32, #tpu.memory_space<vmem>>) target_semaphore(%run_scoped3A : memref<!tpu.dma_semaphore, #tpu.memory_space<semaphore_mem>>)
      %dma_wait3A_140 = arith.constant 0 : i32
      %dma_wait3A_141 = arith.constant 0 : i32
      %dma_wait3A_142 = tpu.memref_slice %arg4[%dma_wait3A_140, %dma_wait3A_141] : memref<8x80xi32, #tpu.memory_space<vmem>> -> memref<7x80xi32, #tpu.memory_space<vmem>>
      %dma_wait3A_143 = arith.constant 120 : i32
      %dma_wait3A_144 = arith.constant 0 : i32
      %dma_wait3A_145 = tpu.memref_slice %arg2[%add3A, %dma_wait3A_143, %dma_wait3A_144] : memref<32x127x80xi32, #tpu.memory_space<hbm>> -> memref<1x7x80xi32, #tpu.memory_space<hbm>>
      %dma_wait3A_146 = tpu.memref_squeeze %dma_wait3A_145 : memref<1x7x80xi32, #tpu.memory_space<hbm>> -> memref<7x80xi32, #tpu.memory_space<hbm>>
      %dma_wait3A_147 = arith.constant 0 : i32
      %dma_wait3A_148 = arith.constant 0 : i32
      %dma_wait3A_149 = tpu.memref_slice %arg4[%dma_wait3A_147, %dma_wait3A_148] : memref<8x80xi32, #tpu.memory_space<vmem>> -> memref<7x80xi32, #tpu.memory_space<vmem>>
      %dma_wait3A_150 = arith.constant 120 : i32
      %dma_wait3A_151 = arith.constant 0 : i32
      %dma_wait3A_152 = tpu.memref_slice %arg2[%add3A, %dma_wait3A_150, %dma_wait3A_151] : memref<32x127x80xi32, #tpu.memory_space<hbm>> -> memref<1x7x80xi32, #tpu.memory_space<hbm>>
      %dma_wait3A_153 = tpu.memref_squeeze %dma_wait3A_152 : memref<1x7x80xi32, #tpu.memory_space<hbm>> -> memref<7x80xi32, #tpu.memory_space<hbm>>
      tpu.wait_dma2 semaphore(%run_scoped3A : memref<!tpu.dma_semaphore, #tpu.memory_space<semaphore_mem>>) src(%dma_wait3A_153 : memref<7x80xi32, #tpu.memory_space<hbm>>) dst(%dma_wait3A_149 : memref<7x80xi32, #tpu.memory_space<vmem>>)
      tpu.yield
    }) : () -> ()
    %dma_start3A = arith.constant 0 : i32
    %dma_start3A_36 = arith.constant 0 : i32
    %dma_start3A_37 = tpu.memref_slice %arg4[%dma_start3A, %dma_start3A_36] : memref<8x80xi32, #tpu.memory_space<vmem>> -> memref<1x80xi32, #tpu.memory_space<vmem>>
    %dma_start3A_38 = tpu.memref_squeeze %dma_start3A_37 : memref<1x80xi32, #tpu.memory_space<vmem>> -> memref<80xi32, #tpu.memory_space<vmem>>
    %dma_start3A_39 = arith.constant 0 : i32
    %dma_start3A_40 = tpu.memref_slice %arg7[%dma_start3A_39] : memref<10240xf32, #tpu.memory_space<vmem_shared>> -> memref<10240xf32, #tpu.memory_space<vmem_shared>>
    tpu.enqueue_indirect_dma source(%arg5 : memref<80xf32, #tpu.memory_space<vmem>>) target(%dma_start3A_40 : memref<10240xf32, #tpu.memory_space<vmem_shared>>) offsets(%dma_start3A_38 : memref<80xi32, #tpu.memory_space<vmem>>) semaphore(%arg8 : memref<!tpu.dma_semaphore, #tpu.memory_space<semaphore_mem>>) {add = true}
    %dma_start3A_41 = arith.constant 1 : i32
    %dma_start3A_42 = arith.constant 0 : i32
    %dma_start3A_43 = tpu.memref_slice %arg4[%dma_start3A_41, %dma_start3A_42] : memref<8x80xi32, #tpu.memory_space<vmem>> -> memref<1x80xi32, #tpu.memory_space<vmem>>
    %dma_start3A_44 = tpu.memref_squeeze %dma_start3A_43 : memref<1x80xi32, #tpu.memory_space<vmem>> -> memref<80xi32, #tpu.memory_space<vmem>>
    %dma_start3A_45 = arith.constant 0 : i32
    %dma_start3A_46 = tpu.memref_slice %arg7[%dma_start3A_45] : memref<10240xf32, #tpu.memory_space<vmem_shared>> -> memref<10240xf32, #tpu.memory_space<vmem_shared>>
    tpu.enqueue_indirect_dma source(%arg5 : memref<80xf32, #tpu.memory_space<vmem>>) target(%dma_start3A_46 : memref<10240xf32, #tpu.memory_space<vmem_shared>>) offsets(%dma_start3A_44 : memref<80xi32, #tpu.memory_space<vmem>>) semaphore(%arg9 : memref<!tpu.dma_semaphore, #tpu.memory_space<semaphore_mem>>) {add = true}
    %dma_start3A_47 = arith.constant 2 : i32
    %dma_start3A_48 = arith.constant 0 : i32
    %dma_start3A_49 = tpu.memref_slice %arg4[%dma_start3A_47, %dma_start3A_48] : memref<8x80xi32, #tpu.memory_space<vmem>> -> memref<1x80xi32, #tpu.memory_space<vmem>>
    %dma_start3A_50 = tpu.memref_squeeze %dma_start3A_49 : memref<1x80xi32, #tpu.memory_space<vmem>> -> memref<80xi32, #tpu.memory_space<vmem>>
    %dma_start3A_51 = arith.constant 0 : i32
    %dma_start3A_52 = tpu.memref_slice %arg7[%dma_start3A_51] : memref<10240xf32, #tpu.memory_space<vmem_shared>> -> memref<10240xf32, #tpu.memory_space<vmem_shared>>
    tpu.enqueue_indirect_dma source(%arg5 : memref<80xf32, #tpu.memory_space<vmem>>) target(%dma_start3A_52 : memref<10240xf32, #tpu.memory_space<vmem_shared>>) offsets(%dma_start3A_50 : memref<80xi32, #tpu.memory_space<vmem>>) semaphore(%arg10 : memref<!tpu.dma_semaphore, #tpu.memory_space<semaphore_mem>>) {add = true}
    %dma_start3A_53 = arith.constant 3 : i32
    %dma_start3A_54 = arith.constant 0 : i32
    %dma_start3A_55 = tpu.memref_slice %arg4[%dma_start3A_53, %dma_start3A_54] : memref<8x80xi32, #tpu.memory_space<vmem>> -> memref<1x80xi32, #tpu.memory_space<vmem>>
    %dma_start3A_56 = tpu.memref_squeeze %dma_start3A_55 : memref<1x80xi32, #tpu.memory_space<vmem>> -> memref<80xi32, #tpu.memory_space<vmem>>
    %dma_start3A_57 = arith.constant 0 : i32
    %dma_start3A_58 = tpu.memref_slice %arg7[%dma_start3A_57] : memref<10240xf32, #tpu.memory_space<vmem_shared>> -> memref<10240xf32, #tpu.memory_space<vmem_shared>>
    tpu.enqueue_indirect_dma source(%arg5 : memref<80xf32, #tpu.memory_space<vmem>>) target(%dma_start3A_58 : memref<10240xf32, #tpu.memory_space<vmem_shared>>) offsets(%dma_start3A_56 : memref<80xi32, #tpu.memory_space<vmem>>) semaphore(%arg11 : memref<!tpu.dma_semaphore, #tpu.memory_space<semaphore_mem>>) {add = true}
    %dma_start3A_59 = arith.constant 4 : i32
    %dma_start3A_60 = arith.constant 0 : i32
    %dma_start3A_61 = tpu.memref_slice %arg4[%dma_start3A_59, %dma_start3A_60] : memref<8x80xi32, #tpu.memory_space<vmem>> -> memref<1x80xi32, #tpu.memory_space<vmem>>
    %dma_start3A_62 = tpu.memref_squeeze %dma_start3A_61 : memref<1x80xi32, #tpu.memory_space<vmem>> -> memref<80xi32, #tpu.memory_space<vmem>>
    %dma_start3A_63 = arith.constant 0 : i32
    %dma_start3A_64 = tpu.memref_slice %arg7[%dma_start3A_63] : memref<10240xf32, #tpu.memory_space<vmem_shared>> -> memref<10240xf32, #tpu.memory_space<vmem_shared>>
    tpu.enqueue_indirect_dma source(%arg5 : memref<80xf32, #tpu.memory_space<vmem>>) target(%dma_start3A_64 : memref<10240xf32, #tpu.memory_space<vmem_shared>>) offsets(%dma_start3A_62 : memref<80xi32, #tpu.memory_space<vmem>>) semaphore(%arg12 : memref<!tpu.dma_semaphore, #tpu.memory_space<semaphore_mem>>) {add = true}
    %dma_start3A_65 = arith.constant 5 : i32
    %dma_start3A_66 = arith.constant 0 : i32
    %dma_start3A_67 = tpu.memref_slice %arg4[%dma_start3A_65, %dma_start3A_66] : memref<8x80xi32, #tpu.memory_space<vmem>> -> memref<1x80xi32, #tpu.memory_space<vmem>>
    %dma_start3A_68 = tpu.memref_squeeze %dma_start3A_67 : memref<1x80xi32, #tpu.memory_space<vmem>> -> memref<80xi32, #tpu.memory_space<vmem>>
    %dma_start3A_69 = arith.constant 0 : i32
    %dma_start3A_70 = tpu.memref_slice %arg7[%dma_start3A_69] : memref<10240xf32, #tpu.memory_space<vmem_shared>> -> memref<10240xf32, #tpu.memory_space<vmem_shared>>
    tpu.enqueue_indirect_dma source(%arg5 : memref<80xf32, #tpu.memory_space<vmem>>) target(%dma_start3A_70 : memref<10240xf32, #tpu.memory_space<vmem_shared>>) offsets(%dma_start3A_68 : memref<80xi32, #tpu.memory_space<vmem>>) semaphore(%arg13 : memref<!tpu.dma_semaphore, #tpu.memory_space<semaphore_mem>>) {add = true}
    %dma_start3A_71 = arith.constant 6 : i32
    %dma_start3A_72 = arith.constant 0 : i32
    %dma_start3A_73 = tpu.memref_slice %arg4[%dma_start3A_71, %dma_start3A_72] : memref<8x80xi32, #tpu.memory_space<vmem>> -> memref<1x80xi32, #tpu.memory_space<vmem>>
    %dma_start3A_74 = tpu.memref_squeeze %dma_start3A_73 : memref<1x80xi32, #tpu.memory_space<vmem>> -> memref<80xi32, #tpu.memory_space<vmem>>
    %dma_start3A_75 = arith.constant 0 : i32
    %dma_start3A_76 = tpu.memref_slice %arg7[%dma_start3A_75] : memref<10240xf32, #tpu.memory_space<vmem_shared>> -> memref<10240xf32, #tpu.memory_space<vmem_shared>>
    tpu.enqueue_indirect_dma source(%arg5 : memref<80xf32, #tpu.memory_space<vmem>>) target(%dma_start3A_76 : memref<10240xf32, #tpu.memory_space<vmem_shared>>) offsets(%dma_start3A_74 : memref<80xi32, #tpu.memory_space<vmem>>) semaphore(%arg14 : memref<!tpu.dma_semaphore, #tpu.memory_space<semaphore_mem>>) {add = true}
    %dma_wait3A = arith.constant 0 : i32
    %dma_wait3A_77 = arith.constant 0 : i32
    %dma_wait3A_78 = tpu.memref_slice %arg4[%dma_wait3A, %dma_wait3A_77] : memref<8x80xi32, #tpu.memory_space<vmem>> -> memref<1x80xi32, #tpu.memory_space<vmem>>
    %dma_wait3A_79 = tpu.memref_squeeze %dma_wait3A_78 : memref<1x80xi32, #tpu.memory_space<vmem>> -> memref<80xi32, #tpu.memory_space<vmem>>
    %dma_wait3A_80 = arith.constant 0 : i32
    %dma_wait3A_81 = tpu.memref_slice %arg7[%dma_wait3A_80] : memref<10240xf32, #tpu.memory_space<vmem_shared>> -> memref<10240xf32, #tpu.memory_space<vmem_shared>>
    tpu.wait_indirect_dma semaphore(%arg8 : memref<!tpu.dma_semaphore, #tpu.memory_space<semaphore_mem>>) src(%arg5 : memref<80xf32, #tpu.memory_space<vmem>>) dst(%dma_wait3A_81 : memref<10240xf32, #tpu.memory_space<vmem_shared>>)
    %dma_wait3A_82 = arith.constant 1 : i32
    %dma_wait3A_83 = arith.constant 0 : i32
    %dma_wait3A_84 = tpu.memref_slice %arg4[%dma_wait3A_82, %dma_wait3A_83] : memref<8x80xi32, #tpu.memory_space<vmem>> -> memref<1x80xi32, #tpu.memory_space<vmem>>
    %dma_wait3A_85 = tpu.memref_squeeze %dma_wait3A_84 : memref<1x80xi32, #tpu.memory_space<vmem>> -> memref<80xi32, #tpu.memory_space<vmem>>
    %dma_wait3A_86 = arith.constant 0 : i32
    %dma_wait3A_87 = tpu.memref_slice %arg7[%dma_wait3A_86] : memref<10240xf32, #tpu.memory_space<vmem_shared>> -> memref<10240xf32, #tpu.memory_space<vmem_shared>>
    tpu.wait_indirect_dma semaphore(%arg9 : memref<!tpu.dma_semaphore, #tpu.memory_space<semaphore_mem>>) src(%arg5 : memref<80xf32, #tpu.memory_space<vmem>>) dst(%dma_wait3A_87 : memref<10240xf32, #tpu.memory_space<vmem_shared>>)
    %dma_wait3A_88 = arith.constant 2 : i32
    %dma_wait3A_89 = arith.constant 0 : i32
    %dma_wait3A_90 = tpu.memref_slice %arg4[%dma_wait3A_88, %dma_wait3A_89] : memref<8x80xi32, #tpu.memory_space<vmem>> -> memref<1x80xi32, #tpu.memory_space<vmem>>
    %dma_wait3A_91 = tpu.memref_squeeze %dma_wait3A_90 : memref<1x80xi32, #tpu.memory_space<vmem>> -> memref<80xi32, #tpu.memory_space<vmem>>
    %dma_wait3A_92 = arith.constant 0 : i32
    %dma_wait3A_93 = tpu.memref_slice %arg7[%dma_wait3A_92] : memref<10240xf32, #tpu.memory_space<vmem_shared>> -> memref<10240xf32, #tpu.memory_space<vmem_shared>>
    tpu.wait_indirect_dma semaphore(%arg10 : memref<!tpu.dma_semaphore, #tpu.memory_space<semaphore_mem>>) src(%arg5 : memref<80xf32, #tpu.memory_space<vmem>>) dst(%dma_wait3A_93 : memref<10240xf32, #tpu.memory_space<vmem_shared>>)
    %dma_wait3A_94 = arith.constant 3 : i32
    %dma_wait3A_95 = arith.constant 0 : i32
    %dma_wait3A_96 = tpu.memref_slice %arg4[%dma_wait3A_94, %dma_wait3A_95] : memref<8x80xi32, #tpu.memory_space<vmem>> -> memref<1x80xi32, #tpu.memory_space<vmem>>
    %dma_wait3A_97 = tpu.memref_squeeze %dma_wait3A_96 : memref<1x80xi32, #tpu.memory_space<vmem>> -> memref<80xi32, #tpu.memory_space<vmem>>
    %dma_wait3A_98 = arith.constant 0 : i32
    %dma_wait3A_99 = tpu.memref_slice %arg7[%dma_wait3A_98] : memref<10240xf32, #tpu.memory_space<vmem_shared>> -> memref<10240xf32, #tpu.memory_space<vmem_shared>>
    tpu.wait_indirect_dma semaphore(%arg11 : memref<!tpu.dma_semaphore, #tpu.memory_space<semaphore_mem>>) src(%arg5 : memref<80xf32, #tpu.memory_space<vmem>>) dst(%dma_wait3A_99 : memref<10240xf32, #tpu.memory_space<vmem_shared>>)
    %dma_wait3A_100 = arith.constant 4 : i32
    %dma_wait3A_101 = arith.constant 0 : i32
    %dma_wait3A_102 = tpu.memref_slice %arg4[%dma_wait3A_100, %dma_wait3A_101] : memref<8x80xi32, #tpu.memory_space<vmem>> -> memref<1x80xi32, #tpu.memory_space<vmem>>
    %dma_wait3A_103 = tpu.memref_squeeze %dma_wait3A_102 : memref<1x80xi32, #tpu.memory_space<vmem>> -> memref<80xi32, #tpu.memory_space<vmem>>
    %dma_wait3A_104 = arith.constant 0 : i32
    %dma_wait3A_105 = tpu.memref_slice %arg7[%dma_wait3A_104] : memref<10240xf32, #tpu.memory_space<vmem_shared>> -> memref<10240xf32, #tpu.memory_space<vmem_shared>>
    tpu.wait_indirect_dma semaphore(%arg12 : memref<!tpu.dma_semaphore, #tpu.memory_space<semaphore_mem>>) src(%arg5 : memref<80xf32, #tpu.memory_space<vmem>>) dst(%dma_wait3A_105 : memref<10240xf32, #tpu.memory_space<vmem_shared>>)
    %dma_wait3A_106 = arith.constant 5 : i32
    %dma_wait3A_107 = arith.constant 0 : i32
    %dma_wait3A_108 = tpu.memref_slice %arg4[%dma_wait3A_106, %dma_wait3A_107] : memref<8x80xi32, #tpu.memory_space<vmem>> -> memref<1x80xi32, #tpu.memory_space<vmem>>
    %dma_wait3A_109 = tpu.memref_squeeze %dma_wait3A_108 : memref<1x80xi32, #tpu.memory_space<vmem>> -> memref<80xi32, #tpu.memory_space<vmem>>
    %dma_wait3A_110 = arith.constant 0 : i32
    %dma_wait3A_111 = tpu.memref_slice %arg7[%dma_wait3A_110] : memref<10240xf32, #tpu.memory_space<vmem_shared>> -> memref<10240xf32, #tpu.memory_space<vmem_shared>>
    tpu.wait_indirect_dma semaphore(%arg13 : memref<!tpu.dma_semaphore, #tpu.memory_space<semaphore_mem>>) src(%arg5 : memref<80xf32, #tpu.memory_space<vmem>>) dst(%dma_wait3A_111 : memref<10240xf32, #tpu.memory_space<vmem_shared>>)
    %dma_wait3A_112 = arith.constant 6 : i32
    %dma_wait3A_113 = arith.constant 0 : i32
    %dma_wait3A_114 = tpu.memref_slice %arg4[%dma_wait3A_112, %dma_wait3A_113] : memref<8x80xi32, #tpu.memory_space<vmem>> -> memref<1x80xi32, #tpu.memory_space<vmem>>
    %dma_wait3A_115 = tpu.memref_squeeze %dma_wait3A_114 : memref<1x80xi32, #tpu.memory_space<vmem>> -> memref<80xi32, #tpu.memory_space<vmem>>
    %dma_wait3A_116 = arith.constant 0 : i32
    %dma_wait3A_117 = tpu.memref_slice %arg7[%dma_wait3A_116] : memref<10240xf32, #tpu.memory_space<vmem_shared>> -> memref<10240xf32, #tpu.memory_space<vmem_shared>>
    tpu.wait_indirect_dma semaphore(%arg14 : memref<!tpu.dma_semaphore, #tpu.memory_space<semaphore_mem>>) src(%arg5 : memref<80xf32, #tpu.memory_space<vmem>>) dst(%dma_wait3A_117 : memref<10240xf32, #tpu.memory_space<vmem_shared>>)
    %barrier3A_118 = arith.constant 0 : index
    tpu.barrier barrier_id(%barrier3A_118)
    %mul3A_119 = arith.constant 640 : i32
    %mul3A_120 = arith.muli %arg1, %mul3A_119 : i32
    %mul3A_121 = arith.constant 10240 : i32
    %mul3A_122 = arith.muli %arg0, %mul3A_121 : i32
    %mul3A_123 = arith.constant 640 : i32
    %mul3A_124 = arith.muli %arg1, %mul3A_123 : i32
    %add3A_125 = arith.addi %mul3A_122, %mul3A_124 : i32
    "tpu.region"() ({
      %run_scoped3A = tpu.sem_alloc : memref<!tpu.dma_semaphore, #tpu.memory_space<semaphore_mem>>
      %dma_start3A_126 = tpu.memref_slice %arg3[%add3A_125] : memref<20480xf32, #tpu.memory_space<hbm>> -> memref<640xf32, #tpu.memory_space<hbm>>
      %dma_start3A_127 = tpu.memref_slice %arg7[%mul3A_120] : memref<10240xf32, #tpu.memory_space<vmem_shared>> -> memref<640xf32, #tpu.memory_space<vmem_shared>>
      tpu.enqueue_dma source(%dma_start3A_127 : memref<640xf32, #tpu.memory_space<vmem_shared>>) target(%dma_start3A_126 : memref<640xf32, #tpu.memory_space<hbm>>) target_semaphore(%run_scoped3A : memref<!tpu.dma_semaphore, #tpu.memory_space<semaphore_mem>>)
      %dma_wait3A_128 = tpu.memref_slice %arg3[%add3A_125] : memref<20480xf32, #tpu.memory_space<hbm>> -> memref<640xf32, #tpu.memory_space<hbm>>
      %dma_wait3A_129 = tpu.memref_slice %arg7[%mul3A_120] : memref<10240xf32, #tpu.memory_space<vmem_shared>> -> memref<640xf32, #tpu.memory_space<vmem_shared>>
      tpu.wait_dma2 semaphore(%run_scoped3A : memref<!tpu.dma_semaphore, #tpu.memory_space<semaphore_mem>>) src(%dma_wait3A_129 : memref<640xf32, #tpu.memory_space<vmem_shared>>) dst(%dma_wait3A_128 : memref<640xf32, #tpu.memory_space<hbm>>)
      tpu.yield
    }) : () -> ()
    return
  }
}

#map = affine_map<(d0, d1) -> (0, 0)>
#map1 = affine_map<(d0, d1) -> (0, 0, 0)>
module attributes {stable_mosaic.version = 14 : i64} {
  func.func @_agg_kernel(%arg0: i32, %arg1: i32, %arg2: memref<10000x128xf32, #tpu.memory_space<hbm>>, %arg3: memref<32x10160xi32, #tpu.memory_space<hbm>>, %arg4: memref<2x10112x128xf32, #tpu.memory_space<hbm>>, %arg5: memref<10160xi32, #tpu.memory_space<vmem>>, %arg6: memref<240xi32, #tpu.memory_space<vmem>>, %arg7: memref<240xi32, #tpu.memory_space<vmem>>, %arg8: memref<3x80x128xf32, #tpu.memory_space<vmem>>, %arg9: memref<10112x128xf32, #tpu.memory_space<vmem_shared>>, %arg10: memref<!tpu.dma_semaphore, #tpu.memory_space<semaphore_mem>>, %arg11: memref<!tpu.dma_semaphore, #tpu.memory_space<semaphore_mem>>, %arg12: memref<!tpu.dma_semaphore, #tpu.memory_space<semaphore_mem>>, %arg13: memref<!tpu.dma_semaphore, #tpu.memory_space<semaphore_mem>>, %arg14: memref<!tpu.dma_semaphore, #tpu.memory_space<semaphore_mem>>, %arg15: memref<!tpu.dma_semaphore, #tpu.memory_space<semaphore_mem>>) attributes {dimension_semantics = [#tpu.dimension_semantics<core_parallel>, #tpu.dimension_semantics<subcore_parallel>], iteration_bounds = array<i64: 2, 16>, scalar_prefetch = 0 : i64, scratch_operands = 11 : i64, tpu.core_type = #tpu.core_type<sc_vector_subcore>, window_params = [{transform_indices = #map}, {transform_indices = #map}, {transform_indices = #map1}]} {
    %mul3A = arith.constant 16 : i32
    %mul3A_0 = arith.muli %arg0, %mul3A : i32
    %add3A = arith.addi %mul3A_0, %arg1 : i32
    %broadcast_in_dim3A = arith.constant 0.000000e+00 : f32
    %broadcast_in_dim3A_1 = vector.broadcast %broadcast_in_dim3A : f32 to vector<16xf32>
    "tpu.region"() ({
      %run_scoped3A_337 = tpu.sem_alloc : memref<!tpu.dma_semaphore, #tpu.memory_space<semaphore_mem>>
      %dma_start3A_338 = arith.constant 0 : i32
      %dma_start3A_339 = tpu.memref_slice %arg3[%add3A, %dma_start3A_338] : memref<32x10160xi32, #tpu.memory_space<hbm>> -> memref<1x10160xi32, #tpu.memory_space<hbm>>
      %dma_start3A_340 = tpu.memref_squeeze %dma_start3A_339 : memref<1x10160xi32, #tpu.memory_space<hbm>> -> memref<10160xi32, #tpu.memory_space<hbm>>
      %dma_start3A_341 = arith.constant 0 : i32
      %dma_start3A_342 = tpu.memref_slice %arg3[%add3A, %dma_start3A_341] : memref<32x10160xi32, #tpu.memory_space<hbm>> -> memref<1x10160xi32, #tpu.memory_space<hbm>>
      %dma_start3A_343 = tpu.memref_squeeze %dma_start3A_342 : memref<1x10160xi32, #tpu.memory_space<hbm>> -> memref<10160xi32, #tpu.memory_space<hbm>>
      tpu.enqueue_dma source(%dma_start3A_343 : memref<10160xi32, #tpu.memory_space<hbm>>) target(%arg5 : memref<10160xi32, #tpu.memory_space<vmem>>) target_semaphore(%run_scoped3A_337 : memref<!tpu.dma_semaphore, #tpu.memory_space<semaphore_mem>>)
      %dma_wait3A = arith.constant 0 : i32
      %dma_wait3A_344 = tpu.memref_slice %arg3[%add3A, %dma_wait3A] : memref<32x10160xi32, #tpu.memory_space<hbm>> -> memref<1x10160xi32, #tpu.memory_space<hbm>>
      %dma_wait3A_345 = tpu.memref_squeeze %dma_wait3A_344 : memref<1x10160xi32, #tpu.memory_space<hbm>> -> memref<10160xi32, #tpu.memory_space<hbm>>
      %dma_wait3A_346 = arith.constant 0 : i32
      %dma_wait3A_347 = tpu.memref_slice %arg3[%add3A, %dma_wait3A_346] : memref<32x10160xi32, #tpu.memory_space<hbm>> -> memref<1x10160xi32, #tpu.memory_space<hbm>>
      %dma_wait3A_348 = tpu.memref_squeeze %dma_wait3A_347 : memref<1x10160xi32, #tpu.memory_space<hbm>> -> memref<10160xi32, #tpu.memory_space<hbm>>
      tpu.wait_dma2 semaphore(%run_scoped3A_337 : memref<!tpu.dma_semaphore, #tpu.memory_space<semaphore_mem>>) src(%dma_wait3A_348 : memref<10160xi32, #tpu.memory_space<hbm>>) dst(%arg5 : memref<10160xi32, #tpu.memory_space<vmem>>)
      tpu.yield
    }) : () -> ()
    %scan3A = arith.constant 0 : i32
    %scan3A_2 = arith.constant 0 : i32
    %scan3A_3 = arith.constant 80 : i32
    %scan3A_4 = arith.addi %scan3A_2, %scan3A_3 : i32
    %scan3A_5 = arith.constant 1 : i32
    scf.for %scan3A_337 = %scan3A_2 to %scan3A_4 step %scan3A_5  : i32 {
      %swap3A_338 = arith.constant 0 : i32
      %swap3A_339 = arith.index_cast %swap3A_338 : i32 to index
      %swap3A_340 = arith.index_cast %scan3A_337 : i32 to index
      %swap3A_341 = arith.constant 0 : index
      %swap3A_342 = tpu.vector_load %arg8[%swap3A_339, %swap3A_340, %swap3A_341] {strides = array<i32>} : memref<3x80x128xf32, #tpu.memory_space<vmem>>, vector<1x1x16xf32>,
      %swap3A_343 = vector.shape_cast %swap3A_342 : vector<1x1x16xf32> to vector<16xf32>
      %swap3A_344 = vector.shape_cast %broadcast_in_dim3A_1 : vector<16xf32> to vector<1x1x16xf32>
      tpu.vector_store %arg8[%swap3A_339, %swap3A_340, %swap3A_341], %swap3A_344 {strides = array<i32>} : memref<3x80x128xf32, #tpu.memory_space<vmem>>, vector<1x1x16xf32>,
      %swap3A_345 = arith.constant 0 : i32
      %swap3A_346 = arith.index_cast %swap3A_345 : i32 to index
      %swap3A_347 = arith.index_cast %scan3A_337 : i32 to index
      %swap3A_348 = arith.constant 16 : index
      %swap3A_349 = tpu.vector_load %arg8[%swap3A_346, %swap3A_347, %swap3A_348] {strides = array<i32>} : memref<3x80x128xf32, #tpu.memory_space<vmem>>, vector<1x1x16xf32>,
      %swap3A_350 = vector.shape_cast %swap3A_349 : vector<1x1x16xf32> to vector<16xf32>
      %swap3A_351 = vector.shape_cast %broadcast_in_dim3A_1 : vector<16xf32> to vector<1x1x16xf32>
      tpu.vector_store %arg8[%swap3A_346, %swap3A_347, %swap3A_348], %swap3A_351 {strides = array<i32>} : memref<3x80x128xf32, #tpu.memory_space<vmem>>, vector<1x1x16xf32>,
      %swap3A_352 = arith.constant 0 : i32
      %swap3A_353 = arith.index_cast %swap3A_352 : i32 to index
      %swap3A_354 = arith.index_cast %scan3A_337 : i32 to index
      %swap3A_355 = arith.constant 32 : index
      %swap3A_356 = tpu.vector_load %arg8[%swap3A_353, %swap3A_354, %swap3A_355] {strides = array<i32>} : memref<3x80x128xf32, #tpu.memory_space<vmem>>, vector<1x1x16xf32>,
      %swap3A_357 = vector.shape_cast %swap3A_356 : vector<1x1x16xf32> to vector<16xf32>
      %swap3A_358 = vector.shape_cast %broadcast_in_dim3A_1 : vector<16xf32> to vector<1x1x16xf32>
      tpu.vector_store %arg8[%swap3A_353, %swap3A_354, %swap3A_355], %swap3A_358 {strides = array<i32>} : memref<3x80x128xf32, #tpu.memory_space<vmem>>, vector<1x1x16xf32>,
      %swap3A_359 = arith.constant 0 : i32
      %swap3A_360 = arith.index_cast %swap3A_359 : i32 to index
      %swap3A_361 = arith.index_cast %scan3A_337 : i32 to index
      %swap3A_362 = arith.constant 48 : index
      %swap3A_363 = tpu.vector_load %arg8[%swap3A_360, %swap3A_361, %swap3A_362] {strides = array<i32>} : memref<3x80x128xf32, #tpu.memory_space<vmem>>, vector<1x1x16xf32>,
      %swap3A_364 = vector.shape_cast %swap3A_363 : vector<1x1x16xf32> to vector<16xf32>
      %swap3A_365 = vector.shape_cast %broadcast_in_dim3A_1 : vector<16xf32> to vector<1x1x16xf32>
      tpu.vector_store %arg8[%swap3A_360, %swap3A_361, %swap3A_362], %swap3A_365 {strides = array<i32>} : memref<3x80x128xf32, #tpu.memory_space<vmem>>, vector<1x1x16xf32>,
      %swap3A_366 = arith.constant 0 : i32
      %swap3A_367 = arith.index_cast %swap3A_366 : i32 to index
      %swap3A_368 = arith.index_cast %scan3A_337 : i32 to index
      %swap3A_369 = arith.constant 64 : index
      %swap3A_370 = tpu.vector_load %arg8[%swap3A_367, %swap3A_368, %swap3A_369] {strides = array<i32>} : memref<3x80x128xf32, #tpu.memory_space<vmem>>, vector<1x1x16xf32>,
      %swap3A_371 = vector.shape_cast %swap3A_370 : vector<1x1x16xf32> to vector<16xf32>
      %swap3A_372 = vector.shape_cast %broadcast_in_dim3A_1 : vector<16xf32> to vector<1x1x16xf32>
      tpu.vector_store %arg8[%swap3A_367, %swap3A_368, %swap3A_369], %swap3A_372 {strides = array<i32>} : memref<3x80x128xf32, #tpu.memory_space<vmem>>, vector<1x1x16xf32>,
      %swap3A_373 = arith.constant 0 : i32
      %swap3A_374 = arith.index_cast %swap3A_373 : i32 to index
      %swap3A_375 = arith.index_cast %scan3A_337 : i32 to index
      %swap3A_376 = arith.constant 80 : index
      %swap3A_377 = tpu.vector_load %arg8[%swap3A_374, %swap3A_375, %swap3A_376] {strides = array<i32>} : memref<3x80x128xf32, #tpu.memory_space<vmem>>, vector<1x1x16xf32>,
      %swap3A_378 = vector.shape_cast %swap3A_377 : vector<1x1x16xf32> to vector<16xf32>
      %swap3A_379 = vector.shape_cast %broadcast_in_dim3A_1 : vector<16xf32> to vector<1x1x16xf32>
      tpu.vector_store %arg8[%swap3A_374, %swap3A_375, %swap3A_376], %swap3A_379 {strides = array<i32>} : memref<3x80x128xf32, #tpu.memory_space<vmem>>, vector<1x1x16xf32>,
      %swap3A_380 = arith.constant 0 : i32
      %swap3A_381 = arith.index_cast %swap3A_380 : i32 to index
      %swap3A_382 = arith.index_cast %scan3A_337 : i32 to index
      %swap3A_383 = arith.constant 96 : index
      %swap3A_384 = tpu.vector_load %arg8[%swap3A_381, %swap3A_382, %swap3A_383] {strides = array<i32>} : memref<3x80x128xf32, #tpu.memory_space<vmem>>, vector<1x1x16xf32>,
      %swap3A_385 = vector.shape_cast %swap3A_384 : vector<1x1x16xf32> to vector<16xf32>
      %swap3A_386 = vector.shape_cast %broadcast_in_dim3A_1 : vector<16xf32> to vector<1x1x16xf32>
      tpu.vector_store %arg8[%swap3A_381, %swap3A_382, %swap3A_383], %swap3A_386 {strides = array<i32>} : memref<3x80x128xf32, #tpu.memory_space<vmem>>, vector<1x1x16xf32>,
      %swap3A_387 = arith.constant 0 : i32
      %swap3A_388 = arith.index_cast %swap3A_387 : i32 to index
      %swap3A_389 = arith.index_cast %scan3A_337 : i32 to index
      %swap3A_390 = arith.constant 112 : index
      %swap3A_391 = tpu.vector_load %arg8[%swap3A_388, %swap3A_389, %swap3A_390] {strides = array<i32>} : memref<3x80x128xf32, #tpu.memory_space<vmem>>, vector<1x1x16xf32>,
      %swap3A_392 = vector.shape_cast %swap3A_391 : vector<1x1x16xf32> to vector<16xf32>
      %swap3A_393 = vector.shape_cast %broadcast_in_dim3A_1 : vector<16xf32> to vector<1x1x16xf32>
      tpu.vector_store %arg8[%swap3A_388, %swap3A_389, %swap3A_390], %swap3A_393 {strides = array<i32>} : memref<3x80x128xf32, #tpu.memory_space<vmem>>, vector<1x1x16xf32>,
    }
    %scan3A_6 = arith.constant 80 : i32
    %mul3A_7 = arith.constant 632 : i32
    %mul3A_8 = arith.muli %arg1, %mul3A_7 : i32
    %add3A_9 = arith.constant 0 : i32
    %add3A_10 = arith.addi %mul3A_8, %add3A_9 : i32
    %run_scoped3A = arith.constant 0 : i32
    "tpu.region"() ({
      %run_scoped3A_337 = tpu.sem_alloc : memref<!tpu.dma_semaphore, #tpu.memory_space<semaphore_mem>>
      %dma_start3A_338 = arith.constant 0 : i32
      %dma_start3A_339 = arith.constant 0 : i32
      %dma_start3A_340 = tpu.memref_slice %arg8[%run_scoped3A, %dma_start3A_338, %dma_start3A_339] : memref<3x80x128xf32, #tpu.memory_space<vmem>> -> memref<1x80x128xf32, #tpu.memory_space<vmem>>
      %dma_start3A_341 = tpu.memref_squeeze %dma_start3A_340 : memref<1x80x128xf32, #tpu.memory_space<vmem>> -> memref<80x128xf32, #tpu.memory_space<vmem>>
      %dma_start3A_342 = arith.constant 0 : i32
      %dma_start3A_343 = tpu.memref_slice %arg9[%add3A_10, %dma_start3A_342] : memref<10112x128xf32, #tpu.memory_space<vmem_shared>> -> memref<80x128xf32, #tpu.memory_space<vmem_shared>>
      %dma_start3A_344 = arith.constant 0 : i32
      %dma_start3A_345 = tpu.memref_slice %arg9[%add3A_10, %dma_start3A_344] : memref<10112x128xf32, #tpu.memory_space<vmem_shared>> -> memref<80x128xf32, #tpu.memory_space<vmem_shared>>
      %dma_start3A_346 = arith.constant 0 : i32
      %dma_start3A_347 = arith.constant 0 : i32
      %dma_start3A_348 = tpu.memref_slice %arg8[%run_scoped3A, %dma_start3A_346, %dma_start3A_347] : memref<3x80x128xf32, #tpu.memory_space<vmem>> -> memref<1x80x128xf32, #tpu.memory_space<vmem>>
      %dma_start3A_349 = tpu.memref_squeeze %dma_start3A_348 : memref<1x80x128xf32, #tpu.memory_space<vmem>> -> memref<80x128xf32, #tpu.memory_space<vmem>>
      tpu.enqueue_dma source(%dma_start3A_349 : memref<80x128xf32, #tpu.memory_space<vmem>>) target(%dma_start3A_345 : memref<80x128xf32, #tpu.memory_space<vmem_shared>>) target_semaphore(%run_scoped3A_337 : memref<!tpu.dma_semaphore, #tpu.memory_space<semaphore_mem>>)
      %dma_wait3A = arith.constant 0 : i32
      %dma_wait3A_350 = arith.constant 0 : i32
      %dma_wait3A_351 = tpu.memref_slice %arg8[%run_scoped3A, %dma_wait3A, %dma_wait3A_350] : memref<3x80x128xf32, #tpu.memory_space<vmem>> -> memref<1x80x128xf32, #tpu.memory_space<vmem>>
      %dma_wait3A_352 = tpu.memref_squeeze %dma_wait3A_351 : memref<1x80x128xf32, #tpu.memory_space<vmem>> -> memref<80x128xf32, #tpu.memory_space<vmem>>
      %dma_wait3A_353 = arith.constant 0 : i32
      %dma_wait3A_354 = tpu.memref_slice %arg9[%add3A_10, %dma_wait3A_353] : memref<10112x128xf32, #tpu.memory_space<vmem_shared>> -> memref<80x128xf32, #tpu.memory_space<vmem_shared>>
      %dma_wait3A_355 = arith.constant 0 : i32
      %dma_wait3A_356 = tpu.memref_slice %arg9[%add3A_10, %dma_wait3A_355] : memref<10112x128xf32, #tpu.memory_space<vmem_shared>> -> memref<80x128xf32, #tpu.memory_space<vmem_shared>>
      %dma_wait3A_357 = arith.constant 0 : i32
      %dma_wait3A_358 = arith.constant 0 : i32
      %dma_wait3A_359 = tpu.memref_slice %arg8[%run_scoped3A, %dma_wait3A_357, %dma_wait3A_358] : memref<3x80x128xf32, #tpu.memory_space<vmem>> -> memref<1x80x128xf32, #tpu.memory_space<vmem>>
      %dma_wait3A_360 = tpu.memref_squeeze %dma_wait3A_359 : memref<1x80x128xf32, #tpu.memory_space<vmem>> -> memref<80x128xf32, #tpu.memory_space<vmem>>
      tpu.wait_dma2 semaphore(%run_scoped3A_337 : memref<!tpu.dma_semaphore, #tpu.memory_space<semaphore_mem>>) src(%dma_wait3A_360 : memref<80x128xf32, #tpu.memory_space<vmem>>) dst(%dma_wait3A_356 : memref<80x128xf32, #tpu.memory_space<vmem_shared>>)
      tpu.yield
    }) : () -> ()
    %mul3A_11 = arith.constant 632 : i32
    %mul3A_12 = arith.muli %arg1, %mul3A_11 : i32
    %add3A_13 = arith.constant 80 : i32
    %add3A_14 = arith.addi %mul3A_12, %add3A_13 : i32
    %run_scoped3A_15 = arith.constant 0 : i32
    "tpu.region"() ({
      %run_scoped3A_337 = tpu.sem_alloc : memref<!tpu.dma_semaphore, #tpu.memory_space<semaphore_mem>>
      %dma_start3A_338 = arith.constant 0 : i32
      %dma_start3A_339 = arith.constant 0 : i32
      %dma_start3A_340 = tpu.memref_slice %arg8[%run_scoped3A_15, %dma_start3A_338, %dma_start3A_339] : memref<3x80x128xf32, #tpu.memory_space<vmem>> -> memref<1x80x128xf32, #tpu.memory_space<vmem>>
      %dma_start3A_341 = tpu.memref_squeeze %dma_start3A_340 : memref<1x80x128xf32, #tpu.memory_space<vmem>> -> memref<80x128xf32, #tpu.memory_space<vmem>>
      %dma_start3A_342 = arith.constant 0 : i32
      %dma_start3A_343 = tpu.memref_slice %arg9[%add3A_14, %dma_start3A_342] : memref<10112x128xf32, #tpu.memory_space<vmem_shared>> -> memref<80x128xf32, #tpu.memory_space<vmem_shared>>
      %dma_start3A_344 = arith.constant 0 : i32
      %dma_start3A_345 = tpu.memref_slice %arg9[%add3A_14, %dma_start3A_344] : memref<10112x128xf32, #tpu.memory_space<vmem_shared>> -> memref<80x128xf32, #tpu.memory_space<vmem_shared>>
      %dma_start3A_346 = arith.constant 0 : i32
      %dma_start3A_347 = arith.constant 0 : i32
      %dma_start3A_348 = tpu.memref_slice %arg8[%run_scoped3A_15, %dma_start3A_346, %dma_start3A_347] : memref<3x80x128xf32, #tpu.memory_space<vmem>> -> memref<1x80x128xf32, #tpu.memory_space<vmem>>
      %dma_start3A_349 = tpu.memref_squeeze %dma_start3A_348 : memref<1x80x128xf32, #tpu.memory_space<vmem>> -> memref<80x128xf32, #tpu.memory_space<vmem>>
      tpu.enqueue_dma source(%dma_start3A_349 : memref<80x128xf32, #tpu.memory_space<vmem>>) target(%dma_start3A_345 : memref<80x128xf32, #tpu.memory_space<vmem_shared>>) target_semaphore(%run_scoped3A_337 : memref<!tpu.dma_semaphore, #tpu.memory_space<semaphore_mem>>)
      %dma_wait3A = arith.constant 0 : i32
      %dma_wait3A_350 = arith.constant 0 : i32
      %dma_wait3A_351 = tpu.memref_slice %arg8[%run_scoped3A_15, %dma_wait3A, %dma_wait3A_350] : memref<3x80x128xf32, #tpu.memory_space<vmem>> -> memref<1x80x128xf32, #tpu.memory_space<vmem>>
      %dma_wait3A_352 = tpu.memref_squeeze %dma_wait3A_351 : memref<1x80x128xf32, #tpu.memory_space<vmem>> -> memref<80x128xf32, #tpu.memory_space<vmem>>
      %dma_wait3A_353 = arith.constant 0 : i32
      %dma_wait3A_354 = tpu.memref_slice %arg9[%add3A_14, %dma_wait3A_353] : memref<10112x128xf32, #tpu.memory_space<vmem_shared>> -> memref<80x128xf32, #tpu.memory_space<vmem_shared>>
      %dma_wait3A_355 = arith.constant 0 : i32
      %dma_wait3A_356 = tpu.memref_slice %arg9[%add3A_14, %dma_wait3A_355] : memref<10112x128xf32, #tpu.memory_space<vmem_shared>> -> memref<80x128xf32, #tpu.memory_space<vmem_shared>>
      %dma_wait3A_357 = arith.constant 0 : i32
      %dma_wait3A_358 = arith.constant 0 : i32
      %dma_wait3A_359 = tpu.memref_slice %arg8[%run_scoped3A_15, %dma_wait3A_357, %dma_wait3A_358] : memref<3x80x128xf32, #tpu.memory_space<vmem>> -> memref<1x80x128xf32, #tpu.memory_space<vmem>>
      %dma_wait3A_360 = tpu.memref_squeeze %dma_wait3A_359 : memref<1x80x128xf32, #tpu.memory_space<vmem>> -> memref<80x128xf32, #tpu.memory_space<vmem>>
      tpu.wait_dma2 semaphore(%run_scoped3A_337 : memref<!tpu.dma_semaphore, #tpu.memory_space<semaphore_mem>>) src(%dma_wait3A_360 : memref<80x128xf32, #tpu.memory_space<vmem>>) dst(%dma_wait3A_356 : memref<80x128xf32, #tpu.memory_space<vmem_shared>>)
      tpu.yield
    }) : () -> ()
    %mul3A_16 = arith.constant 632 : i32
    %mul3A_17 = arith.muli %arg1, %mul3A_16 : i32
    %add3A_18 = arith.constant 160 : i32
    %add3A_19 = arith.addi %mul3A_17, %add3A_18 : i32
    %run_scoped3A_20 = arith.constant 0 : i32
    "tpu.region"() ({
      %run_scoped3A_337 = tpu.sem_alloc : memref<!tpu.dma_semaphore, #tpu.memory_space<semaphore_mem>>
      %dma_start3A_338 = arith.constant 0 : i32
      %dma_start3A_339 = arith.constant 0 : i32
      %dma_start3A_340 = tpu.memref_slice %arg8[%run_scoped3A_20, %dma_start3A_338, %dma_start3A_339] : memref<3x80x128xf32, #tpu.memory_space<vmem>> -> memref<1x80x128xf32, #tpu.memory_space<vmem>>
      %dma_start3A_341 = tpu.memref_squeeze %dma_start3A_340 : memref<1x80x128xf32, #tpu.memory_space<vmem>> -> memref<80x128xf32, #tpu.memory_space<vmem>>
      %dma_start3A_342 = arith.constant 0 : i32
      %dma_start3A_343 = tpu.memref_slice %arg9[%add3A_19, %dma_start3A_342] : memref<10112x128xf32, #tpu.memory_space<vmem_shared>> -> memref<80x128xf32, #tpu.memory_space<vmem_shared>>
      %dma_start3A_344 = arith.constant 0 : i32
      %dma_start3A_345 = tpu.memref_slice %arg9[%add3A_19, %dma_start3A_344] : memref<10112x128xf32, #tpu.memory_space<vmem_shared>> -> memref<80x128xf32, #tpu.memory_space<vmem_shared>>
      %dma_start3A_346 = arith.constant 0 : i32
      %dma_start3A_347 = arith.constant 0 : i32
      %dma_start3A_348 = tpu.memref_slice %arg8[%run_scoped3A_20, %dma_start3A_346, %dma_start3A_347] : memref<3x80x128xf32, #tpu.memory_space<vmem>> -> memref<1x80x128xf32, #tpu.memory_space<vmem>>
      %dma_start3A_349 = tpu.memref_squeeze %dma_start3A_348 : memref<1x80x128xf32, #tpu.memory_space<vmem>> -> memref<80x128xf32, #tpu.memory_space<vmem>>
      tpu.enqueue_dma source(%dma_start3A_349 : memref<80x128xf32, #tpu.memory_space<vmem>>) target(%dma_start3A_345 : memref<80x128xf32, #tpu.memory_space<vmem_shared>>) target_semaphore(%run_scoped3A_337 : memref<!tpu.dma_semaphore, #tpu.memory_space<semaphore_mem>>)
      %dma_wait3A = arith.constant 0 : i32
      %dma_wait3A_350 = arith.constant 0 : i32
      %dma_wait3A_351 = tpu.memref_slice %arg8[%run_scoped3A_20, %dma_wait3A, %dma_wait3A_350] : memref<3x80x128xf32, #tpu.memory_space<vmem>> -> memref<1x80x128xf32, #tpu.memory_space<vmem>>
      %dma_wait3A_352 = tpu.memref_squeeze %dma_wait3A_351 : memref<1x80x128xf32, #tpu.memory_space<vmem>> -> memref<80x128xf32, #tpu.memory_space<vmem>>
      %dma_wait3A_353 = arith.constant 0 : i32
      %dma_wait3A_354 = tpu.memref_slice %arg9[%add3A_19, %dma_wait3A_353] : memref<10112x128xf32, #tpu.memory_space<vmem_shared>> -> memref<80x128xf32, #tpu.memory_space<vmem_shared>>
      %dma_wait3A_355 = arith.constant 0 : i32
      %dma_wait3A_356 = tpu.memref_slice %arg9[%add3A_19, %dma_wait3A_355] : memref<10112x128xf32, #tpu.memory_space<vmem_shared>> -> memref<80x128xf32, #tpu.memory_space<vmem_shared>>
      %dma_wait3A_357 = arith.constant 0 : i32
      %dma_wait3A_358 = arith.constant 0 : i32
      %dma_wait3A_359 = tpu.memref_slice %arg8[%run_scoped3A_20, %dma_wait3A_357, %dma_wait3A_358] : memref<3x80x128xf32, #tpu.memory_space<vmem>> -> memref<1x80x128xf32, #tpu.memory_space<vmem>>
      %dma_wait3A_360 = tpu.memref_squeeze %dma_wait3A_359 : memref<1x80x128xf32, #tpu.memory_space<vmem>> -> memref<80x128xf32, #tpu.memory_space<vmem>>
      tpu.wait_dma2 semaphore(%run_scoped3A_337 : memref<!tpu.dma_semaphore, #tpu.memory_space<semaphore_mem>>) src(%dma_wait3A_360 : memref<80x128xf32, #tpu.memory_space<vmem>>) dst(%dma_wait3A_356 : memref<80x128xf32, #tpu.memory_space<vmem_shared>>)
      tpu.yield
    }) : () -> ()
    %mul3A_21 = arith.constant 632 : i32
    %mul3A_22 = arith.muli %arg1, %mul3A_21 : i32
    %add3A_23 = arith.constant 240 : i32
    %add3A_24 = arith.addi %mul3A_22, %add3A_23 : i32
    %run_scoped3A_25 = arith.constant 0 : i32
    "tpu.region"() ({
      %run_scoped3A_337 = tpu.sem_alloc : memref<!tpu.dma_semaphore, #tpu.memory_space<semaphore_mem>>
      %dma_start3A_338 = arith.constant 0 : i32
      %dma_start3A_339 = arith.constant 0 : i32
      %dma_start3A_340 = tpu.memref_slice %arg8[%run_scoped3A_25, %dma_start3A_338, %dma_start3A_339] : memref<3x80x128xf32, #tpu.memory_space<vmem>> -> memref<1x80x128xf32, #tpu.memory_space<vmem>>
      %dma_start3A_341 = tpu.memref_squeeze %dma_start3A_340 : memref<1x80x128xf32, #tpu.memory_space<vmem>> -> memref<80x128xf32, #tpu.memory_space<vmem>>
      %dma_start3A_342 = arith.constant 0 : i32
      %dma_start3A_343 = tpu.memref_slice %arg9[%add3A_24, %dma_start3A_342] : memref<10112x128xf32, #tpu.memory_space<vmem_shared>> -> memref<80x128xf32, #tpu.memory_space<vmem_shared>>
      %dma_start3A_344 = arith.constant 0 : i32
      %dma_start3A_345 = tpu.memref_slice %arg9[%add3A_24, %dma_start3A_344] : memref<10112x128xf32, #tpu.memory_space<vmem_shared>> -> memref<80x128xf32, #tpu.memory_space<vmem_shared>>
      %dma_start3A_346 = arith.constant 0 : i32
      %dma_start3A_347 = arith.constant 0 : i32
      %dma_start3A_348 = tpu.memref_slice %arg8[%run_scoped3A_25, %dma_start3A_346, %dma_start3A_347] : memref<3x80x128xf32, #tpu.memory_space<vmem>> -> memref<1x80x128xf32, #tpu.memory_space<vmem>>
      %dma_start3A_349 = tpu.memref_squeeze %dma_start3A_348 : memref<1x80x128xf32, #tpu.memory_space<vmem>> -> memref<80x128xf32, #tpu.memory_space<vmem>>
      tpu.enqueue_dma source(%dma_start3A_349 : memref<80x128xf32, #tpu.memory_space<vmem>>) target(%dma_start3A_345 : memref<80x128xf32, #tpu.memory_space<vmem_shared>>) target_semaphore(%run_scoped3A_337 : memref<!tpu.dma_semaphore, #tpu.memory_space<semaphore_mem>>)
      %dma_wait3A = arith.constant 0 : i32
      %dma_wait3A_350 = arith.constant 0 : i32
      %dma_wait3A_351 = tpu.memref_slice %arg8[%run_scoped3A_25, %dma_wait3A, %dma_wait3A_350] : memref<3x80x128xf32, #tpu.memory_space<vmem>> -> memref<1x80x128xf32, #tpu.memory_space<vmem>>
      %dma_wait3A_352 = tpu.memref_squeeze %dma_wait3A_351 : memref<1x80x128xf32, #tpu.memory_space<vmem>> -> memref<80x128xf32, #tpu.memory_space<vmem>>
      %dma_wait3A_353 = arith.constant 0 : i32
      %dma_wait3A_354 = tpu.memref_slice %arg9[%add3A_24, %dma_wait3A_353] : memref<10112x128xf32, #tpu.memory_space<vmem_shared>> -> memref<80x128xf32, #tpu.memory_space<vmem_shared>>
      %dma_wait3A_355 = arith.constant 0 : i32
      %dma_wait3A_356 = tpu.memref_slice %arg9[%add3A_24, %dma_wait3A_355] : memref<10112x128xf32, #tpu.memory_space<vmem_shared>> -> memref<80x128xf32, #tpu.memory_space<vmem_shared>>
      %dma_wait3A_357 = arith.constant 0 : i32
      %dma_wait3A_358 = arith.constant 0 : i32
      %dma_wait3A_359 = tpu.memref_slice %arg8[%run_scoped3A_25, %dma_wait3A_357, %dma_wait3A_358] : memref<3x80x128xf32, #tpu.memory_space<vmem>> -> memref<1x80x128xf32, #tpu.memory_space<vmem>>
      %dma_wait3A_360 = tpu.memref_squeeze %dma_wait3A_359 : memref<1x80x128xf32, #tpu.memory_space<vmem>> -> memref<80x128xf32, #tpu.memory_space<vmem>>
      tpu.wait_dma2 semaphore(%run_scoped3A_337 : memref<!tpu.dma_semaphore, #tpu.memory_space<semaphore_mem>>) src(%dma_wait3A_360 : memref<80x128xf32, #tpu.memory_space<vmem>>) dst(%dma_wait3A_356 : memref<80x128xf32, #tpu.memory_space<vmem_shared>>)
      tpu.yield
    }) : () -> ()
    %mul3A_26 = arith.constant 632 : i32
    %mul3A_27 = arith.muli %arg1, %mul3A_26 : i32
    %add3A_28 = arith.constant 320 : i32
    %add3A_29 = arith.addi %mul3A_27, %add3A_28 : i32
    %run_scoped3A_30 = arith.constant 0 : i32
    "tpu.region"() ({
      %run_scoped3A_337 = tpu.sem_alloc : memref<!tpu.dma_semaphore, #tpu.memory_space<semaphore_mem>>
      %dma_start3A_338 = arith.constant 0 : i32
      %dma_start3A_339 = arith.constant 0 : i32
      %dma_start3A_340 = tpu.memref_slice %arg8[%run_scoped3A_30, %dma_start3A_338, %dma_start3A_339] : memref<3x80x128xf32, #tpu.memory_space<vmem>> -> memref<1x80x128xf32, #tpu.memory_space<vmem>>
      %dma_start3A_341 = tpu.memref_squeeze %dma_start3A_340 : memref<1x80x128xf32, #tpu.memory_space<vmem>> -> memref<80x128xf32, #tpu.memory_space<vmem>>
      %dma_start3A_342 = arith.constant 0 : i32
      %dma_start3A_343 = tpu.memref_slice %arg9[%add3A_29, %dma_start3A_342] : memref<10112x128xf32, #tpu.memory_space<vmem_shared>> -> memref<80x128xf32, #tpu.memory_space<vmem_shared>>
      %dma_start3A_344 = arith.constant 0 : i32
      %dma_start3A_345 = tpu.memref_slice %arg9[%add3A_29, %dma_start3A_344] : memref<10112x128xf32, #tpu.memory_space<vmem_shared>> -> memref<80x128xf32, #tpu.memory_space<vmem_shared>>
      %dma_start3A_346 = arith.constant 0 : i32
      %dma_start3A_347 = arith.constant 0 : i32
      %dma_start3A_348 = tpu.memref_slice %arg8[%run_scoped3A_30, %dma_start3A_346, %dma_start3A_347] : memref<3x80x128xf32, #tpu.memory_space<vmem>> -> memref<1x80x128xf32, #tpu.memory_space<vmem>>
      %dma_start3A_349 = tpu.memref_squeeze %dma_start3A_348 : memref<1x80x128xf32, #tpu.memory_space<vmem>> -> memref<80x128xf32, #tpu.memory_space<vmem>>
      tpu.enqueue_dma source(%dma_start3A_349 : memref<80x128xf32, #tpu.memory_space<vmem>>) target(%dma_start3A_345 : memref<80x128xf32, #tpu.memory_space<vmem_shared>>) target_semaphore(%run_scoped3A_337 : memref<!tpu.dma_semaphore, #tpu.memory_space<semaphore_mem>>)
      %dma_wait3A = arith.constant 0 : i32
      %dma_wait3A_350 = arith.constant 0 : i32
      %dma_wait3A_351 = tpu.memref_slice %arg8[%run_scoped3A_30, %dma_wait3A, %dma_wait3A_350] : memref<3x80x128xf32, #tpu.memory_space<vmem>> -> memref<1x80x128xf32, #tpu.memory_space<vmem>>
      %dma_wait3A_352 = tpu.memref_squeeze %dma_wait3A_351 : memref<1x80x128xf32, #tpu.memory_space<vmem>> -> memref<80x128xf32, #tpu.memory_space<vmem>>
      %dma_wait3A_353 = arith.constant 0 : i32
      %dma_wait3A_354 = tpu.memref_slice %arg9[%add3A_29, %dma_wait3A_353] : memref<10112x128xf32, #tpu.memory_space<vmem_shared>> -> memref<80x128xf32, #tpu.memory_space<vmem_shared>>
      %dma_wait3A_355 = arith.constant 0 : i32
      %dma_wait3A_356 = tpu.memref_slice %arg9[%add3A_29, %dma_wait3A_355] : memref<10112x128xf32, #tpu.memory_space<vmem_shared>> -> memref<80x128xf32, #tpu.memory_space<vmem_shared>>
      %dma_wait3A_357 = arith.constant 0 : i32
      %dma_wait3A_358 = arith.constant 0 : i32
      %dma_wait3A_359 = tpu.memref_slice %arg8[%run_scoped3A_30, %dma_wait3A_357, %dma_wait3A_358] : memref<3x80x128xf32, #tpu.memory_space<vmem>> -> memref<1x80x128xf32, #tpu.memory_space<vmem>>
      %dma_wait3A_360 = tpu.memref_squeeze %dma_wait3A_359 : memref<1x80x128xf32, #tpu.memory_space<vmem>> -> memref<80x128xf32, #tpu.memory_space<vmem>>
      tpu.wait_dma2 semaphore(%run_scoped3A_337 : memref<!tpu.dma_semaphore, #tpu.memory_space<semaphore_mem>>) src(%dma_wait3A_360 : memref<80x128xf32, #tpu.memory_space<vmem>>) dst(%dma_wait3A_356 : memref<80x128xf32, #tpu.memory_space<vmem_shared>>)
      tpu.yield
    }) : () -> ()
    %mul3A_31 = arith.constant 632 : i32
    %mul3A_32 = arith.muli %arg1, %mul3A_31 : i32
    %add3A_33 = arith.constant 400 : i32
    %add3A_34 = arith.addi %mul3A_32, %add3A_33 : i32
    %run_scoped3A_35 = arith.constant 0 : i32
    "tpu.region"() ({
      %run_scoped3A_337 = tpu.sem_alloc : memref<!tpu.dma_semaphore, #tpu.memory_space<semaphore_mem>>
      %dma_start3A_338 = arith.constant 0 : i32
      %dma_start3A_339 = arith.constant 0 : i32
      %dma_start3A_340 = tpu.memref_slice %arg8[%run_scoped3A_35, %dma_start3A_338, %dma_start3A_339] : memref<3x80x128xf32, #tpu.memory_space<vmem>> -> memref<1x80x128xf32, #tpu.memory_space<vmem>>
      %dma_start3A_341 = tpu.memref_squeeze %dma_start3A_340 : memref<1x80x128xf32, #tpu.memory_space<vmem>> -> memref<80x128xf32, #tpu.memory_space<vmem>>
      %dma_start3A_342 = arith.constant 0 : i32
      %dma_start3A_343 = tpu.memref_slice %arg9[%add3A_34, %dma_start3A_342] : memref<10112x128xf32, #tpu.memory_space<vmem_shared>> -> memref<80x128xf32, #tpu.memory_space<vmem_shared>>
      %dma_start3A_344 = arith.constant 0 : i32
      %dma_start3A_345 = tpu.memref_slice %arg9[%add3A_34, %dma_start3A_344] : memref<10112x128xf32, #tpu.memory_space<vmem_shared>> -> memref<80x128xf32, #tpu.memory_space<vmem_shared>>
      %dma_start3A_346 = arith.constant 0 : i32
      %dma_start3A_347 = arith.constant 0 : i32
      %dma_start3A_348 = tpu.memref_slice %arg8[%run_scoped3A_35, %dma_start3A_346, %dma_start3A_347] : memref<3x80x128xf32, #tpu.memory_space<vmem>> -> memref<1x80x128xf32, #tpu.memory_space<vmem>>
      %dma_start3A_349 = tpu.memref_squeeze %dma_start3A_348 : memref<1x80x128xf32, #tpu.memory_space<vmem>> -> memref<80x128xf32, #tpu.memory_space<vmem>>
      tpu.enqueue_dma source(%dma_start3A_349 : memref<80x128xf32, #tpu.memory_space<vmem>>) target(%dma_start3A_345 : memref<80x128xf32, #tpu.memory_space<vmem_shared>>) target_semaphore(%run_scoped3A_337 : memref<!tpu.dma_semaphore, #tpu.memory_space<semaphore_mem>>)
      %dma_wait3A = arith.constant 0 : i32
      %dma_wait3A_350 = arith.constant 0 : i32
      %dma_wait3A_351 = tpu.memref_slice %arg8[%run_scoped3A_35, %dma_wait3A, %dma_wait3A_350] : memref<3x80x128xf32, #tpu.memory_space<vmem>> -> memref<1x80x128xf32, #tpu.memory_space<vmem>>
      %dma_wait3A_352 = tpu.memref_squeeze %dma_wait3A_351 : memref<1x80x128xf32, #tpu.memory_space<vmem>> -> memref<80x128xf32, #tpu.memory_space<vmem>>
      %dma_wait3A_353 = arith.constant 0 : i32
      %dma_wait3A_354 = tpu.memref_slice %arg9[%add3A_34, %dma_wait3A_353] : memref<10112x128xf32, #tpu.memory_space<vmem_shared>> -> memref<80x128xf32, #tpu.memory_space<vmem_shared>>
      %dma_wait3A_355 = arith.constant 0 : i32
      %dma_wait3A_356 = tpu.memref_slice %arg9[%add3A_34, %dma_wait3A_355] : memref<10112x128xf32, #tpu.memory_space<vmem_shared>> -> memref<80x128xf32, #tpu.memory_space<vmem_shared>>
      %dma_wait3A_357 = arith.constant 0 : i32
      %dma_wait3A_358 = arith.constant 0 : i32
      %dma_wait3A_359 = tpu.memref_slice %arg8[%run_scoped3A_35, %dma_wait3A_357, %dma_wait3A_358] : memref<3x80x128xf32, #tpu.memory_space<vmem>> -> memref<1x80x128xf32, #tpu.memory_space<vmem>>
      %dma_wait3A_360 = tpu.memref_squeeze %dma_wait3A_359 : memref<1x80x128xf32, #tpu.memory_space<vmem>> -> memref<80x128xf32, #tpu.memory_space<vmem>>
      tpu.wait_dma2 semaphore(%run_scoped3A_337 : memref<!tpu.dma_semaphore, #tpu.memory_space<semaphore_mem>>) src(%dma_wait3A_360 : memref<80x128xf32, #tpu.memory_space<vmem>>) dst(%dma_wait3A_356 : memref<80x128xf32, #tpu.memory_space<vmem_shared>>)
      tpu.yield
    }) : () -> ()
    %mul3A_36 = arith.constant 632 : i32
    %mul3A_37 = arith.muli %arg1, %mul3A_36 : i32
    %add3A_38 = arith.constant 480 : i32
    %add3A_39 = arith.addi %mul3A_37, %add3A_38 : i32
    %run_scoped3A_40 = arith.constant 0 : i32
    "tpu.region"() ({
      %run_scoped3A_337 = tpu.sem_alloc : memref<!tpu.dma_semaphore, #tpu.memory_space<semaphore_mem>>
      %dma_start3A_338 = arith.constant 0 : i32
      %dma_start3A_339 = arith.constant 0 : i32
      %dma_start3A_340 = tpu.memref_slice %arg8[%run_scoped3A_40, %dma_start3A_338, %dma_start3A_339] : memref<3x80x128xf32, #tpu.memory_space<vmem>> -> memref<1x80x128xf32, #tpu.memory_space<vmem>>
      %dma_start3A_341 = tpu.memref_squeeze %dma_start3A_340 : memref<1x80x128xf32, #tpu.memory_space<vmem>> -> memref<80x128xf32, #tpu.memory_space<vmem>>
      %dma_start3A_342 = arith.constant 0 : i32
      %dma_start3A_343 = tpu.memref_slice %arg9[%add3A_39, %dma_start3A_342] : memref<10112x128xf32, #tpu.memory_space<vmem_shared>> -> memref<80x128xf32, #tpu.memory_space<vmem_shared>>
      %dma_start3A_344 = arith.constant 0 : i32
      %dma_start3A_345 = tpu.memref_slice %arg9[%add3A_39, %dma_start3A_344] : memref<10112x128xf32, #tpu.memory_space<vmem_shared>> -> memref<80x128xf32, #tpu.memory_space<vmem_shared>>
      %dma_start3A_346 = arith.constant 0 : i32
      %dma_start3A_347 = arith.constant 0 : i32
      %dma_start3A_348 = tpu.memref_slice %arg8[%run_scoped3A_40, %dma_start3A_346, %dma_start3A_347] : memref<3x80x128xf32, #tpu.memory_space<vmem>> -> memref<1x80x128xf32, #tpu.memory_space<vmem>>
      %dma_start3A_349 = tpu.memref_squeeze %dma_start3A_348 : memref<1x80x128xf32, #tpu.memory_space<vmem>> -> memref<80x128xf32, #tpu.memory_space<vmem>>
      tpu.enqueue_dma source(%dma_start3A_349 : memref<80x128xf32, #tpu.memory_space<vmem>>) target(%dma_start3A_345 : memref<80x128xf32, #tpu.memory_space<vmem_shared>>) target_semaphore(%run_scoped3A_337 : memref<!tpu.dma_semaphore, #tpu.memory_space<semaphore_mem>>)
      %dma_wait3A = arith.constant 0 : i32
      %dma_wait3A_350 = arith.constant 0 : i32
      %dma_wait3A_351 = tpu.memref_slice %arg8[%run_scoped3A_40, %dma_wait3A, %dma_wait3A_350] : memref<3x80x128xf32, #tpu.memory_space<vmem>> -> memref<1x80x128xf32, #tpu.memory_space<vmem>>
      %dma_wait3A_352 = tpu.memref_squeeze %dma_wait3A_351 : memref<1x80x128xf32, #tpu.memory_space<vmem>> -> memref<80x128xf32, #tpu.memory_space<vmem>>
      %dma_wait3A_353 = arith.constant 0 : i32
      %dma_wait3A_354 = tpu.memref_slice %arg9[%add3A_39, %dma_wait3A_353] : memref<10112x128xf32, #tpu.memory_space<vmem_shared>> -> memref<80x128xf32, #tpu.memory_space<vmem_shared>>
      %dma_wait3A_355 = arith.constant 0 : i32
      %dma_wait3A_356 = tpu.memref_slice %arg9[%add3A_39, %dma_wait3A_355] : memref<10112x128xf32, #tpu.memory_space<vmem_shared>> -> memref<80x128xf32, #tpu.memory_space<vmem_shared>>
      %dma_wait3A_357 = arith.constant 0 : i32
      %dma_wait3A_358 = arith.constant 0 : i32
      %dma_wait3A_359 = tpu.memref_slice %arg8[%run_scoped3A_40, %dma_wait3A_357, %dma_wait3A_358] : memref<3x80x128xf32, #tpu.memory_space<vmem>> -> memref<1x80x128xf32, #tpu.memory_space<vmem>>
      %dma_wait3A_360 = tpu.memref_squeeze %dma_wait3A_359 : memref<1x80x128xf32, #tpu.memory_space<vmem>> -> memref<80x128xf32, #tpu.memory_space<vmem>>
      tpu.wait_dma2 semaphore(%run_scoped3A_337 : memref<!tpu.dma_semaphore, #tpu.memory_space<semaphore_mem>>) src(%dma_wait3A_360 : memref<80x128xf32, #tpu.memory_space<vmem>>) dst(%dma_wait3A_356 : memref<80x128xf32, #tpu.memory_space<vmem_shared>>)
      tpu.yield
    }) : () -> ()
    %mul3A_41 = arith.constant 632 : i32
    %mul3A_42 = arith.muli %arg1, %mul3A_41 : i32
    %add3A_43 = arith.constant 560 : i32
    %add3A_44 = arith.addi %mul3A_42, %add3A_43 : i32
    %run_scoped3A_45 = arith.constant 0 : i32
    "tpu.region"() ({
      %run_scoped3A_337 = tpu.sem_alloc : memref<!tpu.dma_semaphore, #tpu.memory_space<semaphore_mem>>
      %dma_start3A_338 = arith.constant 0 : i32
      %dma_start3A_339 = arith.constant 0 : i32
      %dma_start3A_340 = tpu.memref_slice %arg8[%run_scoped3A_45, %dma_start3A_338, %dma_start3A_339] : memref<3x80x128xf32, #tpu.memory_space<vmem>> -> memref<1x80x128xf32, #tpu.memory_space<vmem>>
      %dma_start3A_341 = tpu.memref_squeeze %dma_start3A_340 : memref<1x80x128xf32, #tpu.memory_space<vmem>> -> memref<80x128xf32, #tpu.memory_space<vmem>>
      %dma_start3A_342 = arith.constant 0 : i32
      %dma_start3A_343 = arith.constant 0 : i32
      %dma_start3A_344 = tpu.memref_slice %dma_start3A_341[%dma_start3A_342, %dma_start3A_343] : memref<80x128xf32, #tpu.memory_space<vmem>> -> memref<72x128xf32, #tpu.memory_space<vmem>>
      %dma_start3A_345 = arith.constant 0 : i32
      %dma_start3A_346 = tpu.memref_slice %arg9[%add3A_44, %dma_start3A_345] : memref<10112x128xf32, #tpu.memory_space<vmem_shared>> -> memref<72x128xf32, #tpu.memory_space<vmem_shared>>
      %dma_start3A_347 = arith.constant 0 : i32
      %dma_start3A_348 = tpu.memref_slice %arg9[%add3A_44, %dma_start3A_347] : memref<10112x128xf32, #tpu.memory_space<vmem_shared>> -> memref<72x128xf32, #tpu.memory_space<vmem_shared>>
      %dma_start3A_349 = arith.constant 0 : i32
      %dma_start3A_350 = arith.constant 0 : i32
      %dma_start3A_351 = tpu.memref_slice %arg8[%run_scoped3A_45, %dma_start3A_349, %dma_start3A_350] : memref<3x80x128xf32, #tpu.memory_space<vmem>> -> memref<1x80x128xf32, #tpu.memory_space<vmem>>
      %dma_start3A_352 = tpu.memref_squeeze %dma_start3A_351 : memref<1x80x128xf32, #tpu.memory_space<vmem>> -> memref<80x128xf32, #tpu.memory_space<vmem>>
      %dma_start3A_353 = arith.constant 0 : i32
      %dma_start3A_354 = arith.constant 0 : i32
      %dma_start3A_355 = tpu.memref_slice %dma_start3A_352[%dma_start3A_353, %dma_start3A_354] : memref<80x128xf32, #tpu.memory_space<vmem>> -> memref<72x128xf32, #tpu.memory_space<vmem>>
      tpu.enqueue_dma source(%dma_start3A_355 : memref<72x128xf32, #tpu.memory_space<vmem>>) target(%dma_start3A_348 : memref<72x128xf32, #tpu.memory_space<vmem_shared>>) target_semaphore(%run_scoped3A_337 : memref<!tpu.dma_semaphore, #tpu.memory_space<semaphore_mem>>)
      %dma_wait3A = arith.constant 0 : i32
      %dma_wait3A_356 = arith.constant 0 : i32
      %dma_wait3A_357 = tpu.memref_slice %arg8[%run_scoped3A_45, %dma_wait3A, %dma_wait3A_356] : memref<3x80x128xf32, #tpu.memory_space<vmem>> -> memref<1x80x128xf32, #tpu.memory_space<vmem>>
      %dma_wait3A_358 = tpu.memref_squeeze %dma_wait3A_357 : memref<1x80x128xf32, #tpu.memory_space<vmem>> -> memref<80x128xf32, #tpu.memory_space<vmem>>
      %dma_wait3A_359 = arith.constant 0 : i32
      %dma_wait3A_360 = arith.constant 0 : i32
      %dma_wait3A_361 = tpu.memref_slice %dma_wait3A_358[%dma_wait3A_359, %dma_wait3A_360] : memref<80x128xf32, #tpu.memory_space<vmem>> -> memref<72x128xf32, #tpu.memory_space<vmem>>
      %dma_wait3A_362 = arith.constant 0 : i32
      %dma_wait3A_363 = tpu.memref_slice %arg9[%add3A_44, %dma_wait3A_362] : memref<10112x128xf32, #tpu.memory_space<vmem_shared>> -> memref<72x128xf32, #tpu.memory_space<vmem_shared>>
      %dma_wait3A_364 = arith.constant 0 : i32
      %dma_wait3A_365 = tpu.memref_slice %arg9[%add3A_44, %dma_wait3A_364] : memref<10112x128xf32, #tpu.memory_space<vmem_shared>> -> memref<72x128xf32, #tpu.memory_space<vmem_shared>>
      %dma_wait3A_366 = arith.constant 0 : i32
      %dma_wait3A_367 = arith.constant 0 : i32
      %dma_wait3A_368 = tpu.memref_slice %arg8[%run_scoped3A_45, %dma_wait3A_366, %dma_wait3A_367] : memref<3x80x128xf32, #tpu.memory_space<vmem>> -> memref<1x80x128xf32, #tpu.memory_space<vmem>>
      %dma_wait3A_369 = tpu.memref_squeeze %dma_wait3A_368 : memref<1x80x128xf32, #tpu.memory_space<vmem>> -> memref<80x128xf32, #tpu.memory_space<vmem>>
      %dma_wait3A_370 = arith.constant 0 : i32
      %dma_wait3A_371 = arith.constant 0 : i32
      %dma_wait3A_372 = tpu.memref_slice %dma_wait3A_369[%dma_wait3A_370, %dma_wait3A_371] : memref<80x128xf32, #tpu.memory_space<vmem>> -> memref<72x128xf32, #tpu.memory_space<vmem>>
      tpu.wait_dma2 semaphore(%run_scoped3A_337 : memref<!tpu.dma_semaphore, #tpu.memory_space<semaphore_mem>>) src(%dma_wait3A_372 : memref<72x128xf32, #tpu.memory_space<vmem>>) dst(%dma_wait3A_365 : memref<72x128xf32, #tpu.memory_space<vmem_shared>>)
      tpu.yield
    }) : () -> ()
    %barrier3A = arith.constant 0 : index
    tpu.barrier barrier_id(%barrier3A)
    %get3A = arith.constant 0 : index
    %get3A_46 = tpu.vector_load %arg5[%get3A] {strides = array<i32>} : memref<10160xi32, #tpu.memory_space<vmem>>, vector<16xi32>,
    %get3A_47 = vector.shape_cast %get3A_46 : vector<16xi32> to vector<16xi32>
    %and3A = arith.constant 65535 : i32
    %and3A_48 = vector.broadcast %and3A : i32 to vector<16xi32>
    %and3A_49 = arith.andi %get3A_47, %and3A_48 : vector<16xi32>
    %swap3A = arith.constant 0 : index
    %swap3A_50 = tpu.vector_load %arg6[%swap3A] {strides = array<i32>} : memref<240xi32, #tpu.memory_space<vmem>>, vector<16xi32>,
    %swap3A_51 = vector.shape_cast %swap3A_50 : vector<16xi32> to vector<16xi32>
    %swap3A_52 = vector.shape_cast %and3A_49 : vector<16xi32> to vector<16xi32>
    tpu.vector_store %arg6[%swap3A], %swap3A_52 {strides = array<i32>} : memref<240xi32, #tpu.memory_space<vmem>>, vector<16xi32>,
    %shift_right_logical3A = arith.constant 16 : i32
    %shift_right_logical3A_53 = vector.broadcast %shift_right_logical3A : i32 to vector<16xi32>
    %shift_right_logical3A_54 = arith.shrui %get3A_47, %shift_right_logical3A_53 : vector<16xi32>
    %swap3A_55 = arith.constant 0 : index
    %swap3A_56 = tpu.vector_load %arg7[%swap3A_55] {strides = array<i32>} : memref<240xi32, #tpu.memory_space<vmem>>, vector<16xi32>,
    %swap3A_57 = vector.shape_cast %swap3A_56 : vector<16xi32> to vector<16xi32>
    %swap3A_58 = vector.shape_cast %shift_right_logical3A_54 : vector<16xi32> to vector<16xi32>
    tpu.vector_store %arg7[%swap3A_55], %swap3A_58 {strides = array<i32>} : memref<240xi32, #tpu.memory_space<vmem>>, vector<16xi32>,
    %get3A_59 = arith.constant 16 : index
    %get3A_60 = tpu.vector_load %arg5[%get3A_59] {strides = array<i32>} : memref<10160xi32, #tpu.memory_space<vmem>>, vector<16xi32>,
    %get3A_61 = vector.shape_cast %get3A_60 : vector<16xi32> to vector<16xi32>
    %and3A_62 = arith.constant 65535 : i32
    %and3A_63 = vector.broadcast %and3A_62 : i32 to vector<16xi32>
    %and3A_64 = arith.andi %get3A_61, %and3A_63 : vector<16xi32>
    %swap3A_65 = arith.constant 16 : index
    %swap3A_66 = tpu.vector_load %arg6[%swap3A_65] {strides = array<i32>} : memref<240xi32, #tpu.memory_space<vmem>>, vector<16xi32>,
    %swap3A_67 = vector.shape_cast %swap3A_66 : vector<16xi32> to vector<16xi32>
    %swap3A_68 = vector.shape_cast %and3A_64 : vector<16xi32> to vector<16xi32>
    tpu.vector_store %arg6[%swap3A_65], %swap3A_68 {strides = array<i32>} : memref<240xi32, #tpu.memory_space<vmem>>, vector<16xi32>,
    %shift_right_logical3A_69 = arith.constant 16 : i32
    %shift_right_logical3A_70 = vector.broadcast %shift_right_logical3A_69 : i32 to vector<16xi32>
    %shift_right_logical3A_71 = arith.shrui %get3A_61, %shift_right_logical3A_70 : vector<16xi32>
    %swap3A_72 = arith.constant 16 : index
    %swap3A_73 = tpu.vector_load %arg7[%swap3A_72] {strides = array<i32>} : memref<240xi32, #tpu.memory_space<vmem>>, vector<16xi32>,
    %swap3A_74 = vector.shape_cast %swap3A_73 : vector<16xi32> to vector<16xi32>
    %swap3A_75 = vector.shape_cast %shift_right_logical3A_71 : vector<16xi32> to vector<16xi32>
    tpu.vector_store %arg7[%swap3A_72], %swap3A_75 {strides = array<i32>} : memref<240xi32, #tpu.memory_space<vmem>>, vector<16xi32>,
    %get3A_76 = arith.constant 32 : index
    %get3A_77 = tpu.vector_load %arg5[%get3A_76] {strides = array<i32>} : memref<10160xi32, #tpu.memory_space<vmem>>, vector<16xi32>,
    %get3A_78 = vector.shape_cast %get3A_77 : vector<16xi32> to vector<16xi32>
    %and3A_79 = arith.constant 65535 : i32
    %and3A_80 = vector.broadcast %and3A_79 : i32 to vector<16xi32>
    %and3A_81 = arith.andi %get3A_78, %and3A_80 : vector<16xi32>
    %swap3A_82 = arith.constant 32 : index
    %swap3A_83 = tpu.vector_load %arg6[%swap3A_82] {strides = array<i32>} : memref<240xi32, #tpu.memory_space<vmem>>, vector<16xi32>,
    %swap3A_84 = vector.shape_cast %swap3A_83 : vector<16xi32> to vector<16xi32>
    %swap3A_85 = vector.shape_cast %and3A_81 : vector<16xi32> to vector<16xi32>
    tpu.vector_store %arg6[%swap3A_82], %swap3A_85 {strides = array<i32>} : memref<240xi32, #tpu.memory_space<vmem>>, vector<16xi32>,
    %shift_right_logical3A_86 = arith.constant 16 : i32
    %shift_right_logical3A_87 = vector.broadcast %shift_right_logical3A_86 : i32 to vector<16xi32>
    %shift_right_logical3A_88 = arith.shrui %get3A_78, %shift_right_logical3A_87 : vector<16xi32>
    %swap3A_89 = arith.constant 32 : index
    %swap3A_90 = tpu.vector_load %arg7[%swap3A_89] {strides = array<i32>} : memref<240xi32, #tpu.memory_space<vmem>>, vector<16xi32>,
    %swap3A_91 = vector.shape_cast %swap3A_90 : vector<16xi32> to vector<16xi32>
    %swap3A_92 = vector.shape_cast %shift_right_logical3A_88 : vector<16xi32> to vector<16xi32>
    tpu.vector_store %arg7[%swap3A_89], %swap3A_92 {strides = array<i32>} : memref<240xi32, #tpu.memory_space<vmem>>, vector<16xi32>,
    %get3A_93 = arith.constant 48 : index
    %get3A_94 = tpu.vector_load %arg5[%get3A_93] {strides = array<i32>} : memref<10160xi32, #tpu.memory_space<vmem>>, vector<16xi32>,
    %get3A_95 = vector.shape_cast %get3A_94 : vector<16xi32> to vector<16xi32>
    %and3A_96 = arith.constant 65535 : i32
    %and3A_97 = vector.broadcast %and3A_96 : i32 to vector<16xi32>
    %and3A_98 = arith.andi %get3A_95, %and3A_97 : vector<16xi32>
    %swap3A_99 = arith.constant 48 : index
    %swap3A_100 = tpu.vector_load %arg6[%swap3A_99] {strides = array<i32>} : memref<240xi32, #tpu.memory_space<vmem>>, vector<16xi32>,
    %swap3A_101 = vector.shape_cast %swap3A_100 : vector<16xi32> to vector<16xi32>
    %swap3A_102 = vector.shape_cast %and3A_98 : vector<16xi32> to vector<16xi32>
    tpu.vector_store %arg6[%swap3A_99], %swap3A_102 {strides = array<i32>} : memref<240xi32, #tpu.memory_space<vmem>>, vector<16xi32>,
    %shift_right_logical3A_103 = arith.constant 16 : i32
    %shift_right_logical3A_104 = vector.broadcast %shift_right_logical3A_103 : i32 to vector<16xi32>
    %shift_right_logical3A_105 = arith.shrui %get3A_95, %shift_right_logical3A_104 : vector<16xi32>
    %swap3A_106 = arith.constant 48 : index
    %swap3A_107 = tpu.vector_load %arg7[%swap3A_106] {strides = array<i32>} : memref<240xi32, #tpu.memory_space<vmem>>, vector<16xi32>,
    %swap3A_108 = vector.shape_cast %swap3A_107 : vector<16xi32> to vector<16xi32>
    %swap3A_109 = vector.shape_cast %shift_right_logical3A_105 : vector<16xi32> to vector<16xi32>
    tpu.vector_store %arg7[%swap3A_106], %swap3A_109 {strides = array<i32>} : memref<240xi32, #tpu.memory_space<vmem>>, vector<16xi32>,
    %get3A_110 = arith.constant 64 : index
    %get3A_111 = tpu.vector_load %arg5[%get3A_110] {strides = array<i32>} : memref<10160xi32, #tpu.memory_space<vmem>>, vector<16xi32>,
    %get3A_112 = vector.shape_cast %get3A_111 : vector<16xi32> to vector<16xi32>
    %and3A_113 = arith.constant 65535 : i32
    %and3A_114 = vector.broadcast %and3A_113 : i32 to vector<16xi32>
    %and3A_115 = arith.andi %get3A_112, %and3A_114 : vector<16xi32>
    %swap3A_116 = arith.constant 64 : index
    %swap3A_117 = tpu.vector_load %arg6[%swap3A_116] {strides = array<i32>} : memref<240xi32, #tpu.memory_space<vmem>>, vector<16xi32>,
    %swap3A_118 = vector.shape_cast %swap3A_117 : vector<16xi32> to vector<16xi32>
    %swap3A_119 = vector.shape_cast %and3A_115 : vector<16xi32> to vector<16xi32>
    tpu.vector_store %arg6[%swap3A_116], %swap3A_119 {strides = array<i32>} : memref<240xi32, #tpu.memory_space<vmem>>, vector<16xi32>,
    %shift_right_logical3A_120 = arith.constant 16 : i32
    %shift_right_logical3A_121 = vector.broadcast %shift_right_logical3A_120 : i32 to vector<16xi32>
    %shift_right_logical3A_122 = arith.shrui %get3A_112, %shift_right_logical3A_121 : vector<16xi32>
    %swap3A_123 = arith.constant 64 : index
    %swap3A_124 = tpu.vector_load %arg7[%swap3A_123] {strides = array<i32>} : memref<240xi32, #tpu.memory_space<vmem>>, vector<16xi32>,
    %swap3A_125 = vector.shape_cast %swap3A_124 : vector<16xi32> to vector<16xi32>
    %swap3A_126 = vector.shape_cast %shift_right_logical3A_122 : vector<16xi32> to vector<16xi32>
    tpu.vector_store %arg7[%swap3A_123], %swap3A_126 {strides = array<i32>} : memref<240xi32, #tpu.memory_space<vmem>>, vector<16xi32>,
    %dma_start3A = arith.constant 0 : i32
    %dma_start3A_127 = arith.constant 0 : i32
    %dma_start3A_128 = arith.constant 0 : i32
    %dma_start3A_129 = tpu.memref_slice %arg8[%dma_start3A, %dma_start3A_127, %dma_start3A_128] : memref<3x80x128xf32, #tpu.memory_space<vmem>> -> memref<1x80x128xf32, #tpu.memory_space<vmem>>
    %dma_start3A_130 = tpu.memref_squeeze %dma_start3A_129 : memref<1x80x128xf32, #tpu.memory_space<vmem>> -> memref<80x128xf32, #tpu.memory_space<vmem>>
    %dma_start3A_131 = arith.constant 0 : i32
    %dma_start3A_132 = tpu.memref_slice %arg6[%dma_start3A_131] : memref<240xi32, #tpu.memory_space<vmem>> -> memref<80xi32, #tpu.memory_space<vmem>>
    %dma_start3A_133 = arith.constant 0 : i32
    %dma_start3A_134 = arith.constant 0 : i32
    %dma_start3A_135 = tpu.memref_slice %arg2[%dma_start3A_133, %dma_start3A_134] : memref<10000x128xf32, #tpu.memory_space<hbm>> -> memref<10000x128xf32, #tpu.memory_space<hbm>>
    tpu.enqueue_indirect_dma source(%dma_start3A_135 : memref<10000x128xf32, #tpu.memory_space<hbm>>) target(%dma_start3A_130 : memref<80x128xf32, #tpu.memory_space<vmem>>) offsets(%dma_start3A_132 : memref<80xi32, #tpu.memory_space<vmem>>) semaphore(%arg10 : memref<!tpu.dma_semaphore, #tpu.memory_space<semaphore_mem>>)
    %get3A_136 = arith.constant 80 : index
    %get3A_137 = tpu.vector_load %arg5[%get3A_136] {strides = array<i32>} : memref<10160xi32, #tpu.memory_space<vmem>>, vector<16xi32>,
    %get3A_138 = vector.shape_cast %get3A_137 : vector<16xi32> to vector<16xi32>
    %and3A_139 = arith.constant 65535 : i32
    %and3A_140 = vector.broadcast %and3A_139 : i32 to vector<16xi32>
    %and3A_141 = arith.andi %get3A_138, %and3A_140 : vector<16xi32>
    %swap3A_142 = arith.constant 80 : index
    %swap3A_143 = tpu.vector_load %arg6[%swap3A_142] {strides = array<i32>} : memref<240xi32, #tpu.memory_space<vmem>>, vector<16xi32>,
    %swap3A_144 = vector.shape_cast %swap3A_143 : vector<16xi32> to vector<16xi32>
    %swap3A_145 = vector.shape_cast %and3A_141 : vector<16xi32> to vector<16xi32>
    tpu.vector_store %arg6[%swap3A_142], %swap3A_145 {strides = array<i32>} : memref<240xi32, #tpu.memory_space<vmem>>, vector<16xi32>,
    %shift_right_logical3A_146 = arith.constant 16 : i32
    %shift_right_logical3A_147 = vector.broadcast %shift_right_logical3A_146 : i32 to vector<16xi32>
    %shift_right_logical3A_148 = arith.shrui %get3A_138, %shift_right_logical3A_147 : vector<16xi32>
    %swap3A_149 = arith.constant 80 : index
    %swap3A_150 = tpu.vector_load %arg7[%swap3A_149] {strides = array<i32>} : memref<240xi32, #tpu.memory_space<vmem>>, vector<16xi32>,
    %swap3A_151 = vector.shape_cast %swap3A_150 : vector<16xi32> to vector<16xi32>
    %swap3A_152 = vector.shape_cast %shift_right_logical3A_148 : vector<16xi32> to vector<16xi32>
    tpu.vector_store %arg7[%swap3A_149], %swap3A_152 {strides = array<i32>} : memref<240xi32, #tpu.memory_space<vmem>>, vector<16xi32>,
    %get3A_153 = arith.constant 96 : index
    %get3A_154 = tpu.vector_load %arg5[%get3A_153] {strides = array<i32>} : memref<10160xi32, #tpu.memory_space<vmem>>, vector<16xi32>,
    %get3A_155 = vector.shape_cast %get3A_154 : vector<16xi32> to vector<16xi32>
    %and3A_156 = arith.constant 65535 : i32
    %and3A_157 = vector.broadcast %and3A_156 : i32 to vector<16xi32>
    %and3A_158 = arith.andi %get3A_155, %and3A_157 : vector<16xi32>
    %swap3A_159 = arith.constant 96 : index
    %swap3A_160 = tpu.vector_load %arg6[%swap3A_159] {strides = array<i32>} : memref<240xi32, #tpu.memory_space<vmem>>, vector<16xi32>,
    %swap3A_161 = vector.shape_cast %swap3A_160 : vector<16xi32> to vector<16xi32>
    %swap3A_162 = vector.shape_cast %and3A_158 : vector<16xi32> to vector<16xi32>
    tpu.vector_store %arg6[%swap3A_159], %swap3A_162 {strides = array<i32>} : memref<240xi32, #tpu.memory_space<vmem>>, vector<16xi32>,
    %shift_right_logical3A_163 = arith.constant 16 : i32
    %shift_right_logical3A_164 = vector.broadcast %shift_right_logical3A_163 : i32 to vector<16xi32>
    %shift_right_logical3A_165 = arith.shrui %get3A_155, %shift_right_logical3A_164 : vector<16xi32>
    %swap3A_166 = arith.constant 96 : index
    %swap3A_167 = tpu.vector_load %arg7[%swap3A_166] {strides = array<i32>} : memref<240xi32, #tpu.memory_space<vmem>>, vector<16xi32>,
    %swap3A_168 = vector.shape_cast %swap3A_167 : vector<16xi32> to vector<16xi32>
    %swap3A_169 = vector.shape_cast %shift_right_logical3A_165 : vector<16xi32> to vector<16xi32>
    tpu.vector_store %arg7[%swap3A_166], %swap3A_169 {strides = array<i32>} : memref<240xi32, #tpu.memory_space<vmem>>, vector<16xi32>,
    %get3A_170 = arith.constant 112 : index
    %get3A_171 = tpu.vector_load %arg5[%get3A_170] {strides = array<i32>} : memref<10160xi32, #tpu.memory_space<vmem>>, vector<16xi32>,
    %get3A_172 = vector.shape_cast %get3A_171 : vector<16xi32> to vector<16xi32>
    %and3A_173 = arith.constant 65535 : i32
    %and3A_174 = vector.broadcast %and3A_173 : i32 to vector<16xi32>
    %and3A_175 = arith.andi %get3A_172, %and3A_174 : vector<16xi32>
    %swap3A_176 = arith.constant 112 : index
    %swap3A_177 = tpu.vector_load %arg6[%swap3A_176] {strides = array<i32>} : memref<240xi32, #tpu.memory_space<vmem>>, vector<16xi32>,
    %swap3A_178 = vector.shape_cast %swap3A_177 : vector<16xi32> to vector<16xi32>
    %swap3A_179 = vector.shape_cast %and3A_175 : vector<16xi32> to vector<16xi32>
    tpu.vector_store %arg6[%swap3A_176], %swap3A_179 {strides = array<i32>} : memref<240xi32, #tpu.memory_space<vmem>>, vector<16xi32>,
    %shift_right_logical3A_180 = arith.constant 16 : i32
    %shift_right_logical3A_181 = vector.broadcast %shift_right_logical3A_180 : i32 to vector<16xi32>
    %shift_right_logical3A_182 = arith.shrui %get3A_172, %shift_right_logical3A_181 : vector<16xi32>
    %swap3A_183 = arith.constant 112 : index
    %swap3A_184 = tpu.vector_load %arg7[%swap3A_183] {strides = array<i32>} : memref<240xi32, #tpu.memory_space<vmem>>, vector<16xi32>,
    %swap3A_185 = vector.shape_cast %swap3A_184 : vector<16xi32> to vector<16xi32>
    %swap3A_186 = vector.shape_cast %shift_right_logical3A_182 : vector<16xi32> to vector<16xi32>
    tpu.vector_store %arg7[%swap3A_183], %swap3A_186 {strides = array<i32>} : memref<240xi32, #tpu.memory_space<vmem>>, vector<16xi32>,
    %get3A_187 = arith.constant 128 : index
    %get3A_188 = tpu.vector_load %arg5[%get3A_187] {strides = array<i32>} : memref<10160xi32, #tpu.memory_space<vmem>>, vector<16xi32>,
    %get3A_189 = vector.shape_cast %get3A_188 : vector<16xi32> to vector<16xi32>
    %and3A_190 = arith.constant 65535 : i32
    %and3A_191 = vector.broadcast %and3A_190 : i32 to vector<16xi32>
    %and3A_192 = arith.andi %get3A_189, %and3A_191 : vector<16xi32>
    %swap3A_193 = arith.constant 128 : index
    %swap3A_194 = tpu.vector_load %arg6[%swap3A_193] {strides = array<i32>} : memref<240xi32, #tpu.memory_space<vmem>>, vector<16xi32>,
    %swap3A_195 = vector.shape_cast %swap3A_194 : vector<16xi32> to vector<16xi32>
    %swap3A_196 = vector.shape_cast %and3A_192 : vector<16xi32> to vector<16xi32>
    tpu.vector_store %arg6[%swap3A_193], %swap3A_196 {strides = array<i32>} : memref<240xi32, #tpu.memory_space<vmem>>, vector<16xi32>,
    %shift_right_logical3A_197 = arith.constant 16 : i32
    %shift_right_logical3A_198 = vector.broadcast %shift_right_logical3A_197 : i32 to vector<16xi32>
    %shift_right_logical3A_199 = arith.shrui %get3A_189, %shift_right_logical3A_198 : vector<16xi32>
    %swap3A_200 = arith.constant 128 : index
    %swap3A_201 = tpu.vector_load %arg7[%swap3A_200] {strides = array<i32>} : memref<240xi32, #tpu.memory_space<vmem>>, vector<16xi32>,
    %swap3A_202 = vector.shape_cast %swap3A_201 : vector<16xi32> to vector<16xi32>
    %swap3A_203 = vector.shape_cast %shift_right_logical3A_199 : vector<16xi32> to vector<16xi32>
    tpu.vector_store %arg7[%swap3A_200], %swap3A_203 {strides = array<i32>} : memref<240xi32, #tpu.memory_space<vmem>>, vector<16xi32>,
    %get3A_204 = arith.constant 144 : index
    %get3A_205 = tpu.vector_load %arg5[%get3A_204] {strides = array<i32>} : memref<10160xi32, #tpu.memory_space<vmem>>, vector<16xi32>,
    %get3A_206 = vector.shape_cast %get3A_205 : vector<16xi32> to vector<16xi32>
    %and3A_207 = arith.constant 65535 : i32
    %and3A_208 = vector.broadcast %and3A_207 : i32 to vector<16xi32>
    %and3A_209 = arith.andi %get3A_206, %and3A_208 : vector<16xi32>
    %swap3A_210 = arith.constant 144 : index
    %swap3A_211 = tpu.vector_load %arg6[%swap3A_210] {strides = array<i32>} : memref<240xi32, #tpu.memory_space<vmem>>, vector<16xi32>,
    %swap3A_212 = vector.shape_cast %swap3A_211 : vector<16xi32> to vector<16xi32>
    %swap3A_213 = vector.shape_cast %and3A_209 : vector<16xi32> to vector<16xi32>
    tpu.vector_store %arg6[%swap3A_210], %swap3A_213 {strides = array<i32>} : memref<240xi32, #tpu.memory_space<vmem>>, vector<16xi32>,
    %shift_right_logical3A_214 = arith.constant 16 : i32
    %shift_right_logical3A_215 = vector.broadcast %shift_right_logical3A_214 : i32 to vector<16xi32>
    %shift_right_logical3A_216 = arith.shrui %get3A_206, %shift_right_logical3A_215 : vector<16xi32>
    %swap3A_217 = arith.constant 144 : index
    %swap3A_218 = tpu.vector_load %arg7[%swap3A_217] {strides = array<i32>} : memref<240xi32, #tpu.memory_space<vmem>>, vector<16xi32>,
    %swap3A_219 = vector.shape_cast %swap3A_218 : vector<16xi32> to vector<16xi32>
    %swap3A_220 = vector.shape_cast %shift_right_logical3A_216 : vector<16xi32> to vector<16xi32>
    tpu.vector_store %arg7[%swap3A_217], %swap3A_220 {strides = array<i32>} : memref<240xi32, #tpu.memory_space<vmem>>, vector<16xi32>,
    %dma_start3A_221 = arith.constant 1 : i32
    %dma_start3A_222 = arith.constant 0 : i32
    %dma_start3A_223 = arith.constant 0 : i32
    %dma_start3A_224 = tpu.memref_slice %arg8[%dma_start3A_221, %dma_start3A_222, %dma_start3A_223] : memref<3x80x128xf32, #tpu.memory_space<vmem>> -> memref<1x80x128xf32, #tpu.memory_space<vmem>>
    %dma_start3A_225 = tpu.memref_squeeze %dma_start3A_224 : memref<1x80x128xf32, #tpu.memory_space<vmem>> -> memref<80x128xf32, #tpu.memory_space<vmem>>
    %dma_start3A_226 = arith.constant 80 : i32
    %dma_start3A_227 = tpu.memref_slice %arg6[%dma_start3A_226] : memref<240xi32, #tpu.memory_space<vmem>> -> memref<80xi32, #tpu.memory_space<vmem>>
    %dma_start3A_228 = arith.constant 0 : i32
    %dma_start3A_229 = arith.constant 0 : i32
    %dma_start3A_230 = tpu.memref_slice %arg2[%dma_start3A_228, %dma_start3A_229] : memref<10000x128xf32, #tpu.memory_space<hbm>> -> memref<10000x128xf32, #tpu.memory_space<hbm>>
    tpu.enqueue_indirect_dma source(%dma_start3A_230 : memref<10000x128xf32, #tpu.memory_space<hbm>>) target(%dma_start3A_225 : memref<80x128xf32, #tpu.memory_space<vmem>>) offsets(%dma_start3A_227 : memref<80xi32, #tpu.memory_space<vmem>>) semaphore(%arg11 : memref<!tpu.dma_semaphore, #tpu.memory_space<semaphore_mem>>)
    %get3A_231 = arith.constant 160 : index
    %get3A_232 = tpu.vector_load %arg5[%get3A_231] {strides = array<i32>} : memref<10160xi32, #tpu.memory_space<vmem>>, vector<16xi32>,
    %get3A_233 = vector.shape_cast %get3A_232 : vector<16xi32> to vector<16xi32>
    %and3A_234 = arith.constant 65535 : i32
    %and3A_235 = vector.broadcast %and3A_234 : i32 to vector<16xi32>
    %and3A_236 = arith.andi %get3A_233, %and3A_235 : vector<16xi32>
    %swap3A_237 = arith.constant 160 : index
    %swap3A_238 = tpu.vector_load %arg6[%swap3A_237] {strides = array<i32>} : memref<240xi32, #tpu.memory_space<vmem>>, vector<16xi32>,
    %swap3A_239 = vector.shape_cast %swap3A_238 : vector<16xi32> to vector<16xi32>
    %swap3A_240 = vector.shape_cast %and3A_236 : vector<16xi32> to vector<16xi32>
    tpu.vector_store %arg6[%swap3A_237], %swap3A_240 {strides = array<i32>} : memref<240xi32, #tpu.memory_space<vmem>>, vector<16xi32>,
    %shift_right_logical3A_241 = arith.constant 16 : i32
    %shift_right_logical3A_242 = vector.broadcast %shift_right_logical3A_241 : i32 to vector<16xi32>
    %shift_right_logical3A_243 = arith.shrui %get3A_233, %shift_right_logical3A_242 : vector<16xi32>
    %swap3A_244 = arith.constant 160 : index
    %swap3A_245 = tpu.vector_load %arg7[%swap3A_244] {strides = array<i32>} : memref<240xi32, #tpu.memory_space<vmem>>, vector<16xi32>,
    %swap3A_246 = vector.shape_cast %swap3A_245 : vector<16xi32> to vector<16xi32>
    %swap3A_247 = vector.shape_cast %shift_right_logical3A_243 : vector<16xi32> to vector<16xi32>
    tpu.vector_store %arg7[%swap3A_244], %swap3A_247 {strides = array<i32>} : memref<240xi32, #tpu.memory_space<vmem>>, vector<16xi32>,
    %get3A_248 = arith.constant 176 : index
    %get3A_249 = tpu.vector_load %arg5[%get3A_248] {strides = array<i32>} : memref<10160xi32, #tpu.memory_space<vmem>>, vector<16xi32>,
    %get3A_250 = vector.shape_cast %get3A_249 : vector<16xi32> to vector<16xi32>
    %and3A_251 = arith.constant 65535 : i32
    %and3A_252 = vector.broadcast %and3A_251 : i32 to vector<16xi32>
    %and3A_253 = arith.andi %get3A_250, %and3A_252 : vector<16xi32>
    %swap3A_254 = arith.constant 176 : index
    %swap3A_255 = tpu.vector_load %arg6[%swap3A_254] {strides = array<i32>} : memref<240xi32, #tpu.memory_space<vmem>>, vector<16xi32>,
    %swap3A_256 = vector.shape_cast %swap3A_255 : vector<16xi32> to vector<16xi32>
    %swap3A_257 = vector.shape_cast %and3A_253 : vector<16xi32> to vector<16xi32>
    tpu.vector_store %arg6[%swap3A_254], %swap3A_257 {strides = array<i32>} : memref<240xi32, #tpu.memory_space<vmem>>, vector<16xi32>,
    %shift_right_logical3A_258 = arith.constant 16 : i32
    %shift_right_logical3A_259 = vector.broadcast %shift_right_logical3A_258 : i32 to vector<16xi32>
    %shift_right_logical3A_260 = arith.shrui %get3A_250, %shift_right_logical3A_259 : vector<16xi32>
    %swap3A_261 = arith.constant 176 : index
    %swap3A_262 = tpu.vector_load %arg7[%swap3A_261] {strides = array<i32>} : memref<240xi32, #tpu.memory_space<vmem>>, vector<16xi32>,
    %swap3A_263 = vector.shape_cast %swap3A_262 : vector<16xi32> to vector<16xi32>
    %swap3A_264 = vector.shape_cast %shift_right_logical3A_260 : vector<16xi32> to vector<16xi32>
    tpu.vector_store %arg7[%swap3A_261], %swap3A_264 {strides = array<i32>} : memref<240xi32, #tpu.memory_space<vmem>>, vector<16xi32>,
    %get3A_265 = arith.constant 192 : index
    %get3A_266 = tpu.vector_load %arg5[%get3A_265] {strides = array<i32>} : memref<10160xi32, #tpu.memory_space<vmem>>, vector<16xi32>,
    %get3A_267 = vector.shape_cast %get3A_266 : vector<16xi32> to vector<16xi32>
    %and3A_268 = arith.constant 65535 : i32
    %and3A_269 = vector.broadcast %and3A_268 : i32 to vector<16xi32>
    %and3A_270 = arith.andi %get3A_267, %and3A_269 : vector<16xi32>
    %swap3A_271 = arith.constant 192 : index
    %swap3A_272 = tpu.vector_load %arg6[%swap3A_271] {strides = array<i32>} : memref<240xi32, #tpu.memory_space<vmem>>, vector<16xi32>,
    %swap3A_273 = vector.shape_cast %swap3A_272 : vector<16xi32> to vector<16xi32>
    %swap3A_274 = vector.shape_cast %and3A_270 : vector<16xi32> to vector<16xi32>
    tpu.vector_store %arg6[%swap3A_271], %swap3A_274 {strides = array<i32>} : memref<240xi32, #tpu.memory_space<vmem>>, vector<16xi32>,
    %shift_right_logical3A_275 = arith.constant 16 : i32
    %shift_right_logical3A_276 = vector.broadcast %shift_right_logical3A_275 : i32 to vector<16xi32>
    %shift_right_logical3A_277 = arith.shrui %get3A_267, %shift_right_logical3A_276 : vector<16xi32>
    %swap3A_278 = arith.constant 192 : index
    %swap3A_279 = tpu.vector_load %arg7[%swap3A_278] {strides = array<i32>} : memref<240xi32, #tpu.memory_space<vmem>>, vector<16xi32>,
    %swap3A_280 = vector.shape_cast %swap3A_279 : vector<16xi32> to vector<16xi32>
    %swap3A_281 = vector.shape_cast %shift_right_logical3A_277 : vector<16xi32> to vector<16xi32>
    tpu.vector_store %arg7[%swap3A_278], %swap3A_281 {strides = array<i32>} : memref<240xi32, #tpu.memory_space<vmem>>, vector<16xi32>,
    %get3A_282 = arith.constant 208 : index
    %get3A_283 = tpu.vector_load %arg5[%get3A_282] {strides = array<i32>} : memref<10160xi32, #tpu.memory_space<vmem>>, vector<16xi32>,
    %get3A_284 = vector.shape_cast %get3A_283 : vector<16xi32> to vector<16xi32>
    %and3A_285 = arith.constant 65535 : i32
    %and3A_286 = vector.broadcast %and3A_285 : i32 to vector<16xi32>
    %and3A_287 = arith.andi %get3A_284, %and3A_286 : vector<16xi32>
    %swap3A_288 = arith.constant 208 : index
    %swap3A_289 = tpu.vector_load %arg6[%swap3A_288] {strides = array<i32>} : memref<240xi32, #tpu.memory_space<vmem>>, vector<16xi32>,
    %swap3A_290 = vector.shape_cast %swap3A_289 : vector<16xi32> to vector<16xi32>
    %swap3A_291 = vector.shape_cast %and3A_287 : vector<16xi32> to vector<16xi32>
    tpu.vector_store %arg6[%swap3A_288], %swap3A_291 {strides = array<i32>} : memref<240xi32, #tpu.memory_space<vmem>>, vector<16xi32>,
    %shift_right_logical3A_292 = arith.constant 16 : i32
    %shift_right_logical3A_293 = vector.broadcast %shift_right_logical3A_292 : i32 to vector<16xi32>
    %shift_right_logical3A_294 = arith.shrui %get3A_284, %shift_right_logical3A_293 : vector<16xi32>
    %swap3A_295 = arith.constant 208 : index
    %swap3A_296 = tpu.vector_load %arg7[%swap3A_295] {strides = array<i32>} : memref<240xi32, #tpu.memory_space<vmem>>, vector<16xi32>,
    %swap3A_297 = vector.shape_cast %swap3A_296 : vector<16xi32> to vector<16xi32>
    %swap3A_298 = vector.shape_cast %shift_right_logical3A_294 : vector<16xi32> to vector<16xi32>
    tpu.vector_store %arg7[%swap3A_295], %swap3A_298 {strides = array<i32>} : memref<240xi32, #tpu.memory_space<vmem>>, vector<16xi32>,
    %get3A_299 = arith.constant 224 : index
    %get3A_300 = tpu.vector_load %arg5[%get3A_299] {strides = array<i32>} : memref<10160xi32, #tpu.memory_space<vmem>>, vector<16xi32>,
    %get3A_301 = vector.shape_cast %get3A_300 : vector<16xi32> to vector<16xi32>
    %and3A_302 = arith.constant 65535 : i32
    %and3A_303 = vector.broadcast %and3A_302 : i32 to vector<16xi32>
    %and3A_304 = arith.andi %get3A_301, %and3A_303 : vector<16xi32>
    %swap3A_305 = arith.constant 224 : index
    %swap3A_306 = tpu.vector_load %arg6[%swap3A_305] {strides = array<i32>} : memref<240xi32, #tpu.memory_space<vmem>>, vector<16xi32>,
    %swap3A_307 = vector.shape_cast %swap3A_306 : vector<16xi32> to vector<16xi32>
    %swap3A_308 = vector.shape_cast %and3A_304 : vector<16xi32> to vector<16xi32>
    tpu.vector_store %arg6[%swap3A_305], %swap3A_308 {strides = array<i32>} : memref<240xi32, #tpu.memory_space<vmem>>, vector<16xi32>,
    %shift_right_logical3A_309 = arith.constant 16 : i32
    %shift_right_logical3A_310 = vector.broadcast %shift_right_logical3A_309 : i32 to vector<16xi32>
    %shift_right_logical3A_311 = arith.shrui %get3A_301, %shift_right_logical3A_310 : vector<16xi32>
    %swap3A_312 = arith.constant 224 : index
    %swap3A_313 = tpu.vector_load %arg7[%swap3A_312] {strides = array<i32>} : memref<240xi32, #tpu.memory_space<vmem>>, vector<16xi32>,
    %swap3A_314 = vector.shape_cast %swap3A_313 : vector<16xi32> to vector<16xi32>
    %swap3A_315 = vector.shape_cast %shift_right_logical3A_311 : vector<16xi32> to vector<16xi32>
    tpu.vector_store %arg7[%swap3A_312], %swap3A_315 {strides = array<i32>} : memref<240xi32, #tpu.memory_space<vmem>>, vector<16xi32>,
    %dma_start3A_316 = arith.constant 2 : i32
    %dma_start3A_317 = arith.constant 0 : i32
    %dma_start3A_318 = arith.constant 0 : i32
    %dma_start3A_319 = tpu.memref_slice %arg8[%dma_start3A_316, %dma_start3A_317, %dma_start3A_318] : memref<3x80x128xf32, #tpu.memory_space<vmem>> -> memref<1x80x128xf32, #tpu.memory_space<vmem>>
    %dma_start3A_320 = tpu.memref_squeeze %dma_start3A_319 : memref<1x80x128xf32, #tpu.memory_space<vmem>> -> memref<80x128xf32, #tpu.memory_space<vmem>>
    %dma_start3A_321 = arith.constant 160 : i32
    %dma_start3A_322 = tpu.memref_slice %arg6[%dma_start3A_321] : memref<240xi32, #tpu.memory_space<vmem>> -> memref<80xi32, #tpu.memory_space<vmem>>
    %dma_start3A_323 = arith.constant 0 : i32
    %dma_start3A_324 = arith.constant 0 : i32
    %dma_start3A_325 = tpu.memref_slice %arg2[%dma_start3A_323, %dma_start3A_324] : memref<10000x128xf32, #tpu.memory_space<hbm>> -> memref<10000x128xf32, #tpu.memory_space<hbm>>
    tpu.enqueue_indirect_dma source(%dma_start3A_325 : memref<10000x128xf32, #tpu.memory_space<hbm>>) target(%dma_start3A_320 : memref<80x128xf32, #tpu.memory_space<vmem>>) offsets(%dma_start3A_322 : memref<80xi32, #tpu.memory_space<vmem>>) semaphore(%arg12 : memref<!tpu.dma_semaphore, #tpu.memory_space<semaphore_mem>>)
    %scan3A_326 = arith.constant 0 : i32
    %scan3A_327 = arith.constant 0 : i32
    %scan3A_328 = arith.constant 43 : i32
    %scan3A_329 = arith.addi %scan3A_327, %scan3A_328 : i32
    %scan3A_330 = arith.constant 1 : i32
    scf.for %scan3A_337 = %scan3A_327 to %scan3A_329 step %scan3A_330  : i32 {
      %mul3A_338 = arith.constant 3 : i32
      %mul3A_339 = arith.muli %scan3A_337, %mul3A_338 : i32
      %add3A_340 = arith.constant 0 : i32
      %add3A_341 = arith.addi %mul3A_339, %add3A_340 : i32
      %lt3A = arith.constant 127 : i32
      %lt3A_342 = arith.cmpi slt, %add3A_341, %lt3A : i32
      %convert_element_type3A = arith.extui %lt3A_342 : i1 to i32
      %cond3A = arith.constant 0 : i32
      %cond3A_343 = arith.cmpi ne, %convert_element_type3A, %cond3A : i32
      scf.if %cond3A_343 {
        %dma_wait3A = arith.constant 0 : i32
        %dma_wait3A_406 = arith.constant 0 : i32
        %dma_wait3A_407 = arith.constant 0 : i32
        %dma_wait3A_408 = tpu.memref_slice %arg8[%dma_wait3A, %dma_wait3A_406, %dma_wait3A_407] : memref<3x80x128xf32, #tpu.memory_space<vmem>> -> memref<1x80x128xf32, #tpu.memory_space<vmem>>
        %dma_wait3A_409 = tpu.memref_squeeze %dma_wait3A_408 : memref<1x80x128xf32, #tpu.memory_space<vmem>> -> memref<80x128xf32, #tpu.memory_space<vmem>>
        %dma_wait3A_410 = arith.constant 0 : i32
        %dma_wait3A_411 = tpu.memref_slice %arg6[%dma_wait3A_410] : memref<240xi32, #tpu.memory_space<vmem>> -> memref<80xi32, #tpu.memory_space<vmem>>
        %dma_wait3A_412 = arith.constant 0 : i32
        %dma_wait3A_413 = arith.constant 0 : i32
        %dma_wait3A_414 = tpu.memref_slice %arg2[%dma_wait3A_412, %dma_wait3A_413] : memref<10000x128xf32, #tpu.memory_space<hbm>> -> memref<10000x128xf32, #tpu.memory_space<hbm>>
        tpu.wait_indirect_dma semaphore(%arg10 : memref<!tpu.dma_semaphore, #tpu.memory_space<semaphore_mem>>) src(%dma_wait3A_414 : memref<10000x128xf32, #tpu.memory_space<hbm>>) dst(%dma_wait3A_409 : memref<80x128xf32, #tpu.memory_space<vmem>>)
        %dma_start3A_415 = arith.constant 0 : i32
        %dma_start3A_416 = arith.constant 0 : i32
        %dma_start3A_417 = arith.constant 0 : i32
        %dma_start3A_418 = tpu.memref_slice %arg8[%dma_start3A_415, %dma_start3A_416, %dma_start3A_417] : memref<3x80x128xf32, #tpu.memory_space<vmem>> -> memref<1x80x128xf32, #tpu.memory_space<vmem>>
        %dma_start3A_419 = tpu.memref_squeeze %dma_start3A_418 : memref<1x80x128xf32, #tpu.memory_space<vmem>> -> memref<80x128xf32, #tpu.memory_space<vmem>>
        %dma_start3A_420 = arith.constant 0 : i32
        %dma_start3A_421 = tpu.memref_slice %arg7[%dma_start3A_420] : memref<240xi32, #tpu.memory_space<vmem>> -> memref<80xi32, #tpu.memory_space<vmem>>
        %dma_start3A_422 = arith.constant 0 : i32
        %dma_start3A_423 = arith.constant 0 : i32
        %dma_start3A_424 = tpu.memref_slice %arg9[%dma_start3A_422, %dma_start3A_423] : memref<10112x128xf32, #tpu.memory_space<vmem_shared>> -> memref<10112x128xf32, #tpu.memory_space<vmem_shared>>
        tpu.enqueue_indirect_dma source(%dma_start3A_419 : memref<80x128xf32, #tpu.memory_space<vmem>>) target(%dma_start3A_424 : memref<10112x128xf32, #tpu.memory_space<vmem_shared>>) offsets(%dma_start3A_421 : memref<80xi32, #tpu.memory_space<vmem>>) semaphore(%arg13 : memref<!tpu.dma_semaphore, #tpu.memory_space<semaphore_mem>>) {add = true}
      } else {
      }
      %add3A_344 = arith.constant 1 : i32
      %add3A_345 = arith.addi %mul3A_339, %add3A_344 : i32
      %lt3A_346 = arith.constant 127 : i32
      %lt3A_347 = arith.cmpi slt, %add3A_345, %lt3A_346 : i32
      %convert_element_type3A_348 = arith.extui %lt3A_347 : i1 to i32
      %cond3A_349 = arith.constant 0 : i32
      %cond3A_350 = arith.cmpi ne, %convert_element_type3A_348, %cond3A_349 : i32
      scf.if %cond3A_350 {
        %dma_wait3A = arith.constant 1 : i32
        %dma_wait3A_406 = arith.constant 0 : i32
        %dma_wait3A_407 = arith.constant 0 : i32
        %dma_wait3A_408 = tpu.memref_slice %arg8[%dma_wait3A, %dma_wait3A_406, %dma_wait3A_407] : memref<3x80x128xf32, #tpu.memory_space<vmem>> -> memref<1x80x128xf32, #tpu.memory_space<vmem>>
        %dma_wait3A_409 = tpu.memref_squeeze %dma_wait3A_408 : memref<1x80x128xf32, #tpu.memory_space<vmem>> -> memref<80x128xf32, #tpu.memory_space<vmem>>
        %dma_wait3A_410 = arith.constant 80 : i32
        %dma_wait3A_411 = tpu.memref_slice %arg6[%dma_wait3A_410] : memref<240xi32, #tpu.memory_space<vmem>> -> memref<80xi32, #tpu.memory_space<vmem>>
        %dma_wait3A_412 = arith.constant 0 : i32
        %dma_wait3A_413 = arith.constant 0 : i32
        %dma_wait3A_414 = tpu.memref_slice %arg2[%dma_wait3A_412, %dma_wait3A_413] : memref<10000x128xf32, #tpu.memory_space<hbm>> -> memref<10000x128xf32, #tpu.memory_space<hbm>>
        tpu.wait_indirect_dma semaphore(%arg11 : memref<!tpu.dma_semaphore, #tpu.memory_space<semaphore_mem>>) src(%dma_wait3A_414 : memref<10000x128xf32, #tpu.memory_space<hbm>>) dst(%dma_wait3A_409 : memref<80x128xf32, #tpu.memory_space<vmem>>)
        %dma_start3A_415 = arith.constant 1 : i32
        %dma_start3A_416 = arith.constant 0 : i32
        %dma_start3A_417 = arith.constant 0 : i32
        %dma_start3A_418 = tpu.memref_slice %arg8[%dma_start3A_415, %dma_start3A_416, %dma_start3A_417] : memref<3x80x128xf32, #tpu.memory_space<vmem>> -> memref<1x80x128xf32, #tpu.memory_space<vmem>>
        %dma_start3A_419 = tpu.memref_squeeze %dma_start3A_418 : memref<1x80x128xf32, #tpu.memory_space<vmem>> -> memref<80x128xf32, #tpu.memory_space<vmem>>
        %dma_start3A_420 = arith.constant 80 : i32
        %dma_start3A_421 = tpu.memref_slice %arg7[%dma_start3A_420] : memref<240xi32, #tpu.memory_space<vmem>> -> memref<80xi32, #tpu.memory_space<vmem>>
        %dma_start3A_422 = arith.constant 0 : i32
        %dma_start3A_423 = arith.constant 0 : i32
        %dma_start3A_424 = tpu.memref_slice %arg9[%dma_start3A_422, %dma_start3A_423] : memref<10112x128xf32, #tpu.memory_space<vmem_shared>> -> memref<10112x128xf32, #tpu.memory_space<vmem_shared>>
        tpu.enqueue_indirect_dma source(%dma_start3A_419 : memref<80x128xf32, #tpu.memory_space<vmem>>) target(%dma_start3A_424 : memref<10112x128xf32, #tpu.memory_space<vmem_shared>>) offsets(%dma_start3A_421 : memref<80xi32, #tpu.memory_space<vmem>>) semaphore(%arg14 : memref<!tpu.dma_semaphore, #tpu.memory_space<semaphore_mem>>) {add = true}
      } else {
      }
      %add3A_351 = arith.constant 2 : i32
      %add3A_352 = arith.addi %mul3A_339, %add3A_351 : i32
      %lt3A_353 = arith.constant 127 : i32
      %lt3A_354 = arith.cmpi slt, %add3A_352, %lt3A_353 : i32
      %convert_element_type3A_355 = arith.extui %lt3A_354 : i1 to i32
      %cond3A_356 = arith.constant 0 : i32
      %cond3A_357 = arith.cmpi ne, %convert_element_type3A_355, %cond3A_356 : i32
      scf.if %cond3A_357 {
        %dma_wait3A = arith.constant 2 : i32
        %dma_wait3A_406 = arith.constant 0 : i32
        %dma_wait3A_407 = arith.constant 0 : i32
        %dma_wait3A_408 = tpu.memref_slice %arg8[%dma_wait3A, %dma_wait3A_406, %dma_wait3A_407] : memref<3x80x128xf32, #tpu.memory_space<vmem>> -> memref<1x80x128xf32, #tpu.memory_space<vmem>>
        %dma_wait3A_409 = tpu.memref_squeeze %dma_wait3A_408 : memref<1x80x128xf32, #tpu.memory_space<vmem>> -> memref<80x128xf32, #tpu.memory_space<vmem>>
        %dma_wait3A_410 = arith.constant 160 : i32
        %dma_wait3A_411 = tpu.memref_slice %arg6[%dma_wait3A_410] : memref<240xi32, #tpu.memory_space<vmem>> -> memref<80xi32, #tpu.memory_space<vmem>>
        %dma_wait3A_412 = arith.constant 0 : i32
        %dma_wait3A_413 = arith.constant 0 : i32
        %dma_wait3A_414 = tpu.memref_slice %arg2[%dma_wait3A_412, %dma_wait3A_413] : memref<10000x128xf32, #tpu.memory_space<hbm>> -> memref<10000x128xf32, #tpu.memory_space<hbm>>
        tpu.wait_indirect_dma semaphore(%arg12 : memref<!tpu.dma_semaphore, #tpu.memory_space<semaphore_mem>>) src(%dma_wait3A_414 : memref<10000x128xf32, #tpu.memory_space<hbm>>) dst(%dma_wait3A_409 : memref<80x128xf32, #tpu.memory_space<vmem>>)
        %dma_start3A_415 = arith.constant 2 : i32
        %dma_start3A_416 = arith.constant 0 : i32
        %dma_start3A_417 = arith.constant 0 : i32
        %dma_start3A_418 = tpu.memref_slice %arg8[%dma_start3A_415, %dma_start3A_416, %dma_start3A_417] : memref<3x80x128xf32, #tpu.memory_space<vmem>> -> memref<1x80x128xf32, #tpu.memory_space<vmem>>
        %dma_start3A_419 = tpu.memref_squeeze %dma_start3A_418 : memref<1x80x128xf32, #tpu.memory_space<vmem>> -> memref<80x128xf32, #tpu.memory_space<vmem>>
        %dma_start3A_420 = arith.constant 160 : i32
        %dma_start3A_421 = tpu.memref_slice %arg7[%dma_start3A_420] : memref<240xi32, #tpu.memory_space<vmem>> -> memref<80xi32, #tpu.memory_space<vmem>>
        %dma_start3A_422 = arith.constant 0 : i32
        %dma_start3A_423 = arith.constant 0 : i32
        %dma_start3A_424 = tpu.memref_slice %arg9[%dma_start3A_422, %dma_start3A_423] : memref<10112x128xf32, #tpu.memory_space<vmem_shared>> -> memref<10112x128xf32, #tpu.memory_space<vmem_shared>>
        tpu.enqueue_indirect_dma source(%dma_start3A_419 : memref<80x128xf32, #tpu.memory_space<vmem>>) target(%dma_start3A_424 : memref<10112x128xf32, #tpu.memory_space<vmem_shared>>) offsets(%dma_start3A_421 : memref<80xi32, #tpu.memory_space<vmem>>) semaphore(%arg15 : memref<!tpu.dma_semaphore, #tpu.memory_space<semaphore_mem>>) {add = true}
      } else {
      }
      %add3A_358 = arith.constant 0 : i32
      %add3A_359 = arith.addi %mul3A_339, %add3A_358 : i32
      %lt3A_360 = arith.constant 127 : i32
      %lt3A_361 = arith.cmpi slt, %add3A_359, %lt3A_360 : i32
      %convert_element_type3A_362 = arith.extui %lt3A_361 : i1 to i32
      %cond3A_363 = arith.constant 0 : i32
      %cond3A_364 = arith.cmpi ne, %convert_element_type3A_362, %cond3A_363 : i32
      scf.if %cond3A_364 {
        %dma_wait3A = arith.constant 0 : i32
        %dma_wait3A_406 = arith.constant 0 : i32
        %dma_wait3A_407 = arith.constant 0 : i32
        %dma_wait3A_408 = tpu.memref_slice %arg8[%dma_wait3A, %dma_wait3A_406, %dma_wait3A_407] : memref<3x80x128xf32, #tpu.memory_space<vmem>> -> memref<1x80x128xf32, #tpu.memory_space<vmem>>
        %dma_wait3A_409 = tpu.memref_squeeze %dma_wait3A_408 : memref<1x80x128xf32, #tpu.memory_space<vmem>> -> memref<80x128xf32, #tpu.memory_space<vmem>>
        %dma_wait3A_410 = arith.constant 0 : i32
        %dma_wait3A_411 = tpu.memref_slice %arg7[%dma_wait3A_410] : memref<240xi32, #tpu.memory_space<vmem>> -> memref<80xi32, #tpu.memory_space<vmem>>
        %dma_wait3A_412 = arith.constant 0 : i32
        %dma_wait3A_413 = arith.constant 0 : i32
        %dma_wait3A_414 = tpu.memref_slice %arg9[%dma_wait3A_412, %dma_wait3A_413] : memref<10112x128xf32, #tpu.memory_space<vmem_shared>> -> memref<10112x128xf32, #tpu.memory_space<vmem_shared>>
        tpu.wait_indirect_dma semaphore(%arg13 : memref<!tpu.dma_semaphore, #tpu.memory_space<semaphore_mem>>) src(%dma_wait3A_409 : memref<80x128xf32, #tpu.memory_space<vmem>>) dst(%dma_wait3A_414 : memref<10112x128xf32, #tpu.memory_space<vmem_shared>>)
      } else {
      }
      %add3A_365 = arith.constant 3 : i32
      %add3A_366 = arith.addi %mul3A_339, %add3A_365 : i32
      %add3A_367 = arith.constant 0 : i32
      %add3A_368 = arith.addi %add3A_366, %add3A_367 : i32
      %lt3A_369 = arith.constant 127 : i32
      %lt3A_370 = arith.cmpi slt, %add3A_368, %lt3A_369 : i32
      %convert_element_type3A_371 = arith.extui %lt3A_370 : i1 to i32
      %cond3A_372 = arith.constant 0 : i32
      %cond3A_373 = arith.cmpi ne, %convert_element_type3A_371, %cond3A_372 : i32
      scf.if %cond3A_373 {
        %mul3A_406 = arith.constant 80 : i32
        %mul3A_407 = arith.muli %add3A_368, %mul3A_406 : i32
        %add3A_408 = arith.constant 0 : i32
        %add3A_409 = arith.addi %mul3A_407, %add3A_408 : i32
        %get3A_410 = arith.index_cast %add3A_409 : i32 to index
        %get3A_411 = tpu.vector_load %arg5[%get3A_410] {strides = array<i32>} : memref<10160xi32, #tpu.memory_space<vmem>>, vector<16xi32>,
        %get3A_412 = vector.shape_cast %get3A_411 : vector<16xi32> to vector<16xi32>
        %and3A_413 = arith.constant 65535 : i32
        %and3A_414 = vector.broadcast %and3A_413 : i32 to vector<16xi32>
        %and3A_415 = arith.andi %get3A_412, %and3A_414 : vector<16xi32>
        %swap3A_416 = arith.constant 0 : index
        %swap3A_417 = tpu.vector_load %arg6[%swap3A_416] {strides = array<i32>} : memref<240xi32, #tpu.memory_space<vmem>>, vector<16xi32>,
        %swap3A_418 = vector.shape_cast %swap3A_417 : vector<16xi32> to vector<16xi32>
        %swap3A_419 = vector.shape_cast %and3A_415 : vector<16xi32> to vector<16xi32>
        tpu.vector_store %arg6[%swap3A_416], %swap3A_419 {strides = array<i32>} : memref<240xi32, #tpu.memory_space<vmem>>, vector<16xi32>,
        %shift_right_logical3A_420 = arith.constant 16 : i32
        %shift_right_logical3A_421 = vector.broadcast %shift_right_logical3A_420 : i32 to vector<16xi32>
        %shift_right_logical3A_422 = arith.shrui %get3A_412, %shift_right_logical3A_421 : vector<16xi32>
        %swap3A_423 = arith.constant 0 : index
        %swap3A_424 = tpu.vector_load %arg7[%swap3A_423] {strides = array<i32>} : memref<240xi32, #tpu.memory_space<vmem>>, vector<16xi32>,
        %swap3A_425 = vector.shape_cast %swap3A_424 : vector<16xi32> to vector<16xi32>
        %swap3A_426 = vector.shape_cast %shift_right_logical3A_422 : vector<16xi32> to vector<16xi32>
        tpu.vector_store %arg7[%swap3A_423], %swap3A_426 {strides = array<i32>} : memref<240xi32, #tpu.memory_space<vmem>>, vector<16xi32>,
        %mul3A_427 = arith.constant 80 : i32
        %mul3A_428 = arith.muli %add3A_368, %mul3A_427 : i32
        %add3A_429 = arith.constant 16 : i32
        %add3A_430 = arith.addi %mul3A_428, %add3A_429 : i32
        %get3A_431 = arith.index_cast %add3A_430 : i32 to index
        %get3A_432 = tpu.vector_load %arg5[%get3A_431] {strides = array<i32>} : memref<10160xi32, #tpu.memory_space<vmem>>, vector<16xi32>,
        %get3A_433 = vector.shape_cast %get3A_432 : vector<16xi32> to vector<16xi32>
        %and3A_434 = arith.constant 65535 : i32
        %and3A_435 = vector.broadcast %and3A_434 : i32 to vector<16xi32>
        %and3A_436 = arith.andi %get3A_433, %and3A_435 : vector<16xi32>
        %swap3A_437 = arith.constant 16 : index
        %swap3A_438 = tpu.vector_load %arg6[%swap3A_437] {strides = array<i32>} : memref<240xi32, #tpu.memory_space<vmem>>, vector<16xi32>,
        %swap3A_439 = vector.shape_cast %swap3A_438 : vector<16xi32> to vector<16xi32>
        %swap3A_440 = vector.shape_cast %and3A_436 : vector<16xi32> to vector<16xi32>
        tpu.vector_store %arg6[%swap3A_437], %swap3A_440 {strides = array<i32>} : memref<240xi32, #tpu.memory_space<vmem>>, vector<16xi32>,
        %shift_right_logical3A_441 = arith.constant 16 : i32
        %shift_right_logical3A_442 = vector.broadcast %shift_right_logical3A_441 : i32 to vector<16xi32>
        %shift_right_logical3A_443 = arith.shrui %get3A_433, %shift_right_logical3A_442 : vector<16xi32>
        %swap3A_444 = arith.constant 16 : index
        %swap3A_445 = tpu.vector_load %arg7[%swap3A_444] {strides = array<i32>} : memref<240xi32, #tpu.memory_space<vmem>>, vector<16xi32>,
        %swap3A_446 = vector.shape_cast %swap3A_445 : vector<16xi32> to vector<16xi32>
        %swap3A_447 = vector.shape_cast %shift_right_logical3A_443 : vector<16xi32> to vector<16xi32>
        tpu.vector_store %arg7[%swap3A_444], %swap3A_447 {strides = array<i32>} : memref<240xi32, #tpu.memory_space<vmem>>, vector<16xi32>,
        %mul3A_448 = arith.constant 80 : i32
        %mul3A_449 = arith.muli %add3A_368, %mul3A_448 : i32
        %add3A_450 = arith.constant 32 : i32
        %add3A_451 = arith.addi %mul3A_449, %add3A_450 : i32
        %get3A_452 = arith.index_cast %add3A_451 : i32 to index
        %get3A_453 = tpu.vector_load %arg5[%get3A_452] {strides = array<i32>} : memref<10160xi32, #tpu.memory_space<vmem>>, vector<16xi32>,
        %get3A_454 = vector.shape_cast %get3A_453 : vector<16xi32> to vector<16xi32>
        %and3A_455 = arith.constant 65535 : i32
        %and3A_456 = vector.broadcast %and3A_455 : i32 to vector<16xi32>
        %and3A_457 = arith.andi %get3A_454, %and3A_456 : vector<16xi32>
        %swap3A_458 = arith.constant 32 : index
        %swap3A_459 = tpu.vector_load %arg6[%swap3A_458] {strides = array<i32>} : memref<240xi32, #tpu.memory_space<vmem>>, vector<16xi32>,
        %swap3A_460 = vector.shape_cast %swap3A_459 : vector<16xi32> to vector<16xi32>
        %swap3A_461 = vector.shape_cast %and3A_457 : vector<16xi32> to vector<16xi32>
        tpu.vector_store %arg6[%swap3A_458], %swap3A_461 {strides = array<i32>} : memref<240xi32, #tpu.memory_space<vmem>>, vector<16xi32>,
        %shift_right_logical3A_462 = arith.constant 16 : i32
        %shift_right_logical3A_463 = vector.broadcast %shift_right_logical3A_462 : i32 to vector<16xi32>
        %shift_right_logical3A_464 = arith.shrui %get3A_454, %shift_right_logical3A_463 : vector<16xi32>
        %swap3A_465 = arith.constant 32 : index
        %swap3A_466 = tpu.vector_load %arg7[%swap3A_465] {strides = array<i32>} : memref<240xi32, #tpu.memory_space<vmem>>, vector<16xi32>,
        %swap3A_467 = vector.shape_cast %swap3A_466 : vector<16xi32> to vector<16xi32>
        %swap3A_468 = vector.shape_cast %shift_right_logical3A_464 : vector<16xi32> to vector<16xi32>
        tpu.vector_store %arg7[%swap3A_465], %swap3A_468 {strides = array<i32>} : memref<240xi32, #tpu.memory_space<vmem>>, vector<16xi32>,
        %mul3A_469 = arith.constant 80 : i32
        %mul3A_470 = arith.muli %add3A_368, %mul3A_469 : i32
        %add3A_471 = arith.constant 48 : i32
        %add3A_472 = arith.addi %mul3A_470, %add3A_471 : i32
        %get3A_473 = arith.index_cast %add3A_472 : i32 to index
        %get3A_474 = tpu.vector_load %arg5[%get3A_473] {strides = array<i32>} : memref<10160xi32, #tpu.memory_space<vmem>>, vector<16xi32>,
        %get3A_475 = vector.shape_cast %get3A_474 : vector<16xi32> to vector<16xi32>
        %and3A_476 = arith.constant 65535 : i32
        %and3A_477 = vector.broadcast %and3A_476 : i32 to vector<16xi32>
        %and3A_478 = arith.andi %get3A_475, %and3A_477 : vector<16xi32>
        %swap3A_479 = arith.constant 48 : index
        %swap3A_480 = tpu.vector_load %arg6[%swap3A_479] {strides = array<i32>} : memref<240xi32, #tpu.memory_space<vmem>>, vector<16xi32>,
        %swap3A_481 = vector.shape_cast %swap3A_480 : vector<16xi32> to vector<16xi32>
        %swap3A_482 = vector.shape_cast %and3A_478 : vector<16xi32> to vector<16xi32>
        tpu.vector_store %arg6[%swap3A_479], %swap3A_482 {strides = array<i32>} : memref<240xi32, #tpu.memory_space<vmem>>, vector<16xi32>,
        %shift_right_logical3A_483 = arith.constant 16 : i32
        %shift_right_logical3A_484 = vector.broadcast %shift_right_logical3A_483 : i32 to vector<16xi32>
        %shift_right_logical3A_485 = arith.shrui %get3A_475, %shift_right_logical3A_484 : vector<16xi32>
        %swap3A_486 = arith.constant 48 : index
        %swap3A_487 = tpu.vector_load %arg7[%swap3A_486] {strides = array<i32>} : memref<240xi32, #tpu.memory_space<vmem>>, vector<16xi32>,
        %swap3A_488 = vector.shape_cast %swap3A_487 : vector<16xi32> to vector<16xi32>
        %swap3A_489 = vector.shape_cast %shift_right_logical3A_485 : vector<16xi32> to vector<16xi32>
        tpu.vector_store %arg7[%swap3A_486], %swap3A_489 {strides = array<i32>} : memref<240xi32, #tpu.memory_space<vmem>>, vector<16xi32>,
        %mul3A_490 = arith.constant 80 : i32
        %mul3A_491 = arith.muli %add3A_368, %mul3A_490 : i32
        %add3A_492 = arith.constant 64 : i32
        %add3A_493 = arith.addi %mul3A_491, %add3A_492 : i32
        %get3A_494 = arith.index_cast %add3A_493 : i32 to index
        %get3A_495 = tpu.vector_load %arg5[%get3A_494] {strides = array<i32>} : memref<10160xi32, #tpu.memory_space<vmem>>, vector<16xi32>,
        %get3A_496 = vector.shape_cast %get3A_495 : vector<16xi32> to vector<16xi32>
        %and3A_497 = arith.constant 65535 : i32
        %and3A_498 = vector.broadcast %and3A_497 : i32 to vector<16xi32>
        %and3A_499 = arith.andi %get3A_496, %and3A_498 : vector<16xi32>
        %swap3A_500 = arith.constant 64 : index
        %swap3A_501 = tpu.vector_load %arg6[%swap3A_500] {strides = array<i32>} : memref<240xi32, #tpu.memory_space<vmem>>, vector<16xi32>,
        %swap3A_502 = vector.shape_cast %swap3A_501 : vector<16xi32> to vector<16xi32>
        %swap3A_503 = vector.shape_cast %and3A_499 : vector<16xi32> to vector<16xi32>
        tpu.vector_store %arg6[%swap3A_500], %swap3A_503 {strides = array<i32>} : memref<240xi32, #tpu.memory_space<vmem>>, vector<16xi32>,
        %shift_right_logical3A_504 = arith.constant 16 : i32
        %shift_right_logical3A_505 = vector.broadcast %shift_right_logical3A_504 : i32 to vector<16xi32>
        %shift_right_logical3A_506 = arith.shrui %get3A_496, %shift_right_logical3A_505 : vector<16xi32>
        %swap3A_507 = arith.constant 64 : index
        %swap3A_508 = tpu.vector_load %arg7[%swap3A_507] {strides = array<i32>} : memref<240xi32, #tpu.memory_space<vmem>>, vector<16xi32>,
        %swap3A_509 = vector.shape_cast %swap3A_508 : vector<16xi32> to vector<16xi32>
        %swap3A_510 = vector.shape_cast %shift_right_logical3A_506 : vector<16xi32> to vector<16xi32>
        tpu.vector_store %arg7[%swap3A_507], %swap3A_510 {strides = array<i32>} : memref<240xi32, #tpu.memory_space<vmem>>, vector<16xi32>,
        %dma_start3A_511 = arith.constant 0 : i32
        %dma_start3A_512 = arith.constant 0 : i32
        %dma_start3A_513 = arith.constant 0 : i32
        %dma_start3A_514 = tpu.memref_slice %arg8[%dma_start3A_511, %dma_start3A_512, %dma_start3A_513] : memref<3x80x128xf32, #tpu.memory_space<vmem>> -> memref<1x80x128xf32, #tpu.memory_space<vmem>>
        %dma_start3A_515 = tpu.memref_squeeze %dma_start3A_514 : memref<1x80x128xf32, #tpu.memory_space<vmem>> -> memref<80x128xf32, #tpu.memory_space<vmem>>
        %dma_start3A_516 = arith.constant 0 : i32
        %dma_start3A_517 = tpu.memref_slice %arg6[%dma_start3A_516] : memref<240xi32, #tpu.memory_space<vmem>> -> memref<80xi32, #tpu.memory_space<vmem>>
        %dma_start3A_518 = arith.constant 0 : i32
        %dma_start3A_519 = arith.constant 0 : i32
        %dma_start3A_520 = tpu.memref_slice %arg2[%dma_start3A_518, %dma_start3A_519] : memref<10000x128xf32, #tpu.memory_space<hbm>> -> memref<10000x128xf32, #tpu.memory_space<hbm>>
        tpu.enqueue_indirect_dma source(%dma_start3A_520 : memref<10000x128xf32, #tpu.memory_space<hbm>>) target(%dma_start3A_515 : memref<80x128xf32, #tpu.memory_space<vmem>>) offsets(%dma_start3A_517 : memref<80xi32, #tpu.memory_space<vmem>>) semaphore(%arg10 : memref<!tpu.dma_semaphore, #tpu.memory_space<semaphore_mem>>)
      } else {
      }
      %add3A_374 = arith.constant 1 : i32
      %add3A_375 = arith.addi %mul3A_339, %add3A_374 : i32
      %lt3A_376 = arith.constant 127 : i32
      %lt3A_377 = arith.cmpi slt, %add3A_375, %lt3A_376 : i32
      %convert_element_type3A_378 = arith.extui %lt3A_377 : i1 to i32
      %cond3A_379 = arith.constant 0 : i32
      %cond3A_380 = arith.cmpi ne, %convert_element_type3A_378, %cond3A_379 : i32
      scf.if %cond3A_380 {
        %dma_wait3A = arith.constant 1 : i32
        %dma_wait3A_406 = arith.constant 0 : i32
        %dma_wait3A_407 = arith.constant 0 : i32
        %dma_wait3A_408 = tpu.memref_slice %arg8[%dma_wait3A, %dma_wait3A_406, %dma_wait3A_407] : memref<3x80x128xf32, #tpu.memory_space<vmem>> -> memref<1x80x128xf32, #tpu.memory_space<vmem>>
        %dma_wait3A_409 = tpu.memref_squeeze %dma_wait3A_408 : memref<1x80x128xf32, #tpu.memory_space<vmem>> -> memref<80x128xf32, #tpu.memory_space<vmem>>
        %dma_wait3A_410 = arith.constant 80 : i32
        %dma_wait3A_411 = tpu.memref_slice %arg7[%dma_wait3A_410] : memref<240xi32, #tpu.memory_space<vmem>> -> memref<80xi32, #tpu.memory_space<vmem>>
        %dma_wait3A_412 = arith.constant 0 : i32
        %dma_wait3A_413 = arith.constant 0 : i32
        %dma_wait3A_414 = tpu.memref_slice %arg9[%dma_wait3A_412, %dma_wait3A_413] : memref<10112x128xf32, #tpu.memory_space<vmem_shared>> -> memref<10112x128xf32, #tpu.memory_space<vmem_shared>>
        tpu.wait_indirect_dma semaphore(%arg14 : memref<!tpu.dma_semaphore, #tpu.memory_space<semaphore_mem>>) src(%dma_wait3A_409 : memref<80x128xf32, #tpu.memory_space<vmem>>) dst(%dma_wait3A_414 : memref<10112x128xf32, #tpu.memory_space<vmem_shared>>)
      } else {
      }
      %add3A_381 = arith.constant 3 : i32
      %add3A_382 = arith.addi %mul3A_339, %add3A_381 : i32
      %add3A_383 = arith.constant 1 : i32
      %add3A_384 = arith.addi %add3A_382, %add3A_383 : i32
      %lt3A_385 = arith.constant 127 : i32
      %lt3A_386 = arith.cmpi slt, %add3A_384, %lt3A_385 : i32
      %convert_element_type3A_387 = arith.extui %lt3A_386 : i1 to i32
      %cond3A_388 = arith.constant 0 : i32
      %cond3A_389 = arith.cmpi ne, %convert_element_type3A_387, %cond3A_388 : i32
      scf.if %cond3A_389 {
        %mul3A_406 = arith.constant 80 : i32
        %mul3A_407 = arith.muli %add3A_384, %mul3A_406 : i32
        %add3A_408 = arith.constant 0 : i32
        %add3A_409 = arith.addi %mul3A_407, %add3A_408 : i32
        %get3A_410 = arith.index_cast %add3A_409 : i32 to index
        %get3A_411 = tpu.vector_load %arg5[%get3A_410] {strides = array<i32>} : memref<10160xi32, #tpu.memory_space<vmem>>, vector<16xi32>,
        %get3A_412 = vector.shape_cast %get3A_411 : vector<16xi32> to vector<16xi32>
        %and3A_413 = arith.constant 65535 : i32
        %and3A_414 = vector.broadcast %and3A_413 : i32 to vector<16xi32>
        %and3A_415 = arith.andi %get3A_412, %and3A_414 : vector<16xi32>
        %swap3A_416 = arith.constant 80 : index
        %swap3A_417 = tpu.vector_load %arg6[%swap3A_416] {strides = array<i32>} : memref<240xi32, #tpu.memory_space<vmem>>, vector<16xi32>,
        %swap3A_418 = vector.shape_cast %swap3A_417 : vector<16xi32> to vector<16xi32>
        %swap3A_419 = vector.shape_cast %and3A_415 : vector<16xi32> to vector<16xi32>
        tpu.vector_store %arg6[%swap3A_416], %swap3A_419 {strides = array<i32>} : memref<240xi32, #tpu.memory_space<vmem>>, vector<16xi32>,
        %shift_right_logical3A_420 = arith.constant 16 : i32
        %shift_right_logical3A_421 = vector.broadcast %shift_right_logical3A_420 : i32 to vector<16xi32>
        %shift_right_logical3A_422 = arith.shrui %get3A_412, %shift_right_logical3A_421 : vector<16xi32>
        %swap3A_423 = arith.constant 80 : index
        %swap3A_424 = tpu.vector_load %arg7[%swap3A_423] {strides = array<i32>} : memref<240xi32, #tpu.memory_space<vmem>>, vector<16xi32>,
        %swap3A_425 = vector.shape_cast %swap3A_424 : vector<16xi32> to vector<16xi32>
        %swap3A_426 = vector.shape_cast %shift_right_logical3A_422 : vector<16xi32> to vector<16xi32>
        tpu.vector_store %arg7[%swap3A_423], %swap3A_426 {strides = array<i32>} : memref<240xi32, #tpu.memory_space<vmem>>, vector<16xi32>,
        %mul3A_427 = arith.constant 80 : i32
        %mul3A_428 = arith.muli %add3A_384, %mul3A_427 : i32
        %add3A_429 = arith.constant 16 : i32
        %add3A_430 = arith.addi %mul3A_428, %add3A_429 : i32
        %get3A_431 = arith.index_cast %add3A_430 : i32 to index
        %get3A_432 = tpu.vector_load %arg5[%get3A_431] {strides = array<i32>} : memref<10160xi32, #tpu.memory_space<vmem>>, vector<16xi32>,
        %get3A_433 = vector.shape_cast %get3A_432 : vector<16xi32> to vector<16xi32>
        %and3A_434 = arith.constant 65535 : i32
        %and3A_435 = vector.broadcast %and3A_434 : i32 to vector<16xi32>
        %and3A_436 = arith.andi %get3A_433, %and3A_435 : vector<16xi32>
        %swap3A_437 = arith.constant 96 : index
        %swap3A_438 = tpu.vector_load %arg6[%swap3A_437] {strides = array<i32>} : memref<240xi32, #tpu.memory_space<vmem>>, vector<16xi32>,
        %swap3A_439 = vector.shape_cast %swap3A_438 : vector<16xi32> to vector<16xi32>
        %swap3A_440 = vector.shape_cast %and3A_436 : vector<16xi32> to vector<16xi32>
        tpu.vector_store %arg6[%swap3A_437], %swap3A_440 {strides = array<i32>} : memref<240xi32, #tpu.memory_space<vmem>>, vector<16xi32>,
        %shift_right_logical3A_441 = arith.constant 16 : i32
        %shift_right_logical3A_442 = vector.broadcast %shift_right_logical3A_441 : i32 to vector<16xi32>
        %shift_right_logical3A_443 = arith.shrui %get3A_433, %shift_right_logical3A_442 : vector<16xi32>
        %swap3A_444 = arith.constant 96 : index
        %swap3A_445 = tpu.vector_load %arg7[%swap3A_444] {strides = array<i32>} : memref<240xi32, #tpu.memory_space<vmem>>, vector<16xi32>,
        %swap3A_446 = vector.shape_cast %swap3A_445 : vector<16xi32> to vector<16xi32>
        %swap3A_447 = vector.shape_cast %shift_right_logical3A_443 : vector<16xi32> to vector<16xi32>
        tpu.vector_store %arg7[%swap3A_444], %swap3A_447 {strides = array<i32>} : memref<240xi32, #tpu.memory_space<vmem>>, vector<16xi32>,
        %mul3A_448 = arith.constant 80 : i32
        %mul3A_449 = arith.muli %add3A_384, %mul3A_448 : i32
        %add3A_450 = arith.constant 32 : i32
        %add3A_451 = arith.addi %mul3A_449, %add3A_450 : i32
        %get3A_452 = arith.index_cast %add3A_451 : i32 to index
        %get3A_453 = tpu.vector_load %arg5[%get3A_452] {strides = array<i32>} : memref<10160xi32, #tpu.memory_space<vmem>>, vector<16xi32>,
        %get3A_454 = vector.shape_cast %get3A_453 : vector<16xi32> to vector<16xi32>
        %and3A_455 = arith.constant 65535 : i32
        %and3A_456 = vector.broadcast %and3A_455 : i32 to vector<16xi32>
        %and3A_457 = arith.andi %get3A_454, %and3A_456 : vector<16xi32>
        %swap3A_458 = arith.constant 112 : index
        %swap3A_459 = tpu.vector_load %arg6[%swap3A_458] {strides = array<i32>} : memref<240xi32, #tpu.memory_space<vmem>>, vector<16xi32>,
        %swap3A_460 = vector.shape_cast %swap3A_459 : vector<16xi32> to vector<16xi32>
        %swap3A_461 = vector.shape_cast %and3A_457 : vector<16xi32> to vector<16xi32>
        tpu.vector_store %arg6[%swap3A_458], %swap3A_461 {strides = array<i32>} : memref<240xi32, #tpu.memory_space<vmem>>, vector<16xi32>,
        %shift_right_logical3A_462 = arith.constant 16 : i32
        %shift_right_logical3A_463 = vector.broadcast %shift_right_logical3A_462 : i32 to vector<16xi32>
        %shift_right_logical3A_464 = arith.shrui %get3A_454, %shift_right_logical3A_463 : vector<16xi32>
        %swap3A_465 = arith.constant 112 : index
        %swap3A_466 = tpu.vector_load %arg7[%swap3A_465] {strides = array<i32>} : memref<240xi32, #tpu.memory_space<vmem>>, vector<16xi32>,
        %swap3A_467 = vector.shape_cast %swap3A_466 : vector<16xi32> to vector<16xi32>
        %swap3A_468 = vector.shape_cast %shift_right_logical3A_464 : vector<16xi32> to vector<16xi32>
        tpu.vector_store %arg7[%swap3A_465], %swap3A_468 {strides = array<i32>} : memref<240xi32, #tpu.memory_space<vmem>>, vector<16xi32>,
        %mul3A_469 = arith.constant 80 : i32
        %mul3A_470 = arith.muli %add3A_384, %mul3A_469 : i32
        %add3A_471 = arith.constant 48 : i32
        %add3A_472 = arith.addi %mul3A_470, %add3A_471 : i32
        %get3A_473 = arith.index_cast %add3A_472 : i32 to index
        %get3A_474 = tpu.vector_load %arg5[%get3A_473] {strides = array<i32>} : memref<10160xi32, #tpu.memory_space<vmem>>, vector<16xi32>,
        %get3A_475 = vector.shape_cast %get3A_474 : vector<16xi32> to vector<16xi32>
        %and3A_476 = arith.constant 65535 : i32
        %and3A_477 = vector.broadcast %and3A_476 : i32 to vector<16xi32>
        %and3A_478 = arith.andi %get3A_475, %and3A_477 : vector<16xi32>
        %swap3A_479 = arith.constant 128 : index
        %swap3A_480 = tpu.vector_load %arg6[%swap3A_479] {strides = array<i32>} : memref<240xi32, #tpu.memory_space<vmem>>, vector<16xi32>,
        %swap3A_481 = vector.shape_cast %swap3A_480 : vector<16xi32> to vector<16xi32>
        %swap3A_482 = vector.shape_cast %and3A_478 : vector<16xi32> to vector<16xi32>
        tpu.vector_store %arg6[%swap3A_479], %swap3A_482 {strides = array<i32>} : memref<240xi32, #tpu.memory_space<vmem>>, vector<16xi32>,
        %shift_right_logical3A_483 = arith.constant 16 : i32
        %shift_right_logical3A_484 = vector.broadcast %shift_right_logical3A_483 : i32 to vector<16xi32>
        %shift_right_logical3A_485 = arith.shrui %get3A_475, %shift_right_logical3A_484 : vector<16xi32>
        %swap3A_486 = arith.constant 128 : index
        %swap3A_487 = tpu.vector_load %arg7[%swap3A_486] {strides = array<i32>} : memref<240xi32, #tpu.memory_space<vmem>>, vector<16xi32>,
        %swap3A_488 = vector.shape_cast %swap3A_487 : vector<16xi32> to vector<16xi32>
        %swap3A_489 = vector.shape_cast %shift_right_logical3A_485 : vector<16xi32> to vector<16xi32>
        tpu.vector_store %arg7[%swap3A_486], %swap3A_489 {strides = array<i32>} : memref<240xi32, #tpu.memory_space<vmem>>, vector<16xi32>,
        %mul3A_490 = arith.constant 80 : i32
        %mul3A_491 = arith.muli %add3A_384, %mul3A_490 : i32
        %add3A_492 = arith.constant 64 : i32
        %add3A_493 = arith.addi %mul3A_491, %add3A_492 : i32
        %get3A_494 = arith.index_cast %add3A_493 : i32 to index
        %get3A_495 = tpu.vector_load %arg5[%get3A_494] {strides = array<i32>} : memref<10160xi32, #tpu.memory_space<vmem>>, vector<16xi32>,
        %get3A_496 = vector.shape_cast %get3A_495 : vector<16xi32> to vector<16xi32>
        %and3A_497 = arith.constant 65535 : i32
        %and3A_498 = vector.broadcast %and3A_497 : i32 to vector<16xi32>
        %and3A_499 = arith.andi %get3A_496, %and3A_498 : vector<16xi32>
        %swap3A_500 = arith.constant 144 : index
        %swap3A_501 = tpu.vector_load %arg6[%swap3A_500] {strides = array<i32>} : memref<240xi32, #tpu.memory_space<vmem>>, vector<16xi32>,
        %swap3A_502 = vector.shape_cast %swap3A_501 : vector<16xi32> to vector<16xi32>
        %swap3A_503 = vector.shape_cast %and3A_499 : vector<16xi32> to vector<16xi32>
        tpu.vector_store %arg6[%swap3A_500], %swap3A_503 {strides = array<i32>} : memref<240xi32, #tpu.memory_space<vmem>>, vector<16xi32>,
        %shift_right_logical3A_504 = arith.constant 16 : i32
        %shift_right_logical3A_505 = vector.broadcast %shift_right_logical3A_504 : i32 to vector<16xi32>
        %shift_right_logical3A_506 = arith.shrui %get3A_496, %shift_right_logical3A_505 : vector<16xi32>
        %swap3A_507 = arith.constant 144 : index
        %swap3A_508 = tpu.vector_load %arg7[%swap3A_507] {strides = array<i32>} : memref<240xi32, #tpu.memory_space<vmem>>, vector<16xi32>,
        %swap3A_509 = vector.shape_cast %swap3A_508 : vector<16xi32> to vector<16xi32>
        %swap3A_510 = vector.shape_cast %shift_right_logical3A_506 : vector<16xi32> to vector<16xi32>
        tpu.vector_store %arg7[%swap3A_507], %swap3A_510 {strides = array<i32>} : memref<240xi32, #tpu.memory_space<vmem>>, vector<16xi32>,
        %dma_start3A_511 = arith.constant 1 : i32
        %dma_start3A_512 = arith.constant 0 : i32
        %dma_start3A_513 = arith.constant 0 : i32
        %dma_start3A_514 = tpu.memref_slice %arg8[%dma_start3A_511, %dma_start3A_512, %dma_start3A_513] : memref<3x80x128xf32, #tpu.memory_space<vmem>> -> memref<1x80x128xf32, #tpu.memory_space<vmem>>
        %dma_start3A_515 = tpu.memref_squeeze %dma_start3A_514 : memref<1x80x128xf32, #tpu.memory_space<vmem>> -> memref<80x128xf32, #tpu.memory_space<vmem>>
        %dma_start3A_516 = arith.constant 80 : i32
        %dma_start3A_517 = tpu.memref_slice %arg6[%dma_start3A_516] : memref<240xi32, #tpu.memory_space<vmem>> -> memref<80xi32, #tpu.memory_space<vmem>>
        %dma_start3A_518 = arith.constant 0 : i32
        %dma_start3A_519 = arith.constant 0 : i32
        %dma_start3A_520 = tpu.memref_slice %arg2[%dma_start3A_518, %dma_start3A_519] : memref<10000x128xf32, #tpu.memory_space<hbm>> -> memref<10000x128xf32, #tpu.memory_space<hbm>>
        tpu.enqueue_indirect_dma source(%dma_start3A_520 : memref<10000x128xf32, #tpu.memory_space<hbm>>) target(%dma_start3A_515 : memref<80x128xf32, #tpu.memory_space<vmem>>) offsets(%dma_start3A_517 : memref<80xi32, #tpu.memory_space<vmem>>) semaphore(%arg11 : memref<!tpu.dma_semaphore, #tpu.memory_space<semaphore_mem>>)
      } else {
      }
      %add3A_390 = arith.constant 2 : i32
      %add3A_391 = arith.addi %mul3A_339, %add3A_390 : i32
      %lt3A_392 = arith.constant 127 : i32
      %lt3A_393 = arith.cmpi slt, %add3A_391, %lt3A_392 : i32
      %convert_element_type3A_394 = arith.extui %lt3A_393 : i1 to i32
      %cond3A_395 = arith.constant 0 : i32
      %cond3A_396 = arith.cmpi ne, %convert_element_type3A_394, %cond3A_395 : i32
      scf.if %cond3A_396 {
        %dma_wait3A = arith.constant 2 : i32
        %dma_wait3A_406 = arith.constant 0 : i32
        %dma_wait3A_407 = arith.constant 0 : i32
        %dma_wait3A_408 = tpu.memref_slice %arg8[%dma_wait3A, %dma_wait3A_406, %dma_wait3A_407] : memref<3x80x128xf32, #tpu.memory_space<vmem>> -> memref<1x80x128xf32, #tpu.memory_space<vmem>>
        %dma_wait3A_409 = tpu.memref_squeeze %dma_wait3A_408 : memref<1x80x128xf32, #tpu.memory_space<vmem>> -> memref<80x128xf32, #tpu.memory_space<vmem>>
        %dma_wait3A_410 = arith.constant 160 : i32
        %dma_wait3A_411 = tpu.memref_slice %arg7[%dma_wait3A_410] : memref<240xi32, #tpu.memory_space<vmem>> -> memref<80xi32, #tpu.memory_space<vmem>>
        %dma_wait3A_412 = arith.constant 0 : i32
        %dma_wait3A_413 = arith.constant 0 : i32
        %dma_wait3A_414 = tpu.memref_slice %arg9[%dma_wait3A_412, %dma_wait3A_413] : memref<10112x128xf32, #tpu.memory_space<vmem_shared>> -> memref<10112x128xf32, #tpu.memory_space<vmem_shared>>
        tpu.wait_indirect_dma semaphore(%arg15 : memref<!tpu.dma_semaphore, #tpu.memory_space<semaphore_mem>>) src(%dma_wait3A_409 : memref<80x128xf32, #tpu.memory_space<vmem>>) dst(%dma_wait3A_414 : memref<10112x128xf32, #tpu.memory_space<vmem_shared>>)
      } else {
      }
      %add3A_397 = arith.constant 3 : i32
      %add3A_398 = arith.addi %mul3A_339, %add3A_397 : i32
      %add3A_399 = arith.constant 2 : i32
      %add3A_400 = arith.addi %add3A_398, %add3A_399 : i32
      %lt3A_401 = arith.constant 127 : i32
      %lt3A_402 = arith.cmpi slt, %add3A_400, %lt3A_401 : i32
      %convert_element_type3A_403 = arith.extui %lt3A_402 : i1 to i32
      %cond3A_404 = arith.constant 0 : i32
      %cond3A_405 = arith.cmpi ne, %convert_element_type3A_403, %cond3A_404 : i32
      scf.if %cond3A_405 {
        %mul3A_406 = arith.constant 80 : i32
        %mul3A_407 = arith.muli %add3A_400, %mul3A_406 : i32
        %add3A_408 = arith.constant 0 : i32
        %add3A_409 = arith.addi %mul3A_407, %add3A_408 : i32
        %get3A_410 = arith.index_cast %add3A_409 : i32 to index
        %get3A_411 = tpu.vector_load %arg5[%get3A_410] {strides = array<i32>} : memref<10160xi32, #tpu.memory_space<vmem>>, vector<16xi32>,
        %get3A_412 = vector.shape_cast %get3A_411 : vector<16xi32> to vector<16xi32>
        %and3A_413 = arith.constant 65535 : i32
        %and3A_414 = vector.broadcast %and3A_413 : i32 to vector<16xi32>
        %and3A_415 = arith.andi %get3A_412, %and3A_414 : vector<16xi32>
        %swap3A_416 = arith.constant 160 : index
        %swap3A_417 = tpu.vector_load %arg6[%swap3A_416] {strides = array<i32>} : memref<240xi32, #tpu.memory_space<vmem>>, vector<16xi32>,
        %swap3A_418 = vector.shape_cast %swap3A_417 : vector<16xi32> to vector<16xi32>
        %swap3A_419 = vector.shape_cast %and3A_415 : vector<16xi32> to vector<16xi32>
        tpu.vector_store %arg6[%swap3A_416], %swap3A_419 {strides = array<i32>} : memref<240xi32, #tpu.memory_space<vmem>>, vector<16xi32>,
        %shift_right_logical3A_420 = arith.constant 16 : i32
        %shift_right_logical3A_421 = vector.broadcast %shift_right_logical3A_420 : i32 to vector<16xi32>
        %shift_right_logical3A_422 = arith.shrui %get3A_412, %shift_right_logical3A_421 : vector<16xi32>
        %swap3A_423 = arith.constant 160 : index
        %swap3A_424 = tpu.vector_load %arg7[%swap3A_423] {strides = array<i32>} : memref<240xi32, #tpu.memory_space<vmem>>, vector<16xi32>,
        %swap3A_425 = vector.shape_cast %swap3A_424 : vector<16xi32> to vector<16xi32>
        %swap3A_426 = vector.shape_cast %shift_right_logical3A_422 : vector<16xi32> to vector<16xi32>
        tpu.vector_store %arg7[%swap3A_423], %swap3A_426 {strides = array<i32>} : memref<240xi32, #tpu.memory_space<vmem>>, vector<16xi32>,
        %mul3A_427 = arith.constant 80 : i32
        %mul3A_428 = arith.muli %add3A_400, %mul3A_427 : i32
        %add3A_429 = arith.constant 16 : i32
        %add3A_430 = arith.addi %mul3A_428, %add3A_429 : i32
        %get3A_431 = arith.index_cast %add3A_430 : i32 to index
        %get3A_432 = tpu.vector_load %arg5[%get3A_431] {strides = array<i32>} : memref<10160xi32, #tpu.memory_space<vmem>>, vector<16xi32>,
        %get3A_433 = vector.shape_cast %get3A_432 : vector<16xi32> to vector<16xi32>
        %and3A_434 = arith.constant 65535 : i32
        %and3A_435 = vector.broadcast %and3A_434 : i32 to vector<16xi32>
        %and3A_436 = arith.andi %get3A_433, %and3A_435 : vector<16xi32>
        %swap3A_437 = arith.constant 176 : index
        %swap3A_438 = tpu.vector_load %arg6[%swap3A_437] {strides = array<i32>} : memref<240xi32, #tpu.memory_space<vmem>>, vector<16xi32>,
        %swap3A_439 = vector.shape_cast %swap3A_438 : vector<16xi32> to vector<16xi32>
        %swap3A_440 = vector.shape_cast %and3A_436 : vector<16xi32> to vector<16xi32>
        tpu.vector_store %arg6[%swap3A_437], %swap3A_440 {strides = array<i32>} : memref<240xi32, #tpu.memory_space<vmem>>, vector<16xi32>,
        %shift_right_logical3A_441 = arith.constant 16 : i32
        %shift_right_logical3A_442 = vector.broadcast %shift_right_logical3A_441 : i32 to vector<16xi32>
        %shift_right_logical3A_443 = arith.shrui %get3A_433, %shift_right_logical3A_442 : vector<16xi32>
        %swap3A_444 = arith.constant 176 : index
        %swap3A_445 = tpu.vector_load %arg7[%swap3A_444] {strides = array<i32>} : memref<240xi32, #tpu.memory_space<vmem>>, vector<16xi32>,
        %swap3A_446 = vector.shape_cast %swap3A_445 : vector<16xi32> to vector<16xi32>
        %swap3A_447 = vector.shape_cast %shift_right_logical3A_443 : vector<16xi32> to vector<16xi32>
        tpu.vector_store %arg7[%swap3A_444], %swap3A_447 {strides = array<i32>} : memref<240xi32, #tpu.memory_space<vmem>>, vector<16xi32>,
        %mul3A_448 = arith.constant 80 : i32
        %mul3A_449 = arith.muli %add3A_400, %mul3A_448 : i32
        %add3A_450 = arith.constant 32 : i32
        %add3A_451 = arith.addi %mul3A_449, %add3A_450 : i32
        %get3A_452 = arith.index_cast %add3A_451 : i32 to index
        %get3A_453 = tpu.vector_load %arg5[%get3A_452] {strides = array<i32>} : memref<10160xi32, #tpu.memory_space<vmem>>, vector<16xi32>,
        %get3A_454 = vector.shape_cast %get3A_453 : vector<16xi32> to vector<16xi32>
        %and3A_455 = arith.constant 65535 : i32
        %and3A_456 = vector.broadcast %and3A_455 : i32 to vector<16xi32>
        %and3A_457 = arith.andi %get3A_454, %and3A_456 : vector<16xi32>
        %swap3A_458 = arith.constant 192 : index
        %swap3A_459 = tpu.vector_load %arg6[%swap3A_458] {strides = array<i32>} : memref<240xi32, #tpu.memory_space<vmem>>, vector<16xi32>,
        %swap3A_460 = vector.shape_cast %swap3A_459 : vector<16xi32> to vector<16xi32>
        %swap3A_461 = vector.shape_cast %and3A_457 : vector<16xi32> to vector<16xi32>
        tpu.vector_store %arg6[%swap3A_458], %swap3A_461 {strides = array<i32>} : memref<240xi32, #tpu.memory_space<vmem>>, vector<16xi32>,
        %shift_right_logical3A_462 = arith.constant 16 : i32
        %shift_right_logical3A_463 = vector.broadcast %shift_right_logical3A_462 : i32 to vector<16xi32>
        %shift_right_logical3A_464 = arith.shrui %get3A_454, %shift_right_logical3A_463 : vector<16xi32>
        %swap3A_465 = arith.constant 192 : index
        %swap3A_466 = tpu.vector_load %arg7[%swap3A_465] {strides = array<i32>} : memref<240xi32, #tpu.memory_space<vmem>>, vector<16xi32>,
        %swap3A_467 = vector.shape_cast %swap3A_466 : vector<16xi32> to vector<16xi32>
        %swap3A_468 = vector.shape_cast %shift_right_logical3A_464 : vector<16xi32> to vector<16xi32>
        tpu.vector_store %arg7[%swap3A_465], %swap3A_468 {strides = array<i32>} : memref<240xi32, #tpu.memory_space<vmem>>, vector<16xi32>,
        %mul3A_469 = arith.constant 80 : i32
        %mul3A_470 = arith.muli %add3A_400, %mul3A_469 : i32
        %add3A_471 = arith.constant 48 : i32
        %add3A_472 = arith.addi %mul3A_470, %add3A_471 : i32
        %get3A_473 = arith.index_cast %add3A_472 : i32 to index
        %get3A_474 = tpu.vector_load %arg5[%get3A_473] {strides = array<i32>} : memref<10160xi32, #tpu.memory_space<vmem>>, vector<16xi32>,
        %get3A_475 = vector.shape_cast %get3A_474 : vector<16xi32> to vector<16xi32>
        %and3A_476 = arith.constant 65535 : i32
        %and3A_477 = vector.broadcast %and3A_476 : i32 to vector<16xi32>
        %and3A_478 = arith.andi %get3A_475, %and3A_477 : vector<16xi32>
        %swap3A_479 = arith.constant 208 : index
        %swap3A_480 = tpu.vector_load %arg6[%swap3A_479] {strides = array<i32>} : memref<240xi32, #tpu.memory_space<vmem>>, vector<16xi32>,
        %swap3A_481 = vector.shape_cast %swap3A_480 : vector<16xi32> to vector<16xi32>
        %swap3A_482 = vector.shape_cast %and3A_478 : vector<16xi32> to vector<16xi32>
        tpu.vector_store %arg6[%swap3A_479], %swap3A_482 {strides = array<i32>} : memref<240xi32, #tpu.memory_space<vmem>>, vector<16xi32>,
        %shift_right_logical3A_483 = arith.constant 16 : i32
        %shift_right_logical3A_484 = vector.broadcast %shift_right_logical3A_483 : i32 to vector<16xi32>
        %shift_right_logical3A_485 = arith.shrui %get3A_475, %shift_right_logical3A_484 : vector<16xi32>
        %swap3A_486 = arith.constant 208 : index
        %swap3A_487 = tpu.vector_load %arg7[%swap3A_486] {strides = array<i32>} : memref<240xi32, #tpu.memory_space<vmem>>, vector<16xi32>,
        %swap3A_488 = vector.shape_cast %swap3A_487 : vector<16xi32> to vector<16xi32>
        %swap3A_489 = vector.shape_cast %shift_right_logical3A_485 : vector<16xi32> to vector<16xi32>
        tpu.vector_store %arg7[%swap3A_486], %swap3A_489 {strides = array<i32>} : memref<240xi32, #tpu.memory_space<vmem>>, vector<16xi32>,
        %mul3A_490 = arith.constant 80 : i32
        %mul3A_491 = arith.muli %add3A_400, %mul3A_490 : i32
        %add3A_492 = arith.constant 64 : i32
        %add3A_493 = arith.addi %mul3A_491, %add3A_492 : i32
        %get3A_494 = arith.index_cast %add3A_493 : i32 to index
        %get3A_495 = tpu.vector_load %arg5[%get3A_494] {strides = array<i32>} : memref<10160xi32, #tpu.memory_space<vmem>>, vector<16xi32>,
        %get3A_496 = vector.shape_cast %get3A_495 : vector<16xi32> to vector<16xi32>
        %and3A_497 = arith.constant 65535 : i32
        %and3A_498 = vector.broadcast %and3A_497 : i32 to vector<16xi32>
        %and3A_499 = arith.andi %get3A_496, %and3A_498 : vector<16xi32>
        %swap3A_500 = arith.constant 224 : index
        %swap3A_501 = tpu.vector_load %arg6[%swap3A_500] {strides = array<i32>} : memref<240xi32, #tpu.memory_space<vmem>>, vector<16xi32>,
        %swap3A_502 = vector.shape_cast %swap3A_501 : vector<16xi32> to vector<16xi32>
        %swap3A_503 = vector.shape_cast %and3A_499 : vector<16xi32> to vector<16xi32>
        tpu.vector_store %arg6[%swap3A_500], %swap3A_503 {strides = array<i32>} : memref<240xi32, #tpu.memory_space<vmem>>, vector<16xi32>,
        %shift_right_logical3A_504 = arith.constant 16 : i32
        %shift_right_logical3A_505 = vector.broadcast %shift_right_logical3A_504 : i32 to vector<16xi32>
        %shift_right_logical3A_506 = arith.shrui %get3A_496, %shift_right_logical3A_505 : vector<16xi32>
        %swap3A_507 = arith.constant 224 : index
        %swap3A_508 = tpu.vector_load %arg7[%swap3A_507] {strides = array<i32>} : memref<240xi32, #tpu.memory_space<vmem>>, vector<16xi32>,
        %swap3A_509 = vector.shape_cast %swap3A_508 : vector<16xi32> to vector<16xi32>
        %swap3A_510 = vector.shape_cast %shift_right_logical3A_506 : vector<16xi32> to vector<16xi32>
        tpu.vector_store %arg7[%swap3A_507], %swap3A_510 {strides = array<i32>} : memref<240xi32, #tpu.memory_space<vmem>>, vector<16xi32>,
        %dma_start3A_511 = arith.constant 2 : i32
        %dma_start3A_512 = arith.constant 0 : i32
        %dma_start3A_513 = arith.constant 0 : i32
        %dma_start3A_514 = tpu.memref_slice %arg8[%dma_start3A_511, %dma_start3A_512, %dma_start3A_513] : memref<3x80x128xf32, #tpu.memory_space<vmem>> -> memref<1x80x128xf32, #tpu.memory_space<vmem>>
        %dma_start3A_515 = tpu.memref_squeeze %dma_start3A_514 : memref<1x80x128xf32, #tpu.memory_space<vmem>> -> memref<80x128xf32, #tpu.memory_space<vmem>>
        %dma_start3A_516 = arith.constant 160 : i32
        %dma_start3A_517 = tpu.memref_slice %arg6[%dma_start3A_516] : memref<240xi32, #tpu.memory_space<vmem>> -> memref<80xi32, #tpu.memory_space<vmem>>
        %dma_start3A_518 = arith.constant 0 : i32
        %dma_start3A_519 = arith.constant 0 : i32
        %dma_start3A_520 = tpu.memref_slice %arg2[%dma_start3A_518, %dma_start3A_519] : memref<10000x128xf32, #tpu.memory_space<hbm>> -> memref<10000x128xf32, #tpu.memory_space<hbm>>
        tpu.enqueue_indirect_dma source(%dma_start3A_520 : memref<10000x128xf32, #tpu.memory_space<hbm>>) target(%dma_start3A_515 : memref<80x128xf32, #tpu.memory_space<vmem>>) offsets(%dma_start3A_517 : memref<80xi32, #tpu.memory_space<vmem>>) semaphore(%arg12 : memref<!tpu.dma_semaphore, #tpu.memory_space<semaphore_mem>>)
      } else {
      }
    }
    %scan3A_331 = arith.constant 43 : i32
    %barrier3A_332 = arith.constant 0 : index
    tpu.barrier barrier_id(%barrier3A_332)
    %mul3A_333 = arith.constant 632 : i32
    %mul3A_334 = arith.muli %arg1, %mul3A_333 : i32
    %mul3A_335 = arith.constant 632 : i32
    %mul3A_336 = arith.muli %arg1, %mul3A_335 : i32
    "tpu.region"() ({
      %run_scoped3A_337 = tpu.sem_alloc : memref<!tpu.dma_semaphore, #tpu.memory_space<semaphore_mem>>
      %dma_start3A_338 = arith.constant 0 : i32
      %dma_start3A_339 = tpu.memref_slice %arg4[%arg0, %mul3A_336, %dma_start3A_338] : memref<2x10112x128xf32, #tpu.memory_space<hbm>> -> memref<1x632x128xf32, #tpu.memory_space<hbm>>
      %dma_start3A_340 = tpu.memref_squeeze %dma_start3A_339 : memref<1x632x128xf32, #tpu.memory_space<hbm>> -> memref<632x128xf32, #tpu.memory_space<hbm>>
      %dma_start3A_341 = arith.constant 0 : i32
      %dma_start3A_342 = tpu.memref_slice %arg9[%mul3A_334, %dma_start3A_341] : memref<10112x128xf32, #tpu.memory_space<vmem_shared>> -> memref<632x128xf32, #tpu.memory_space<vmem_shared>>
      tpu.enqueue_dma source(%dma_start3A_342 : memref<632x128xf32, #tpu.memory_space<vmem_shared>>) target(%dma_start3A_340 : memref<632x128xf32, #tpu.memory_space<hbm>>) target_semaphore(%run_scoped3A_337 : memref<!tpu.dma_semaphore, #tpu.memory_space<semaphore_mem>>)
      %dma_wait3A = arith.constant 0 : i32
      %dma_wait3A_343 = tpu.memref_slice %arg4[%arg0, %mul3A_336, %dma_wait3A] : memref<2x10112x128xf32, #tpu.memory_space<hbm>> -> memref<1x632x128xf32, #tpu.memory_space<hbm>>
      %dma_wait3A_344 = tpu.memref_squeeze %dma_wait3A_343 : memref<1x632x128xf32, #tpu.memory_space<hbm>> -> memref<632x128xf32, #tpu.memory_space<hbm>>
      %dma_wait3A_345 = arith.constant 0 : i32
      %dma_wait3A_346 = tpu.memref_slice %arg9[%mul3A_334, %dma_wait3A_345] : memref<10112x128xf32, #tpu.memory_space<vmem_shared>> -> memref<632x128xf32, #tpu.memory_space<vmem_shared>>
      tpu.wait_dma2 semaphore(%run_scoped3A_337 : memref<!tpu.dma_semaphore, #tpu.memory_space<semaphore_mem>>) src(%dma_wait3A_346 : memref<632x128xf32, #tpu.memory_space<vmem_shared>>) dst(%dma_wait3A_344 : memref<632x128xf32, #tpu.memory_space<hbm>>)
      tpu.yield
    }) : () -> ()
    return
  }
}

module attributes {stable_mosaic.version = 14 : i64} {
  func.func @_pack_body(%arg0: memref<2x325120xi32, #tpu.memory_space<vmem>>, %arg1: memref<325120xi32, #tpu.memory_space<vmem>>) attributes {dimension_semantics = [], scalar_prefetch = 0 : i64, scratch_operands = 0 : i64, tpu.core_type = #tpu.core_type<tc>} {
    %get3A = arith.constant 0 : index
    %get3A_0 = arith.constant 0 : index
    %get3A_1 = vector.load %arg0[%get3A, %get3A_0] : memref<2x325120xi32, #tpu.memory_space<vmem>>, vector<1x325120xi32>
    %get3A_2 = vector.shape_cast %get3A_1 : vector<1x325120xi32> to vector<325120xi32>
    %get3A_3 = arith.constant 1 : index
    %get3A_4 = arith.constant 0 : index
    %get3A_5 = vector.load %arg0[%get3A_3, %get3A_4] : memref<2x325120xi32, #tpu.memory_space<vmem>>, vector<1x325120xi32>
    %get3A_6 = vector.shape_cast %get3A_5 : vector<1x325120xi32> to vector<325120xi32>
    %shift_left3A = arith.constant 16 : i32
    %shift_left3A_7 = vector.broadcast %shift_left3A : i32 to vector<325120xi32>
    %shift_left3A_8 = arith.shli %get3A_6, %shift_left3A_7 : vector<325120xi32>
    %or3A = arith.ori %get3A_2, %shift_left3A_8 : vector<325120xi32>
    %swap3A = arith.constant 0 : index
    %swap3A_9 = vector.load %arg1[%swap3A] : memref<325120xi32, #tpu.memory_space<vmem>>, vector<325120xi32>
    tpu.vector_store %arg1[%swap3A], %or3A {strides = array<i32>} : memref<325120xi32, #tpu.memory_space<vmem>>, vector<325120xi32>,
    return
  }
}

module attributes {stable_mosaic.version = 14 : i64} {
  func.func @_mm_body(%arg0: i32, %arg1: memref<1000x128xf32, #tpu.memory_space<vmem>>, %arg2: memref<128x128xf32, #tpu.memory_space<vmem>>, %arg3: memref<1000x128xf32, #tpu.memory_space<vmem>>) attributes {dimension_semantics = [#tpu.dimension_semantics<arbitrary>], iteration_bounds = array<i64: 10>, scalar_prefetch = 0 : i64, scratch_operands = 0 : i64, tpu.core_type = #tpu.core_type<tc>, window_params = [{transform_indices = @transform_0, window_bounds = array<i64: 1000, 128>}, {pipeline_mode = #tpu.pipeline_mode<synchronous>, transform_indices = @transform_1, window_bounds = array<i64: 128, 128>}, {transform_indices = @transform_2, window_bounds = array<i64: 1000, 128>}]} {
    %get3A = arith.constant 0 : index
    %get3A_0 = arith.constant 0 : index
    %get3A_1 = vector.load %arg1[%get3A, %get3A_0] : memref<1000x128xf32, #tpu.memory_space<vmem>>, vector<1000x128xf32>
    %get3A_2 = arith.constant 0 : index
    %get3A_3 = arith.constant 0 : index
    %get3A_4 = vector.load %arg2[%get3A_2, %get3A_3] : memref<128x128xf32, #tpu.memory_space<vmem>>, vector<128x128xf32>
    %dot_general3A = arith.constant dense<0.000000e+00> : vector<1000x128xf32>
    %dot_general3A_5 = tpu.matmul %get3A_1, %get3A_4, %dot_general3A {dimension_numbers = #tpu.dot_dimension_numbers<[1], [0], [0], [1], [0, 0, 1, 1], [], []>, precision = #tpu.contract_precision<fp32>, transpose_lhs_hint = false} : vector<1000x128xf32>, vector<128x128xf32>, vector<1000x128xf32> -> vector<1000x128xf32>
    %swap3A = arith.constant 0 : index
    %swap3A_6 = arith.constant 0 : index
    %swap3A_7 = vector.load %arg3[%swap3A, %swap3A_6] : memref<1000x128xf32, #tpu.memory_space<vmem>>, vector<1000x128xf32>
    tpu.vector_store %arg3[%swap3A, %swap3A_6], %dot_general3A_5 {strides = array<i32>} : memref<1000x128xf32, #tpu.memory_space<vmem>>, vector<1000x128xf32>,
    return
  }
  func.func @transform_0(%arg0: i32) -> (i32, i32) {
    %c0_i32 = arith.constant 0 : i32
    %c0_i32_0 = arith.constant 0 : i32
    return %arg0, %c0_i32 : i32, i32
  }
  func.func @transform_1(%arg0: i32) -> (i32, i32) {
    %c0_i32 = arith.constant 0 : i32
    %c0_i32_0 = arith.constant 0 : i32
    %c0_i32_1 = arith.constant 0 : i32
    return %c0_i32, %c0_i32_0 : i32, i32
  }
  func.func @transform_2(%arg0: i32) -> (i32, i32) {
    %c0_i32 = arith.constant 0 : i32
    %c0_i32_0 = arith.constant 0 : i32
    return %arg0, %c0_i32 : i32, i32
  }
}

module attributes {stable_mosaic.version = 14 : i64} {
  func.func @_scale_body(%arg0: i32, %arg1: memref<1000x128xf32, #tpu.memory_space<vmem>>, %arg2: memref<1000x2xf32, #tpu.memory_space<vmem>>, %arg3: memref<1000x128xf32, #tpu.memory_space<vmem>>, %arg4: memref<1000x1xf32, #tpu.memory_space<vmem>>) attributes {dimension_semantics = [#tpu.dimension_semantics<arbitrary>], iteration_bounds = array<i64: 10>, scalar_prefetch = 0 : i64, scratch_operands = 0 : i64, tpu.core_type = #tpu.core_type<tc>, window_params = [{transform_indices = @transform_0, window_bounds = array<i64: 1000, 128>}, {transform_indices = @transform_1, window_bounds = array<i64: 1000, 2>}, {transform_indices = @transform_2, window_bounds = array<i64: 1000, 128>}, {transform_indices = @transform_3, window_bounds = array<i64: 1000, 1>}]} {
    %get3A = arith.constant 0 : index
    %get3A_0 = arith.constant 0 : index
    %get3A_1 = vector.load %arg2[%get3A, %get3A_0] : memref<1000x2xf32, #tpu.memory_space<vmem>>, vector<1000x1xf32>
    %get3A_2 = arith.constant 0 : index
    %get3A_3 = arith.constant 1 : index
    %get3A_4 = vector.load %arg2[%get3A_2, %get3A_3] : memref<1000x2xf32, #tpu.memory_space<vmem>>, vector<1000x1xf32>
    %add3A = arith.addf %get3A_1, %get3A_4 : vector<1000x1xf32>
    %add3A_5 = arith.constant 1.000000e+00 : f32
    %add3A_6 = vector.broadcast %add3A_5 : f32 to vector<1000x1xf32>
    %add3A_7 = arith.addf %add3A, %add3A_6 : vector<1000x1xf32>
    %rsqrt3A = math.rsqrt %add3A_7 : vector<1000x1xf32>
    %get3A_8 = arith.constant 0 : index
    %get3A_9 = arith.constant 0 : index
    %get3A_10 = vector.load %arg1[%get3A_8, %get3A_9] : memref<1000x128xf32, #tpu.memory_space<vmem>>, vector<1000x128xf32>
    %mul3A = vector.broadcast %rsqrt3A : vector<1000x1xf32> to vector<1000x128xf32>
    %mul3A_11 = arith.mulf %get3A_10, %mul3A : vector<1000x128xf32>
    %swap3A = arith.constant 0 : index
    %swap3A_12 = arith.constant 0 : index
    %swap3A_13 = vector.load %arg3[%swap3A, %swap3A_12] : memref<1000x128xf32, #tpu.memory_space<vmem>>, vector<1000x128xf32>
    tpu.vector_store %arg3[%swap3A, %swap3A_12], %mul3A_11 {strides = array<i32>} : memref<1000x128xf32, #tpu.memory_space<vmem>>, vector<1000x128xf32>,
    %swap3A_14 = arith.constant 0 : index
    %swap3A_15 = arith.constant 0 : index
    %swap3A_16 = vector.load %arg4[%swap3A_14, %swap3A_15] : memref<1000x1xf32, #tpu.memory_space<vmem>>, vector<1000x1xf32>
    tpu.vector_store %arg4[%swap3A_14, %swap3A_15], %rsqrt3A {strides = array<i32>} : memref<1000x1xf32, #tpu.memory_space<vmem>>, vector<1000x1xf32>,
    return
  }
  func.func @transform_0(%arg0: i32) -> (i32, i32) {
    %c0_i32 = arith.constant 0 : i32
    %c0_i32_0 = arith.constant 0 : i32
    return %arg0, %c0_i32 : i32, i32
  }
  func.func @transform_1(%arg0: i32) -> (i32, i32) {
    %c0_i32 = arith.constant 0 : i32
    %c0_i32_0 = arith.constant 0 : i32
    return %arg0, %c0_i32 : i32, i32
  }
  func.func @transform_2(%arg0: i32) -> (i32, i32) {
    %c0_i32 = arith.constant 0 : i32
    %c0_i32_0 = arith.constant 0 : i32
    return %arg0, %c0_i32 : i32, i32
  }
  func.func @transform_3(%arg0: i32) -> (i32, i32) {
    %c0_i32 = arith.constant 0 : i32
    %c0_i32_0 = arith.constant 0 : i32
    return %arg0, %c0_i32 : i32, i32
  }
}

module attributes {stable_mosaic.version = 14 : i64} {
  func.func @_mid_body(%arg0: i32, %arg1: memref<2x1000x128xf32, #tpu.memory_space<vmem>>, %arg2: memref<1000x128xf32, #tpu.memory_space<vmem>>, %arg3: memref<1000x1xf32, #tpu.memory_space<vmem>>, %arg4: memref<128xf32, #tpu.memory_space<vmem>>, %arg5: memref<128xf32, #tpu.memory_space<vmem>>, %arg6: memref<128xf32, #tpu.memory_space<vmem>>, %arg7: memref<128x128xf32, #tpu.memory_space<vmem>>, %arg8: memref<1000x128xf32, #tpu.memory_space<vmem>>) attributes {dimension_semantics = [#tpu.dimension_semantics<arbitrary>], iteration_bounds = array<i64: 10>, scalar_prefetch = 0 : i64, scratch_operands = 0 : i64, tpu.core_type = #tpu.core_type<tc>, window_params = [{transform_indices = @transform_0, window_bounds = array<i64: 2, 1000, 128>}, {transform_indices = @transform_1, window_bounds = array<i64: 1000, 128>}, {transform_indices = @transform_2, window_bounds = array<i64: 1000, 1>}, {pipeline_mode = #tpu.pipeline_mode<synchronous>, transform_indices = @transform_3, window_bounds = array<i64: 128>}, {pipeline_mode = #tpu.pipeline_mode<synchronous>, transform_indices = @transform_4, window_bounds = array<i64: 128>}, {pipeline_mode = #tpu.pipeline_mode<synchronous>, transform_indices = @transform_5, window_bounds = array<i64: 128>}, {pipeline_mode = #tpu.pipeline_mode<synchronous>, transform_indices = @transform_6, window_bounds = array<i64: 128, 128>}, {transform_indices = @transform_7, window_bounds = array<i64: 1000, 128>}]} {
    %get3A = arith.constant 0 : index
    %get3A_0 = arith.constant 0 : index
    %get3A_1 = vector.load %arg3[%get3A, %get3A_0] : memref<1000x1xf32, #tpu.memory_space<vmem>>, vector<1000x1xf32>
    %get3A_2 = arith.constant 0 : index
    %get3A_3 = arith.constant 0 : index
    %get3A_4 = arith.constant 0 : index
    %get3A_5 = vector.load %arg1[%get3A_2, %get3A_3, %get3A_4] : memref<2x1000x128xf32, #tpu.memory_space<vmem>>, vector<1x1000x128xf32>
    %get3A_6 = vector.shape_cast %get3A_5 : vector<1x1000x128xf32> to vector<1000x128xf32>
    %get3A_7 = arith.constant 1 : index
    %get3A_8 = arith.constant 0 : index
    %get3A_9 = arith.constant 0 : index
    %get3A_10 = vector.load %arg1[%get3A_7, %get3A_8, %get3A_9] : memref<2x1000x128xf32, #tpu.memory_space<vmem>>, vector<1x1000x128xf32>
    %get3A_11 = vector.shape_cast %get3A_10 : vector<1x1000x128xf32> to vector<1000x128xf32>
    %add3A = arith.addf %get3A_6, %get3A_11 : vector<1000x128xf32>
    %get3A_12 = arith.constant 0 : index
    %get3A_13 = arith.constant 0 : index
    %get3A_14 = vector.load %arg2[%get3A_12, %get3A_13] : memref<1000x128xf32, #tpu.memory_space<vmem>>, vector<1000x128xf32>
    %add3A_15 = arith.addf %add3A, %get3A_14 : vector<1000x128xf32>
    %mul3A = vector.broadcast %get3A_1 : vector<1000x1xf32> to vector<1000x128xf32>
    %mul3A_16 = arith.mulf %add3A_15, %mul3A : vector<1000x128xf32>
    %get3A_17 = arith.constant 0 : index
    %get3A_18 = vector.load %arg4[%get3A_17] : memref<128xf32, #tpu.memory_space<vmem>>, vector<128xf32>
    %broadcast_in_dim3A = vector.shape_cast %get3A_18 : vector<128xf32> to vector<1x128xf32>
    %add3A_19 = vector.broadcast %broadcast_in_dim3A : vector<1x128xf32> to vector<1000x128xf32>
    %add3A_20 = arith.addf %mul3A_16, %add3A_19 : vector<1000x128xf32>
    %reduce_sum3A = arith.constant dense<0.000000e+00> : vector<1000xf32>
    %reduce_sum3A_21 = vector.multi_reduction <add>, %add3A_20, %reduce_sum3A [1] : vector<1000x128xf32> to vector<1000xf32>
    %broadcast_in_dim3A_22 = vector.shape_cast %reduce_sum3A_21 : vector<1000xf32> to vector<1000x1xf32>
    %div3A = arith.constant 1.280000e+02 : f32
    %div3A_23 = vector.broadcast %div3A : f32 to vector<1000x1xf32>
    %div3A_24 = arith.divf %broadcast_in_dim3A_22, %div3A_23 : vector<1000x1xf32>
    %sub3A = vector.broadcast %div3A_24 : vector<1000x1xf32> to vector<1000x128xf32>
    %sub3A_25 = arith.subf %add3A_20, %sub3A : vector<1000x128xf32>
    %integer_pow3A = arith.mulf %sub3A_25, %sub3A_25 : vector<1000x128xf32>
    %reduce_sum3A_26 = arith.constant dense<0.000000e+00> : vector<1000xf32>
    %reduce_sum3A_27 = vector.multi_reduction <add>, %integer_pow3A, %reduce_sum3A_26 [1] : vector<1000x128xf32> to vector<1000xf32>
    %broadcast_in_dim3A_28 = vector.shape_cast %reduce_sum3A_27 : vector<1000xf32> to vector<1000x1xf32>
    %div3A_29 = arith.constant 1.280000e+02 : f32
    %div3A_30 = vector.broadcast %div3A_29 : f32 to vector<1000x1xf32>
    %div3A_31 = arith.divf %broadcast_in_dim3A_28, %div3A_30 : vector<1000x1xf32>
    %sub3A_32 = vector.broadcast %div3A_24 : vector<1000x1xf32> to vector<1000x128xf32>
    %sub3A_33 = arith.subf %add3A_20, %sub3A_32 : vector<1000x128xf32>
    %add3A_34 = arith.constant 9.99999974E-6 : f32
    %add3A_35 = vector.broadcast %add3A_34 : f32 to vector<1000x1xf32>
    %add3A_36 = arith.addf %div3A_31, %add3A_35 : vector<1000x1xf32>
    %sqrt3A = math.sqrt %add3A_36 : vector<1000x1xf32>
    %div3A_37 = vector.broadcast %sqrt3A : vector<1000x1xf32> to vector<1000x128xf32>
    %div3A_38 = arith.divf %sub3A_33, %div3A_37 : vector<1000x128xf32>
    %get3A_39 = arith.constant 0 : index
    %get3A_40 = vector.load %arg5[%get3A_39] : memref<128xf32, #tpu.memory_space<vmem>>, vector<128xf32>
    %broadcast_in_dim3A_41 = vector.shape_cast %get3A_40 : vector<128xf32> to vector<1x128xf32>
    %mul3A_42 = vector.broadcast %broadcast_in_dim3A_41 : vector<1x128xf32> to vector<1000x128xf32>
    %mul3A_43 = arith.mulf %div3A_38, %mul3A_42 : vector<1000x128xf32>
    %get3A_44 = arith.constant 0 : index
    %get3A_45 = vector.load %arg6[%get3A_44] : memref<128xf32, #tpu.memory_space<vmem>>, vector<128xf32>
    %broadcast_in_dim3A_46 = vector.shape_cast %get3A_45 : vector<128xf32> to vector<1x128xf32>
    %add3A_47 = vector.broadcast %broadcast_in_dim3A_46 : vector<1x128xf32> to vector<1000x128xf32>
    %add3A_48 = arith.addf %mul3A_43, %add3A_47 : vector<1000x128xf32>
    %max3A = arith.constant 0.000000e+00 : f32
    %max3A_49 = vector.broadcast %max3A : f32 to vector<1000x128xf32>
    %max3A_50 = arith.maximumf %add3A_48, %max3A_49 : vector<1000x128xf32>
    %get3A_51 = arith.constant 0 : index
    %get3A_52 = arith.constant 0 : index
    %get3A_53 = vector.load %arg7[%get3A_51, %get3A_52] : memref<128x128xf32, #tpu.memory_space<vmem>>, vector<128x128xf32>
    %dot_general3A = arith.constant dense<0.000000e+00> : vector<1000x128xf32>
    %dot_general3A_54 = tpu.matmul %max3A_50, %get3A_53, %dot_general3A {dimension_numbers = #tpu.dot_dimension_numbers<[1], [0], [0], [1], [0, 0, 1, 1], [], []>, precision = #tpu.contract_precision<fp32>, transpose_lhs_hint = false} : vector<1000x128xf32>, vector<128x128xf32>, vector<1000x128xf32> -> vector<1000x128xf32>
    %mul3A_55 = vector.broadcast %get3A_1 : vector<1000x1xf32> to vector<1000x128xf32>
    %mul3A_56 = arith.mulf %dot_general3A_54, %mul3A_55 : vector<1000x128xf32>
    %swap3A = arith.constant 0 : index
    %swap3A_57 = arith.constant 0 : index
    %swap3A_58 = vector.load %arg8[%swap3A, %swap3A_57] : memref<1000x128xf32, #tpu.memory_space<vmem>>, vector<1000x128xf32>
    tpu.vector_store %arg8[%swap3A, %swap3A_57], %mul3A_56 {strides = array<i32>} : memref<1000x128xf32, #tpu.memory_space<vmem>>, vector<1000x128xf32>,
    return
  }
  func.func @transform_0(%arg0: i32) -> (i32, i32, i32) {
    %c0_i32 = arith.constant 0 : i32
    %c0_i32_0 = arith.constant 0 : i32
    %c0_i32_1 = arith.constant 0 : i32
    return %c0_i32, %arg0, %c0_i32_0 : i32, i32, i32
  }
  func.func @transform_1(%arg0: i32) -> (i32, i32) {
    %c0_i32 = arith.constant 0 : i32
    %c0_i32_0 = arith.constant 0 : i32
    return %arg0, %c0_i32 : i32, i32
  }
  func.func @transform_2(%arg0: i32) -> (i32, i32) {
    %c0_i32 = arith.constant 0 : i32
    %c0_i32_0 = arith.constant 0 : i32
    return %arg0, %c0_i32 : i32, i32
  }
  func.func @transform_3(%arg0: i32) -> i32 {
    %c0_i32 = arith.constant 0 : i32
    %c0_i32_0 = arith.constant 0 : i32
    return %c0_i32 : i32
  }
  func.func @transform_4(%arg0: i32) -> i32 {
    %c0_i32 = arith.constant 0 : i32
    %c0_i32_0 = arith.constant 0 : i32
    return %c0_i32 : i32
  }
  func.func @transform_5(%arg0: i32) -> i32 {
    %c0_i32 = arith.constant 0 : i32
    %c0_i32_0 = arith.constant 0 : i32
    return %c0_i32 : i32
  }
  func.func @transform_6(%arg0: i32) -> (i32, i32) {
    %c0_i32 = arith.constant 0 : i32
    %c0_i32_0 = arith.constant 0 : i32
    %c0_i32_1 = arith.constant 0 : i32
    return %c0_i32, %c0_i32_0 : i32, i32
  }
  func.func @transform_7(%arg0: i32) -> (i32, i32) {
    %c0_i32 = arith.constant 0 : i32
    %c0_i32_0 = arith.constant 0 : i32
    return %arg0, %c0_i32 : i32, i32
  }
}

module attributes {stable_mosaic.version = 14 : i64} {
  func.func @_fin_body(%arg0: i32, %arg1: memref<2x1000x128xf32, #tpu.memory_space<vmem>>, %arg2: memref<1000x128xf32, #tpu.memory_space<vmem>>, %arg3: memref<1000x1xf32, #tpu.memory_space<vmem>>, %arg4: memref<128xf32, #tpu.memory_space<vmem>>, %arg5: memref<1000x128xf32, #tpu.memory_space<vmem>>) attributes {dimension_semantics = [#tpu.dimension_semantics<arbitrary>], iteration_bounds = array<i64: 10>, scalar_prefetch = 0 : i64, scratch_operands = 0 : i64, tpu.core_type = #tpu.core_type<tc>, window_params = [{transform_indices = @transform_0, window_bounds = array<i64: 2, 1000, 128>}, {transform_indices = @transform_1, window_bounds = array<i64: 1000, 128>}, {transform_indices = @transform_2, window_bounds = array<i64: 1000, 1>}, {pipeline_mode = #tpu.pipeline_mode<synchronous>, transform_indices = @transform_3, window_bounds = array<i64: 128>}, {transform_indices = @transform_4, window_bounds = array<i64: 1000, 128>}]} {
    %get3A = arith.constant 0 : index
    %get3A_0 = arith.constant 0 : index
    %get3A_1 = arith.constant 0 : index
    %get3A_2 = vector.load %arg1[%get3A, %get3A_0, %get3A_1] : memref<2x1000x128xf32, #tpu.memory_space<vmem>>, vector<1x1000x128xf32>
    %get3A_3 = vector.shape_cast %get3A_2 : vector<1x1000x128xf32> to vector<1000x128xf32>
    %get3A_4 = arith.constant 1 : index
    %get3A_5 = arith.constant 0 : index
    %get3A_6 = arith.constant 0 : index
    %get3A_7 = vector.load %arg1[%get3A_4, %get3A_5, %get3A_6] : memref<2x1000x128xf32, #tpu.memory_space<vmem>>, vector<1x1000x128xf32>
    %get3A_8 = vector.shape_cast %get3A_7 : vector<1x1000x128xf32> to vector<1000x128xf32>
    %add3A = arith.addf %get3A_3, %get3A_8 : vector<1000x128xf32>
    %get3A_9 = arith.constant 0 : index
    %get3A_10 = arith.constant 0 : index
    %get3A_11 = vector.load %arg2[%get3A_9, %get3A_10] : memref<1000x128xf32, #tpu.memory_space<vmem>>, vector<1000x128xf32>
    %add3A_12 = arith.addf %add3A, %get3A_11 : vector<1000x128xf32>
    %get3A_13 = arith.constant 0 : index
    %get3A_14 = arith.constant 0 : index
    %get3A_15 = vector.load %arg3[%get3A_13, %get3A_14] : memref<1000x1xf32, #tpu.memory_space<vmem>>, vector<1000x1xf32>
    %mul3A = vector.broadcast %get3A_15 : vector<1000x1xf32> to vector<1000x128xf32>
    %mul3A_16 = arith.mulf %add3A_12, %mul3A : vector<1000x128xf32>
    %get3A_17 = arith.constant 0 : index
    %get3A_18 = vector.load %arg4[%get3A_17] : memref<128xf32, #tpu.memory_space<vmem>>, vector<128xf32>
    %broadcast_in_dim3A = vector.shape_cast %get3A_18 : vector<128xf32> to vector<1x128xf32>
    %add3A_19 = vector.broadcast %broadcast_in_dim3A : vector<1x128xf32> to vector<1000x128xf32>
    %add3A_20 = arith.addf %mul3A_16, %add3A_19 : vector<1000x128xf32>
    %swap3A = arith.constant 0 : index
    %swap3A_21 = arith.constant 0 : index
    %swap3A_22 = vector.load %arg5[%swap3A, %swap3A_21] : memref<1000x128xf32, #tpu.memory_space<vmem>>, vector<1000x128xf32>
    tpu.vector_store %arg5[%swap3A, %swap3A_21], %add3A_20 {strides = array<i32>} : memref<1000x128xf32, #tpu.memory_space<vmem>>, vector<1000x128xf32>,
    return
  }
  func.func @transform_0(%arg0: i32) -> (i32, i32, i32) {
    %c0_i32 = arith.constant 0 : i32
    %c0_i32_0 = arith.constant 0 : i32
    %c0_i32_1 = arith.constant 0 : i32
    return %c0_i32, %arg0, %c0_i32_0 : i32, i32, i32
  }
  func.func @transform_1(%arg0: i32) -> (i32, i32) {
    %c0_i32 = arith.constant 0 : i32
    %c0_i32_0 = arith.constant 0 : i32
    return %arg0, %c0_i32 : i32, i32
  }
  func.func @transform_2(%arg0: i32) -> (i32, i32) {
    %c0_i32 = arith.constant 0 : i32
    %c0_i32_0 = arith.constant 0 : i32
    return %arg0, %c0_i32 : i32, i32
  }
  func.func @transform_3(%arg0: i32) -> i32 {
    %c0_i32 = arith.constant 0 : i32
    %c0_i32_0 = arith.constant 0 : i32
    return %c0_i32 : i32
  }
  func.func @transform_4(%arg0: i32) -> (i32, i32) {
    %c0_i32 = arith.constant 0 : i32
    %c0_i32_0 = arith.constant 0 : i32
    return %arg0, %c0_i32 : i32, i32
  }
}

</mosaic_0001>

<sc_bundles>
// kernel: kernel.10.cloned.1.call-start
scs
__scs_entry_jumppad:
0x0: {  	(pc) =	sbr.rel $0x88, $3  }
0x1: {  	(tag) =	ssettag $0x0;
	lr =	simm.s32 $0x1  }
0x2: {  	[smem:$0x3F99] =	sst lr;
	_ =	strace $0xD0000000  }
0x3: {  	_ = 	snop  }
0x4: {  	_ = 	snop  }
0x5: {  	_ = 	snop  }
0x6: {  	_ = 	snop  }
0x7: {  	_ = 	snop  }
__scs_overlays_trampoline_lowered:
0x8: {  	[smem:$0x3FA8] =	sst s0  }
0x9: {  	[smem:$0x3FA9] =	sst s1  }
0xa: {  	[smem:$0x3FAA] =	sst s2  }
0xb: {  	[smem:$0x3FAB] =	sst s3  }
0xc: {  	[smem:$0x3FAC] =	sst s4  }
0xd: {  	[smem:$0x3FAD] =	sst s5  }
0xe: {  	[smem:$0x3FAE] =	sst s6  }
0xf: {  	[smem:$0x3FAF] =	sst s7  }
0x10: {  	[smem:$0x3FB0] =	sst s8  }
0x11: {  	[smem:$0x3FB1] =	sst s9;
	s0 =	simm.s32 @!p0 $0x0  }
0x12: {  	s1 =	sld [smem:$0x3F97];
	s0 =	simm.s32 @p0 $0x1  }
0x13: {  	[smem:$0x3FB2] =	sst s0;
	s0 =	simm.s32 @!p1 $0x0  }
0x14: {  	s2 =	sld [smem:$0x3F96];
	s0 =	simm.s32 @p1 $0x1  }
0x15: {  	[smem:$0x3FB3] =	sst s0;
	s0 =	simm.s32 @!p2 $0x0  }
0x16: {  	s3 =	sld [smem:$0x3FDB];
	s0 =	simm.s32 @p2 $0x1  }
0x17: {  	s4 =	simm.s32 $0x1BF5;
	[smem:$0x3FB5] =	sst s0  }
0x18: {  	s0 =	sld [smem:$0x3F98];
	_ =	swait.ge [sflag:s4], $0x0  }
0x19: {  	s7 =	sld [smem:$0x3F99]  }
0x1a: {  	s8 =	sadd.s32 $0xFFFFE003, lr  }
0x1b: {  	s9 =	sadd.s32 $0xFFFFFEF7, lr;
	s5 =	simm.s32 $0xFFFFFFFF;
	p2 =	slt.u32 s8, $0xFFFFF086  }
0x1c: {  	p1 =	slt.u32 s9, $0xF7A;
	s5 =	simm.s32 @!p2 $0x0  }
0x1d: {  	s5 =	simm.s32 @p1 $0x1;
	p0 =	seq.s32 s7, s2  }
0x1e: {  	s7 =	smul.u32 @!p0 $0xF7A, s2;
	p2 =	seq.s32 @!p0 s5, $0x0  }
0x1f: {  	s9 =	smul.u32 $0xF7A, s1;
	s8 =	simm.s32 @!p0 $0x1BF5;
	p2 =	por !p2, p0  }
0x20: {  	[sflag:s8] =	ssyncset.s32 @!p0 $0xFFFFF086;
	s6 =	sadd.s32 @!p0 s3, s7;
	s7 =	simm.s32 @!p0 $0x108  }
0x21: {  	s3 =	sadd.s32 s3, s9;
	s6 =	sadd.s32 @!p0 $0x88, s6;
	s7 =	simm.s32 @p2 $0x1082  }
0x22: {  	[simem:s7], [sflag:s8] =	dma.local @!p0 [hbm:s6], $0xF7A  }
0x23: {  	s9 =	sor.u32 $0xD0000000, s2;
	s6 =	simm.s32 $0x108;
	_ =	swait.ge @!p0 [sflag:s8], $0x0  }
0x24: {  	s3 =	sadd.s32 $0x88, s3;
	s6 =	simm.s32 @!p1 $0x1082;
	[sflag:s4] =	ssyncset.s32 $0xFFFFF086  }
0x25: {  	[simem:s6], [sflag:s4] =	dma.local [hbm:s3], $0xF7A  }
0x26: {  	[smem:$0x3F99] =	sst s1;
	(tag) =	ssettag s2;
	_ =	strace s9  }
0x27: {  	s1 =	sld [smem:$0x3FA9]  }
0x28: {  	s2 =	sld [smem:$0x3FAA]  }
0x29: {  	s4 =	sld [smem:$0x3FAC]  }
0x2a: {  	p0 =	seq.s32 s5, $0x0;
	s5 =	sld [smem:$0x3FAD]  }
0x2b: {  	s6 =	sld [smem:$0x3FAE]  }
0x2c: {  	s7 =	sld [smem:$0x3FAF]  }
0x2d: {  	s3 =	simm.s32 $0x108;
	s8 =	sld [smem:$0x3FB0]  }
0x2e: {  	s3 =	simm.s32 @!p0 $0x1082;
	s9 =	sld [smem:$0x3FB1]  }
0x2f: {  	lr =	sadd.s32 s0, s3;
	s0 =	sld [smem:$0x3FA8]  }
0x30: {  	s3 =	sld [smem:$0x3FAB]  }
0x31: {  	[smem:$0x3FB4] =	sst s10  }
0x32: {  	s10 =	sld [smem:$0x3FB2];
	_ =	sdelay $0x3  }
0x33: {  	p0 =	seq.s32 s10, $0x1;
	s10 =	sld [smem:$0x3FB4];
	_ =	sdelay $0x3  }
0x34: {  	[smem:$0x3FB4] =	sst s10  }
0x35: {  	s10 =	sld [smem:$0x3FB3];
	_ =	sdelay $0x3  }
0x36: {  	p1 =	seq.s32 s10, $0x1;
	s10 =	sld [smem:$0x3FB4];
	_ =	sdelay $0x3  }
0x37: {  	[smem:$0x3FB4] =	sst s10  }
0x38: {  	s10 =	sld [smem:$0x3FB5]  }
0x39: {  	_ = 	snop;
	(pc) =	sbr.ind lr, $3  }
0x3a: {  	_ = 	snop  }
0x3b: {  	_ = 	snop  }
0x3c: {  	p2 =	seq.s32 s10, $0x1;
	s10 =	sld [smem:$0x3FB4]  }
0x3d: {  	_ =	shalt  }
0x3e: {  	_ =	shalt  }
0x3f: {  	_ =	shalt  }
0x40: {  	_ =	shalt  }
0x41: {  	_ =	shalt  }
0x42: {  	_ =	shalt  }
0x43: {  	_ =	shalt  }
0x44: {  	_ =	shalt  }
0x45: {  	_ =	shalt  }
0x46: {  	_ =	shalt  }
0x47: {  	_ =	shalt  }
0x48: {  	_ =	shalt  }
0x49: {  	_ =	shalt  }
0x4a: {  	_ =	shalt  }
0x4b: {  	_ =	shalt  }
0x4c: {  	_ =	shalt  }
0x4d: {  	_ =	shalt  }
0x4e: {  	_ =	shalt  }
0x4f: {  	_ =	shalt  }
0x50: {  	_ =	shalt  }
0x51: {  	_ =	shalt  }
0x52: {  	_ =	shalt  }
0x53: {  	_ =	shalt  }
0x54: {  	_ =	shalt  }
0x55: {  	_ =	shalt  }
0x56: {  	_ =	shalt  }
0x57: {  	_ =	shalt  }
0x58: {  	_ =	shalt  }
0x59: {  	_ =	shalt  }
0x5a: {  	_ =	shalt  }
0x5b: {  	_ =	shalt  }
0x5c: {  	_ =	shalt  }
0x5d: {  	_ =	shalt  }
0x5e: {  	_ =	shalt  }
0x5f: {  	_ =	shalt  }
0x60: {  	_ =	shalt  }
0x61: {  	_ =	shalt  }
0x62: {  	_ =	shalt  }
0x63: {  	_ =	shalt  }
0x64: {  	_ =	shalt  }
0x65: {  	_ =	shalt  }
0x66: {  	_ =	shalt  }
0x67: {  	_ =	shalt  }
0x68: {  	_ =	shalt  }
0x69: {  	_ =	shalt  }
0x6a: {  	_ =	shalt  }
0x6b: {  	_ =	shalt  }
0x6c: {  	_ =	shalt  }
0x6d: {  	_ =	shalt  }
0x6e: {  	_ =	shalt  }
0x6f: {  	_ =	shalt  }
0x70: {  	_ =	shalt  }
0x71: {  	_ =	shalt  }
0x72: {  	_ =	shalt  }
0x73: {  	_ =	shalt  }
0x74: {  	_ =	shalt  }
0x75: {  	_ =	shalt  }
0x76: {  	_ =	shalt  }
0x77: {  	_ =	shalt  }
0x78: {  	_ =	shalt  }
0x79: {  	_ =	shalt  }
0x7a: {  	_ =	shalt  }
0x7b: {  	_ =	shalt  }
0x7c: {  	_ =	shalt  }
0x7d: {  	_ =	shalt  }
0x7e: {  	_ =	shalt  }
0x7f: {  	_ =	shalt  }
0x80: {  	_ =	shalt  }
0x81: {  	_ =	shalt  }
0x82: {  	_ =	shalt  }
0x83: {  	_ =	shalt  }
0x84: {  	_ =	shalt  }
0x85: {  	_ =	shalt  }
0x86: {  	_ =	shalt  }
0x87: {  	_ =	shalt  }
.Lfunc_end0:
.L_simem_size_0:
called_computation_lowered:
.L_overlay_start_0:
0x88: {  	s2 =	sld [smem:$0x3FD9]  }
0x89: {  	s3 =	sld [smem:$0x3FFE];
	_ =	sdelay $0x1  }
0x8a: {  	s1 =	srdreg.scid  }
0x8b: {  	s0 =	sand.u32 $0x1, s1  }
0x8c: {  	s17 =	sshll.u32 s0, $0xA;
	s2 =	sadd.s32 s3, s2  }
0x8d: {  	s2 =	sadd.s32 s2, s17  }
0x8e: {  	[smem:$0x3FC0] =	sst s2  }
0x8f: {  	_ = 	snop  }
0x90: {  	s2 =	sld [smem:$0x3FD0];
	(tm) =	ssettm $0x1  }
0x91: {  	s18 =	sld [smem:$0x3FFB];
	_ =	sdelay $0x3  }
0x92: {  	_ =	strace s18  }
0x93: {  	s3 =	sld [smem:$0x3FFC];
	_ =	sdelay $0x3  }
0x94: {  	_ =	strace s3  }
0x95: {  	s3 =	sld [smem:$0x3FFD];
	_ =	sdelay $0x3  }
0x96: {  	_ =	strace s3  }
0x97: {  	_ =	strace $0x8FFFFFFF  }
0x98: {  	s19 =	sld [smem:$0x3FDB];
	_ =	sdelay $0x1  }
0x99: {  	s4 =	simm.s32 $_scs_section_size  }
0x9a: {  	s5 =	simm.s32 $_size__tile_overlayer_lowered;
	s6 =	simm.s32 $_tile_overlayer_lowered  }
0x9b: {  	s22 =	simm.s32 $0x1BFF;
	s21 =	sshll.u32 s6, $0x1;
	s3 =	sadd.s32 s4, s19  }
0x9c: {  	s7 =	simm.s32 $0x0;
	s20 =	sshll.u32 s5, $0x1;
	s5 =	sadd.s32 s21, s3  }
0x9d: {  	[timem:s7], [sflag:s22] =	dma.local [hbm:s5], s20  }
0x9e: {  	_ =	swait.ge [sflag:s22], s20  }
0x9f: {  	s4 =	ssub.s32 $0x0, s20;
	[sflag:s22] =	ssyncset.done $0x0  }
0xa0: {  	[sflag:s22] =	ssyncadd.s32 s4;
	_ =	sdelay $0x1  }
0xa1: {  	s23 =	simm.s32 $0x1B8B  }
0xa2: {  	_ =	swait.ge [sflag:s23], $0x1  }
0xa3: {  	[sflag:s23] =	ssyncset.done $0x0  }
0xa4: {  	s25 =	simm.s32 $0x1B8E;
	s24 =	sld [smem:$0x3FFE];
	[sflag:s23] =	ssyncadd.s32 $0xFFFFFFFF  }
0xa5: {  	s26 =	simm.s32 $execute0_lowered;
	[smem:$0x3FD2] =	sst s25  }
0xa6: {  	s5 =	sshll.u32 s26, $0x1;
	_ =	strace $0x80000046;
	[dreg:$0x1] =	wrdreg $0xFFFFFFFF  }
0xa7: {  	s28 =	simm.s32 $_size_execute0_lowered;
	s3 =	sadd.s32 s3, s5;
	[dreg:$0x0] =	wrdreg $0x0  }
0xa8: {  	s5 =	sshll.u32 s28, $0x1;
	[dreg:$0x2] =	wrdreg s3  }
0xa9: {  	[dreg:$0x3] =	wrdreg s5  }
0xaa: {  	[dreg:$0x4] =	wrdreg $0xC0  }
0xab: {  	_ =	task [dreg:s7], $0x5FFFF  }
0xac: {  	[dreg:$0x1] =	wrdreg $0xFFFFFFFF  }
0xad: {  	[dreg:$0x0] =	wrdreg $0x60  }
0xae: {  	[dreg:$0x2] =	wrdreg s2  }
0xaf: {  	[dreg:$0x3] =	wrdreg s24  }
0xb0: {  	[dreg:$0x4] =	wrdreg $0x7000  }
0xb1: {  	[dreg:$0x5] =	wrdreg $0x9  }
0xb2: {  	_ =	task.clear_ibuf [dreg:s7], $0x6FFFF;
	_ =	strace $0x90000046  }
0xb3: {  	s29 =	simm.s32 $0x9;
	_ =	strace $0x80000048  }
0xb4: {  	_ =	swait.ge [sflag:s29], $0x1  }
0xb5: {  	[sflag:s29] =	ssyncadd.s32 $0xFFFFFFFF  }
0xb6: {  	_ =	strace $0x90000048  }
0xb7: {  	_ =	sfence  }
0xb8: {  	s30 =	sld [smem:$0x0];
	_ =	sdelay $0x2  }
0xb9: {  	s31 =	sshll.u32 s1, $0xD;
	s1 =	sshrl.u32 s1, $0x2  }
0xba: {  	s3 =	sand.u32 $0x4000, s31;
	s1 =	sadd.s32 s1, s30  }
0xbb: {  	s0 =	sor.u32 s3, s0;
	s1 =	sshll.u32 s1, $0x11  }
0xbc: {  	s0 =	sor.u32 s1, s0  }
0xbd: {  	s0 =	sadd.s32 $0x8F2B, s0  }
0xbe: {  	[sflag:s0] =	ssyncadd.remote.s32 $0x1  }
0xbf: {  	_ =	sfence.sel $0xFFFF  }
0xc0: {  	[dreg:$0x0] =	wrdreg $0xFFFFFFFF;
	(pc) =	sbr.abs _section_cstart, $3  }
0xc1: {  	[dreg:$0x1] =	wrdreg $0xFFFFFFFF  }
0xc2: {  	_ =	task.clear_ibuf [dreg:s7], $0x2FFFF;
	_ =	strace $0x9FFFFFFF  }
0xc3: {  	(tm) =	ssettm $0x7FFFFFFF  }
tec
execute0_lowered:
.L_overlay_start_1:
0x0: {  	(tag) =	ssettag $0x1  }
0x1: {  	s0 =	rddreg [dreg:$0x0]  }
0x2: {  	s4 =	rddreg [dreg:$0x1]  }
0x3: {  	s2 =	rddreg [dreg:$0x2];
	s5 =	srdreg.scid  }
0x4: {  	s1 =	stileid.u32;
	s3 =	simm.s32 $0x0;
	s12 =	simm.s32 $0x400  }
0x5: {  	s13 =	simm.s32 $0x80;
	s14 =	simm.s32 $0x100;
	s15 =	simm.s32 $0x180  }
0x6: {  	s16 =	simm.s32 $0x1;
	s17 =	simm.s32 $0x2;
	s18 =	simm.s32 $0x3  }
0x7: {  	s19 =	simm.s32 $0x4;
	s20 =	simm.s32 $0x200;
	s21 =	simm.s32 $0x280  }
0x8: {  	s22 =	simm.s32 $0x300;
	s23 =	simm.s32 $0x380;
	s24 =	simm.s32 $0x5  }
0x9: {  	s25 =	simm.s32 $0x6;
	s26 =	simm.s32 $0x7;
	s28 =	simm.s32 $0x8  }
0xa: {  	s29 =	simm.s32 $0x0;
	s5 =	sand.u32 $0x1, s5;
	s6 =	smul.u32 $0x280, s1  }
0xb: {  	[smem:$0x7FF] =	sst s3;
	s9 =	sshll.u32 s1, $0xB;
	s7 =	smul.u32 $0x2800, s5  }
0xc: {  	_ =	strace $0x80000047;
	s8 =	sshll.u32 s5, $0xF;
	s5 =	ssub.s32 $0x2, s5  }
0xd: {  	s10 =	sor.u32 s9, s8;
	s31 =	sshrl.u32 s5, $0x1;
	s7 =	sadd.s32 s6, s7  }
0xe: {  	s10 =	sadd.s32 s10, s0;
	s11 =	ssub.s32 s5, s31;
	s0 =	sadd.s32 s8, s0  }
0xf: {  	s7 =	sshrl.u32 s7, $0x3;
	s5 =	sadd.s32 $0x780, s10;
	s8 =	sadd.s32 s9, s0  }
0x10: {  	s10 =	simm.s32 $0x9;
	s7 =	sadd.s32 s7, s4;
	s4 =	sadd.s32 s6, s2  }
0x11: {  	v0 =	vimm.f32 $1.000000000e+00;
	v1 =	vimm.f32 $0.0e+00;
	s6 =	sadd.s32 $0x3200, s7;
	s7 =	smax.u32 s11, $0x1;
	s11 =	simm.s32 $0x50  }
.LBB2_1:
0x12: {  	[tilespmem:$0x400] =	vst v0  }
0x13: {  	[tilespmem:$0x410] =	vst v0  }
0x14: {  	[tilespmem:$0x420] =	vst v0  }
0x15: {  	[tilespmem:$0x430] =	vst v0  }
0x16: {  	[tilespmem:$0x440] =	vst v0  }
0x17: {  	[tilespmem:$0x480] =	vst v1  }
0x18: {  	[tilespmem:$0x490] =	vst v1  }
0x19: {  	[tilespmem:$0x4A0] =	vst v1  }
0x1a: {  	[tilespmem:$0x4B0] =	vst v1  }
0x1b: {  	[tilespmem:$0x4C0] =	vst v1  }
0x1c: {  	[tilespmem:$0x4D0] =	vst v1  }
0x1d: {  	[tilespmem:$0x4E0] =	vst v1  }
0x1e: {  	[tilespmem:$0x4F0] =	vst v1  }
0x1f: {  	[tilespmem:$0x500] =	vst v1  }
0x20: {  	[tilespmem:$0x510] =	vst v1  }
0x21: {  	[tilespmem:$0x520] =	vst v1  }
0x22: {  	[tilespmem:$0x530] =	vst v1  }
0x23: {  	[tilespmem:$0x540] =	vst v1  }
0x24: {  	[tilespmem:$0x550] =	vst v1  }
0x25: {  	[tilespmem:$0x560] =	vst v1  }
0x26: {  	[tilespmem:$0x570] =	vst v1  }
0x27: {  	[tilespmem:$0x580] =	vst v1  }
0x28: {  	[tilespmem:$0x590] =	vst v1  }
0x29: {  	[tilespmem:$0x5A0] =	vst v1  }
0x2a: {  	[tilespmem:$0x5B0] =	vst v1  }
0x2b: {  	[tilespmem:$0x5C0] =	vst v1  }
0x2c: {  	[tilespmem:$0x5D0] =	vst v1  }
0x2d: {  	[tilespmem:$0x5E0] =	vst v1  }
0x2e: {  	[tilespmem:$0x5F0] =	vst v1  }
0x2f: {  	[tilespmem:$0x600] =	vst v1  }
0x30: {  	[tilespmem:$0x610] =	vst v1  }
0x31: {  	[tilespmem:$0x620] =	vst v1  }
0x32: {  	[tilespmem:$0x630] =	vst v1  }
0x33: {  	[tilespmem:$0x640] =	vst v1  }
0x34: {  	[tilespmem:$0x650] =	vst v1  }
0x35: {  	[tilespmem:$0x660] =	vst v1  }
0x36: {  	[tilespmem:$0x670] =	vst v1  }
0x37: {  	[tilespmem:$0x680] =	vst v1  }
0x38: {  	[tilespmem:$0x690] =	vst v1  }
0x39: {  	[tilespmem:$0x6A0] =	vst v1  }
0x3a: {  	[tilespmem:$0x6B0] =	vst v1  }
0x3b: {  	[tilespmem:$0x6C0] =	vst v1  }
0x3c: {  	[tilespmem:$0x6D0] =	vst v1  }
0x3d: {  	[tilespmem:$0x6E0] =	vst v1  }
0x3e: {  	[tilespmem:$0x6F0] =	vst v1;
	s0 =	simm.s32 $0x480  }
0x3f: {  	[spmem:s4] =	stream.linear.scatter [tilespmem:s0], [sflag:$0x9], $0x280, $0x38;
	[tilespmem:$0x980] =	vst v63  }
0x40: {  	_ =	swait.ge [sflag:s10], $0x280  }
0x41: {  	[sflag:s10] =	ssyncset.done $0x0  }
0x42: {  	[sflag:s10] =	ssyncadd.s32 $0xFFFFFD80  }
0x43: {  	s9 =	sadd.s32 $0x0, s8;
	[bflag:$0x0] =	sbarrier.arrive $0xFFFF  }
0x44: {  	[tilespmem:s3], [sflag:$0x9] =	stream.linear.gather [hbm4b:s9+s3], $0x400, $0x38;
	[tilespmem:$0x980] =	vst v63  }
0x45: {  	_ =	swait.ge [sflag:s10], $0x400  }
0x46: {  	[sflag:s10] =	ssyncset.done $0x0  }
0x47: {  	[sflag:s10] =	ssyncadd.s32 $0xFFFFFC00  }
0x48: {  	[spmem:s2] =	stream.indirect.scatter.add.f32 [tilespmem:s12], [sflag:$0x1], $0x1, s3, s11, $0xb8;
	[tilespmem:$0x980] =	vst v63  }
0x49: {  	_ = 	snop  }
0x4a: {  	[spmem:s2] =	stream.indirect.scatter.add.f32 [tilespmem:s12], [sflag:$0x2], $0x1, s13, s11, $0xb8;
	[tilespmem:$0x980] =	vst v63  }
0x4b: {  	_ = 	snop  }
0x4c: {  	[spmem:s2] =	stream.indirect.scatter.add.f32 [tilespmem:s12], [sflag:$0x3], $0x1, s14, s11, $0xb8;
	[tilespmem:$0x980] =	vst v63  }
0x4d: {  	_ = 	snop  }
0x4e: {  	[spmem:s2] =	stream.indirect.scatter.add.f32 [tilespmem:s12], [sflag:$0x4], $0x1, s15, s11, $0xb8;
	[tilespmem:$0x980] =	vst v63  }
0x4f: {  	_ =	swait.ge [sflag:s16], $0x50  }
0x50: {  	[sflag:s16] =	ssyncset.done $0x0  }
0x51: {  	[sflag:s16] =	ssyncadd.s32 $0xFFFFFFB0  }
0x52: {  	_ =	swait.ge [sflag:s17], $0x50  }
0x53: {  	[sflag:s17] =	ssyncset.done $0x0  }
0x54: {  	[sflag:s17] =	ssyncadd.s32 $0xFFFFFFB0  }
0x55: {  	_ =	swait.ge [sflag:s18], $0x50  }
0x56: {  	[sflag:s18] =	ssyncset.done $0x0  }
0x57: {  	[sflag:s18] =	ssyncadd.s32 $0xFFFFFFB0  }
0x58: {  	_ =	swait.ge [sflag:s19], $0x50  }
0x59: {  	[sflag:s19] =	ssyncset.done $0x0  }
0x5a: {  	[sflag:s19] =	ssyncadd.s32 $0xFFFFFFB0  }
0x5b: {  	[spmem:s2] =	stream.indirect.scatter.add.f32 [tilespmem:s12], [sflag:$0x5], $0x1, s20, s11, $0xb8;
	[tilespmem:$0x980] =	vst v63  }
0x5c: {  	_ = 	snop  }
0x5d: {  	[spmem:s2] =	stream.indirect.scatter.add.f32 [tilespmem:s12], [sflag:$0x6], $0x1, s21, s11, $0xb8;
	[tilespmem:$0x980] =	vst v63  }
0x5e: {  	_ = 	snop  }
0x5f: {  	[spmem:s2] =	stream.indirect.scatter.add.f32 [tilespmem:s12], [sflag:$0x7], $0x1, s22, s11, $0xb8;
	[tilespmem:$0x980] =	vst v63  }
0x60: {  	_ = 	snop  }
0x61: {  	[spmem:s2] =	stream.indirect.scatter.add.f32 [tilespmem:s12], [sflag:$0x8], $0x1, s23, s11, $0xb8;
	[tilespmem:$0x980] =	vst v63  }
0x62: {  	_ =	swait.ge [sflag:s24], $0x50  }
0x63: {  	[sflag:s24] =	ssyncset.done $0x0  }
0x64: {  	[sflag:s24] =	ssyncadd.s32 $0xFFFFFFB0  }
0x65: {  	_ =	swait.ge [sflag:s25], $0x50  }
0x66: {  	[sflag:s25] =	ssyncset.done $0x0  }
0x67: {  	[sflag:s25] =	ssyncadd.s32 $0xFFFFFFB0  }
0x68: {  	_ =	swait.ge [sflag:s26], $0x50  }
0x69: {  	[sflag:s26] =	ssyncset.done $0x0  }
0x6a: {  	[sflag:s26] =	ssyncadd.s32 $0xFFFFFFB0  }
0x6b: {  	_ =	swait.ge [sflag:s28], $0x50  }
0x6c: {  	s30 =	simm.s32 $0x80;
	s31 =	simm.s32 $0x100;
	[sflag:s28] =	ssyncset.done $0x0  }
.LBB2_2:
0x6d: {  	s9 =	sadd.s32 s30, s8  }
0x6e: {  	[sflag:s28] =	ssyncadd.s32 $0xFFFFFFB0;
	s30 =	smov.u32 s31;
	s0 =	sadd.s32 $0x80, s31  }
0x6f: {  	[tilespmem:s3], [sflag:$0x9] =	stream.linear.gather [hbm4b:s9+s3], $0x400, $0x38;
	[tilespmem:$0x980] =	vst v63  }
0x70: {  	p0 =	sne.s32 s31, $0x700;
	_ =	swait.ge [sflag:s10], $0x400  }
0x71: {  	[sflag:s10] =	ssyncset.done $0x0  }
0x72: {  	[sflag:s10] =	ssyncadd.s32 $0xFFFFFC00  }
0x73: {  	[spmem:s2] =	stream.indirect.scatter.add.f32 [tilespmem:s12], [sflag:$0x1], $0x1, s3, s11, $0xb8;
	[tilespmem:$0x980] =	vst v63  }
0x74: {  	_ = 	snop  }
0x75: {  	[spmem:s2] =	stream.indirect.scatter.add.f32 [tilespmem:s12], [sflag:$0x2], $0x1, s13, s11, $0xb8;
	[tilespmem:$0x980] =	vst v63  }
0x76: {  	_ = 	snop  }
0x77: {  	[spmem:s2] =	stream.indirect.scatter.add.f32 [tilespmem:s12], [sflag:$0x3], $0x1, s14, s11, $0xb8;
	[tilespmem:$0x980] =	vst v63  }
0x78: {  	_ = 	snop  }
0x79: {  	[spmem:s2] =	stream.indirect.scatter.add.f32 [tilespmem:s12], [sflag:$0x4], $0x1, s15, s11, $0xb8;
	[tilespmem:$0x980] =	vst v63  }
0x7a: {  	_ =	swait.ge [sflag:s16], $0x50  }
0x7b: {  	[sflag:s16] =	ssyncset.done $0x0  }
0x7c: {  	[sflag:s16] =	ssyncadd.s32 $0xFFFFFFB0  }
0x7d: {  	_ =	swait.ge [sflag:s17], $0x50  }
0x7e: {  	[sflag:s17] =	ssyncset.done $0x0  }
0x7f: {  	[sflag:s17] =	ssyncadd.s32 $0xFFFFFFB0  }
0x80: {  	_ =	swait.ge [sflag:s18], $0x50  }
0x81: {  	[sflag:s18] =	ssyncset.done $0x0  }
0x82: {  	[sflag:s18] =	ssyncadd.s32 $0xFFFFFFB0  }
0x83: {  	_ =	swait.ge [sflag:s19], $0x50  }
0x84: {  	[sflag:s19] =	ssyncset.done $0x0  }
0x85: {  	[sflag:s19] =	ssyncadd.s32 $0xFFFFFFB0  }
0x86: {  	[spmem:s2] =	stream.indirect.scatter.add.f32 [tilespmem:s12], [sflag:$0x5], $0x1, s20, s11, $0xb8;
	[tilespmem:$0x980] =	vst v63  }
0x87: {  	_ = 	snop  }
0x88: {  	[spmem:s2] =	stream.indirect.scatter.add.f32 [tilespmem:s12], [sflag:$0x6], $0x1, s21, s11, $0xb8;
	[tilespmem:$0x980] =	vst v63  }
0x89: {  	_ = 	snop  }
0x8a: {  	[spmem:s2] =	stream.indirect.scatter.add.f32 [tilespmem:s12], [sflag:$0x7], $0x1, s22, s11, $0xb8;
	[tilespmem:$0x980] =	vst v63  }
0x8b: {  	_ = 	snop  }
0x8c: {  	[spmem:s2] =	stream.indirect.scatter.add.f32 [tilespmem:s12], [sflag:$0x8], $0x1, s23, s11, $0xb8;
	[tilespmem:$0x980] =	vst v63  }
0x8d: {  	_ =	swait.ge [sflag:s24], $0x50  }
0x8e: {  	[sflag:s24] =	ssyncset.done $0x0  }
0x8f: {  	[sflag:s24] =	ssyncadd.s32 $0xFFFFFFB0  }
0x90: {  	_ =	swait.ge [sflag:s25], $0x50  }
0x91: {  	[sflag:s25] =	ssyncset.done $0x0  }
0x92: {  	[sflag:s25] =	ssyncadd.s32 $0xFFFFFFB0  }
.Ltmp0:
0x93: {  	_ =	swait.ge [sflag:s26], $0x50;
	(pc) =	sbr.rel @p0 .LBB2_2-.Ltmp0, $4  }
0x94: {  	[sflag:s26] =	ssyncset.done $0x0  }
0x95: {  	[sflag:s26] =	ssyncadd.s32 $0xFFFFFFB0  }
0x96: {  	_ =	swait.ge [sflag:s28], $0x50  }
0x97: {  	s31 =	smov.u32 s0;
	[sflag:s28] =	ssyncset.done $0x0  }
0x98: {  	s0 =	sadd.s32 s30, s8;
	[sflag:s28] =	ssyncadd.s32 $0xFFFFFFB0  }
0x99: {  	[tilespmem:s3], [sflag:$0x9] =	stream.linear.gather [hbm4b:s0+s3], $0x400, $0x38;
	[tilespmem:$0x980] =	vst v63  }
0x9a: {  	_ =	swait.ge [sflag:s10], $0x400  }
0x9b: {  	[sflag:s10] =	ssyncset.done $0x0  }
0x9c: {  	[sflag:s10] =	ssyncadd.s32 $0xFFFFFC00  }
0x9d: {  	[spmem:s2] =	stream.indirect.scatter.add.f32 [tilespmem:s12], [sflag:$0x1], $0x1, s3, s11, $0xb8;
	[tilespmem:$0x980] =	vst v63  }
0x9e: {  	_ = 	snop  }
0x9f: {  	[spmem:s2] =	stream.indirect.scatter.add.f32 [tilespmem:s12], [sflag:$0x2], $0x1, s13, s11, $0xb8;
	[tilespmem:$0x980] =	vst v63  }
0xa0: {  	_ = 	snop  }
0xa1: {  	[spmem:s2] =	stream.indirect.scatter.add.f32 [tilespmem:s12], [sflag:$0x3], $0x1, s14, s11, $0xb8;
	[tilespmem:$0x980] =	vst v63  }
0xa2: {  	_ = 	snop  }
0xa3: {  	[spmem:s2] =	stream.indirect.scatter.add.f32 [tilespmem:s12], [sflag:$0x4], $0x1, s15, s11, $0xb8;
	[tilespmem:$0x980] =	vst v63  }
0xa4: {  	_ =	swait.ge [sflag:s16], $0x50  }
0xa5: {  	[sflag:s16] =	ssyncset.done $0x0  }
0xa6: {  	[sflag:s16] =	ssyncadd.s32 $0xFFFFFFB0  }
0xa7: {  	_ =	swait.ge [sflag:s17], $0x50  }
0xa8: {  	[sflag:s17] =	ssyncset.done $0x0  }
0xa9: {  	[sflag:s17] =	ssyncadd.s32 $0xFFFFFFB0  }
0xaa: {  	_ =	swait.ge [sflag:s18], $0x50  }
0xab: {  	[sflag:s18] =	ssyncset.done $0x0  }
0xac: {  	[sflag:s18] =	ssyncadd.s32 $0xFFFFFFB0  }
0xad: {  	_ =	swait.ge [sflag:s19], $0x50  }
0xae: {  	[sflag:s19] =	ssyncset.done $0x0  }
0xaf: {  	[sflag:s19] =	ssyncadd.s32 $0xFFFFFFB0  }
0xb0: {  	[spmem:s2] =	stream.indirect.scatter.add.f32 [tilespmem:s12], [sflag:$0x5], $0x1, s20, s11, $0xb8;
	[tilespmem:$0x980] =	vst v63  }
0xb1: {  	_ = 	snop  }
0xb2: {  	[spmem:s2] =	stream.indirect.scatter.add.f32 [tilespmem:s12], [sflag:$0x6], $0x1, s21, s11, $0xb8;
	[tilespmem:$0x980] =	vst v63  }
0xb3: {  	_ = 	snop  }
0xb4: {  	[spmem:s2] =	stream.indirect.scatter.add.f32 [tilespmem:s12], [sflag:$0x7], $0x1, s22, s11, $0xb8;
	[tilespmem:$0x980] =	vst v63  }
0xb5: {  	_ = 	snop  }
0xb6: {  	[spmem:s2] =	stream.indirect.scatter.add.f32 [tilespmem:s12], [sflag:$0x8], $0x1, s23, s11, $0xb8;
	[tilespmem:$0x980] =	vst v63  }
0xb7: {  	_ =	swait.ge [sflag:s24], $0x50  }
0xb8: {  	[sflag:s24] =	ssyncset.done $0x0  }
0xb9: {  	[sflag:s24] =	ssyncadd.s32 $0xFFFFFFB0  }
0xba: {  	_ =	swait.ge [sflag:s25], $0x50  }
0xbb: {  	[sflag:s25] =	ssyncset.done $0x0  }
0xbc: {  	[sflag:s25] =	ssyncadd.s32 $0xFFFFFFB0  }
0xbd: {  	_ =	swait.ge [sflag:s26], $0x50  }
0xbe: {  	[sflag:s26] =	ssyncset.done $0x0  }
0xbf: {  	[sflag:s26] =	ssyncadd.s32 $0xFFFFFFB0  }
0xc0: {  	_ =	swait.ge [sflag:s28], $0x50  }
0xc1: {  	[sflag:s28] =	ssyncset.done $0x0  }
0xc2: {  	[sflag:s28] =	ssyncadd.s32 $0xFFFFFFB0  }
0xc3: {  	[tilespmem:s3], [sflag:$0x9] =	stream.linear.gather [hbm4b:s5+s3], $0x380, $0x38;
	[tilespmem:$0x980] =	vst v63  }
0xc4: {  	_ =	swait.ge [sflag:s10], $0x380  }
0xc5: {  	[sflag:s10] =	ssyncset.done $0x0  }
0xc6: {  	[sflag:s10] =	ssyncadd.s32 $0xFFFFFC80  }
0xc7: {  	[spmem:s2] =	stream.indirect.scatter.add.f32 [tilespmem:s12], [sflag:$0x1], $0x1, s3, s11, $0xb8;
	[tilespmem:$0x980] =	vst v63  }
0xc8: {  	_ = 	snop  }
0xc9: {  	[spmem:s2] =	stream.indirect.scatter.add.f32 [tilespmem:s12], [sflag:$0x2], $0x1, s13, s11, $0xb8;
	[tilespmem:$0x980] =	vst v63  }
0xca: {  	_ = 	snop  }
0xcb: {  	[spmem:s2] =	stream.indirect.scatter.add.f32 [tilespmem:s12], [sflag:$0x3], $0x1, s14, s11, $0xb8;
	[tilespmem:$0x980] =	vst v63  }
0xcc: {  	_ = 	snop  }
0xcd: {  	[spmem:s2] =	stream.indirect.scatter.add.f32 [tilespmem:s12], [sflag:$0x4], $0x1, s15, s11, $0xb8;
	[tilespmem:$0x980] =	vst v63  }
0xce: {  	_ = 	snop  }
0xcf: {  	[spmem:s2] =	stream.indirect.scatter.add.f32 [tilespmem:s12], [sflag:$0x5], $0x1, s20, s11, $0xb8;
	[tilespmem:$0x980] =	vst v63  }
0xd0: {  	_ = 	snop  }
0xd1: {  	[spmem:s2] =	stream.indirect.scatter.add.f32 [tilespmem:s12], [sflag:$0x6], $0x1, s21, s11, $0xb8;
	[tilespmem:$0x980] =	vst v63  }
0xd2: {  	_ = 	snop  }
0xd3: {  	[spmem:s2] =	stream.indirect.scatter.add.f32 [tilespmem:s12], [sflag:$0x7], $0x1, s22, s11, $0xb8;
	[tilespmem:$0x980] =	vst v63  }
0xd4: {  	_ =	swait.ge [sflag:s16], $0x50  }
0xd5: {  	[sflag:s16] =	ssyncset.done $0x0  }
0xd6: {  	[sflag:s16] =	ssyncadd.s32 $0xFFFFFFB0  }
0xd7: {  	_ =	swait.ge [sflag:s17], $0x50  }
0xd8: {  	[sflag:s17] =	ssyncset.done $0x0  }
0xd9: {  	[sflag:s17] =	ssyncadd.s32 $0xFFFFFFB0  }
0xda: {  	_ =	swait.ge [sflag:s18], $0x50  }
0xdb: {  	[sflag:s18] =	ssyncset.done $0x0  }
0xdc: {  	[sflag:s18] =	ssyncadd.s32 $0xFFFFFFB0  }
0xdd: {  	_ =	swait.ge [sflag:s19], $0x50  }
0xde: {  	[sflag:s19] =	ssyncset.done $0x0  }
0xdf: {  	[sflag:s19] =	ssyncadd.s32 $0xFFFFFFB0  }
0xe0: {  	_ =	swait.ge [sflag:s24], $0x50  }
0xe1: {  	[sflag:s24] =	ssyncset.done $0x0  }
0xe2: {  	[sflag:s24] =	ssyncadd.s32 $0xFFFFFFB0  }
0xe3: {  	_ =	swait.ge [sflag:s25], $0x50  }
0xe4: {  	[sflag:s25] =	ssyncset.done $0x0  }
0xe5: {  	[sflag:s25] =	ssyncadd.s32 $0xFFFFFFB0  }
0xe6: {  	_ =	swait.ge [sflag:s26], $0x50  }
0xe7: {  	s31 =	sshll.u32 s1, $0x6;
	s29 =	sadd.s32 $0x1, s29;
	[sflag:s26] =	ssyncset.done $0x0  }
0xe8: {  	s9 =	sshrl.u32 s4, $0x3;
	p0 =	sne.s32 s29, s7;
	[sflag:s26] =	ssyncadd.s32 $0xFFFFFFB0  }
.Ltmp1:
0xe9: {  	s0 =	sor.u32 $0x1C09, s31;
	[bflag:$0x0] =	sbarrier.arrive $0xFFFF;
	(pc) =	sbr.rel @p0 .LBB2_1-.Ltmp1, $4  }
0xea: {  	[hbm:s6], [sflag:s0] =	dma.local [spmem:s9], $0x50  }
0xeb: {  	_ =	swait.ge [sflag:s10], $0x50  }
0xec: {  	[sflag:s10] =	ssyncset.done $0x0  }
0xed: {  	[sflag:s10] =	ssyncadd.s32 $0xFFFFFFB0  }
0xee: {  	_ =	sfence.sel $0x180000  }
0xef: {  	[bflag:$0x0] =	sbarrier.arrive $0xFFFF  }
0xf0: {  	_ =	strace $0x90000047  }
0xf1: {  	[bflag:$0x2] =	sbarrier.arrive $0xFFFF  }
0xf2: {  	p0 =	sne.s32 s1, $0x0;
	s0 =	rddreg [dreg:$0x3]  }
0xf3: {  	s0 =	sadd.s32 @!p0 $0x100000, s0  }
0xf4: {  	[sflag:s0] =	ssyncadd.tile.s32 @!p0 $0x1;
	_ =	shalt  }
.Lfunc_end2:
_tile_overlayer_lowered:
.L_overlay_start_2:
0xf5: {  	(tag) =	ssettag $0x2  }
0xf6: {  	s0 =	rddreg [dreg:$0x0];
	s2 =	stileid.u32  }
0xf7: {  	s1 =	rddreg [dreg:$0x1];
	p0 =	sne.s32 s2, $0x0  }
0xf8: {  	s3 =	rddreg [dreg:$0x2];
	[bflag:$0x3] =	sbarrier.arrive $0xFFFF;
	s2 =	simm.s32 @!p0 $0x1C09  }
0xf9: {  	[timem:s3], [sflag:s2] =	dma.local @!p0 [hbm:s0], s1  }
0xfa: {  	s0 =	simm.s32 @!p0 $0x9  }
0xfb: {  	_ =	swait.ge @!p0 [sflag:s0], s1  }
0xfc: {  	s1 =	ssub.s32 @!p0 $0x0, s1;
	[sflag:s0] =	ssyncset.done @!p0 $0x0  }
0xfd: {  	[sflag:s0] =	ssyncadd.s32 @!p0 s1  }
0xfe: {  	[bflag:$0x3] =	sbarrier.arrive $0xFFFF  }
0xff: {  	_ =	shalt  }

// kernel: kernel.13.cloned.1.call-start
scs
__scs_entry_jumppad:
0x0: {  	(pc) =	sbr.rel $0x88, $3  }
0x1: {  	(tag) =	ssettag $0x0;
	lr =	simm.s32 $0x1  }
0x2: {  	[smem:$0x3F99] =	sst lr;
	_ =	strace $0xD0000000  }
0x3: {  	_ = 	snop  }
0x4: {  	_ = 	snop  }
0x5: {  	_ = 	snop  }
0x6: {  	_ = 	snop  }
0x7: {  	_ = 	snop  }
__scs_overlays_trampoline_lowered:
0x8: {  	[smem:$0x3FA8] =	sst s0  }
0x9: {  	[smem:$0x3FA9] =	sst s1  }
0xa: {  	[smem:$0x3FAA] =	sst s2  }
0xb: {  	[smem:$0x3FAB] =	sst s3  }
0xc: {  	[smem:$0x3FAC] =	sst s4  }
0xd: {  	[smem:$0x3FAD] =	sst s5  }
0xe: {  	[smem:$0x3FAE] =	sst s6  }
0xf: {  	[smem:$0x3FAF] =	sst s7  }
0x10: {  	[smem:$0x3FB0] =	sst s8  }
0x11: {  	[smem:$0x3FB1] =	sst s9;
	s0 =	simm.s32 @!p0 $0x0  }
0x12: {  	s1 =	sld [smem:$0x3F97];
	s0 =	simm.s32 @p0 $0x1  }
0x13: {  	[smem:$0x3FB2] =	sst s0;
	s0 =	simm.s32 @!p1 $0x0  }
0x14: {  	s2 =	sld [smem:$0x3F96];
	s0 =	simm.s32 @p1 $0x1  }
0x15: {  	[smem:$0x3FB3] =	sst s0;
	s0 =	simm.s32 @!p2 $0x0  }
0x16: {  	s3 =	sld [smem:$0x3FDB];
	s0 =	simm.s32 @p2 $0x1  }
0x17: {  	s4 =	simm.s32 $0x1BF5;
	[smem:$0x3FB5] =	sst s0  }
0x18: {  	s0 =	sld [smem:$0x3F98];
	_ =	swait.ge [sflag:s4], $0x0  }
0x19: {  	s7 =	sld [smem:$0x3F99]  }
0x1a: {  	s8 =	sadd.s32 $0xFFFFE003, lr  }
0x1b: {  	s9 =	sadd.s32 $0xFFFFFEF7, lr;
	s5 =	simm.s32 $0xFFFFFFFF;
	p2 =	slt.u32 s8, $0xFFFFF086  }
0x1c: {  	p1 =	slt.u32 s9, $0xF7A;
	s5 =	simm.s32 @!p2 $0x0  }
0x1d: {  	s5 =	simm.s32 @p1 $0x1;
	p0 =	seq.s32 s7, s2  }
0x1e: {  	s7 =	smul.u32 @!p0 $0xF7A, s2;
	p2 =	seq.s32 @!p0 s5, $0x0  }
0x1f: {  	s9 =	smul.u32 $0xF7A, s1;
	s8 =	simm.s32 @!p0 $0x1BF5;
	p2 =	por !p2, p0  }
0x20: {  	[sflag:s8] =	ssyncset.s32 @!p0 $0xFFFFF086;
	s6 =	sadd.s32 @!p0 s3, s7;
	s7 =	simm.s32 @!p0 $0x108  }
0x21: {  	s3 =	sadd.s32 s3, s9;
	s6 =	sadd.s32 @!p0 $0x88, s6;
	s7 =	simm.s32 @p2 $0x1082  }
0x22: {  	[simem:s7], [sflag:s8] =	dma.local @!p0 [hbm:s6], $0xF7A  }
0x23: {  	s9 =	sor.u32 $0xD0000000, s2;
	s6 =	simm.s32 $0x108;
	_ =	swait.ge @!p0 [sflag:s8], $0x0  }
0x24: {  	s3 =	sadd.s32 $0x88, s3;
	s6 =	simm.s32 @!p1 $0x1082;
	[sflag:s4] =	ssyncset.s32 $0xFFFFF086  }
0x25: {  	[simem:s6], [sflag:s4] =	dma.local [hbm:s3], $0xF7A  }
0x26: {  	[smem:$0x3F99] =	sst s1;
	(tag) =	ssettag s2;
	_ =	strace s9  }
0x27: {  	s1 =	sld [smem:$0x3FA9]  }
0x28: {  	s2 =	sld [smem:$0x3FAA]  }
0x29: {  	s4 =	sld [smem:$0x3FAC]  }
0x2a: {  	p0 =	seq.s32 s5, $0x0;
	s5 =	sld [smem:$0x3FAD]  }
0x2b: {  	s6 =	sld [smem:$0x3FAE]  }
0x2c: {  	s7 =	sld [smem:$0x3FAF]  }
0x2d: {  	s3 =	simm.s32 $0x108;
	s8 =	sld [smem:$0x3FB0]  }
0x2e: {  	s3 =	simm.s32 @!p0 $0x1082;
	s9 =	sld [smem:$0x3FB1]  }
0x2f: {  	lr =	sadd.s32 s0, s3;
	s0 =	sld [smem:$0x3FA8]  }
0x30: {  	s3 =	sld [smem:$0x3FAB]  }
0x31: {  	[smem:$0x3FB4] =	sst s10  }
0x32: {  	s10 =	sld [smem:$0x3FB2];
	_ =	sdelay $0x3  }
0x33: {  	p0 =	seq.s32 s10, $0x1;
	s10 =	sld [smem:$0x3FB4];
	_ =	sdelay $0x3  }
0x34: {  	[smem:$0x3FB4] =	sst s10  }
0x35: {  	s10 =	sld [smem:$0x3FB3];
	_ =	sdelay $0x3  }
0x36: {  	p1 =	seq.s32 s10, $0x1;
	s10 =	sld [smem:$0x3FB4];
	_ =	sdelay $0x3  }
0x37: {  	[smem:$0x3FB4] =	sst s10  }
0x38: {  	s10 =	sld [smem:$0x3FB5]  }
0x39: {  	_ = 	snop;
	(pc) =	sbr.ind lr, $3  }
0x3a: {  	_ = 	snop  }
0x3b: {  	_ = 	snop  }
0x3c: {  	p2 =	seq.s32 s10, $0x1;
	s10 =	sld [smem:$0x3FB4]  }
0x3d: {  	_ =	shalt  }
0x3e: {  	_ =	shalt  }
0x3f: {  	_ =	shalt  }
0x40: {  	_ =	shalt  }
0x41: {  	_ =	shalt  }
0x42: {  	_ =	shalt  }
0x43: {  	_ =	shalt  }
0x44: {  	_ =	shalt  }
0x45: {  	_ =	shalt  }
0x46: {  	_ =	shalt  }
0x47: {  	_ =	shalt  }
0x48: {  	_ =	shalt  }
0x49: {  	_ =	shalt  }
0x4a: {  	_ =	shalt  }
0x4b: {  	_ =	shalt  }
0x4c: {  	_ =	shalt  }
0x4d: {  	_ =	shalt  }
0x4e: {  	_ =	shalt  }
0x4f: {  	_ =	shalt  }
0x50: {  	_ =	shalt  }
0x51: {  	_ =	shalt  }
0x52: {  	_ =	shalt  }
0x53: {  	_ =	shalt  }
0x54: {  	_ =	shalt  }
0x55: {  	_ =	shalt  }
0x56: {  	_ =	shalt  }
0x57: {  	_ =	shalt  }
0x58: {  	_ =	shalt  }
0x59: {  	_ =	shalt  }
0x5a: {  	_ =	shalt  }
0x5b: {  	_ =	shalt  }
0x5c: {  	_ =	shalt  }
0x5d: {  	_ =	shalt  }
0x5e: {  	_ =	shalt  }
0x5f: {  	_ =	shalt  }
0x60: {  	_ =	shalt  }
0x61: {  	_ =	shalt  }
0x62: {  	_ =	shalt  }
0x63: {  	_ =	shalt  }
0x64: {  	_ =	shalt  }
0x65: {  	_ =	shalt  }
0x66: {  	_ =	shalt  }
0x67: {  	_ =	shalt  }
0x68: {  	_ =	shalt  }
0x69: {  	_ =	shalt  }
0x6a: {  	_ =	shalt  }
0x6b: {  	_ =	shalt  }
0x6c: {  	_ =	shalt  }
0x6d: {  	_ =	shalt  }
0x6e: {  	_ =	shalt  }
0x6f: {  	_ =	shalt  }
0x70: {  	_ =	shalt  }
0x71: {  	_ =	shalt  }
0x72: {  	_ =	shalt  }
0x73: {  	_ =	shalt  }
0x74: {  	_ =	shalt  }
0x75: {  	_ =	shalt  }
0x76: {  	_ =	shalt  }
0x77: {  	_ =	shalt  }
0x78: {  	_ =	shalt  }
0x79: {  	_ =	shalt  }
0x7a: {  	_ =	shalt  }
0x7b: {  	_ =	shalt  }
0x7c: {  	_ =	shalt  }
0x7d: {  	_ =	shalt  }
0x7e: {  	_ =	shalt  }
0x7f: {  	_ =	shalt  }
0x80: {  	_ =	shalt  }
0x81: {  	_ =	shalt  }
0x82: {  	_ =	shalt  }
0x83: {  	_ =	shalt  }
0x84: {  	_ =	shalt  }
0x85: {  	_ =	shalt  }
0x86: {  	_ =	shalt  }
0x87: {  	_ =	shalt  }
.Lfunc_end0:
.L_simem_size_0:
called_computation.1_lowered:
.L_overlay_start_0:
0x88: {  	s2 =	sld [smem:$0x3FD9]  }
0x89: {  	s3 =	sld [smem:$0x3FFE];
	_ =	sdelay $0x1  }
0x8a: {  	s1 =	srdreg.scid  }
0x8b: {  	s0 =	sand.u32 $0x1, s1  }
0x8c: {  	s17 =	sshll.u32 s0, $0xA;
	s2 =	sadd.s32 s3, s2  }
0x8d: {  	s2 =	sadd.s32 s2, s17  }
0x8e: {  	[smem:$0x3FC0] =	sst s2  }
0x8f: {  	_ = 	snop  }
0x90: {  	s2 =	sld [smem:$0x3FD0];
	(tm) =	ssettm $0x1  }
0x91: {  	s18 =	sld [smem:$0x3FFB];
	_ =	sdelay $0x3  }
0x92: {  	_ =	strace s18  }
0x93: {  	s3 =	sld [smem:$0x3FFC];
	_ =	sdelay $0x3  }
0x94: {  	_ =	strace s3  }
0x95: {  	s3 =	sld [smem:$0x3FFD];
	_ =	sdelay $0x3  }
0x96: {  	_ =	strace s3  }
0x97: {  	_ =	strace $0x8FFFFFFF  }
0x98: {  	s19 =	sld [smem:$0x3FDB];
	_ =	sdelay $0x1  }
0x99: {  	s4 =	simm.s32 $_scs_section_size  }
0x9a: {  	s5 =	simm.s32 $_size__tile_overlayer_lowered;
	s6 =	simm.s32 $_tile_overlayer_lowered  }
0x9b: {  	s22 =	simm.s32 $0x1BFF;
	s21 =	sshll.u32 s6, $0x1;
	s3 =	sadd.s32 s4, s19  }
0x9c: {  	s7 =	simm.s32 $0x0;
	s20 =	sshll.u32 s5, $0x1;
	s5 =	sadd.s32 s21, s3  }
0x9d: {  	[timem:s7], [sflag:s22] =	dma.local [hbm:s5], s20  }
0x9e: {  	_ =	swait.ge [sflag:s22], s20  }
0x9f: {  	s4 =	ssub.s32 $0x0, s20;
	[sflag:s22] =	ssyncset.done $0x0  }
0xa0: {  	[sflag:s22] =	ssyncadd.s32 s4;
	_ =	sdelay $0x1  }
0xa1: {  	s23 =	simm.s32 $0x1B8B  }
0xa2: {  	_ =	swait.ge [sflag:s23], $0x1  }
0xa3: {  	[sflag:s23] =	ssyncset.done $0x0  }
0xa4: {  	s25 =	simm.s32 $0x1B8E;
	s24 =	sld [smem:$0x3FFE];
	[sflag:s23] =	ssyncadd.s32 $0xFFFFFFFF  }
0xa5: {  	s26 =	simm.s32 $execute0_lowered;
	[smem:$0x3FD2] =	sst s25  }
0xa6: {  	s5 =	sshll.u32 s26, $0x1;
	_ =	strace $0x80000049;
	[dreg:$0x1] =	wrdreg $0xFFFFFFFF  }
0xa7: {  	s28 =	simm.s32 $_size_execute0_lowered;
	s3 =	sadd.s32 s3, s5;
	[dreg:$0x0] =	wrdreg $0x0  }
0xa8: {  	s5 =	sshll.u32 s28, $0x1;
	[dreg:$0x2] =	wrdreg s3  }
0xa9: {  	[dreg:$0x3] =	wrdreg s5  }
0xaa: {  	[dreg:$0x4] =	wrdreg $0xC0  }
0xab: {  	_ =	task [dreg:s7], $0x5FFFF  }
0xac: {  	[dreg:$0x1] =	wrdreg $0xFFFFFFFF  }
0xad: {  	[dreg:$0x0] =	wrdreg $0x60  }
0xae: {  	[dreg:$0x2] =	wrdreg s2  }
0xaf: {  	[dreg:$0x3] =	wrdreg s24  }
0xb0: {  	[dreg:$0x4] =	wrdreg $0xA2000  }
0xb1: {  	[dreg:$0x5] =	wrdreg $0x9  }
0xb2: {  	_ =	task.clear_ibuf [dreg:s7], $0x6FFFF;
	_ =	strace $0x90000049  }
0xb3: {  	s29 =	simm.s32 $0x9;
	_ =	strace $0x8000004B  }
0xb4: {  	_ =	swait.ge [sflag:s29], $0x1  }
0xb5: {  	[sflag:s29] =	ssyncadd.s32 $0xFFFFFFFF  }
0xb6: {  	_ =	strace $0x9000004B  }
0xb7: {  	_ =	sfence  }
0xb8: {  	s30 =	sld [smem:$0x0];
	_ =	sdelay $0x2  }
0xb9: {  	s31 =	sshll.u32 s1, $0xD;
	s1 =	sshrl.u32 s1, $0x2  }
0xba: {  	s3 =	sand.u32 $0x4000, s31;
	s1 =	sadd.s32 s1, s30  }
0xbb: {  	s0 =	sor.u32 s3, s0;
	s1 =	sshll.u32 s1, $0x11  }
0xbc: {  	s0 =	sor.u32 s1, s0  }
0xbd: {  	s0 =	sadd.s32 $0x8F2B, s0  }
0xbe: {  	[sflag:s0] =	ssyncadd.remote.s32 $0x1  }
0xbf: {  	_ =	sfence.sel $0xFFFF  }
0xc0: {  	[dreg:$0x0] =	wrdreg $0xFFFFFFFF;
	(pc) =	sbr.abs _section_cstart, $3  }
0xc1: {  	[dreg:$0x1] =	wrdreg $0xFFFFFFFF  }
0xc2: {  	_ =	task.clear_ibuf [dreg:s7], $0x2FFFF;
	_ =	strace $0x9FFFFFFF  }
0xc3: {  	(tm) =	ssettm $0x7FFFFFFF  }
tec
execute0_lowered:
.L_overlay_start_1:
0x0: {  	(tag) =	ssettag $0x1  }
0x1: {  	s1 =	rddreg [dreg:$0x0]  }
0x2: {  	s0 =	srdreg.scid;
	s4 =	rddreg [dreg:$0x1]  }
0x3: {  	s7 =	stileid.u32;
	s3 =	rddreg [dreg:$0x2];
	s8 =	simm.s32 $0x0  }
0x4: {  	s18 =	simm.s32 $0x7;
	s19 =	simm.s32 $0x2A00;
	s20 =	simm.s32 $0x50  }
0x5: {  	s21 =	simm.s32 $0x2800;
	s28 =	simm.s32 $0x2900;
	s29 =	simm.s32 $0x4  }
0x6: {  	s30 =	simm.s32 $0x2;
	s31 =	simm.s32 $0x2950;
	s16 =	simm.s32 $0x5  }
0x7: {  	s17 =	simm.s32 $0x0;
	s0 =	sand.u32 $0x1, s0;
	s5 =	sshll.u32 s7, $0x7  }
0x8: {  	s23 =	smul.u32 $0x13C00, s7;
	[smem:$0x7FF] =	sst s8;
	s2 =	sshll.u32 s0, $0x4  }
0x9: {  	s5 =	sand.u32 $0x380, s5;
	s6 =	smul.u32 $0x13C000, s0;
	s2 =	sor.u32 s7, s2  }
0xa: {  	s0 =	ssub.s32 $0x2, s0;
	s7 =	smul.u32 $0x4F000, s7;
	s2 =	sshrl.u32 s2, $0x3  }
0xb: {  	_ =	strace $0x8000004A;
	s25 =	sshrl.u32 s0, $0x1;
	s2 =	smul.u32 $0x14000, s2  }
0xc: {  	s0 =	ssub.s32 s0, s25;
	s25 =	simm.s32 $0x7A00;
	s24 =	sshrl.u32 s7, $0x2  }
0xd: {  	s15 =	smax.u32 s0, $0x1;
	s2 =	sor.u32 s5, s2;
	s5 =	sadd.s32 s23, s6  }
0xe: {  	s23 =	simm.s32 $0x5200;
	s2 =	sshrl.u32 s2, $0x3;
	s5 =	sshrl.u32 s5, $0x3  }
0xf: {  	s2 =	sadd.s32 s2, s4;
	s4 =	sadd.s32 s5, s4;
	s5 =	sadd.s32 s24, s3  }
.Ltmp0:
0x10: {  	s2 =	sadd.s32 $0x3C00, s2;
	s26 =	sadd.s32 $0x2800, s5;
	(pc) =	sbr.rel .LBB2_1-.Ltmp0, $4  }
0x11: {  	s8 =	sadd.s32 $0x5000, s5;
	s9 =	sadd.s32 $0x7800, s5;
	s10 =	sadd.s32 $0xA000, s5  }
0x12: {  	s11 =	sadd.s32 $0xC800, s5;
	s12 =	sadd.s32 $0xF000, s5;
	s13 =	sadd.s32 $0x11800, s5  }
0x13: {  	s14 =	sadd.s32 $0xDC00, s4;
	s4 =	simm.s32 $0x29A0;
	[dreg:$0x4] =	wrdreg s2  }
0x14: {  	v0 =	vimm.f32 $0.0e+00;
	[dreg:$0x5] =	wrdreg s26;
	s26 =	simm.s32 $0x1;
	s2 =	simm.s32 $0x3  }
.LBB2_8:
0x15: {  	_ =	swait.ge [sflag:s29], $0x2800  }
0x16: {  	[sflag:s29] =	ssyncset.done $0x0  }
0x17: {  	[sflag:s29] =	ssyncadd.s32 $0xFFFFD800  }
.LBB2_6:
0x18: {  	s0 =	stileid.u32;
	s17 =	sadd.s32 $0x1, s17  }
0x19: {  	[bflag:$0x0] =	sbarrier.arrive $0xFFFF;
	s0 =	sshll.u32 s0, $0x6;
	p0 =	sne.s32 s17, s15  }
.Ltmp1:
0x1a: {  	s6 =	sshrl.u32 s5, $0x3;
	s0 =	sor.u32 $0x1C07, s0;
	(pc) =	sbr.rel @!p0 .LBB2_7-.Ltmp1, $4  }
0x1b: {  	[hbm:s14], [sflag:s0] =	dma.local [spmem:s6], $0x2780  }
0x1c: {  	_ =	swait.ge [sflag:s18], $0x2780  }
0x1d: {  	[sflag:s18] =	ssyncset.done $0x0  }
0x1e: {  	[sflag:s18] =	ssyncadd.s32 $0xFFFFD880  }
.LBB2_1:
0x1f: {  	s0 =	simm.s32 $0x0  }
0x20: {  	s6 =	rddreg [dreg:$0x4];
	s7 =	simm.s32 $0x80;
	s22 =	simm.s32 $0x400  }
0x21: {  	[tilespmem:s0], [sflag:$0x7] =	stream.strided.gather [hbm4b:s6+s7], $0x2800, s22, s7, $0x38;
	[tilespmem:$0x1DE00] =	vst v63  }
0x22: {  	_ =	swait.ge [sflag:s18], $0x2800  }
0x23: {  	[sflag:s18] =	ssyncset.done $0x0  }
0x24: {  	s0 =	simm.s32 $0x0;
	s22 =	simm.s32 $0x200;
	[sflag:s18] =	ssyncadd.s32 $0xFFFFD800  }
.LBB2_2:
0x25: {  	p0 =	sne.s32 s22, $0x9E00;
	[tilespmem:s0+$0x2A70] =	vst v0  }
0x26: {  	[tilespmem:s0+$0x2A00] =	vst v0  }
0x27: {  	[tilespmem:s0+$0x2A10] =	vst v0  }
.Ltmp2:
0x28: {  	[tilespmem:s0+$0x2A20] =	vst v0;
	(pc) =	sbr.rel @p0 .LBB2_2-.Ltmp2, $4  }
0x29: {  	[tilespmem:s0+$0x2A30] =	vst v0  }
0x2a: {  	[tilespmem:s0+$0x2A40] =	vst v0  }
0x2b: {  	[tilespmem:s0+$0x2A50] =	vst v0  }
0x2c: {  	[tilespmem:s0+$0x2A60] =	vst v0;
	s0 =	sshra.s32 s22, $0x2;
	s22 =	sadd.s32 $0x200, s22  }
0x2d: {  	[tilespmem:s0+$0x2A70] =	vst v0  }
0x2e: {  	[tilespmem:s0+$0x2A00] =	vst v0  }
0x2f: {  	[tilespmem:s0+$0x2A10] =	vst v0  }
0x30: {  	[tilespmem:s0+$0x2A20] =	vst v0  }
0x31: {  	[tilespmem:s0+$0x2A30] =	vst v0  }
0x32: {  	[tilespmem:s0+$0x2A40] =	vst v0  }
0x33: {  	[tilespmem:s0+$0x2A50] =	vst v0  }
0x34: {  	[tilespmem:s0+$0x2A60] =	vst v0  }
0x35: {  	[spmem:s5] =	stream.linear.scatter [tilespmem:s19], [sflag:$0x7], $0x2800, $0x38;
	[tilespmem:$0x1DE00] =	vst v63  }
0x36: {  	_ =	swait.ge [sflag:s18], $0x2800  }
0x37: {  	[sflag:s18] =	ssyncset.done $0x0  }
0x38: {  	s7 =	rddreg [dreg:$0x5];
	[sflag:s18] =	ssyncadd.s32 $0xFFFFD800  }
0x39: {  	[spmem:s7] =	stream.linear.scatter [tilespmem:s19], [sflag:$0x7], $0x2800, $0x38;
	[tilespmem:$0x1DE00] =	vst v63  }
0x3a: {  	_ =	swait.ge [sflag:s18], $0x2800  }
0x3b: {  	[sflag:s18] =	ssyncset.done $0x0  }
0x3c: {  	[sflag:s18] =	ssyncadd.s32 $0xFFFFD800  }
0x3d: {  	[spmem:s8] =	stream.linear.scatter [tilespmem:s19], [sflag:$0x7], $0x2800, $0x38;
	[tilespmem:$0x1DE00] =	vst v63  }
0x3e: {  	_ =	swait.ge [sflag:s18], $0x2800  }
0x3f: {  	[sflag:s18] =	ssyncset.done $0x0  }
0x40: {  	[sflag:s18] =	ssyncadd.s32 $0xFFFFD800  }
0x41: {  	[spmem:s9] =	stream.linear.scatter [tilespmem:s19], [sflag:$0x7], $0x2800, $0x38;
	[tilespmem:$0x1DE00] =	vst v63  }
0x42: {  	_ =	swait.ge [sflag:s18], $0x2800  }
0x43: {  	[sflag:s18] =	ssyncset.done $0x0  }
0x44: {  	[sflag:s18] =	ssyncadd.s32 $0xFFFFD800  }
0x45: {  	[spmem:s10] =	stream.linear.scatter [tilespmem:s19], [sflag:$0x7], $0x2800, $0x38;
	[tilespmem:$0x1DE00] =	vst v63  }
0x46: {  	_ =	swait.ge [sflag:s18], $0x2800  }
0x47: {  	[sflag:s18] =	ssyncset.done $0x0  }
0x48: {  	[sflag:s18] =	ssyncadd.s32 $0xFFFFD800  }
0x49: {  	[spmem:s11] =	stream.linear.scatter [tilespmem:s19], [sflag:$0x7], $0x2800, $0x38;
	[tilespmem:$0x1DE00] =	vst v63  }
0x4a: {  	_ =	swait.ge [sflag:s18], $0x2800  }
0x4b: {  	[sflag:s18] =	ssyncset.done $0x0  }
0x4c: {  	[sflag:s18] =	ssyncadd.s32 $0xFFFFD800  }
0x4d: {  	[spmem:s12] =	stream.linear.scatter [tilespmem:s19], [sflag:$0x7], $0x2800, $0x38;
	[tilespmem:$0x1DE00] =	vst v63  }
0x4e: {  	_ =	swait.ge [sflag:s18], $0x2800  }
0x4f: {  	[sflag:s18] =	ssyncset.done $0x0  }
0x50: {  	[sflag:s18] =	ssyncadd.s32 $0xFFFFD800  }
0x51: {  	[spmem:s13] =	stream.linear.scatter [tilespmem:s19], [sflag:$0x7], $0x2400, $0x38;
	[tilespmem:$0x1DE00] =	vst v63  }
0x52: {  	_ =	swait.ge [sflag:s18], $0x2400  }
0x53: {  	[sflag:s18] =	ssyncset.done $0x0  }
0x54: {  	[sflag:s18] =	ssyncadd.s32 $0xFFFFDC00  }
0x55: {  	[bflag:$0x0] =	sbarrier.arrive $0xFFFF  }
0x56: {  	v1 =	vld [tilespmem:$0x0];
	_ =	sdelay $0x1  }
0x57: {  	v2 =	vld [tilespmem:$0x10];
	_ =	sdelay $0x1  }
0x58: {  	v3 =	vld [tilespmem:$0x20]  }
0x59: {  	v4 =	vand.u32 $0xFFFF, v1  }
0x5a: {  	v59 =	vld [tilespmem:$0x30];
	v1 =	vshrl.u32 v1, $0x10;
	[tilespmem:$0x2800] =	vst v4  }
0x5b: {  	[tilespmem:$0x2900] =	vst v1;
	v1 =	vand.u32 $0xFFFF, v2  }
0x5c: {  	[tilespmem:$0x2810] =	vst v1;
	v1 =	vshrl.u32 v2, $0x10;
	v2 =	vld [tilespmem:$0x40]  }
0x5d: {  	[tilespmem:$0x2910] =	vst v1;
	v1 =	vand.u32 $0xFFFF, v3  }
0x5e: {  	[tilespmem:$0x2820] =	vst v1;
	v1 =	vshrl.u32 v3, $0x10  }
0x5f: {  	[tilespmem:$0x2920] =	vst v1;
	v1 =	vand.u32 $0xFFFF, v59  }
0x60: {  	[tilespmem:$0x2830] =	vst v1;
	v1 =	vshrl.u32 v59, $0x10  }
0x61: {  	[tilespmem:$0x2930] =	vst v1;
	v1 =	vand.u32 $0xFFFF, v2  }
0x62: {  	[tilespmem:$0x2840] =	vst v1;
	v1 =	vshrl.u32 v2, $0x10  }
0x63: {  	[tilespmem:$0x2940] =	vst v1  }
0x64: {  	[tilespmem:s19], [sflag:$0x1] =	stream.indirect.gather [hbm4b:s1+s20], $0x80, s21, s20, $0xb8;
	[tilespmem:$0x1DE00] =	vst v63  }
0x65: {  	v1 =	vld [tilespmem:$0x50];
	_ =	sdelay $0x1  }
0x66: {  	v2 =	vld [tilespmem:$0x60];
	_ =	sdelay $0x1  }
0x67: {  	v3 =	vld [tilespmem:$0x70]  }
0x68: {  	v60 =	vand.u32 $0xFFFF, v1  }
0x69: {  	v61 =	vld [tilespmem:$0x80];
	v1 =	vshrl.u32 v1, $0x10;
	[tilespmem:$0x2850] =	vst v60  }
0x6a: {  	[tilespmem:$0x2950] =	vst v1;
	v1 =	vand.u32 $0xFFFF, v2  }
0x6b: {  	[tilespmem:$0x2860] =	vst v1;
	v1 =	vshrl.u32 v2, $0x10;
	v2 =	vld [tilespmem:$0x90]  }
0x6c: {  	[tilespmem:$0x2960] =	vst v1;
	v1 =	vand.u32 $0xFFFF, v3  }
0x6d: {  	[tilespmem:$0x2870] =	vst v1;
	v1 =	vshrl.u32 v3, $0x10  }
0x6e: {  	[tilespmem:$0x2970] =	vst v1;
	v1 =	vand.u32 $0xFFFF, v61  }
0x6f: {  	[tilespmem:$0x2880] =	vst v1;
	v1 =	vshrl.u32 v61, $0x10  }
0x70: {  	[tilespmem:$0x2980] =	vst v1;
	v1 =	vand.u32 $0xFFFF, v2  }
0x71: {  	[tilespmem:$0x2890] =	vst v1;
	v1 =	vshrl.u32 v2, $0x10  }
0x72: {  	s22 =	simm.s32 $0x2850;
	[tilespmem:$0x2990] =	vst v1  }
0x73: {  	[tilespmem:s23], [sflag:$0x2] =	stream.indirect.gather [hbm4b:s1+s20], $0x80, s22, s20, $0xb8;
	[tilespmem:$0x1DE00] =	vst v63  }
0x74: {  	v1 =	vld [tilespmem:$0xA0];
	_ =	sdelay $0x1  }
0x75: {  	v2 =	vld [tilespmem:$0xB0];
	_ =	sdelay $0x1  }
0x76: {  	v3 =	vld [tilespmem:$0xC0]  }
0x77: {  	v62 =	vand.u32 $0xFFFF, v1  }
0x78: {  	v63 =	vld [tilespmem:$0xD0];
	v1 =	vshrl.u32 v1, $0x10;
	[tilespmem:$0x28A0] =	vst v62  }
0x79: {  	[tilespmem:$0x29A0] =	vst v1;
	v1 =	vand.u32 $0xFFFF, v2  }
0x7a: {  	[tilespmem:$0x28B0] =	vst v1;
	v1 =	vshrl.u32 v2, $0x10;
	v2 =	vld [tilespmem:$0xE0]  }
0x7b: {  	[tilespmem:$0x29B0] =	vst v1;
	v1 =	vand.u32 $0xFFFF, v3  }
0x7c: {  	[tilespmem:$0x28C0] =	vst v1;
	v1 =	vshrl.u32 v3, $0x10  }
0x7d: {  	[tilespmem:$0x29C0] =	vst v1;
	v1 =	vand.u32 $0xFFFF, v63  }
0x7e: {  	[tilespmem:$0x28D0] =	vst v1;
	v1 =	vshrl.u32 v63, $0x10  }
0x7f: {  	[tilespmem:$0x29D0] =	vst v1;
	v1 =	vand.u32 $0xFFFF, v2  }
0x80: {  	[tilespmem:$0x28E0] =	vst v1;
	v1 =	vshrl.u32 v2, $0x10  }
0x81: {  	s24 =	simm.s32 $0x28A0;
	s0 =	simm.s32 $0x1D0;
	s22 =	simm.s32 $0x0;
	[tilespmem:$0x29E0] =	vst v1  }
0x82: {  	[tilespmem:s25], [sflag:$0x3] =	stream.indirect.gather [hbm4b:s1+s20], $0x80, s24, s20, $0xb8;
	[tilespmem:$0x1DE00] =	vst v63  }
.LBB2_4:
0x83: {  	p0 =	seq.s32 s22, $0x2A  }
.Ltmp3:
0x84: {  	_ = 	snop;
	(pc) =	sbr.rel @p0 .LBB2_8-.Ltmp3, $4  }
0x85: {  	_ =	swait.ge [sflag:s26], $0x2800  }
0x86: {  	[sflag:s26] =	ssyncset.done $0x0  }
0x87: {  	[sflag:s26] =	ssyncadd.s32 $0xFFFFD800  }
0x88: {  	[spmem:s3] =	stream.indirect.scatter.add.f32 [tilespmem:s19], [sflag:$0x4], $0x80, s28, s20, $0xb8;
	[tilespmem:$0x1DE00] =	vst v63  }
0x89: {  	_ =	swait.ge [sflag:s30], $0x2800  }
0x8a: {  	[sflag:s30] =	ssyncset.done $0x0  }
0x8b: {  	[sflag:s30] =	ssyncadd.s32 $0xFFFFD800  }
0x8c: {  	[spmem:s3] =	stream.indirect.scatter.add.f32 [tilespmem:s23], [sflag:$0x5], $0x80, s31, s20, $0xb8;
	[tilespmem:$0x1DE00] =	vst v63  }
0x8d: {  	_ =	swait.ge [sflag:s2], $0x2800  }
0x8e: {  	[sflag:s2] =	ssyncset.done $0x0  }
0x8f: {  	[sflag:s2] =	ssyncadd.s32 $0xFFFFD800  }
0x90: {  	[spmem:s3] =	stream.indirect.scatter.add.f32 [tilespmem:s25], [sflag:$0x6], $0x80, s4, s20, $0xb8;
	[tilespmem:$0x1DE00] =	vst v63  }
0x91: {  	_ =	swait.ge [sflag:s29], $0x2800  }
0x92: {  	[sflag:s29] =	ssyncset.done $0x0  }
0x93: {  	[sflag:s29] =	ssyncadd.s32 $0xFFFFD800  }
0x94: {  	v1 =	vld [tilespmem:s0+$0xFFFFFF20];
	_ =	sdelay $0x4  }
0x95: {  	v2 =	vand.u32 $0xFFFF, v1  }
0x96: {  	v1 =	vshrl.u32 v1, $0x10;
	[tilespmem:$0x2800] =	vst v2  }
0x97: {  	[tilespmem:$0x2900] =	vst v1  }
0x98: {  	v1 =	vld [tilespmem:s0+$0xFFFFFF30];
	_ =	sdelay $0x4  }
0x99: {  	v2 =	vand.u32 $0xFFFF, v1  }
0x9a: {  	v1 =	vshrl.u32 v1, $0x10;
	[tilespmem:$0x2810] =	vst v2  }
0x9b: {  	[tilespmem:$0x2910] =	vst v1  }
0x9c: {  	v1 =	vld [tilespmem:s0+$0xFFFFFF40];
	_ =	sdelay $0x4  }
0x9d: {  	v2 =	vand.u32 $0xFFFF, v1  }
0x9e: {  	v1 =	vshrl.u32 v1, $0x10;
	[tilespmem:$0x2820] =	vst v2  }
0x9f: {  	[tilespmem:$0x2920] =	vst v1  }
0xa0: {  	v1 =	vld [tilespmem:s0+$0xFFFFFF50];
	_ =	sdelay $0x4  }
0xa1: {  	v2 =	vand.u32 $0xFFFF, v1  }
0xa2: {  	v1 =	vshrl.u32 v1, $0x10;
	[tilespmem:$0x2830] =	vst v2  }
0xa3: {  	[tilespmem:$0x2930] =	vst v1  }
0xa4: {  	v1 =	vld [tilespmem:s0+$0xFFFFFF60];
	_ =	sdelay $0x4  }
0xa5: {  	v2 =	vand.u32 $0xFFFF, v1  }
0xa6: {  	v1 =	vshrl.u32 v1, $0x10;
	[tilespmem:$0x2840] =	vst v2  }
0xa7: {  	[tilespmem:$0x2940] =	vst v1  }
0xa8: {  	[tilespmem:s19], [sflag:$0x1] =	stream.indirect.gather [hbm4b:s1+s20], $0x80, s21, s20, $0xb8;
	[tilespmem:$0x1DE00] =	vst v63  }
0xa9: {  	_ =	swait.ge [sflag:s16], $0x2800  }
0xaa: {  	[sflag:s16] =	ssyncset.done $0x0  }
0xab: {  	p0 =	slt.u32 s22, $0x29;
	[sflag:s16] =	ssyncadd.s32 $0xFFFFD800  }
0xac: {  	v1 =	vld @p0 [tilespmem:s0+$0xFFFFFF70];
	_ =	sdelay $0x4  }
0xad: {  	v2 =	vand.u32 @p0 $0xFFFF, v1  }
0xae: {  	v1 =	vshrl.u32 @p0 v1, $0x10;
	[tilespmem:$0x2850] =	vst @p0 v2  }
0xaf: {  	[tilespmem:$0x2950] =	vst @p0 v1  }
0xb0: {  	v1 =	vld @p0 [tilespmem:s0+$0xFFFFFF80];
	_ =	sdelay $0x4  }
0xb1: {  	v2 =	vand.u32 @p0 $0xFFFF, v1  }
0xb2: {  	v1 =	vshrl.u32 @p0 v1, $0x10;
	[tilespmem:$0x2860] =	vst @p0 v2  }
0xb3: {  	[tilespmem:$0x2960] =	vst @p0 v1  }
0xb4: {  	v1 =	vld @p0 [tilespmem:s0+$0xFFFFFF90];
	_ =	sdelay $0x4  }
0xb5: {  	v2 =	vand.u32 @p0 $0xFFFF, v1  }
0xb6: {  	v1 =	vshrl.u32 @p0 v1, $0x10;
	[tilespmem:$0x2870] =	vst @p0 v2  }
0xb7: {  	[tilespmem:$0x2970] =	vst @p0 v1  }
0xb8: {  	v1 =	vld @p0 [tilespmem:s0+$0xFFFFFFA0];
	_ =	sdelay $0x4  }
0xb9: {  	v2 =	vand.u32 @p0 $0xFFFF, v1  }
0xba: {  	v1 =	vshrl.u32 @p0 v1, $0x10;
	[tilespmem:$0x2880] =	vst @p0 v2  }
0xbb: {  	[tilespmem:$0x2980] =	vst @p0 v1  }
0xbc: {  	v1 =	vld @p0 [tilespmem:s0+$0xFFFFFFB0];
	_ =	sdelay $0x4  }
0xbd: {  	v2 =	vand.u32 @p0 $0xFFFF, v1  }
0xbe: {  	v1 =	vshrl.u32 @p0 v1, $0x10;
	[tilespmem:$0x2890] =	vst @p0 v2  }
0xbf: {  	s24 =	simm.s32 @p0 $0x50;
	s6 =	simm.s32 @p0 $0x2850;
	s7 =	simm.s32 @p0 $0x5200;
	[tilespmem:$0x2990] =	vst @p0 v1  }
0xc0: {  	[tilespmem:s7], [sflag:$0x2] =	stream.indirect.gather @p0 [hbm4b:s1+s24], $0x80, s6, s24, $0xb8;
	[tilespmem:$0x1DE00] =	vst v63  }
0xc1: {  	s6 =	simm.s32 @p0 $0x6  }
0xc2: {  	_ =	swait.ge @p0 [sflag:s6], $0x2800  }
0xc3: {  	[sflag:s6] =	ssyncset.done @p0 $0x0  }
0xc4: {  	[sflag:s6] =	ssyncadd.s32 @p0 $0xFFFFD800  }
0xc5: {  	v1 =	vld @p0 [tilespmem:s0+$0xFFFFFFC0];
	_ =	sdelay $0x4  }
0xc6: {  	v2 =	vand.u32 @p0 $0xFFFF, v1  }
0xc7: {  	v1 =	vshrl.u32 @p0 v1, $0x10;
	[tilespmem:$0x28A0] =	vst @p0 v2  }
0xc8: {  	[tilespmem:$0x29A0] =	vst @p0 v1  }
0xc9: {  	v1 =	vld @p0 [tilespmem:s0+$0xFFFFFFD0];
	_ =	sdelay $0x4  }
0xca: {  	v2 =	vand.u32 @p0 $0xFFFF, v1  }
0xcb: {  	v1 =	vshrl.u32 @p0 v1, $0x10;
	[tilespmem:$0x28B0] =	vst @p0 v2  }
0xcc: {  	[tilespmem:$0x29B0] =	vst @p0 v1  }
0xcd: {  	v1 =	vld @p0 [tilespmem:s0+$0xFFFFFFE0];
	_ =	sdelay $0x4  }
0xce: {  	v2 =	vand.u32 @p0 $0xFFFF, v1  }
0xcf: {  	v1 =	vshrl.u32 @p0 v1, $0x10;
	[tilespmem:$0x28C0] =	vst @p0 v2  }
0xd0: {  	[tilespmem:$0x29C0] =	vst @p0 v1  }
0xd1: {  	v1 =	vld @p0 [tilespmem:s0+$0xFFFFFFF0];
	_ =	sdelay $0x4  }
0xd2: {  	v2 =	vand.u32 @p0 $0xFFFF, v1  }
0xd3: {  	v1 =	vshrl.u32 @p0 v1, $0x10;
	[tilespmem:$0x28D0] =	vst @p0 v2  }
0xd4: {  	[tilespmem:$0x29D0] =	vst @p0 v1  }
0xd5: {  	v1 =	vld @p0 [tilespmem:s0+$0x0];
	_ =	sdelay $0x4  }
0xd6: {  	v2 =	vand.u32 @p0 $0xFFFF, v1  }
0xd7: {  	v1 =	vshrl.u32 @p0 v1, $0x10;
	[tilespmem:$0x28E0] =	vst @p0 v2  }
0xd8: {  	s7 =	simm.s32 @p0 $0x7A00;
	s6 =	simm.s32 @p0 $0x28A0;
	[tilespmem:$0x29E0] =	vst @p0 v1  }
0xd9: {  	[tilespmem:s7], [sflag:$0x3] =	stream.indirect.gather @p0 [hbm4b:s1+s24], $0x80, s6, s24, $0xb8;
	[tilespmem:$0x1DE00] =	vst v63  }
0xda: {  	s6 =	simm.s32 @!p0 $0x6  }
0xdb: {  	_ =	swait.ge @!p0 [sflag:s6], $0x2800  }
0xdc: {  	s22 =	sadd.s32 $0x1, s22;
	[sflag:s6] =	ssyncset.done @!p0 $0x0  }
0xdd: {  	[sflag:s6] =	ssyncadd.s32 @!p0 $0xFFFFD800;
	p0 =	sne.s32 s22, $0x2B  }
.Ltmp4:
0xde: {  	_ = 	snop;
	(pc) =	sbr.rel @p0 .LBB2_4-.Ltmp4, $4  }
.Ltmp5:
0xdf: {  	_ = 	snop;
	(pc) =	sbr.rel @!p0 .LBB2_6-.Ltmp5, $4  }
0xe0: {  	_ = 	snop  }
0xe1: {  	_ = 	snop  }
0xe2: {  	s0 =	sadd.s32 $0xF0, s0  }
0xe3: {  	_ = 	snop  }
.LBB2_7:
0xe4: {  	_ =	sfence.sel $0x180000  }
0xe5: {  	[bflag:$0x0] =	sbarrier.arrive $0xFFFF  }
0xe6: {  	_ =	strace $0x9000004A  }
0xe7: {  	s0 =	stileid.u32;
	[bflag:$0x2] =	sbarrier.arrive $0xFFFF  }
0xe8: {  	p0 =	sne.s32 s0, $0x0;
	s0 =	rddreg [dreg:$0x3]  }
0xe9: {  	s0 =	sadd.s32 @!p0 $0x100000, s0  }
0xea: {  	[sflag:s0] =	ssyncadd.tile.s32 @!p0 $0x1;
	_ =	shalt  }
.Lfunc_end2:
_tile_overlayer_lowered:
.L_overlay_start_2:
0xeb: {  	(tag) =	ssettag $0x2  }
0xec: {  	s0 =	rddreg [dreg:$0x0];
	s2 =	stileid.u32  }
0xed: {  	s1 =	rddreg [dreg:$0x1];
	p0 =	sne.s32 s2, $0x0  }
0xee: {  	s3 =	rddreg [dreg:$0x2];
	[bflag:$0x3] =	sbarrier.arrive $0xFFFF;
	s2 =	simm.s32 @!p0 $0x1C07  }
0xef: {  	[timem:s3], [sflag:s2] =	dma.local @!p0 [hbm:s0], s1  }
0xf0: {  	s0 =	simm.s32 @!p0 $0x7  }
0xf1: {  	_ =	swait.ge @!p0 [sflag:s0], s1  }
0xf2: {  	s1 =	ssub.s32 @!p0 $0x0, s1;
	[sflag:s0] =	ssyncset.done @!p0 $0x0  }
0xf3: {  	[sflag:s0] =	ssyncadd.s32 @!p0 s1  }
0xf4: {  	[bflag:$0x3] =	sbarrier.arrive $0xFFFF  }
0xf5: {  	_ =	shalt  }

// kernel: kernel.16.cloned.1.call-start
scs
__scs_entry_jumppad:
0x0: {  	(pc) =	sbr.rel $0x88, $3  }
0x1: {  	(tag) =	ssettag $0x0;
	lr =	simm.s32 $0x1  }
0x2: {  	[smem:$0x3F99] =	sst lr;
	_ =	strace $0xD0000000  }
0x3: {  	_ = 	snop  }
0x4: {  	_ = 	snop  }
0x5: {  	_ = 	snop  }
0x6: {  	_ = 	snop  }
0x7: {  	_ = 	snop  }
__scs_overlays_trampoline_lowered:
0x8: {  	[smem:$0x3FA8] =	sst s0  }
0x9: {  	[smem:$0x3FA9] =	sst s1  }
0xa: {  	[smem:$0x3FAA] =	sst s2  }
0xb: {  	[smem:$0x3FAB] =	sst s3  }
0xc: {  	[smem:$0x3FAC] =	sst s4  }
0xd: {  	[smem:$0x3FAD] =	sst s5  }
0xe: {  	[smem:$0x3FAE] =	sst s6  }
0xf: {  	[smem:$0x3FAF] =	sst s7  }
0x10: {  	[smem:$0x3FB0] =	sst s8  }
0x11: {  	[smem:$0x3FB1] =	sst s9;
	s0 =	simm.s32 @!p0 $0x0  }
0x12: {  	s1 =	sld [smem:$0x3F97];
	s0 =	simm.s32 @p0 $0x1  }
0x13: {  	[smem:$0x3FB2] =	sst s0;
	s0 =	simm.s32 @!p1 $0x0  }
0x14: {  	s2 =	sld [smem:$0x3F96];
	s0 =	simm.s32 @p1 $0x1  }
0x15: {  	[smem:$0x3FB3] =	sst s0;
	s0 =	simm.s32 @!p2 $0x0  }
0x16: {  	s3 =	sld [smem:$0x3FDB];
	s0 =	simm.s32 @p2 $0x1  }
0x17: {  	s4 =	simm.s32 $0x1BF5;
	[smem:$0x3FB5] =	sst s0  }
0x18: {  	s0 =	sld [smem:$0x3F98];
	_ =	swait.ge [sflag:s4], $0x0  }
0x19: {  	s7 =	sld [smem:$0x3F99]  }
0x1a: {  	s8 =	sadd.s32 $0xFFFFE003, lr  }
0x1b: {  	s9 =	sadd.s32 $0xFFFFFEF7, lr;
	s5 =	simm.s32 $0xFFFFFFFF;
	p2 =	slt.u32 s8, $0xFFFFF086  }
0x1c: {  	p1 =	slt.u32 s9, $0xF7A;
	s5 =	simm.s32 @!p2 $0x0  }
0x1d: {  	s5 =	simm.s32 @p1 $0x1;
	p0 =	seq.s32 s7, s2  }
0x1e: {  	s7 =	smul.u32 @!p0 $0xF7A, s2;
	p2 =	seq.s32 @!p0 s5, $0x0  }
0x1f: {  	s9 =	smul.u32 $0xF7A, s1;
	s8 =	simm.s32 @!p0 $0x1BF5;
	p2 =	por !p2, p0  }
0x20: {  	[sflag:s8] =	ssyncset.s32 @!p0 $0xFFFFF086;
	s6 =	sadd.s32 @!p0 s3, s7;
	s7 =	simm.s32 @!p0 $0x108  }
0x21: {  	s3 =	sadd.s32 s3, s9;
	s6 =	sadd.s32 @!p0 $0x88, s6;
	s7 =	simm.s32 @p2 $0x1082  }
0x22: {  	[simem:s7], [sflag:s8] =	dma.local @!p0 [hbm:s6], $0xF7A  }
0x23: {  	s9 =	sor.u32 $0xD0000000, s2;
	s6 =	simm.s32 $0x108;
	_ =	swait.ge @!p0 [sflag:s8], $0x0  }
0x24: {  	s3 =	sadd.s32 $0x88, s3;
	s6 =	simm.s32 @!p1 $0x1082;
	[sflag:s4] =	ssyncset.s32 $0xFFFFF086  }
0x25: {  	[simem:s6], [sflag:s4] =	dma.local [hbm:s3], $0xF7A  }
0x26: {  	[smem:$0x3F99] =	sst s1;
	(tag) =	ssettag s2;
	_ =	strace s9  }
0x27: {  	s1 =	sld [smem:$0x3FA9]  }
0x28: {  	s2 =	sld [smem:$0x3FAA]  }
0x29: {  	s4 =	sld [smem:$0x3FAC]  }
0x2a: {  	p0 =	seq.s32 s5, $0x0;
	s5 =	sld [smem:$0x3FAD]  }
0x2b: {  	s6 =	sld [smem:$0x3FAE]  }
0x2c: {  	s7 =	sld [smem:$0x3FAF]  }
0x2d: {  	s3 =	simm.s32 $0x108;
	s8 =	sld [smem:$0x3FB0]  }
0x2e: {  	s3 =	simm.s32 @!p0 $0x1082;
	s9 =	sld [smem:$0x3FB1]  }
0x2f: {  	lr =	sadd.s32 s0, s3;
	s0 =	sld [smem:$0x3FA8]  }
0x30: {  	s3 =	sld [smem:$0x3FAB]  }
0x31: {  	[smem:$0x3FB4] =	sst s10  }
0x32: {  	s10 =	sld [smem:$0x3FB2];
	_ =	sdelay $0x3  }
0x33: {  	p0 =	seq.s32 s10, $0x1;
	s10 =	sld [smem:$0x3FB4];
	_ =	sdelay $0x3  }
0x34: {  	[smem:$0x3FB4] =	sst s10  }
0x35: {  	s10 =	sld [smem:$0x3FB3];
	_ =	sdelay $0x3  }
0x36: {  	p1 =	seq.s32 s10, $0x1;
	s10 =	sld [smem:$0x3FB4];
	_ =	sdelay $0x3  }
0x37: {  	[smem:$0x3FB4] =	sst s10  }
0x38: {  	s10 =	sld [smem:$0x3FB5]  }
0x39: {  	_ = 	snop;
	(pc) =	sbr.ind lr, $3  }
0x3a: {  	_ = 	snop  }
0x3b: {  	_ = 	snop  }
0x3c: {  	p2 =	seq.s32 s10, $0x1;
	s10 =	sld [smem:$0x3FB4]  }
0x3d: {  	_ =	shalt  }
0x3e: {  	_ =	shalt  }
0x3f: {  	_ =	shalt  }
0x40: {  	_ =	shalt  }
0x41: {  	_ =	shalt  }
0x42: {  	_ =	shalt  }
0x43: {  	_ =	shalt  }
0x44: {  	_ =	shalt  }
0x45: {  	_ =	shalt  }
0x46: {  	_ =	shalt  }
0x47: {  	_ =	shalt  }
0x48: {  	_ =	shalt  }
0x49: {  	_ =	shalt  }
0x4a: {  	_ =	shalt  }
0x4b: {  	_ =	shalt  }
0x4c: {  	_ =	shalt  }
0x4d: {  	_ =	shalt  }
0x4e: {  	_ =	shalt  }
0x4f: {  	_ =	shalt  }
0x50: {  	_ =	shalt  }
0x51: {  	_ =	shalt  }
0x52: {  	_ =	shalt  }
0x53: {  	_ =	shalt  }
0x54: {  	_ =	shalt  }
0x55: {  	_ =	shalt  }
0x56: {  	_ =	shalt  }
0x57: {  	_ =	shalt  }
0x58: {  	_ =	shalt  }
0x59: {  	_ =	shalt  }
0x5a: {  	_ =	shalt  }
0x5b: {  	_ =	shalt  }
0x5c: {  	_ =	shalt  }
0x5d: {  	_ =	shalt  }
0x5e: {  	_ =	shalt  }
0x5f: {  	_ =	shalt  }
0x60: {  	_ =	shalt  }
0x61: {  	_ =	shalt  }
0x62: {  	_ =	shalt  }
0x63: {  	_ =	shalt  }
0x64: {  	_ =	shalt  }
0x65: {  	_ =	shalt  }
0x66: {  	_ =	shalt  }
0x67: {  	_ =	shalt  }
0x68: {  	_ =	shalt  }
0x69: {  	_ =	shalt  }
0x6a: {  	_ =	shalt  }
0x6b: {  	_ =	shalt  }
0x6c: {  	_ =	shalt  }
0x6d: {  	_ =	shalt  }
0x6e: {  	_ =	shalt  }
0x6f: {  	_ =	shalt  }
0x70: {  	_ =	shalt  }
0x71: {  	_ =	shalt  }
0x72: {  	_ =	shalt  }
0x73: {  	_ =	shalt  }
0x74: {  	_ =	shalt  }
0x75: {  	_ =	shalt  }
0x76: {  	_ =	shalt  }
0x77: {  	_ =	shalt  }
0x78: {  	_ =	shalt  }
0x79: {  	_ =	shalt  }
0x7a: {  	_ =	shalt  }
0x7b: {  	_ =	shalt  }
0x7c: {  	_ =	shalt  }
0x7d: {  	_ =	shalt  }
0x7e: {  	_ =	shalt  }
0x7f: {  	_ =	shalt  }
0x80: {  	_ =	shalt  }
0x81: {  	_ =	shalt  }
0x82: {  	_ =	shalt  }
0x83: {  	_ =	shalt  }
0x84: {  	_ =	shalt  }
0x85: {  	_ =	shalt  }
0x86: {  	_ =	shalt  }
0x87: {  	_ =	shalt  }
.Lfunc_end0:
.L_simem_size_0:
called_computation.2_lowered:
.L_overlay_start_0:
0x88: {  	s2 =	sld [smem:$0x3FD9]  }
0x89: {  	s3 =	sld [smem:$0x3FFE];
	_ =	sdelay $0x1  }
0x8a: {  	s1 =	srdreg.scid  }
0x8b: {  	s0 =	sand.u32 $0x1, s1  }
0x8c: {  	s17 =	sshll.u32 s0, $0xA;
	s2 =	sadd.s32 s3, s2  }
0x8d: {  	s2 =	sadd.s32 s2, s17  }
0x8e: {  	[smem:$0x3FC0] =	sst s2  }
0x8f: {  	_ = 	snop  }
0x90: {  	s2 =	sld [smem:$0x3FD0];
	(tm) =	ssettm $0x1  }
0x91: {  	s18 =	sld [smem:$0x3FFB];
	_ =	sdelay $0x3  }
0x92: {  	_ =	strace s18  }
0x93: {  	s3 =	sld [smem:$0x3FFC];
	_ =	sdelay $0x3  }
0x94: {  	_ =	strace s3  }
0x95: {  	s3 =	sld [smem:$0x3FFD];
	_ =	sdelay $0x3  }
0x96: {  	_ =	strace s3  }
0x97: {  	_ =	strace $0x8FFFFFFF  }
0x98: {  	s19 =	sld [smem:$0x3FDB];
	_ =	sdelay $0x1  }
0x99: {  	s4 =	simm.s32 $_scs_section_size  }
0x9a: {  	s5 =	simm.s32 $_size__tile_overlayer_lowered;
	s6 =	simm.s32 $_tile_overlayer_lowered  }
0x9b: {  	s22 =	simm.s32 $0x1BFF;
	s21 =	sshll.u32 s6, $0x1;
	s3 =	sadd.s32 s4, s19  }
0x9c: {  	s7 =	simm.s32 $0x0;
	s20 =	sshll.u32 s5, $0x1;
	s5 =	sadd.s32 s21, s3  }
0x9d: {  	[timem:s7], [sflag:s22] =	dma.local [hbm:s5], s20  }
0x9e: {  	_ =	swait.ge [sflag:s22], s20  }
0x9f: {  	s4 =	ssub.s32 $0x0, s20;
	[sflag:s22] =	ssyncset.done $0x0  }
0xa0: {  	[sflag:s22] =	ssyncadd.s32 s4;
	_ =	sdelay $0x1  }
0xa1: {  	s23 =	simm.s32 $0x1B8B  }
0xa2: {  	_ =	swait.ge [sflag:s23], $0x1  }
0xa3: {  	[sflag:s23] =	ssyncset.done $0x0  }
0xa4: {  	s25 =	simm.s32 $0x1B8E;
	s24 =	sld [smem:$0x3FFE];
	[sflag:s23] =	ssyncadd.s32 $0xFFFFFFFF  }
0xa5: {  	s26 =	simm.s32 $execute0_lowered;
	[smem:$0x3FD2] =	sst s25  }
0xa6: {  	s5 =	sshll.u32 s26, $0x1;
	_ =	strace $0x8000004C;
	[dreg:$0x1] =	wrdreg $0xFFFFFFFF  }
0xa7: {  	s28 =	simm.s32 $_size_execute0_lowered;
	s3 =	sadd.s32 s3, s5;
	[dreg:$0x0] =	wrdreg $0x0  }
0xa8: {  	s5 =	sshll.u32 s28, $0x1;
	[dreg:$0x2] =	wrdreg s3  }
0xa9: {  	[dreg:$0x3] =	wrdreg s5  }
0xaa: {  	[dreg:$0x4] =	wrdreg $0xC0  }
0xab: {  	_ =	task [dreg:s7], $0x5FFFF  }
0xac: {  	[dreg:$0x1] =	wrdreg $0xFFFFFFFF  }
0xad: {  	[dreg:$0x0] =	wrdreg $0x60  }
0xae: {  	[dreg:$0x2] =	wrdreg s2  }
0xaf: {  	[dreg:$0x3] =	wrdreg s24  }
0xb0: {  	[dreg:$0x4] =	wrdreg $0xA2000  }
0xb1: {  	[dreg:$0x5] =	wrdreg $0x9  }
0xb2: {  	_ =	task.clear_ibuf [dreg:s7], $0x6FFFF;
	_ =	strace $0x9000004C  }
0xb3: {  	s29 =	simm.s32 $0x9;
	_ =	strace $0x8000004E  }
0xb4: {  	_ =	swait.ge [sflag:s29], $0x1  }
0xb5: {  	[sflag:s29] =	ssyncadd.s32 $0xFFFFFFFF  }
0xb6: {  	_ =	strace $0x9000004E  }
0xb7: {  	_ =	sfence  }
0xb8: {  	s30 =	sld [smem:$0x0];
	_ =	sdelay $0x2  }
0xb9: {  	s31 =	sshll.u32 s1, $0xD;
	s1 =	sshrl.u32 s1, $0x2  }
0xba: {  	s3 =	sand.u32 $0x4000, s31;
	s1 =	sadd.s32 s1, s30  }
0xbb: {  	s0 =	sor.u32 s3, s0;
	s1 =	sshll.u32 s1, $0x11  }
0xbc: {  	s0 =	sor.u32 s1, s0  }
0xbd: {  	s0 =	sadd.s32 $0x8F2B, s0  }
0xbe: {  	[sflag:s0] =	ssyncadd.remote.s32 $0x1  }
0xbf: {  	_ =	sfence.sel $0xFFFF  }
0xc0: {  	[dreg:$0x0] =	wrdreg $0xFFFFFFFF;
	(pc) =	sbr.abs _section_cstart, $3  }
0xc1: {  	[dreg:$0x1] =	wrdreg $0xFFFFFFFF  }
0xc2: {  	_ =	task.clear_ibuf [dreg:s7], $0x2FFFF;
	_ =	strace $0x9FFFFFFF  }
0xc3: {  	(tm) =	ssettm $0x7FFFFFFF  }
tec
execute0_lowered:
.L_overlay_start_1:
0x0: {  	(tag) =	ssettag $0x1  }
0x1: {  	s1 =	rddreg [dreg:$0x0]  }
0x2: {  	s0 =	srdreg.scid;
	s4 =	rddreg [dreg:$0x1]  }
0x3: {  	s7 =	stileid.u32;
	s3 =	rddreg [dreg:$0x2];
	s8 =	simm.s32 $0x0  }
0x4: {  	s18 =	simm.s32 $0x7;
	s19 =	simm.s32 $0x2A00;
	s20 =	simm.s32 $0x50  }
0x5: {  	s21 =	simm.s32 $0x2800;
	s28 =	simm.s32 $0x2900;
	s29 =	simm.s32 $0x4  }
0x6: {  	s30 =	simm.s32 $0x2;
	s31 =	simm.s32 $0x2950;
	s16 =	simm.s32 $0x5  }
0x7: {  	s17 =	simm.s32 $0x0;
	s0 =	sand.u32 $0x1, s0;
	s5 =	sshll.u32 s7, $0x7  }
0x8: {  	s23 =	smul.u32 $0x13C00, s7;
	[smem:$0x7FF] =	sst s8;
	s2 =	sshll.u32 s0, $0x4  }
0x9: {  	s5 =	sand.u32 $0x380, s5;
	s6 =	smul.u32 $0x13C000, s0;
	s2 =	sor.u32 s7, s2  }
0xa: {  	s0 =	ssub.s32 $0x2, s0;
	s7 =	smul.u32 $0x4F000, s7;
	s2 =	sshrl.u32 s2, $0x3  }
0xb: {  	_ =	strace $0x8000004D;
	s25 =	sshrl.u32 s0, $0x1;
	s2 =	smul.u32 $0x14000, s2  }
0xc: {  	s0 =	ssub.s32 s0, s25;
	s25 =	simm.s32 $0x7A00;
	s24 =	sshrl.u32 s7, $0x2  }
0xd: {  	s15 =	smax.u32 s0, $0x1;
	s2 =	sor.u32 s5, s2;
	s5 =	sadd.s32 s23, s6  }
0xe: {  	s23 =	simm.s32 $0x5200;
	s2 =	sshrl.u32 s2, $0x3;
	s5 =	sshrl.u32 s5, $0x3  }
0xf: {  	s2 =	sadd.s32 s2, s4;
	s4 =	sadd.s32 s5, s4;
	s5 =	sadd.s32 s24, s3  }
.Ltmp0:
0x10: {  	s2 =	sadd.s32 $0x3C00, s2;
	s26 =	sadd.s32 $0x2800, s5;
	(pc) =	sbr.rel .LBB2_1-.Ltmp0, $4  }
0x11: {  	s8 =	sadd.s32 $0x5000, s5;
	s9 =	sadd.s32 $0x7800, s5;
	s10 =	sadd.s32 $0xA000, s5  }
0x12: {  	s11 =	sadd.s32 $0xC800, s5;
	s12 =	sadd.s32 $0xF000, s5;
	s13 =	sadd.s32 $0x11800, s5  }
0x13: {  	s14 =	sadd.s32 $0xDC00, s4;
	s4 =	simm.s32 $0x29A0;
	[dreg:$0x4] =	wrdreg s2  }
0x14: {  	v0 =	vimm.f32 $0.0e+00;
	[dreg:$0x5] =	wrdreg s26;
	s26 =	simm.s32 $0x1;
	s2 =	simm.s32 $0x3  }
.LBB2_8:
0x15: {  	_ =	swait.ge [sflag:s29], $0x2800  }
0x16: {  	[sflag:s29] =	ssyncset.done $0x0  }
0x17: {  	[sflag:s29] =	ssyncadd.s32 $0xFFFFD800  }
.LBB2_6:
0x18: {  	s0 =	stileid.u32;
	s17 =	sadd.s32 $0x1, s17  }
0x19: {  	[bflag:$0x0] =	sbarrier.arrive $0xFFFF;
	s0 =	sshll.u32 s0, $0x6;
	p0 =	sne.s32 s17, s15  }
.Ltmp1:
0x1a: {  	s6 =	sshrl.u32 s5, $0x3;
	s0 =	sor.u32 $0x1C07, s0;
	(pc) =	sbr.rel @!p0 .LBB2_7-.Ltmp1, $4  }
0x1b: {  	[hbm:s14], [sflag:s0] =	dma.local [spmem:s6], $0x2780  }
0x1c: {  	_ =	swait.ge [sflag:s18], $0x2780  }
0x1d: {  	[sflag:s18] =	ssyncset.done $0x0  }
0x1e: {  	[sflag:s18] =	ssyncadd.s32 $0xFFFFD880  }
.LBB2_1:
0x1f: {  	s0 =	simm.s32 $0x0  }
0x20: {  	s6 =	rddreg [dreg:$0x4];
	s7 =	simm.s32 $0x80;
	s22 =	simm.s32 $0x400  }
0x21: {  	[tilespmem:s0], [sflag:$0x7] =	stream.strided.gather [hbm4b:s6+s7], $0x2800, s22, s7, $0x38;
	[tilespmem:$0x1DE00] =	vst v63  }
0x22: {  	_ =	swait.ge [sflag:s18], $0x2800  }
0x23: {  	[sflag:s18] =	ssyncset.done $0x0  }
0x24: {  	s0 =	simm.s32 $0x0;
	s22 =	simm.s32 $0x200;
	[sflag:s18] =	ssyncadd.s32 $0xFFFFD800  }
.LBB2_2:
0x25: {  	p0 =	sne.s32 s22, $0x9E00;
	[tilespmem:s0+$0x2A70] =	vst v0  }
0x26: {  	[tilespmem:s0+$0x2A00] =	vst v0  }
0x27: {  	[tilespmem:s0+$0x2A10] =	vst v0  }
.Ltmp2:
0x28: {  	[tilespmem:s0+$0x2A20] =	vst v0;
	(pc) =	sbr.rel @p0 .LBB2_2-.Ltmp2, $4  }
0x29: {  	[tilespmem:s0+$0x2A30] =	vst v0  }
0x2a: {  	[tilespmem:s0+$0x2A40] =	vst v0  }
0x2b: {  	[tilespmem:s0+$0x2A50] =	vst v0  }
0x2c: {  	[tilespmem:s0+$0x2A60] =	vst v0;
	s0 =	sshra.s32 s22, $0x2;
	s22 =	sadd.s32 $0x200, s22  }
0x2d: {  	[tilespmem:s0+$0x2A70] =	vst v0  }
0x2e: {  	[tilespmem:s0+$0x2A00] =	vst v0  }
0x2f: {  	[tilespmem:s0+$0x2A10] =	vst v0  }
0x30: {  	[tilespmem:s0+$0x2A20] =	vst v0  }
0x31: {  	[tilespmem:s0+$0x2A30] =	vst v0  }
0x32: {  	[tilespmem:s0+$0x2A40] =	vst v0  }
0x33: {  	[tilespmem:s0+$0x2A50] =	vst v0  }
0x34: {  	[tilespmem:s0+$0x2A60] =	vst v0  }
0x35: {  	[spmem:s5] =	stream.linear.scatter [tilespmem:s19], [sflag:$0x7], $0x2800, $0x38;
	[tilespmem:$0x1DE00] =	vst v63  }
0x36: {  	_ =	swait.ge [sflag:s18], $0x2800  }
0x37: {  	[sflag:s18] =	ssyncset.done $0x0  }
0x38: {  	s7 =	rddreg [dreg:$0x5];
	[sflag:s18] =	ssyncadd.s32 $0xFFFFD800  }
0x39: {  	[spmem:s7] =	stream.linear.scatter [tilespmem:s19], [sflag:$0x7], $0x2800, $0x38;
	[tilespmem:$0x1DE00] =	vst v63  }
0x3a: {  	_ =	swait.ge [sflag:s18], $0x2800  }
0x3b: {  	[sflag:s18] =	ssyncset.done $0x0  }
0x3c: {  	[sflag:s18] =	ssyncadd.s32 $0xFFFFD800  }
0x3d: {  	[spmem:s8] =	stream.linear.scatter [tilespmem:s19], [sflag:$0x7], $0x2800, $0x38;
	[tilespmem:$0x1DE00] =	vst v63  }
0x3e: {  	_ =	swait.ge [sflag:s18], $0x2800  }
0x3f: {  	[sflag:s18] =	ssyncset.done $0x0  }
0x40: {  	[sflag:s18] =	ssyncadd.s32 $0xFFFFD800  }
0x41: {  	[spmem:s9] =	stream.linear.scatter [tilespmem:s19], [sflag:$0x7], $0x2800, $0x38;
	[tilespmem:$0x1DE00] =	vst v63  }
0x42: {  	_ =	swait.ge [sflag:s18], $0x2800  }
0x43: {  	[sflag:s18] =	ssyncset.done $0x0  }
0x44: {  	[sflag:s18] =	ssyncadd.s32 $0xFFFFD800  }
0x45: {  	[spmem:s10] =	stream.linear.scatter [tilespmem:s19], [sflag:$0x7], $0x2800, $0x38;
	[tilespmem:$0x1DE00] =	vst v63  }
0x46: {  	_ =	swait.ge [sflag:s18], $0x2800  }
0x47: {  	[sflag:s18] =	ssyncset.done $0x0  }
0x48: {  	[sflag:s18] =	ssyncadd.s32 $0xFFFFD800  }
0x49: {  	[spmem:s11] =	stream.linear.scatter [tilespmem:s19], [sflag:$0x7], $0x2800, $0x38;
	[tilespmem:$0x1DE00] =	vst v63  }
0x4a: {  	_ =	swait.ge [sflag:s18], $0x2800  }
0x4b: {  	[sflag:s18] =	ssyncset.done $0x0  }
0x4c: {  	[sflag:s18] =	ssyncadd.s32 $0xFFFFD800  }
0x4d: {  	[spmem:s12] =	stream.linear.scatter [tilespmem:s19], [sflag:$0x7], $0x2800, $0x38;
	[tilespmem:$0x1DE00] =	vst v63  }
0x4e: {  	_ =	swait.ge [sflag:s18], $0x2800  }
0x4f: {  	[sflag:s18] =	ssyncset.done $0x0  }
0x50: {  	[sflag:s18] =	ssyncadd.s32 $0xFFFFD800  }
0x51: {  	[spmem:s13] =	stream.linear.scatter [tilespmem:s19], [sflag:$0x7], $0x2400, $0x38;
	[tilespmem:$0x1DE00] =	vst v63  }
0x52: {  	_ =	swait.ge [sflag:s18], $0x2400  }
0x53: {  	[sflag:s18] =	ssyncset.done $0x0  }
0x54: {  	[sflag:s18] =	ssyncadd.s32 $0xFFFFDC00  }
0x55: {  	[bflag:$0x0] =	sbarrier.arrive $0xFFFF  }
0x56: {  	v1 =	vld [tilespmem:$0x0];
	_ =	sdelay $0x1  }
0x57: {  	v2 =	vld [tilespmem:$0x10];
	_ =	sdelay $0x1  }
0x58: {  	v3 =	vld [tilespmem:$0x20]  }
0x59: {  	v4 =	vand.u32 $0xFFFF, v1  }
0x5a: {  	v59 =	vld [tilespmem:$0x30];
	v1 =	vshrl.u32 v1, $0x10;
	[tilespmem:$0x2800] =	vst v4  }
0x5b: {  	[tilespmem:$0x2900] =	vst v1;
	v1 =	vand.u32 $0xFFFF, v2  }
0x5c: {  	[tilespmem:$0x2810] =	vst v1;
	v1 =	vshrl.u32 v2, $0x10;
	v2 =	vld [tilespmem:$0x40]  }
0x5d: {  	[tilespmem:$0x2910] =	vst v1;
	v1 =	vand.u32 $0xFFFF, v3  }
0x5e: {  	[tilespmem:$0x2820] =	vst v1;
	v1 =	vshrl.u32 v3, $0x10  }
0x5f: {  	[tilespmem:$0x2920] =	vst v1;
	v1 =	vand.u32 $0xFFFF, v59  }
0x60: {  	[tilespmem:$0x2830] =	vst v1;
	v1 =	vshrl.u32 v59, $0x10  }
0x61: {  	[tilespmem:$0x2930] =	vst v1;
	v1 =	vand.u32 $0xFFFF, v2  }
0x62: {  	[tilespmem:$0x2840] =	vst v1;
	v1 =	vshrl.u32 v2, $0x10  }
0x63: {  	[tilespmem:$0x2940] =	vst v1  }
0x64: {  	[tilespmem:s19], [sflag:$0x1] =	stream.indirect.gather [hbm4b:s1+s20], $0x80, s21, s20, $0xb8;
	[tilespmem:$0x1DE00] =	vst v63  }
0x65: {  	v1 =	vld [tilespmem:$0x50];
	_ =	sdelay $0x1  }
0x66: {  	v2 =	vld [tilespmem:$0x60];
	_ =	sdelay $0x1  }
0x67: {  	v3 =	vld [tilespmem:$0x70]  }
0x68: {  	v60 =	vand.u32 $0xFFFF, v1  }
0x69: {  	v61 =	vld [tilespmem:$0x80];
	v1 =	vshrl.u32 v1, $0x10;
	[tilespmem:$0x2850] =	vst v60  }
0x6a: {  	[tilespmem:$0x2950] =	vst v1;
	v1 =	vand.u32 $0xFFFF, v2  }
0x6b: {  	[tilespmem:$0x2860] =	vst v1;
	v1 =	vshrl.u32 v2, $0x10;
	v2 =	vld [tilespmem:$0x90]  }
0x6c: {  	[tilespmem:$0x2960] =	vst v1;
	v1 =	vand.u32 $0xFFFF, v3  }
0x6d: {  	[tilespmem:$0x2870] =	vst v1;
	v1 =	vshrl.u32 v3, $0x10  }
0x6e: {  	[tilespmem:$0x2970] =	vst v1;
	v1 =	vand.u32 $0xFFFF, v61  }
0x6f: {  	[tilespmem:$0x2880] =	vst v1;
	v1 =	vshrl.u32 v61, $0x10  }
0x70: {  	[tilespmem:$0x2980] =	vst v1;
	v1 =	vand.u32 $0xFFFF, v2  }
0x71: {  	[tilespmem:$0x2890] =	vst v1;
	v1 =	vshrl.u32 v2, $0x10  }
0x72: {  	s22 =	simm.s32 $0x2850;
	[tilespmem:$0x2990] =	vst v1  }
0x73: {  	[tilespmem:s23], [sflag:$0x2] =	stream.indirect.gather [hbm4b:s1+s20], $0x80, s22, s20, $0xb8;
	[tilespmem:$0x1DE00] =	vst v63  }
0x74: {  	v1 =	vld [tilespmem:$0xA0];
	_ =	sdelay $0x1  }
0x75: {  	v2 =	vld [tilespmem:$0xB0];
	_ =	sdelay $0x1  }
0x76: {  	v3 =	vld [tilespmem:$0xC0]  }
0x77: {  	v62 =	vand.u32 $0xFFFF, v1  }
0x78: {  	v63 =	vld [tilespmem:$0xD0];
	v1 =	vshrl.u32 v1, $0x10;
	[tilespmem:$0x28A0] =	vst v62  }
0x79: {  	[tilespmem:$0x29A0] =	vst v1;
	v1 =	vand.u32 $0xFFFF, v2  }
0x7a: {  	[tilespmem:$0x28B0] =	vst v1;
	v1 =	vshrl.u32 v2, $0x10;
	v2 =	vld [tilespmem:$0xE0]  }
0x7b: {  	[tilespmem:$0x29B0] =	vst v1;
	v1 =	vand.u32 $0xFFFF, v3  }
0x7c: {  	[tilespmem:$0x28C0] =	vst v1;
	v1 =	vshrl.u32 v3, $0x10  }
0x7d: {  	[tilespmem:$0x29C0] =	vst v1;
	v1 =	vand.u32 $0xFFFF, v63  }
0x7e: {  	[tilespmem:$0x28D0] =	vst v1;
	v1 =	vshrl.u32 v63, $0x10  }
0x7f: {  	[tilespmem:$0x29D0] =	vst v1;
	v1 =	vand.u32 $0xFFFF, v2  }
0x80: {  	[tilespmem:$0x28E0] =	vst v1;
	v1 =	vshrl.u32 v2, $0x10  }
0x81: {  	s24 =	simm.s32 $0x28A0;
	s0 =	simm.s32 $0x1D0;
	s22 =	simm.s32 $0x0;
	[tilespmem:$0x29E0] =	vst v1  }
0x82: {  	[tilespmem:s25], [sflag:$0x3] =	stream.indirect.gather [hbm4b:s1+s20], $0x80, s24, s20, $0xb8;
	[tilespmem:$0x1DE00] =	vst v63  }
.LBB2_4:
0x83: {  	p0 =	seq.s32 s22, $0x2A  }
.Ltmp3:
0x84: {  	_ = 	snop;
	(pc) =	sbr.rel @p0 .LBB2_8-.Ltmp3, $4  }
0x85: {  	_ =	swait.ge [sflag:s26], $0x2800  }
0x86: {  	[sflag:s26] =	ssyncset.done $0x0  }
0x87: {  	[sflag:s26] =	ssyncadd.s32 $0xFFFFD800  }
0x88: {  	[spmem:s3] =	stream.indirect.scatter.add.f32 [tilespmem:s19], [sflag:$0x4], $0x80, s28, s20, $0xb8;
	[tilespmem:$0x1DE00] =	vst v63  }
0x89: {  	_ =	swait.ge [sflag:s30], $0x2800  }
0x8a: {  	[sflag:s30] =	ssyncset.done $0x0  }
0x8b: {  	[sflag:s30] =	ssyncadd.s32 $0xFFFFD800  }
0x8c: {  	[spmem:s3] =	stream.indirect.scatter.add.f32 [tilespmem:s23], [sflag:$0x5], $0x80, s31, s20, $0xb8;
	[tilespmem:$0x1DE00] =	vst v63  }
0x8d: {  	_ =	swait.ge [sflag:s2], $0x2800  }
0x8e: {  	[sflag:s2] =	ssyncset.done $0x0  }
0x8f: {  	[sflag:s2] =	ssyncadd.s32 $0xFFFFD800  }
0x90: {  	[spmem:s3] =	stream.indirect.scatter.add.f32 [tilespmem:s25], [sflag:$0x6], $0x80, s4, s20, $0xb8;
	[tilespmem:$0x1DE00] =	vst v63  }
0x91: {  	_ =	swait.ge [sflag:s29], $0x2800  }
0x92: {  	[sflag:s29] =	ssyncset.done $0x0  }
0x93: {  	[sflag:s29] =	ssyncadd.s32 $0xFFFFD800  }
0x94: {  	v1 =	vld [tilespmem:s0+$0xFFFFFF20];
	_ =	sdelay $0x4  }
0x95: {  	v2 =	vand.u32 $0xFFFF, v1  }
0x96: {  	v1 =	vshrl.u32 v1, $0x10;
	[tilespmem:$0x2800] =	vst v2  }
0x97: {  	[tilespmem:$0x2900] =	vst v1  }
0x98: {  	v1 =	vld [tilespmem:s0+$0xFFFFFF30];
	_ =	sdelay $0x4  }
0x99: {  	v2 =	vand.u32 $0xFFFF, v1  }
0x9a: {  	v1 =	vshrl.u32 v1, $0x10;
	[tilespmem:$0x2810] =	vst v2  }
0x9b: {  	[tilespmem:$0x2910] =	vst v1  }
0x9c: {  	v1 =	vld [tilespmem:s0+$0xFFFFFF40];
	_ =	sdelay $0x4  }
0x9d: {  	v2 =	vand.u32 $0xFFFF, v1  }
0x9e: {  	v1 =	vshrl.u32 v1, $0x10;
	[tilespmem:$0x2820] =	vst v2  }
0x9f: {  	[tilespmem:$0x2920] =	vst v1  }
0xa0: {  	v1 =	vld [tilespmem:s0+$0xFFFFFF50];
	_ =	sdelay $0x4  }
0xa1: {  	v2 =	vand.u32 $0xFFFF, v1  }
0xa2: {  	v1 =	vshrl.u32 v1, $0x10;
	[tilespmem:$0x2830] =	vst v2  }
0xa3: {  	[tilespmem:$0x2930] =	vst v1  }
0xa4: {  	v1 =	vld [tilespmem:s0+$0xFFFFFF60];
	_ =	sdelay $0x4  }
0xa5: {  	v2 =	vand.u32 $0xFFFF, v1  }
0xa6: {  	v1 =	vshrl.u32 v1, $0x10;
	[tilespmem:$0x2840] =	vst v2  }
0xa7: {  	[tilespmem:$0x2940] =	vst v1  }
0xa8: {  	[tilespmem:s19], [sflag:$0x1] =	stream.indirect.gather [hbm4b:s1+s20], $0x80, s21, s20, $0xb8;
	[tilespmem:$0x1DE00] =	vst v63  }
0xa9: {  	_ =	swait.ge [sflag:s16], $0x2800  }
0xaa: {  	[sflag:s16] =	ssyncset.done $0x0  }
0xab: {  	p0 =	slt.u32 s22, $0x29;
	[sflag:s16] =	ssyncadd.s32 $0xFFFFD800  }
0xac: {  	v1 =	vld @p0 [tilespmem:s0+$0xFFFFFF70];
	_ =	sdelay $0x4  }
0xad: {  	v2 =	vand.u32 @p0 $0xFFFF, v1  }
0xae: {  	v1 =	vshrl.u32 @p0 v1, $0x10;
	[tilespmem:$0x2850] =	vst @p0 v2  }
0xaf: {  	[tilespmem:$0x2950] =	vst @p0 v1  }
0xb0: {  	v1 =	vld @p0 [tilespmem:s0+$0xFFFFFF80];
	_ =	sdelay $0x4  }
0xb1: {  	v2 =	vand.u32 @p0 $0xFFFF, v1  }
0xb2: {  	v1 =	vshrl.u32 @p0 v1, $0x10;
	[tilespmem:$0x2860] =	vst @p0 v2  }
0xb3: {  	[tilespmem:$0x2960] =	vst @p0 v1  }
0xb4: {  	v1 =	vld @p0 [tilespmem:s0+$0xFFFFFF90];
	_ =	sdelay $0x4  }
0xb5: {  	v2 =	vand.u32 @p0 $0xFFFF, v1  }
0xb6: {  	v1 =	vshrl.u32 @p0 v1, $0x10;
	[tilespmem:$0x2870] =	vst @p0 v2  }
0xb7: {  	[tilespmem:$0x2970] =	vst @p0 v1  }
0xb8: {  	v1 =	vld @p0 [tilespmem:s0+$0xFFFFFFA0];
	_ =	sdelay $0x4  }
0xb9: {  	v2 =	vand.u32 @p0 $0xFFFF, v1  }
0xba: {  	v1 =	vshrl.u32 @p0 v1, $0x10;
	[tilespmem:$0x2880] =	vst @p0 v2  }
0xbb: {  	[tilespmem:$0x2980] =	vst @p0 v1  }
0xbc: {  	v1 =	vld @p0 [tilespmem:s0+$0xFFFFFFB0];
	_ =	sdelay $0x4  }
0xbd: {  	v2 =	vand.u32 @p0 $0xFFFF, v1  }
0xbe: {  	v1 =	vshrl.u32 @p0 v1, $0x10;
	[tilespmem:$0x2890] =	vst @p0 v2  }
0xbf: {  	s24 =	simm.s32 @p0 $0x50;
	s6 =	simm.s32 @p0 $0x2850;
	s7 =	simm.s32 @p0 $0x5200;
	[tilespmem:$0x2990] =	vst @p0 v1  }
0xc0: {  	[tilespmem:s7], [sflag:$0x2] =	stream.indirect.gather @p0 [hbm4b:s1+s24], $0x80, s6, s24, $0xb8;
	[tilespmem:$0x1DE00] =	vst v63  }
0xc1: {  	s6 =	simm.s32 @p0 $0x6  }
0xc2: {  	_ =	swait.ge @p0 [sflag:s6], $0x2800  }
0xc3: {  	[sflag:s6] =	ssyncset.done @p0 $0x0  }
0xc4: {  	[sflag:s6] =	ssyncadd.s32 @p0 $0xFFFFD800  }
0xc5: {  	v1 =	vld @p0 [tilespmem:s0+$0xFFFFFFC0];
	_ =	sdelay $0x4  }
0xc6: {  	v2 =	vand.u32 @p0 $0xFFFF, v1  }
0xc7: {  	v1 =	vshrl.u32 @p0 v1, $0x10;
	[tilespmem:$0x28A0] =	vst @p0 v2  }
0xc8: {  	[tilespmem:$0x29A0] =	vst @p0 v1  }
0xc9: {  	v1 =	vld @p0 [tilespmem:s0+$0xFFFFFFD0];
	_ =	sdelay $0x4  }
0xca: {  	v2 =	vand.u32 @p0 $0xFFFF, v1  }
0xcb: {  	v1 =	vshrl.u32 @p0 v1, $0x10;
	[tilespmem:$0x28B0] =	vst @p0 v2  }
0xcc: {  	[tilespmem:$0x29B0] =	vst @p0 v1  }
0xcd: {  	v1 =	vld @p0 [tilespmem:s0+$0xFFFFFFE0];
	_ =	sdelay $0x4  }
0xce: {  	v2 =	vand.u32 @p0 $0xFFFF, v1  }
0xcf: {  	v1 =	vshrl.u32 @p0 v1, $0x10;
	[tilespmem:$0x28C0] =	vst @p0 v2  }
0xd0: {  	[tilespmem:$0x29C0] =	vst @p0 v1  }
0xd1: {  	v1 =	vld @p0 [tilespmem:s0+$0xFFFFFFF0];
	_ =	sdelay $0x4  }
0xd2: {  	v2 =	vand.u32 @p0 $0xFFFF, v1  }
0xd3: {  	v1 =	vshrl.u32 @p0 v1, $0x10;
	[tilespmem:$0x28D0] =	vst @p0 v2  }
0xd4: {  	[tilespmem:$0x29D0] =	vst @p0 v1  }
0xd5: {  	v1 =	vld @p0 [tilespmem:s0+$0x0];
	_ =	sdelay $0x4  }
0xd6: {  	v2 =	vand.u32 @p0 $0xFFFF, v1  }
0xd7: {  	v1 =	vshrl.u32 @p0 v1, $0x10;
	[tilespmem:$0x28E0] =	vst @p0 v2  }
0xd8: {  	s7 =	simm.s32 @p0 $0x7A00;
	s6 =	simm.s32 @p0 $0x28A0;
	[tilespmem:$0x29E0] =	vst @p0 v1  }
0xd9: {  	[tilespmem:s7], [sflag:$0x3] =	stream.indirect.gather @p0 [hbm4b:s1+s24], $0x80, s6, s24, $0xb8;
	[tilespmem:$0x1DE00] =	vst v63  }
0xda: {  	s6 =	simm.s32 @!p0 $0x6  }
0xdb: {  	_ =	swait.ge @!p0 [sflag:s6], $0x2800  }
0xdc: {  	s22 =	sadd.s32 $0x1, s22;
	[sflag:s6] =	ssyncset.done @!p0 $0x0  }
0xdd: {  	[sflag:s6] =	ssyncadd.s32 @!p0 $0xFFFFD800;
	p0 =	sne.s32 s22, $0x2B  }
.Ltmp4:
0xde: {  	_ = 	snop;
	(pc) =	sbr.rel @p0 .LBB2_4-.Ltmp4, $4  }
.Ltmp5:
0xdf: {  	_ = 	snop;
	(pc) =	sbr.rel @!p0 .LBB2_6-.Ltmp5, $4  }
0xe0: {  	_ = 	snop  }
0xe1: {  	_ = 	snop  }
0xe2: {  	s0 =	sadd.s32 $0xF0, s0  }
0xe3: {  	_ = 	snop  }
.LBB2_7:
0xe4: {  	_ =	sfence.sel $0x180000  }
0xe5: {  	[bflag:$0x0] =	sbarrier.arrive $0xFFFF  }
0xe6: {  	_ =	strace $0x9000004D  }
0xe7: {  	s0 =	stileid.u32;
	[bflag:$0x2] =	sbarrier.arrive $0xFFFF  }
0xe8: {  	p0 =	sne.s32 s0, $0x0;
	s0 =	rddreg [dreg:$0x3]  }
0xe9: {  	s0 =	sadd.s32 @!p0 $0x100000, s0  }
0xea: {  	[sflag:s0] =	ssyncadd.tile.s32 @!p0 $0x1;
	_ =	shalt  }
.Lfunc_end2:
_tile_overlayer_lowered:
.L_overlay_start_2:
0xeb: {  	(tag) =	ssettag $0x2  }
0xec: {  	s0 =	rddreg [dreg:$0x0];
	s2 =	stileid.u32  }
0xed: {  	s1 =	rddreg [dreg:$0x1];
	p0 =	sne.s32 s2, $0x0  }
0xee: {  	s3 =	rddreg [dreg:$0x2];
	[bflag:$0x3] =	sbarrier.arrive $0xFFFF;
	s2 =	simm.s32 @!p0 $0x1C07  }
0xef: {  	[timem:s3], [sflag:s2] =	dma.local @!p0 [hbm:s0], s1  }
0xf0: {  	s0 =	simm.s32 @!p0 $0x7  }
0xf1: {  	_ =	swait.ge @!p0 [sflag:s0], s1  }
0xf2: {  	s1 =	ssub.s32 @!p0 $0x0, s1;
	[sflag:s0] =	ssyncset.done @!p0 $0x0  }
0xf3: {  	[sflag:s0] =	ssyncadd.s32 @!p0 s1  }
0xf4: {  	[bflag:$0x3] =	sbarrier.arrive $0xFFFF  }
0xf5: {  	_ =	shalt  }

</sc_bundles>
